<compile_context>
chip_gen: v7x
topology: tpu7x:2x2x1
jax: 0.10.2.dev20260603
libtpu: 0.0.44.dev20260713+nightly
codegen_flags: <defaults>
</compile_context>

<pallas_src>
import jax
import jax.numpy as jnp
from jax import lax
from jax.experimental import pallas as pl
from jax.experimental.pallas import tpu as pltpu
from jax.experimental.pallas import tpu_sc as plsc

N_NODES = 50000
D = 512
E = 512
B = 10000
S = 10

NC, NS, L = 2, 16, 16
NW = NC * NS
B_PAD = 10240
K = 4
KS = K * S
NB = 4
PF = 3
RPW = B_PAD // NW
NCHUNK = RPW // K
NP = NCHUNK // 2
K2 = 2 * K


def _sc_gather_body(nodes_hbm, neigh_hbm, feat_hbm,
                    self_out, mean_out, *scr):
    wid = lax.axis_index("s") * NC + lax.axis_index("c")
    base = wid * RPW
    sidx, nidx = scr[0], scr[1]
    sbigs = scr[2:4]
    nbufs = scr[4:4 + NB]
    accs = scr[4 + NB:6 + NB]
    sem_gs = scr[6 + NB:8 + NB]
    sem_gn = scr[8 + NB:8 + 2 * NB]
    sem_w = scr[8 + 2 * NB:10 + 2 * NB]
    sem_ws = scr[10 + 2 * NB:12 + 2 * NB]

    pltpu.sync_copy(nodes_hbm.at[wid], sidx)
    pltpu.sync_copy(neigh_hbm.at[wid], nidx)

    inv_s = jnp.float32(1.0 / S)

    def issue_self(p, sp):
        pltpu.async_copy(feat_hbm.at[sidx.at[p]], sbigs[sp], sem_gs[sp])

    def issue_neigh(ch, q):
        pltpu.async_copy(feat_hbm.at[nidx.at[ch]], nbufs[q], sem_gn[q])

    issue_self(0, 0)
    issue_self(1, 1)
    for ch in range(PF):
        issue_neigh(ch, ch)

    def group_body(g, _):
        for pp in range(2):
            p = g * 2 + pp
            sp = pp
            prow0 = base + p * K2
            sbig, acc = sbigs[sp], accs[sp]
            pltpu.make_async_copy(feat_hbm.at[sidx.at[p]], sbig,
                                  sem_gs[sp]).wait()
            pltpu.async_copy(sbig, self_out.at[pl.ds(prow0, K2)],
                             sem_ws[sp])
            @pl.when(p >= 2)
            def _():
                pltpu.make_async_copy(
                    acc, mean_out.at[pl.ds(prow0, K2)], sem_w[sp]).wait()

            for par2 in range(2):
                ch = p * 2 + par2
                q = (pp * 2 + par2) % NB
                nbuf = nbufs[q]
                pltpu.make_async_copy(feat_hbm.at[nidx.at[ch]], nbuf,
                                      sem_gn[q]).wait()

                def row_body(r, _):
                    def j_body(j, acc_vecs):
                        rowb = r * S + j
                        return tuple(
                            acc_vecs[c] + nbuf[rowb, pl.ds(c * L, L)]
                            for c in range(D // L))
                    init = tuple(nbuf[r * S, pl.ds(c * L, L)]
                                 for c in range(D // L))
                    sums = lax.fori_loop(1, S, j_body, init)
                    for c in range(D // L):
                        acc[par2 * K + r, pl.ds(c * L, L)] = sums[c] * inv_s
                    return 0
                lax.fori_loop(0, K, row_body, 0)

                @pl.when(ch + PF < NCHUNK)
                def _():
                    issue_neigh(ch + PF, (q + PF) % NB)

            pltpu.async_copy(acc, mean_out.at[pl.ds(prow0, K2)], sem_w[sp])

            @pl.when(p + 2 < NP)
            def _():
                pltpu.make_async_copy(sbig, self_out.at[pl.ds(prow0, K2)],
                                      sem_ws[sp]).wait()
                issue_self(p + 2, sp)
        return 0

    lax.fori_loop(0, NP // 2, group_body, 0)

    for sp in range(2):
        pltpu.make_async_copy(accs[sp], mean_out.at[pl.ds(0, K2)],
                              sem_w[sp]).wait()
        pltpu.make_async_copy(sbigs[sp], self_out.at[pl.ds(0, K2)],
                              sem_ws[sp]).wait()


def _sc_gather(nodes_r, neigh_r, features):
    mesh = plsc.VectorSubcoreMesh(core_axis_name="c", subcore_axis_name="s")
    f = pl.kernel(
        _sc_gather_body,
        out_type=(
            jax.ShapeDtypeStruct((B_PAD, D), jnp.float32),
            jax.ShapeDtypeStruct((B_PAD, D), jnp.float32),
        ),
        mesh=mesh,
        scratch_types=[
            pltpu.VMEM((NP, K2), jnp.int32),
            pltpu.VMEM((NCHUNK, KS), jnp.int32),
        ] + [pltpu.VMEM((K2, D), jnp.float32)] * 2
          + [pltpu.VMEM((KS, D), jnp.float32)] * NB
          + [pltpu.VMEM((K2, D), jnp.float32)] * 2
          + [pltpu.SemaphoreType.DMA] * (6 + NB),
    )
    return f(nodes_r, neigh_r, features)


def _mm_body(ws_ref, wn_ref, self_ref, mean_ref, out_ref):
    a = lax.dot_general(ws_ref[...], self_ref[...],
                        (((1,), (1,)), ((), ())),
                        preferred_element_type=jnp.float32)
    b = lax.dot_general(wn_ref[...], mean_ref[...],
                        (((1,), (1,)), ((), ())),
                        preferred_element_type=jnp.float32)
    out_ref[...] = jnp.maximum(a + b, 0.0)


BT = 1024


def _tc_matmul(ws, wn, self_f, mean_f):
    grid = (B_PAD // BT,)
    return pl.pallas_call(
        _mm_body,
        grid=grid,
        in_specs=[
            pl.BlockSpec((E, D), lambda i: (0, 0)),
            pl.BlockSpec((E, D), lambda i: (0, 0)),
            pl.BlockSpec((BT, D), lambda i: (i, 0)),
            pl.BlockSpec((BT, D), lambda i: (i, 0)),
        ],
        out_specs=pl.BlockSpec((E, BT), lambda i: (0, i)),
        out_shape=jax.ShapeDtypeStruct((E, B), jnp.float32),
        compiler_params=pltpu.CompilerParams(
            dimension_semantics=("parallel",)),
    )(ws, wn, self_f, mean_f)


def kernel(nodes, neigh_idx, features, weight):
    nodes = nodes.astype(jnp.int32)
    neigh_idx = neigh_idx.astype(jnp.int32)
    pad_n = B_PAD - B
    pad_rows = (jnp.arange(pad_n, dtype=jnp.int32) * 37) % N_NODES
    nodes_r = jnp.concatenate([nodes, pad_rows]).reshape(NW, NP, K2)
    pad_rows2 = (jnp.arange(pad_n * S, dtype=jnp.int32) * 37) % N_NODES
    neigh_r = jnp.concatenate([neigh_idx.reshape(-1), pad_rows2]).reshape(
        NW, NCHUNK, KS)
    self_f, mean_f = _sc_gather(nodes_r, neigh_r, features)
    ws = weight[:, :D]
    wn = weight[:, D:]
    return _tc_matmul(ws, wn, self_f, mean_f)

# --- scband reference (transcript-rebuilt; emitter-appended) ---
"""Pipeline reference for scband-encoder-42477226557513 (READ-ONLY COPY).

The authoritative reference and input builder live on the scoring server;
editing this copy changes nothing except your own understanding.
"""

import jax, jax.numpy as jnp
import numpy as np

N_NODES = 50000
FEAT_DIM = 512
EMBED_DIM = 512
BATCH = 10000
NUM_SAMPLE = 10


def setup_inputs(seed: int = 0) -> dict:
    key = jax.random.key(seed)
    k1, k2, k3, k4 = jax.random.split(key, 4)
    # Node feature table (plays the role of the `features` embedding lookup)
    features = jax.random.normal(k1, (N_NODES, FEAT_DIM), dtype=jnp.float32)
    # Encoder weight: [embed_dim, 2*feat_dim] since gcn=False (self || neigh concat)
    weight = jax.random.normal(k2, (EMBED_DIM, 2 * FEAT_DIM), dtype=jnp.float32) * (1.0 / np.sqrt(2 * FEAT_DIM))
    # Batch of seed nodes
    nodes = jax.random.randint(k3, (BATCH,), 0, N_NODES, dtype=jnp.int64 if jax.config.jax_enable_x64 else jnp.int32)
    # Pre-sampled neighbor ids: models adj_lists + MeanAggregator's num_sample sampling
    neigh_idx = jax.random.randint(k4, (BATCH, NUM_SAMPLE), 0, N_NODES, dtype=jnp.int64 if jax.config.jax_enable_x64 else jnp.int32)
    return {"nodes": nodes, "neigh_idx": neigh_idx, "features": features, "weight": weight}


def reference(nodes, neigh_idx, features, weight):
    # MeanAggregator: gather sampled neighbor features and average (GCN kernel path)
    neigh_feats = jnp.mean(jnp.take(features, neigh_idx, axis=0), axis=1)  # [B, D]
    # self features via embedding lookup (gcn=False branch)
    self_feats = jnp.take(features, nodes, axis=0)  # [B, D]
    combined = jnp.concatenate([self_feats, neigh_feats], axis=1)  # [B, 2D]
    # kernel == 'GCN': relu(W @ combined.T) -> [embed_dim, B]
    out = jax.nn.relu(weight @ combined.T)
    return out

if __name__ == "__main__":
    import jax
    _d = setup_inputs()
    print(jax.jit(kernel)(*tuple(_d.values())))

</pallas_src>

<mosaic_0001>
#map = affine_map<(d0, d1) -> (0, 0, 0)>
#map1 = affine_map<(d0, d1) -> (0, 0)>
module attributes {stable_mosaic.version = 14 : i64} {
  func.func @_sc_gather_body(%arg0: i32, %arg1: i32, %arg2: memref<32x40x8xi32, #tpu.memory_space<hbm>>, %arg3: memref<32x80x40xi32, #tpu.memory_space<hbm>>, %arg4: memref<50000x512xf32, #tpu.memory_space<hbm>>, %arg5: memref<10240x512xf32, #tpu.memory_space<hbm>>, %arg6: memref<10240x512xf32, #tpu.memory_space<hbm>>, %arg7: memref<40x8xi32, #tpu.memory_space<vmem>>, %arg8: memref<80x40xi32, #tpu.memory_space<vmem>>, %arg9: memref<8x512xf32, #tpu.memory_space<vmem>>, %arg10: memref<8x512xf32, #tpu.memory_space<vmem>>, %arg11: memref<40x512xf32, #tpu.memory_space<vmem>>, %arg12: memref<40x512xf32, #tpu.memory_space<vmem>>, %arg13: memref<40x512xf32, #tpu.memory_space<vmem>>, %arg14: memref<40x512xf32, #tpu.memory_space<vmem>>, %arg15: memref<8x512xf32, #tpu.memory_space<vmem>>, %arg16: memref<8x512xf32, #tpu.memory_space<vmem>>, %arg17: memref<!tpu.dma_semaphore, #tpu.memory_space<semaphore_mem>>, %arg18: memref<!tpu.dma_semaphore, #tpu.memory_space<semaphore_mem>>, %arg19: memref<!tpu.dma_semaphore, #tpu.memory_space<semaphore_mem>>, %arg20: memref<!tpu.dma_semaphore, #tpu.memory_space<semaphore_mem>>, %arg21: memref<!tpu.dma_semaphore, #tpu.memory_space<semaphore_mem>>, %arg22: memref<!tpu.dma_semaphore, #tpu.memory_space<semaphore_mem>>, %arg23: memref<!tpu.dma_semaphore, #tpu.memory_space<semaphore_mem>>, %arg24: memref<!tpu.dma_semaphore, #tpu.memory_space<semaphore_mem>>, %arg25: memref<!tpu.dma_semaphore, #tpu.memory_space<semaphore_mem>>, %arg26: memref<!tpu.dma_semaphore, #tpu.memory_space<semaphore_mem>>) attributes {dimension_semantics = [#tpu.dimension_semantics<core_parallel>, #tpu.dimension_semantics<subcore_parallel>], iteration_bounds = array<i64: 2, 16>, scalar_prefetch = 0 : i64, scratch_operands = 20 : i64, tpu.core_type = #tpu.core_type<sc_vector_subcore>, window_params = [{transform_indices = #map}, {transform_indices = #map}, {transform_indices = #map1}, {transform_indices = #map1}, {transform_indices = #map1}]} {
    %mul3A = arith.constant 2 : i32
    %mul3A_0 = arith.muli %arg1, %mul3A : i32
    %add3A = arith.addi %mul3A_0, %arg0 : i32
    %mul3A_1 = arith.constant 320 : i32
    %mul3A_2 = arith.muli %add3A, %mul3A_1 : i32
    "tpu.region"() ({
      %run_scoped3A = tpu.sem_alloc : memref<!tpu.dma_semaphore, #tpu.memory_space<semaphore_mem>>
      %dma_start3A_67 = arith.constant 0 : i32
      %dma_start3A_68 = arith.constant 0 : i32
      %dma_start3A_69 = tpu.memref_slice %arg2[%add3A, %dma_start3A_67, %dma_start3A_68] : memref<32x40x8xi32, #tpu.memory_space<hbm>> -> memref<1x40x8xi32, #tpu.memory_space<hbm>>
      %dma_start3A_70 = tpu.memref_squeeze %dma_start3A_69 : memref<1x40x8xi32, #tpu.memory_space<hbm>> -> memref<40x8xi32, #tpu.memory_space<hbm>>
      %dma_start3A_71 = arith.constant 0 : i32
      %dma_start3A_72 = arith.constant 0 : i32
      %dma_start3A_73 = tpu.memref_slice %arg2[%add3A, %dma_start3A_71, %dma_start3A_72] : memref<32x40x8xi32, #tpu.memory_space<hbm>> -> memref<1x40x8xi32, #tpu.memory_space<hbm>>
      %dma_start3A_74 = tpu.memref_squeeze %dma_start3A_73 : memref<1x40x8xi32, #tpu.memory_space<hbm>> -> memref<40x8xi32, #tpu.memory_space<hbm>>
      tpu.enqueue_dma source(%dma_start3A_74 : memref<40x8xi32, #tpu.memory_space<hbm>>) target(%arg7 : memref<40x8xi32, #tpu.memory_space<vmem>>) target_semaphore(%run_scoped3A : memref<!tpu.dma_semaphore, #tpu.memory_space<semaphore_mem>>)
      %dma_wait3A_75 = arith.constant 0 : i32
      %dma_wait3A_76 = arith.constant 0 : i32
      %dma_wait3A_77 = tpu.memref_slice %arg2[%add3A, %dma_wait3A_75, %dma_wait3A_76] : memref<32x40x8xi32, #tpu.memory_space<hbm>> -> memref<1x40x8xi32, #tpu.memory_space<hbm>>
      %dma_wait3A_78 = tpu.memref_squeeze %dma_wait3A_77 : memref<1x40x8xi32, #tpu.memory_space<hbm>> -> memref<40x8xi32, #tpu.memory_space<hbm>>
      %dma_wait3A_79 = arith.constant 0 : i32
      %dma_wait3A_80 = arith.constant 0 : i32
      %dma_wait3A_81 = tpu.memref_slice %arg2[%add3A, %dma_wait3A_79, %dma_wait3A_80] : memref<32x40x8xi32, #tpu.memory_space<hbm>> -> memref<1x40x8xi32, #tpu.memory_space<hbm>>
      %dma_wait3A_82 = tpu.memref_squeeze %dma_wait3A_81 : memref<1x40x8xi32, #tpu.memory_space<hbm>> -> memref<40x8xi32, #tpu.memory_space<hbm>>
      tpu.wait_dma2 semaphore(%run_scoped3A : memref<!tpu.dma_semaphore, #tpu.memory_space<semaphore_mem>>) src(%dma_wait3A_82 : memref<40x8xi32, #tpu.memory_space<hbm>>) dst(%arg7 : memref<40x8xi32, #tpu.memory_space<vmem>>)
      tpu.yield
    }) : () -> ()
    "tpu.region"() ({
      %run_scoped3A = tpu.sem_alloc : memref<!tpu.dma_semaphore, #tpu.memory_space<semaphore_mem>>
      %dma_start3A_67 = arith.constant 0 : i32
      %dma_start3A_68 = arith.constant 0 : i32
      %dma_start3A_69 = tpu.memref_slice %arg3[%add3A, %dma_start3A_67, %dma_start3A_68] : memref<32x80x40xi32, #tpu.memory_space<hbm>> -> memref<1x80x40xi32, #tpu.memory_space<hbm>>
      %dma_start3A_70 = tpu.memref_squeeze %dma_start3A_69 : memref<1x80x40xi32, #tpu.memory_space<hbm>> -> memref<80x40xi32, #tpu.memory_space<hbm>>
      %dma_start3A_71 = arith.constant 0 : i32
      %dma_start3A_72 = arith.constant 0 : i32
      %dma_start3A_73 = tpu.memref_slice %arg3[%add3A, %dma_start3A_71, %dma_start3A_72] : memref<32x80x40xi32, #tpu.memory_space<hbm>> -> memref<1x80x40xi32, #tpu.memory_space<hbm>>
      %dma_start3A_74 = tpu.memref_squeeze %dma_start3A_73 : memref<1x80x40xi32, #tpu.memory_space<hbm>> -> memref<80x40xi32, #tpu.memory_space<hbm>>
      tpu.enqueue_dma source(%dma_start3A_74 : memref<80x40xi32, #tpu.memory_space<hbm>>) target(%arg8 : memref<80x40xi32, #tpu.memory_space<vmem>>) target_semaphore(%run_scoped3A : memref<!tpu.dma_semaphore, #tpu.memory_space<semaphore_mem>>)
      %dma_wait3A_75 = arith.constant 0 : i32
      %dma_wait3A_76 = arith.constant 0 : i32
      %dma_wait3A_77 = tpu.memref_slice %arg3[%add3A, %dma_wait3A_75, %dma_wait3A_76] : memref<32x80x40xi32, #tpu.memory_space<hbm>> -> memref<1x80x40xi32, #tpu.memory_space<hbm>>
      %dma_wait3A_78 = tpu.memref_squeeze %dma_wait3A_77 : memref<1x80x40xi32, #tpu.memory_space<hbm>> -> memref<80x40xi32, #tpu.memory_space<hbm>>
      %dma_wait3A_79 = arith.constant 0 : i32
      %dma_wait3A_80 = arith.constant 0 : i32
      %dma_wait3A_81 = tpu.memref_slice %arg3[%add3A, %dma_wait3A_79, %dma_wait3A_80] : memref<32x80x40xi32, #tpu.memory_space<hbm>> -> memref<1x80x40xi32, #tpu.memory_space<hbm>>
      %dma_wait3A_82 = tpu.memref_squeeze %dma_wait3A_81 : memref<1x80x40xi32, #tpu.memory_space<hbm>> -> memref<80x40xi32, #tpu.memory_space<hbm>>
      tpu.wait_dma2 semaphore(%run_scoped3A : memref<!tpu.dma_semaphore, #tpu.memory_space<semaphore_mem>>) src(%dma_wait3A_82 : memref<80x40xi32, #tpu.memory_space<hbm>>) dst(%arg8 : memref<80x40xi32, #tpu.memory_space<vmem>>)
      tpu.yield
    }) : () -> ()
    %dma_start3A = arith.constant 0 : i32
    %dma_start3A_3 = arith.constant 0 : i32
    %dma_start3A_4 = tpu.memref_slice %arg7[%dma_start3A, %dma_start3A_3] : memref<40x8xi32, #tpu.memory_space<vmem>> -> memref<1x8xi32, #tpu.memory_space<vmem>>
    %dma_start3A_5 = tpu.memref_squeeze %dma_start3A_4 : memref<1x8xi32, #tpu.memory_space<vmem>> -> memref<8xi32, #tpu.memory_space<vmem>>
    %dma_start3A_6 = arith.constant 0 : i32
    %dma_start3A_7 = arith.constant 0 : i32
    %dma_start3A_8 = tpu.memref_slice %arg4[%dma_start3A_6, %dma_start3A_7] : memref<50000x512xf32, #tpu.memory_space<hbm>> -> memref<50000x512xf32, #tpu.memory_space<hbm>>
    tpu.enqueue_indirect_dma source(%dma_start3A_8 : memref<50000x512xf32, #tpu.memory_space<hbm>>) target(%arg9 : memref<8x512xf32, #tpu.memory_space<vmem>>) offsets(%dma_start3A_5 : memref<8xi32, #tpu.memory_space<vmem>>) semaphore(%arg17 : memref<!tpu.dma_semaphore, #tpu.memory_space<semaphore_mem>>)
    %dma_start3A_9 = arith.constant 1 : i32
    %dma_start3A_10 = arith.constant 0 : i32
    %dma_start3A_11 = tpu.memref_slice %arg7[%dma_start3A_9, %dma_start3A_10] : memref<40x8xi32, #tpu.memory_space<vmem>> -> memref<1x8xi32, #tpu.memory_space<vmem>>
    %dma_start3A_12 = tpu.memref_squeeze %dma_start3A_11 : memref<1x8xi32, #tpu.memory_space<vmem>> -> memref<8xi32, #tpu.memory_space<vmem>>
    %dma_start3A_13 = arith.constant 0 : i32
    %dma_start3A_14 = arith.constant 0 : i32
    %dma_start3A_15 = tpu.memref_slice %arg4[%dma_start3A_13, %dma_start3A_14] : memref<50000x512xf32, #tpu.memory_space<hbm>> -> memref<50000x512xf32, #tpu.memory_space<hbm>>
    tpu.enqueue_indirect_dma source(%dma_start3A_15 : memref<50000x512xf32, #tpu.memory_space<hbm>>) target(%arg10 : memref<8x512xf32, #tpu.memory_space<vmem>>) offsets(%dma_start3A_12 : memref<8xi32, #tpu.memory_space<vmem>>) semaphore(%arg18 : memref<!tpu.dma_semaphore, #tpu.memory_space<semaphore_mem>>)
    %dma_start3A_16 = arith.constant 0 : i32
    %dma_start3A_17 = arith.constant 0 : i32
    %dma_start3A_18 = tpu.memref_slice %arg8[%dma_start3A_16, %dma_start3A_17] : memref<80x40xi32, #tpu.memory_space<vmem>> -> memref<1x40xi32, #tpu.memory_space<vmem>>
    %dma_start3A_19 = tpu.memref_squeeze %dma_start3A_18 : memref<1x40xi32, #tpu.memory_space<vmem>> -> memref<40xi32, #tpu.memory_space<vmem>>
    %dma_start3A_20 = arith.constant 0 : i32
    %dma_start3A_21 = arith.constant 0 : i32
    %dma_start3A_22 = tpu.memref_slice %arg4[%dma_start3A_20, %dma_start3A_21] : memref<50000x512xf32, #tpu.memory_space<hbm>> -> memref<50000x512xf32, #tpu.memory_space<hbm>>
    tpu.enqueue_indirect_dma source(%dma_start3A_22 : memref<50000x512xf32, #tpu.memory_space<hbm>>) target(%arg11 : memref<40x512xf32, #tpu.memory_space<vmem>>) offsets(%dma_start3A_19 : memref<40xi32, #tpu.memory_space<vmem>>) semaphore(%arg19 : memref<!tpu.dma_semaphore, #tpu.memory_space<semaphore_mem>>)
    %dma_start3A_23 = arith.constant 1 : i32
    %dma_start3A_24 = arith.constant 0 : i32
    %dma_start3A_25 = tpu.memref_slice %arg8[%dma_start3A_23, %dma_start3A_24] : memref<80x40xi32, #tpu.memory_space<vmem>> -> memref<1x40xi32, #tpu.memory_space<vmem>>
    %dma_start3A_26 = tpu.memref_squeeze %dma_start3A_25 : memref<1x40xi32, #tpu.memory_space<vmem>> -> memref<40xi32, #tpu.memory_space<vmem>>
    %dma_start3A_27 = arith.constant 0 : i32
    %dma_start3A_28 = arith.constant 0 : i32
    %dma_start3A_29 = tpu.memref_slice %arg4[%dma_start3A_27, %dma_start3A_28] : memref<50000x512xf32, #tpu.memory_space<hbm>> -> memref<50000x512xf32, #tpu.memory_space<hbm>>
    tpu.enqueue_indirect_dma source(%dma_start3A_29 : memref<50000x512xf32, #tpu.memory_space<hbm>>) target(%arg12 : memref<40x512xf32, #tpu.memory_space<vmem>>) offsets(%dma_start3A_26 : memref<40xi32, #tpu.memory_space<vmem>>) semaphore(%arg20 : memref<!tpu.dma_semaphore, #tpu.memory_space<semaphore_mem>>)
    %dma_start3A_30 = arith.constant 2 : i32
    %dma_start3A_31 = arith.constant 0 : i32
    %dma_start3A_32 = tpu.memref_slice %arg8[%dma_start3A_30, %dma_start3A_31] : memref<80x40xi32, #tpu.memory_space<vmem>> -> memref<1x40xi32, #tpu.memory_space<vmem>>
    %dma_start3A_33 = tpu.memref_squeeze %dma_start3A_32 : memref<1x40xi32, #tpu.memory_space<vmem>> -> memref<40xi32, #tpu.memory_space<vmem>>
    %dma_start3A_34 = arith.constant 0 : i32
    %dma_start3A_35 = arith.constant 0 : i32
    %dma_start3A_36 = tpu.memref_slice %arg4[%dma_start3A_34, %dma_start3A_35] : memref<50000x512xf32, #tpu.memory_space<hbm>> -> memref<50000x512xf32, #tpu.memory_space<hbm>>
    tpu.enqueue_indirect_dma source(%dma_start3A_36 : memref<50000x512xf32, #tpu.memory_space<hbm>>) target(%arg13 : memref<40x512xf32, #tpu.memory_space<vmem>>) offsets(%dma_start3A_33 : memref<40xi32, #tpu.memory_space<vmem>>) semaphore(%arg21 : memref<!tpu.dma_semaphore, #tpu.memory_space<semaphore_mem>>)
    %scan3A = arith.constant 1.000000e-01 : f32
    %scan3A_37 = arith.constant 0 : i32
    %scan3A_38 = arith.constant 0 : i32
    %scan3A_39 = arith.constant 20 : i32
    %scan3A_40 = arith.addi %scan3A_38, %scan3A_39 : i32
    %scan3A_41 = arith.constant 1 : i32
    %scan3A_42 = scf.for %scan3A_67 = %scan3A_38 to %scan3A_40 step %scan3A_41 iter_args(%scan3A_68 = %scan3A_37) -> (i32)  : i32 {
      %mul3A_69 = arith.constant 2 : i32
      %mul3A_70 = arith.muli %scan3A_67, %mul3A_69 : i32
      %add3A_71 = arith.constant 0 : i32
      %add3A_72 = arith.addi %mul3A_70, %add3A_71 : i32
      %mul3A_73 = arith.constant 8 : i32
      %mul3A_74 = arith.muli %add3A_72, %mul3A_73 : i32
      %add3A_75 = arith.addi %mul3A_2, %mul3A_74 : i32
      %dma_wait3A_76 = arith.constant 0 : i32
      %dma_wait3A_77 = tpu.memref_slice %arg7[%add3A_72, %dma_wait3A_76] : memref<40x8xi32, #tpu.memory_space<vmem>> -> memref<1x8xi32, #tpu.memory_space<vmem>>
      %dma_wait3A_78 = tpu.memref_squeeze %dma_wait3A_77 : memref<1x8xi32, #tpu.memory_space<vmem>> -> memref<8xi32, #tpu.memory_space<vmem>>
      %dma_wait3A_79 = arith.constant 0 : i32
      %dma_wait3A_80 = arith.constant 0 : i32
      %dma_wait3A_81 = tpu.memref_slice %arg4[%dma_wait3A_79, %dma_wait3A_80] : memref<50000x512xf32, #tpu.memory_space<hbm>> -> memref<50000x512xf32, #tpu.memory_space<hbm>>
      tpu.wait_indirect_dma semaphore(%arg17 : memref<!tpu.dma_semaphore, #tpu.memory_space<semaphore_mem>>) src(%dma_wait3A_81 : memref<50000x512xf32, #tpu.memory_space<hbm>>) dst(%arg9 : memref<8x512xf32, #tpu.memory_space<vmem>>)
      %dma_start3A_82 = arith.constant 0 : i32
      %dma_start3A_83 = tpu.memref_slice %arg5[%add3A_75, %dma_start3A_82] : memref<10240x512xf32, #tpu.memory_space<hbm>> -> memref<8x512xf32, #tpu.memory_space<hbm>>
      %dma_start3A_84 = arith.constant 0 : i32
      %dma_start3A_85 = tpu.memref_slice %arg5[%add3A_75, %dma_start3A_84] : memref<10240x512xf32, #tpu.memory_space<hbm>> -> memref<8x512xf32, #tpu.memory_space<hbm>>
      tpu.enqueue_dma source(%arg9 : memref<8x512xf32, #tpu.memory_space<vmem>>) target(%dma_start3A_85 : memref<8x512xf32, #tpu.memory_space<hbm>>) target_semaphore(%arg25 : memref<!tpu.dma_semaphore, #tpu.memory_space<semaphore_mem>>)
      %ge3A = arith.constant 2 : i32
      %ge3A_86 = arith.cmpi sge, %add3A_72, %ge3A : i32
      %convert_element_type3A = arith.extui %ge3A_86 : i1 to i32
      %cond3A = arith.constant 0 : i32
      %cond3A_87 = arith.cmpi ne, %convert_element_type3A, %cond3A : i32
      scf.if %cond3A_87 {
        %dma_wait3A_228 = arith.constant 0 : i32
        %dma_wait3A_229 = tpu.memref_slice %arg6[%add3A_75, %dma_wait3A_228] : memref<10240x512xf32, #tpu.memory_space<hbm>> -> memref<8x512xf32, #tpu.memory_space<hbm>>
        %dma_wait3A_230 = arith.constant 0 : i32
        %dma_wait3A_231 = tpu.memref_slice %arg6[%add3A_75, %dma_wait3A_230] : memref<10240x512xf32, #tpu.memory_space<hbm>> -> memref<8x512xf32, #tpu.memory_space<hbm>>
        tpu.wait_dma2 semaphore(%arg23 : memref<!tpu.dma_semaphore, #tpu.memory_space<semaphore_mem>>) src(%arg15 : memref<8x512xf32, #tpu.memory_space<vmem>>) dst(%dma_wait3A_231 : memref<8x512xf32, #tpu.memory_space<hbm>>)
      } else {
      }
      %mul3A_88 = arith.constant 2 : i32
      %mul3A_89 = arith.muli %add3A_72, %mul3A_88 : i32
      %add3A_90 = arith.constant 0 : i32
      %add3A_91 = arith.addi %mul3A_89, %add3A_90 : i32
      %dma_wait3A_92 = arith.constant 0 : i32
      %dma_wait3A_93 = tpu.memref_slice %arg8[%add3A_91, %dma_wait3A_92] : memref<80x40xi32, #tpu.memory_space<vmem>> -> memref<1x40xi32, #tpu.memory_space<vmem>>
      %dma_wait3A_94 = tpu.memref_squeeze %dma_wait3A_93 : memref<1x40xi32, #tpu.memory_space<vmem>> -> memref<40xi32, #tpu.memory_space<vmem>>
      %dma_wait3A_95 = arith.constant 0 : i32
      %dma_wait3A_96 = arith.constant 0 : i32
      %dma_wait3A_97 = tpu.memref_slice %arg4[%dma_wait3A_95, %dma_wait3A_96] : memref<50000x512xf32, #tpu.memory_space<hbm>> -> memref<50000x512xf32, #tpu.memory_space<hbm>>
      tpu.wait_indirect_dma semaphore(%arg19 : memref<!tpu.dma_semaphore, #tpu.memory_space<semaphore_mem>>) src(%dma_wait3A_97 : memref<50000x512xf32, #tpu.memory_space<hbm>>) dst(%arg11 : memref<40x512xf32, #tpu.memory_space<vmem>>)
      %scan3A_98 = arith.constant 0 : i32
      %scan3A_99 = arith.constant 0 : i32
      %scan3A_100 = arith.constant 4 : i32
      %scan3A_101 = arith.addi %scan3A_99, %scan3A_100 : i32
      %scan3A_102 = arith.constant 1 : i32
      %scan3A_103 = scf.for %scan3A_228 = %scan3A_99 to %scan3A_101 step %scan3A_102 iter_args(%scan3A_229 = %scan3A_98) -> (i32)  : i32 {
        %mul3A_230 = arith.constant 10 : i32
        %mul3A_231 = arith.muli %scan3A_228, %mul3A_230 : i32
        %get3A = arith.index_cast %mul3A_231 : i32 to index
        %get3A_232 = arith.constant 0 : index
        %get3A_233 = tpu.vector_load %arg11[%get3A, %get3A_232] {strides = array<i32>} : memref<40x512xf32, #tpu.memory_space<vmem>>, vector<1x16xf32>,
        %get3A_234 = vector.shape_cast %get3A_233 : vector<1x16xf32> to vector<16xf32>
        %mul3A_235 = arith.constant 10 : i32
        %mul3A_236 = arith.muli %scan3A_228, %mul3A_235 : i32
        %get3A_237 = arith.index_cast %mul3A_236 : i32 to index
        %get3A_238 = arith.constant 16 : index
        %get3A_239 = tpu.vector_load %arg11[%get3A_237, %get3A_238] {strides = array<i32>} : memref<40x512xf32, #tpu.memory_space<vmem>>, vector<1x16xf32>,
        %get3A_240 = vector.shape_cast %get3A_239 : vector<1x16xf32> to vector<16xf32>
        %mul3A_241 = arith.constant 10 : i32
        %mul3A_242 = arith.muli %scan3A_228, %mul3A_241 : i32
        %get3A_243 = arith.index_cast %mul3A_242 : i32 to index
        %get3A_244 = arith.constant 32 : index
        %get3A_245 = tpu.vector_load %arg11[%get3A_243, %get3A_244] {strides = array<i32>} : memref<40x512xf32, #tpu.memory_space<vmem>>, vector<1x16xf32>,
        %get3A_246 = vector.shape_cast %get3A_245 : vector<1x16xf32> to vector<16xf32>
        %mul3A_247 = arith.constant 10 : i32
        %mul3A_248 = arith.muli %scan3A_228, %mul3A_247 : i32
        %get3A_249 = arith.index_cast %mul3A_248 : i32 to index
        %get3A_250 = arith.constant 48 : index
        %get3A_251 = tpu.vector_load %arg11[%get3A_249, %get3A_250] {strides = array<i32>} : memref<40x512xf32, #tpu.memory_space<vmem>>, vector<1x16xf32>,
        %get3A_252 = vector.shape_cast %get3A_251 : vector<1x16xf32> to vector<16xf32>
        %mul3A_253 = arith.constant 10 : i32
        %mul3A_254 = arith.muli %scan3A_228, %mul3A_253 : i32
        %get3A_255 = arith.index_cast %mul3A_254 : i32 to index
        %get3A_256 = arith.constant 64 : index
        %get3A_257 = tpu.vector_load %arg11[%get3A_255, %get3A_256] {strides = array<i32>} : memref<40x512xf32, #tpu.memory_space<vmem>>, vector<1x16xf32>,
        %get3A_258 = vector.shape_cast %get3A_257 : vector<1x16xf32> to vector<16xf32>
        %mul3A_259 = arith.constant 10 : i32
        %mul3A_260 = arith.muli %scan3A_228, %mul3A_259 : i32
        %get3A_261 = arith.index_cast %mul3A_260 : i32 to index
        %get3A_262 = arith.constant 80 : index
        %get3A_263 = tpu.vector_load %arg11[%get3A_261, %get3A_262] {strides = array<i32>} : memref<40x512xf32, #tpu.memory_space<vmem>>, vector<1x16xf32>,
        %get3A_264 = vector.shape_cast %get3A_263 : vector<1x16xf32> to vector<16xf32>
        %mul3A_265 = arith.constant 10 : i32
        %mul3A_266 = arith.muli %scan3A_228, %mul3A_265 : i32
        %get3A_267 = arith.index_cast %mul3A_266 : i32 to index
        %get3A_268 = arith.constant 96 : index
        %get3A_269 = tpu.vector_load %arg11[%get3A_267, %get3A_268] {strides = array<i32>} : memref<40x512xf32, #tpu.memory_space<vmem>>, vector<1x16xf32>,
        %get3A_270 = vector.shape_cast %get3A_269 : vector<1x16xf32> to vector<16xf32>
        %mul3A_271 = arith.constant 10 : i32
        %mul3A_272 = arith.muli %scan3A_228, %mul3A_271 : i32
        %get3A_273 = arith.index_cast %mul3A_272 : i32 to index
        %get3A_274 = arith.constant 112 : index
        %get3A_275 = tpu.vector_load %arg11[%get3A_273, %get3A_274] {strides = array<i32>} : memref<40x512xf32, #tpu.memory_space<vmem>>, vector<1x16xf32>,
        %get3A_276 = vector.shape_cast %get3A_275 : vector<1x16xf32> to vector<16xf32>
        %mul3A_277 = arith.constant 10 : i32
        %mul3A_278 = arith.muli %scan3A_228, %mul3A_277 : i32
        %get3A_279 = arith.index_cast %mul3A_278 : i32 to index
        %get3A_280 = arith.constant 128 : index
        %get3A_281 = tpu.vector_load %arg11[%get3A_279, %get3A_280] {strides = array<i32>} : memref<40x512xf32, #tpu.memory_space<vmem>>, vector<1x16xf32>,
        %get3A_282 = vector.shape_cast %get3A_281 : vector<1x16xf32> to vector<16xf32>
        %mul3A_283 = arith.constant 10 : i32
        %mul3A_284 = arith.muli %scan3A_228, %mul3A_283 : i32
        %get3A_285 = arith.index_cast %mul3A_284 : i32 to index
        %get3A_286 = arith.constant 144 : index
        %get3A_287 = tpu.vector_load %arg11[%get3A_285, %get3A_286] {strides = array<i32>} : memref<40x512xf32, #tpu.memory_space<vmem>>, vector<1x16xf32>,
        %get3A_288 = vector.shape_cast %get3A_287 : vector<1x16xf32> to vector<16xf32>
        %mul3A_289 = arith.constant 10 : i32
        %mul3A_290 = arith.muli %scan3A_228, %mul3A_289 : i32
        %get3A_291 = arith.index_cast %mul3A_290 : i32 to index
        %get3A_292 = arith.constant 160 : index
        %get3A_293 = tpu.vector_load %arg11[%get3A_291, %get3A_292] {strides = array<i32>} : memref<40x512xf32, #tpu.memory_space<vmem>>, vector<1x16xf32>,
        %get3A_294 = vector.shape_cast %get3A_293 : vector<1x16xf32> to vector<16xf32>
        %mul3A_295 = arith.constant 10 : i32
        %mul3A_296 = arith.muli %scan3A_228, %mul3A_295 : i32
        %get3A_297 = arith.index_cast %mul3A_296 : i32 to index
        %get3A_298 = arith.constant 176 : index
        %get3A_299 = tpu.vector_load %arg11[%get3A_297, %get3A_298] {strides = array<i32>} : memref<40x512xf32, #tpu.memory_space<vmem>>, vector<1x16xf32>,
        %get3A_300 = vector.shape_cast %get3A_299 : vector<1x16xf32> to vector<16xf32>
        %mul3A_301 = arith.constant 10 : i32
        %mul3A_302 = arith.muli %scan3A_228, %mul3A_301 : i32
        %get3A_303 = arith.index_cast %mul3A_302 : i32 to index
        %get3A_304 = arith.constant 192 : index
        %get3A_305 = tpu.vector_load %arg11[%get3A_303, %get3A_304] {strides = array<i32>} : memref<40x512xf32, #tpu.memory_space<vmem>>, vector<1x16xf32>,
        %get3A_306 = vector.shape_cast %get3A_305 : vector<1x16xf32> to vector<16xf32>
        %mul3A_307 = arith.constant 10 : i32
        %mul3A_308 = arith.muli %scan3A_228, %mul3A_307 : i32
        %get3A_309 = arith.index_cast %mul3A_308 : i32 to index
        %get3A_310 = arith.constant 208 : index
        %get3A_311 = tpu.vector_load %arg11[%get3A_309, %get3A_310] {strides = array<i32>} : memref<40x512xf32, #tpu.memory_space<vmem>>, vector<1x16xf32>,
        %get3A_312 = vector.shape_cast %get3A_311 : vector<1x16xf32> to vector<16xf32>
        %mul3A_313 = arith.constant 10 : i32
        %mul3A_314 = arith.muli %scan3A_228, %mul3A_313 : i32
        %get3A_315 = arith.index_cast %mul3A_314 : i32 to index
        %get3A_316 = arith.constant 224 : index
        %get3A_317 = tpu.vector_load %arg11[%get3A_315, %get3A_316] {strides = array<i32>} : memref<40x512xf32, #tpu.memory_space<vmem>>, vector<1x16xf32>,
        %get3A_318 = vector.shape_cast %get3A_317 : vector<1x16xf32> to vector<16xf32>
        %mul3A_319 = arith.constant 10 : i32
        %mul3A_320 = arith.muli %scan3A_228, %mul3A_319 : i32
        %get3A_321 = arith.index_cast %mul3A_320 : i32 to index
        %get3A_322 = arith.constant 240 : index
        %get3A_323 = tpu.vector_load %arg11[%get3A_321, %get3A_322] {strides = array<i32>} : memref<40x512xf32, #tpu.memory_space<vmem>>, vector<1x16xf32>,
        %get3A_324 = vector.shape_cast %get3A_323 : vector<1x16xf32> to vector<16xf32>
        %mul3A_325 = arith.constant 10 : i32
        %mul3A_326 = arith.muli %scan3A_228, %mul3A_325 : i32
        %get3A_327 = arith.index_cast %mul3A_326 : i32 to index
        %get3A_328 = arith.constant 256 : index
        %get3A_329 = tpu.vector_load %arg11[%get3A_327, %get3A_328] {strides = array<i32>} : memref<40x512xf32, #tpu.memory_space<vmem>>, vector<1x16xf32>,
        %get3A_330 = vector.shape_cast %get3A_329 : vector<1x16xf32> to vector<16xf32>
        %mul3A_331 = arith.constant 10 : i32
        %mul3A_332 = arith.muli %scan3A_228, %mul3A_331 : i32
        %get3A_333 = arith.index_cast %mul3A_332 : i32 to index
        %get3A_334 = arith.constant 272 : index
        %get3A_335 = tpu.vector_load %arg11[%get3A_333, %get3A_334] {strides = array<i32>} : memref<40x512xf32, #tpu.memory_space<vmem>>, vector<1x16xf32>,
        %get3A_336 = vector.shape_cast %get3A_335 : vector<1x16xf32> to vector<16xf32>
        %mul3A_337 = arith.constant 10 : i32
        %mul3A_338 = arith.muli %scan3A_228, %mul3A_337 : i32
        %get3A_339 = arith.index_cast %mul3A_338 : i32 to index
        %get3A_340 = arith.constant 288 : index
        %get3A_341 = tpu.vector_load %arg11[%get3A_339, %get3A_340] {strides = array<i32>} : memref<40x512xf32, #tpu.memory_space<vmem>>, vector<1x16xf32>,
        %get3A_342 = vector.shape_cast %get3A_341 : vector<1x16xf32> to vector<16xf32>
        %mul3A_343 = arith.constant 10 : i32
        %mul3A_344 = arith.muli %scan3A_228, %mul3A_343 : i32
        %get3A_345 = arith.index_cast %mul3A_344 : i32 to index
        %get3A_346 = arith.constant 304 : index
        %get3A_347 = tpu.vector_load %arg11[%get3A_345, %get3A_346] {strides = array<i32>} : memref<40x512xf32, #tpu.memory_space<vmem>>, vector<1x16xf32>,
        %get3A_348 = vector.shape_cast %get3A_347 : vector<1x16xf32> to vector<16xf32>
        %mul3A_349 = arith.constant 10 : i32
        %mul3A_350 = arith.muli %scan3A_228, %mul3A_349 : i32
        %get3A_351 = arith.index_cast %mul3A_350 : i32 to index
        %get3A_352 = arith.constant 320 : index
        %get3A_353 = tpu.vector_load %arg11[%get3A_351, %get3A_352] {strides = array<i32>} : memref<40x512xf32, #tpu.memory_space<vmem>>, vector<1x16xf32>,
        %get3A_354 = vector.shape_cast %get3A_353 : vector<1x16xf32> to vector<16xf32>
        %mul3A_355 = arith.constant 10 : i32
        %mul3A_356 = arith.muli %scan3A_228, %mul3A_355 : i32
        %get3A_357 = arith.index_cast %mul3A_356 : i32 to index
        %get3A_358 = arith.constant 336 : index
        %get3A_359 = tpu.vector_load %arg11[%get3A_357, %get3A_358] {strides = array<i32>} : memref<40x512xf32, #tpu.memory_space<vmem>>, vector<1x16xf32>,
        %get3A_360 = vector.shape_cast %get3A_359 : vector<1x16xf32> to vector<16xf32>
        %mul3A_361 = arith.constant 10 : i32
        %mul3A_362 = arith.muli %scan3A_228, %mul3A_361 : i32
        %get3A_363 = arith.index_cast %mul3A_362 : i32 to index
        %get3A_364 = arith.constant 352 : index
        %get3A_365 = tpu.vector_load %arg11[%get3A_363, %get3A_364] {strides = array<i32>} : memref<40x512xf32, #tpu.memory_space<vmem>>, vector<1x16xf32>,
        %get3A_366 = vector.shape_cast %get3A_365 : vector<1x16xf32> to vector<16xf32>
        %mul3A_367 = arith.constant 10 : i32
        %mul3A_368 = arith.muli %scan3A_228, %mul3A_367 : i32
        %get3A_369 = arith.index_cast %mul3A_368 : i32 to index
        %get3A_370 = arith.constant 368 : index
        %get3A_371 = tpu.vector_load %arg11[%get3A_369, %get3A_370] {strides = array<i32>} : memref<40x512xf32, #tpu.memory_space<vmem>>, vector<1x16xf32>,
        %get3A_372 = vector.shape_cast %get3A_371 : vector<1x16xf32> to vector<16xf32>
        %mul3A_373 = arith.constant 10 : i32
        %mul3A_374 = arith.muli %scan3A_228, %mul3A_373 : i32
        %get3A_375 = arith.index_cast %mul3A_374 : i32 to index
        %get3A_376 = arith.constant 384 : index
        %get3A_377 = tpu.vector_load %arg11[%get3A_375, %get3A_376] {strides = array<i32>} : memref<40x512xf32, #tpu.memory_space<vmem>>, vector<1x16xf32>,
        %get3A_378 = vector.shape_cast %get3A_377 : vector<1x16xf32> to vector<16xf32>
        %mul3A_379 = arith.constant 10 : i32
        %mul3A_380 = arith.muli %scan3A_228, %mul3A_379 : i32
        %get3A_381 = arith.index_cast %mul3A_380 : i32 to index
        %get3A_382 = arith.constant 400 : index
        %get3A_383 = tpu.vector_load %arg11[%get3A_381, %get3A_382] {strides = array<i32>} : memref<40x512xf32, #tpu.memory_space<vmem>>, vector<1x16xf32>,
        %get3A_384 = vector.shape_cast %get3A_383 : vector<1x16xf32> to vector<16xf32>
        %mul3A_385 = arith.constant 10 : i32
        %mul3A_386 = arith.muli %scan3A_228, %mul3A_385 : i32
        %get3A_387 = arith.index_cast %mul3A_386 : i32 to index
        %get3A_388 = arith.constant 416 : index
        %get3A_389 = tpu.vector_load %arg11[%get3A_387, %get3A_388] {strides = array<i32>} : memref<40x512xf32, #tpu.memory_space<vmem>>, vector<1x16xf32>,
        %get3A_390 = vector.shape_cast %get3A_389 : vector<1x16xf32> to vector<16xf32>
        %mul3A_391 = arith.constant 10 : i32
        %mul3A_392 = arith.muli %scan3A_228, %mul3A_391 : i32
        %get3A_393 = arith.index_cast %mul3A_392 : i32 to index
        %get3A_394 = arith.constant 432 : index
        %get3A_395 = tpu.vector_load %arg11[%get3A_393, %get3A_394] {strides = array<i32>} : memref<40x512xf32, #tpu.memory_space<vmem>>, vector<1x16xf32>,
        %get3A_396 = vector.shape_cast %get3A_395 : vector<1x16xf32> to vector<16xf32>
        %mul3A_397 = arith.constant 10 : i32
        %mul3A_398 = arith.muli %scan3A_228, %mul3A_397 : i32
        %get3A_399 = arith.index_cast %mul3A_398 : i32 to index
        %get3A_400 = arith.constant 448 : index
        %get3A_401 = tpu.vector_load %arg11[%get3A_399, %get3A_400] {strides = array<i32>} : memref<40x512xf32, #tpu.memory_space<vmem>>, vector<1x16xf32>,
        %get3A_402 = vector.shape_cast %get3A_401 : vector<1x16xf32> to vector<16xf32>
        %mul3A_403 = arith.constant 10 : i32
        %mul3A_404 = arith.muli %scan3A_228, %mul3A_403 : i32
        %get3A_405 = arith.index_cast %mul3A_404 : i32 to index
        %get3A_406 = arith.constant 464 : index
        %get3A_407 = tpu.vector_load %arg11[%get3A_405, %get3A_406] {strides = array<i32>} : memref<40x512xf32, #tpu.memory_space<vmem>>, vector<1x16xf32>,
        %get3A_408 = vector.shape_cast %get3A_407 : vector<1x16xf32> to vector<16xf32>
        %mul3A_409 = arith.constant 10 : i32
        %mul3A_410 = arith.muli %scan3A_228, %mul3A_409 : i32
        %get3A_411 = arith.index_cast %mul3A_410 : i32 to index
        %get3A_412 = arith.constant 480 : index
        %get3A_413 = tpu.vector_load %arg11[%get3A_411, %get3A_412] {strides = array<i32>} : memref<40x512xf32, #tpu.memory_space<vmem>>, vector<1x16xf32>,
        %get3A_414 = vector.shape_cast %get3A_413 : vector<1x16xf32> to vector<16xf32>
        %mul3A_415 = arith.constant 10 : i32
        %mul3A_416 = arith.muli %scan3A_228, %mul3A_415 : i32
        %get3A_417 = arith.index_cast %mul3A_416 : i32 to index
        %get3A_418 = arith.constant 496 : index
        %get3A_419 = tpu.vector_load %arg11[%get3A_417, %get3A_418] {strides = array<i32>} : memref<40x512xf32, #tpu.memory_space<vmem>>, vector<1x16xf32>,
        %get3A_420 = vector.shape_cast %get3A_419 : vector<1x16xf32> to vector<16xf32>
        %scan3A_421 = arith.constant 1 : i32
        %scan3A_422 = arith.constant 9 : i32
        %scan3A_423 = arith.addi %scan3A_421, %scan3A_422 : i32
        %scan3A_424 = arith.constant 1 : i32
        %scan3A_425:32 = scf.for %scan3A_715 = %scan3A_421 to %scan3A_423 step %scan3A_424 iter_args(%scan3A_716 = %get3A_234, %scan3A_717 = %get3A_240, %scan3A_718 = %get3A_246, %scan3A_719 = %get3A_252, %scan3A_720 = %get3A_258, %scan3A_721 = %get3A_264, %scan3A_722 = %get3A_270, %scan3A_723 = %get3A_276, %scan3A_724 = %get3A_282, %scan3A_725 = %get3A_288, %scan3A_726 = %get3A_294, %scan3A_727 = %get3A_300, %scan3A_728 = %get3A_306, %scan3A_729 = %get3A_312, %scan3A_730 = %get3A_318, %scan3A_731 = %get3A_324, %scan3A_732 = %get3A_330, %scan3A_733 = %get3A_336, %scan3A_734 = %get3A_342, %scan3A_735 = %get3A_348, %scan3A_736 = %get3A_354, %scan3A_737 = %get3A_360, %scan3A_738 = %get3A_366, %scan3A_739 = %get3A_372, %scan3A_740 = %get3A_378, %scan3A_741 = %get3A_384, %scan3A_742 = %get3A_390, %scan3A_743 = %get3A_396, %scan3A_744 = %get3A_402, %scan3A_745 = %get3A_408, %scan3A_746 = %get3A_414, %scan3A_747 = %get3A_420) -> (vector<16xf32>, vector<16xf32>, vector<16xf32>, vector<16xf32>, vector<16xf32>, vector<16xf32>, vector<16xf32>, vector<16xf32>, vector<16xf32>, vector<16xf32>, vector<16xf32>, vector<16xf32>, vector<16xf32>, vector<16xf32>, vector<16xf32>, vector<16xf32>, vector<16xf32>, vector<16xf32>, vector<16xf32>, vector<16xf32>, vector<16xf32>, vector<16xf32>, vector<16xf32>, vector<16xf32>, vector<16xf32>, vector<16xf32>, vector<16xf32>, vector<16xf32>, vector<16xf32>, vector<16xf32>, vector<16xf32>, vector<16xf32>)  : i32 {
          %mul3A_748 = arith.constant 10 : i32
          %mul3A_749 = arith.muli %scan3A_228, %mul3A_748 : i32
          %add3A_750 = arith.addi %mul3A_749, %scan3A_715 : i32
          %get3A_751 = arith.index_cast %add3A_750 : i32 to index
          %get3A_752 = arith.constant 0 : index
          %get3A_753 = tpu.vector_load %arg11[%get3A_751, %get3A_752] {strides = array<i32>} : memref<40x512xf32, #tpu.memory_space<vmem>>, vector<1x16xf32>,
          %get3A_754 = vector.shape_cast %get3A_753 : vector<1x16xf32> to vector<16xf32>
          %add3A_755 = arith.addf %scan3A_716, %get3A_754 : vector<16xf32>
          %get3A_756 = arith.index_cast %add3A_750 : i32 to index
          %get3A_757 = arith.constant 16 : index
          %get3A_758 = tpu.vector_load %arg11[%get3A_756, %get3A_757] {strides = array<i32>} : memref<40x512xf32, #tpu.memory_space<vmem>>, vector<1x16xf32>,
          %get3A_759 = vector.shape_cast %get3A_758 : vector<1x16xf32> to vector<16xf32>
          %add3A_760 = arith.addf %scan3A_717, %get3A_759 : vector<16xf32>
          %get3A_761 = arith.index_cast %add3A_750 : i32 to index
          %get3A_762 = arith.constant 32 : index
          %get3A_763 = tpu.vector_load %arg11[%get3A_761, %get3A_762] {strides = array<i32>} : memref<40x512xf32, #tpu.memory_space<vmem>>, vector<1x16xf32>,
          %get3A_764 = vector.shape_cast %get3A_763 : vector<1x16xf32> to vector<16xf32>
          %add3A_765 = arith.addf %scan3A_718, %get3A_764 : vector<16xf32>
          %get3A_766 = arith.index_cast %add3A_750 : i32 to index
          %get3A_767 = arith.constant 48 : index
          %get3A_768 = tpu.vector_load %arg11[%get3A_766, %get3A_767] {strides = array<i32>} : memref<40x512xf32, #tpu.memory_space<vmem>>, vector<1x16xf32>,
          %get3A_769 = vector.shape_cast %get3A_768 : vector<1x16xf32> to vector<16xf32>
          %add3A_770 = arith.addf %scan3A_719, %get3A_769 : vector<16xf32>
          %get3A_771 = arith.index_cast %add3A_750 : i32 to index
          %get3A_772 = arith.constant 64 : index
          %get3A_773 = tpu.vector_load %arg11[%get3A_771, %get3A_772] {strides = array<i32>} : memref<40x512xf32, #tpu.memory_space<vmem>>, vector<1x16xf32>,
          %get3A_774 = vector.shape_cast %get3A_773 : vector<1x16xf32> to vector<16xf32>
          %add3A_775 = arith.addf %scan3A_720, %get3A_774 : vector<16xf32>
          %get3A_776 = arith.index_cast %add3A_750 : i32 to index
          %get3A_777 = arith.constant 80 : index
          %get3A_778 = tpu.vector_load %arg11[%get3A_776, %get3A_777] {strides = array<i32>} : memref<40x512xf32, #tpu.memory_space<vmem>>, vector<1x16xf32>,
          %get3A_779 = vector.shape_cast %get3A_778 : vector<1x16xf32> to vector<16xf32>
          %add3A_780 = arith.addf %scan3A_721, %get3A_779 : vector<16xf32>
          %get3A_781 = arith.index_cast %add3A_750 : i32 to index
          %get3A_782 = arith.constant 96 : index
          %get3A_783 = tpu.vector_load %arg11[%get3A_781, %get3A_782] {strides = array<i32>} : memref<40x512xf32, #tpu.memory_space<vmem>>, vector<1x16xf32>,
          %get3A_784 = vector.shape_cast %get3A_783 : vector<1x16xf32> to vector<16xf32>
          %add3A_785 = arith.addf %scan3A_722, %get3A_784 : vector<16xf32>
          %get3A_786 = arith.index_cast %add3A_750 : i32 to index
          %get3A_787 = arith.constant 112 : index
          %get3A_788 = tpu.vector_load %arg11[%get3A_786, %get3A_787] {strides = array<i32>} : memref<40x512xf32, #tpu.memory_space<vmem>>, vector<1x16xf32>,
          %get3A_789 = vector.shape_cast %get3A_788 : vector<1x16xf32> to vector<16xf32>
          %add3A_790 = arith.addf %scan3A_723, %get3A_789 : vector<16xf32>
          %get3A_791 = arith.index_cast %add3A_750 : i32 to index
          %get3A_792 = arith.constant 128 : index
          %get3A_793 = tpu.vector_load %arg11[%get3A_791, %get3A_792] {strides = array<i32>} : memref<40x512xf32, #tpu.memory_space<vmem>>, vector<1x16xf32>,
          %get3A_794 = vector.shape_cast %get3A_793 : vector<1x16xf32> to vector<16xf32>
          %add3A_795 = arith.addf %scan3A_724, %get3A_794 : vector<16xf32>
          %get3A_796 = arith.index_cast %add3A_750 : i32 to index
          %get3A_797 = arith.constant 144 : index
          %get3A_798 = tpu.vector_load %arg11[%get3A_796, %get3A_797] {strides = array<i32>} : memref<40x512xf32, #tpu.memory_space<vmem>>, vector<1x16xf32>,
          %get3A_799 = vector.shape_cast %get3A_798 : vector<1x16xf32> to vector<16xf32>
          %add3A_800 = arith.addf %scan3A_725, %get3A_799 : vector<16xf32>
          %get3A_801 = arith.index_cast %add3A_750 : i32 to index
          %get3A_802 = arith.constant 160 : index
          %get3A_803 = tpu.vector_load %arg11[%get3A_801, %get3A_802] {strides = array<i32>} : memref<40x512xf32, #tpu.memory_space<vmem>>, vector<1x16xf32>,
          %get3A_804 = vector.shape_cast %get3A_803 : vector<1x16xf32> to vector<16xf32>
          %add3A_805 = arith.addf %scan3A_726, %get3A_804 : vector<16xf32>
          %get3A_806 = arith.index_cast %add3A_750 : i32 to index
          %get3A_807 = arith.constant 176 : index
          %get3A_808 = tpu.vector_load %arg11[%get3A_806, %get3A_807] {strides = array<i32>} : memref<40x512xf32, #tpu.memory_space<vmem>>, vector<1x16xf32>,
          %get3A_809 = vector.shape_cast %get3A_808 : vector<1x16xf32> to vector<16xf32>
          %add3A_810 = arith.addf %scan3A_727, %get3A_809 : vector<16xf32>
          %get3A_811 = arith.index_cast %add3A_750 : i32 to index
          %get3A_812 = arith.constant 192 : index
          %get3A_813 = tpu.vector_load %arg11[%get3A_811, %get3A_812] {strides = array<i32>} : memref<40x512xf32, #tpu.memory_space<vmem>>, vector<1x16xf32>,
          %get3A_814 = vector.shape_cast %get3A_813 : vector<1x16xf32> to vector<16xf32>
          %add3A_815 = arith.addf %scan3A_728, %get3A_814 : vector<16xf32>
          %get3A_816 = arith.index_cast %add3A_750 : i32 to index
          %get3A_817 = arith.constant 208 : index
          %get3A_818 = tpu.vector_load %arg11[%get3A_816, %get3A_817] {strides = array<i32>} : memref<40x512xf32, #tpu.memory_space<vmem>>, vector<1x16xf32>,
          %get3A_819 = vector.shape_cast %get3A_818 : vector<1x16xf32> to vector<16xf32>
          %add3A_820 = arith.addf %scan3A_729, %get3A_819 : vector<16xf32>
          %get3A_821 = arith.index_cast %add3A_750 : i32 to index
          %get3A_822 = arith.constant 224 : index
          %get3A_823 = tpu.vector_load %arg11[%get3A_821, %get3A_822] {strides = array<i32>} : memref<40x512xf32, #tpu.memory_space<vmem>>, vector<1x16xf32>,
          %get3A_824 = vector.shape_cast %get3A_823 : vector<1x16xf32> to vector<16xf32>
          %add3A_825 = arith.addf %scan3A_730, %get3A_824 : vector<16xf32>
          %get3A_826 = arith.index_cast %add3A_750 : i32 to index
          %get3A_827 = arith.constant 240 : index
          %get3A_828 = tpu.vector_load %arg11[%get3A_826, %get3A_827] {strides = array<i32>} : memref<40x512xf32, #tpu.memory_space<vmem>>, vector<1x16xf32>,
          %get3A_829 = vector.shape_cast %get3A_828 : vector<1x16xf32> to vector<16xf32>
          %add3A_830 = arith.addf %scan3A_731, %get3A_829 : vector<16xf32>
          %get3A_831 = arith.index_cast %add3A_750 : i32 to index
          %get3A_832 = arith.constant 256 : index
          %get3A_833 = tpu.vector_load %arg11[%get3A_831, %get3A_832] {strides = array<i32>} : memref<40x512xf32, #tpu.memory_space<vmem>>, vector<1x16xf32>,
          %get3A_834 = vector.shape_cast %get3A_833 : vector<1x16xf32> to vector<16xf32>
          %add3A_835 = arith.addf %scan3A_732, %get3A_834 : vector<16xf32>
          %get3A_836 = arith.index_cast %add3A_750 : i32 to index
          %get3A_837 = arith.constant 272 : index
          %get3A_838 = tpu.vector_load %arg11[%get3A_836, %get3A_837] {strides = array<i32>} : memref<40x512xf32, #tpu.memory_space<vmem>>, vector<1x16xf32>,
          %get3A_839 = vector.shape_cast %get3A_838 : vector<1x16xf32> to vector<16xf32>
          %add3A_840 = arith.addf %scan3A_733, %get3A_839 : vector<16xf32>
          %get3A_841 = arith.index_cast %add3A_750 : i32 to index
          %get3A_842 = arith.constant 288 : index
          %get3A_843 = tpu.vector_load %arg11[%get3A_841, %get3A_842] {strides = array<i32>} : memref<40x512xf32, #tpu.memory_space<vmem>>, vector<1x16xf32>,
          %get3A_844 = vector.shape_cast %get3A_843 : vector<1x16xf32> to vector<16xf32>
          %add3A_845 = arith.addf %scan3A_734, %get3A_844 : vector<16xf32>
          %get3A_846 = arith.index_cast %add3A_750 : i32 to index
          %get3A_847 = arith.constant 304 : index
          %get3A_848 = tpu.vector_load %arg11[%get3A_846, %get3A_847] {strides = array<i32>} : memref<40x512xf32, #tpu.memory_space<vmem>>, vector<1x16xf32>,
          %get3A_849 = vector.shape_cast %get3A_848 : vector<1x16xf32> to vector<16xf32>
          %add3A_850 = arith.addf %scan3A_735, %get3A_849 : vector<16xf32>
          %get3A_851 = arith.index_cast %add3A_750 : i32 to index
          %get3A_852 = arith.constant 320 : index
          %get3A_853 = tpu.vector_load %arg11[%get3A_851, %get3A_852] {strides = array<i32>} : memref<40x512xf32, #tpu.memory_space<vmem>>, vector<1x16xf32>,
          %get3A_854 = vector.shape_cast %get3A_853 : vector<1x16xf32> to vector<16xf32>
          %add3A_855 = arith.addf %scan3A_736, %get3A_854 : vector<16xf32>
          %get3A_856 = arith.index_cast %add3A_750 : i32 to index
          %get3A_857 = arith.constant 336 : index
          %get3A_858 = tpu.vector_load %arg11[%get3A_856, %get3A_857] {strides = array<i32>} : memref<40x512xf32, #tpu.memory_space<vmem>>, vector<1x16xf32>,
          %get3A_859 = vector.shape_cast %get3A_858 : vector<1x16xf32> to vector<16xf32>
          %add3A_860 = arith.addf %scan3A_737, %get3A_859 : vector<16xf32>
          %get3A_861 = arith.index_cast %add3A_750 : i32 to index
          %get3A_862 = arith.constant 352 : index
          %get3A_863 = tpu.vector_load %arg11[%get3A_861, %get3A_862] {strides = array<i32>} : memref<40x512xf32, #tpu.memory_space<vmem>>, vector<1x16xf32>,
          %get3A_864 = vector.shape_cast %get3A_863 : vector<1x16xf32> to vector<16xf32>
          %add3A_865 = arith.addf %scan3A_738, %get3A_864 : vector<16xf32>
          %get3A_866 = arith.index_cast %add3A_750 : i32 to index
          %get3A_867 = arith.constant 368 : index
          %get3A_868 = tpu.vector_load %arg11[%get3A_866, %get3A_867] {strides = array<i32>} : memref<40x512xf32, #tpu.memory_space<vmem>>, vector<1x16xf32>,
          %get3A_869 = vector.shape_cast %get3A_868 : vector<1x16xf32> to vector<16xf32>
          %add3A_870 = arith.addf %scan3A_739, %get3A_869 : vector<16xf32>
          %get3A_871 = arith.index_cast %add3A_750 : i32 to index
          %get3A_872 = arith.constant 384 : index
          %get3A_873 = tpu.vector_load %arg11[%get3A_871, %get3A_872] {strides = array<i32>} : memref<40x512xf32, #tpu.memory_space<vmem>>, vector<1x16xf32>,
          %get3A_874 = vector.shape_cast %get3A_873 : vector<1x16xf32> to vector<16xf32>
          %add3A_875 = arith.addf %scan3A_740, %get3A_874 : vector<16xf32>
          %get3A_876 = arith.index_cast %add3A_750 : i32 to index
          %get3A_877 = arith.constant 400 : index
          %get3A_878 = tpu.vector_load %arg11[%get3A_876, %get3A_877] {strides = array<i32>} : memref<40x512xf32, #tpu.memory_space<vmem>>, vector<1x16xf32>,
          %get3A_879 = vector.shape_cast %get3A_878 : vector<1x16xf32> to vector<16xf32>
          %add3A_880 = arith.addf %scan3A_741, %get3A_879 : vector<16xf32>
          %get3A_881 = arith.index_cast %add3A_750 : i32 to index
          %get3A_882 = arith.constant 416 : index
          %get3A_883 = tpu.vector_load %arg11[%get3A_881, %get3A_882] {strides = array<i32>} : memref<40x512xf32, #tpu.memory_space<vmem>>, vector<1x16xf32>,
          %get3A_884 = vector.shape_cast %get3A_883 : vector<1x16xf32> to vector<16xf32>
          %add3A_885 = arith.addf %scan3A_742, %get3A_884 : vector<16xf32>
          %get3A_886 = arith.index_cast %add3A_750 : i32 to index
          %get3A_887 = arith.constant 432 : index
          %get3A_888 = tpu.vector_load %arg11[%get3A_886, %get3A_887] {strides = array<i32>} : memref<40x512xf32, #tpu.memory_space<vmem>>, vector<1x16xf32>,
          %get3A_889 = vector.shape_cast %get3A_888 : vector<1x16xf32> to vector<16xf32>
          %add3A_890 = arith.addf %scan3A_743, %get3A_889 : vector<16xf32>
          %get3A_891 = arith.index_cast %add3A_750 : i32 to index
          %get3A_892 = arith.constant 448 : index
          %get3A_893 = tpu.vector_load %arg11[%get3A_891, %get3A_892] {strides = array<i32>} : memref<40x512xf32, #tpu.memory_space<vmem>>, vector<1x16xf32>,
          %get3A_894 = vector.shape_cast %get3A_893 : vector<1x16xf32> to vector<16xf32>
          %add3A_895 = arith.addf %scan3A_744, %get3A_894 : vector<16xf32>
          %get3A_896 = arith.index_cast %add3A_750 : i32 to index
          %get3A_897 = arith.constant 464 : index
          %get3A_898 = tpu.vector_load %arg11[%get3A_896, %get3A_897] {strides = array<i32>} : memref<40x512xf32, #tpu.memory_space<vmem>>, vector<1x16xf32>,
          %get3A_899 = vector.shape_cast %get3A_898 : vector<1x16xf32> to vector<16xf32>
          %add3A_900 = arith.addf %scan3A_745, %get3A_899 : vector<16xf32>
          %get3A_901 = arith.index_cast %add3A_750 : i32 to index
          %get3A_902 = arith.constant 480 : index
          %get3A_903 = tpu.vector_load %arg11[%get3A_901, %get3A_902] {strides = array<i32>} : memref<40x512xf32, #tpu.memory_space<vmem>>, vector<1x16xf32>,
          %get3A_904 = vector.shape_cast %get3A_903 : vector<1x16xf32> to vector<16xf32>
          %add3A_905 = arith.addf %scan3A_746, %get3A_904 : vector<16xf32>
          %get3A_906 = arith.index_cast %add3A_750 : i32 to index
          %get3A_907 = arith.constant 496 : index
          %get3A_908 = tpu.vector_load %arg11[%get3A_906, %get3A_907] {strides = array<i32>} : memref<40x512xf32, #tpu.memory_space<vmem>>, vector<1x16xf32>,
          %get3A_909 = vector.shape_cast %get3A_908 : vector<1x16xf32> to vector<16xf32>
          %add3A_910 = arith.addf %scan3A_747, %get3A_909 : vector<16xf32>
          scf.yield %add3A_755, %add3A_760, %add3A_765, %add3A_770, %add3A_775, %add3A_780, %add3A_785, %add3A_790, %add3A_795, %add3A_800, %add3A_805, %add3A_810, %add3A_815, %add3A_820, %add3A_825, %add3A_830, %add3A_835, %add3A_840, %add3A_845, %add3A_850, %add3A_855, %add3A_860, %add3A_865, %add3A_870, %add3A_875, %add3A_880, %add3A_885, %add3A_890, %add3A_895, %add3A_900, %add3A_905, %add3A_910 : vector<16xf32>, vector<16xf32>, vector<16xf32>, vector<16xf32>, vector<16xf32>, vector<16xf32>, vector<16xf32>, vector<16xf32>, vector<16xf32>, vector<16xf32>, vector<16xf32>, vector<16xf32>, vector<16xf32>, vector<16xf32>, vector<16xf32>, vector<16xf32>, vector<16xf32>, vector<16xf32>, vector<16xf32>, vector<16xf32>, vector<16xf32>, vector<16xf32>, vector<16xf32>, vector<16xf32>, vector<16xf32>, vector<16xf32>, vector<16xf32>, vector<16xf32>, vector<16xf32>, vector<16xf32>, vector<16xf32>, vector<16xf32>
        }
        %scan3A_426 = arith.constant 9 : i32
        %mul3A_427 = vector.broadcast %scan3A : f32 to vector<16xf32>
        %mul3A_428 = arith.mulf %scan3A_425#0, %mul3A_427 : vector<16xf32>
        %add3A_429 = arith.constant 0 : i32
        %add3A_430 = arith.addi %add3A_429, %scan3A_228 : i32
        %swap3A = arith.index_cast %add3A_430 : i32 to index
        %swap3A_431 = arith.constant 0 : index
        %swap3A_432 = tpu.vector_load %arg15[%swap3A, %swap3A_431] {strides = array<i32>} : memref<8x512xf32, #tpu.memory_space<vmem>>, vector<1x16xf32>,
        %swap3A_433 = vector.shape_cast %swap3A_432 : vector<1x16xf32> to vector<16xf32>
        %swap3A_434 = vector.shape_cast %mul3A_428 : vector<16xf32> to vector<1x16xf32>
        tpu.vector_store %arg15[%swap3A, %swap3A_431], %swap3A_434 {strides = array<i32>} : memref<8x512xf32, #tpu.memory_space<vmem>>, vector<1x16xf32>,
        %mul3A_435 = vector.broadcast %scan3A : f32 to vector<16xf32>
        %mul3A_436 = arith.mulf %scan3A_425#1, %mul3A_435 : vector<16xf32>
        %add3A_437 = arith.constant 0 : i32
        %add3A_438 = arith.addi %add3A_437, %scan3A_228 : i32
        %swap3A_439 = arith.index_cast %add3A_438 : i32 to index
        %swap3A_440 = arith.constant 16 : index
        %swap3A_441 = tpu.vector_load %arg15[%swap3A_439, %swap3A_440] {strides = array<i32>} : memref<8x512xf32, #tpu.memory_space<vmem>>, vector<1x16xf32>,
        %swap3A_442 = vector.shape_cast %swap3A_441 : vector<1x16xf32> to vector<16xf32>
        %swap3A_443 = vector.shape_cast %mul3A_436 : vector<16xf32> to vector<1x16xf32>
        tpu.vector_store %arg15[%swap3A_439, %swap3A_440], %swap3A_443 {strides = array<i32>} : memref<8x512xf32, #tpu.memory_space<vmem>>, vector<1x16xf32>,
        %mul3A_444 = vector.broadcast %scan3A : f32 to vector<16xf32>
        %mul3A_445 = arith.mulf %scan3A_425#2, %mul3A_444 : vector<16xf32>
        %add3A_446 = arith.constant 0 : i32
        %add3A_447 = arith.addi %add3A_446, %scan3A_228 : i32
        %swap3A_448 = arith.index_cast %add3A_447 : i32 to index
        %swap3A_449 = arith.constant 32 : index
        %swap3A_450 = tpu.vector_load %arg15[%swap3A_448, %swap3A_449] {strides = array<i32>} : memref<8x512xf32, #tpu.memory_space<vmem>>, vector<1x16xf32>,
        %swap3A_451 = vector.shape_cast %swap3A_450 : vector<1x16xf32> to vector<16xf32>
        %swap3A_452 = vector.shape_cast %mul3A_445 : vector<16xf32> to vector<1x16xf32>
        tpu.vector_store %arg15[%swap3A_448, %swap3A_449], %swap3A_452 {strides = array<i32>} : memref<8x512xf32, #tpu.memory_space<vmem>>, vector<1x16xf32>,
        %mul3A_453 = vector.broadcast %scan3A : f32 to vector<16xf32>
        %mul3A_454 = arith.mulf %scan3A_425#3, %mul3A_453 : vector<16xf32>
        %add3A_455 = arith.constant 0 : i32
        %add3A_456 = arith.addi %add3A_455, %scan3A_228 : i32
        %swap3A_457 = arith.index_cast %add3A_456 : i32 to index
        %swap3A_458 = arith.constant 48 : index
        %swap3A_459 = tpu.vector_load %arg15[%swap3A_457, %swap3A_458] {strides = array<i32>} : memref<8x512xf32, #tpu.memory_space<vmem>>, vector<1x16xf32>,
        %swap3A_460 = vector.shape_cast %swap3A_459 : vector<1x16xf32> to vector<16xf32>
        %swap3A_461 = vector.shape_cast %mul3A_454 : vector<16xf32> to vector<1x16xf32>
        tpu.vector_store %arg15[%swap3A_457, %swap3A_458], %swap3A_461 {strides = array<i32>} : memref<8x512xf32, #tpu.memory_space<vmem>>, vector<1x16xf32>,
        %mul3A_462 = vector.broadcast %scan3A : f32 to vector<16xf32>
        %mul3A_463 = arith.mulf %scan3A_425#4, %mul3A_462 : vector<16xf32>
        %add3A_464 = arith.constant 0 : i32
        %add3A_465 = arith.addi %add3A_464, %scan3A_228 : i32
        %swap3A_466 = arith.index_cast %add3A_465 : i32 to index
        %swap3A_467 = arith.constant 64 : index
        %swap3A_468 = tpu.vector_load %arg15[%swap3A_466, %swap3A_467] {strides = array<i32>} : memref<8x512xf32, #tpu.memory_space<vmem>>, vector<1x16xf32>,
        %swap3A_469 = vector.shape_cast %swap3A_468 : vector<1x16xf32> to vector<16xf32>
        %swap3A_470 = vector.shape_cast %mul3A_463 : vector<16xf32> to vector<1x16xf32>
        tpu.vector_store %arg15[%swap3A_466, %swap3A_467], %swap3A_470 {strides = array<i32>} : memref<8x512xf32, #tpu.memory_space<vmem>>, vector<1x16xf32>,
        %mul3A_471 = vector.broadcast %scan3A : f32 to vector<16xf32>
        %mul3A_472 = arith.mulf %scan3A_425#5, %mul3A_471 : vector<16xf32>
        %add3A_473 = arith.constant 0 : i32
        %add3A_474 = arith.addi %add3A_473, %scan3A_228 : i32
        %swap3A_475 = arith.index_cast %add3A_474 : i32 to index
        %swap3A_476 = arith.constant 80 : index
        %swap3A_477 = tpu.vector_load %arg15[%swap3A_475, %swap3A_476] {strides = array<i32>} : memref<8x512xf32, #tpu.memory_space<vmem>>, vector<1x16xf32>,
        %swap3A_478 = vector.shape_cast %swap3A_477 : vector<1x16xf32> to vector<16xf32>
        %swap3A_479 = vector.shape_cast %mul3A_472 : vector<16xf32> to vector<1x16xf32>
        tpu.vector_store %arg15[%swap3A_475, %swap3A_476], %swap3A_479 {strides = array<i32>} : memref<8x512xf32, #tpu.memory_space<vmem>>, vector<1x16xf32>,
        %mul3A_480 = vector.broadcast %scan3A : f32 to vector<16xf32>
        %mul3A_481 = arith.mulf %scan3A_425#6, %mul3A_480 : vector<16xf32>
        %add3A_482 = arith.constant 0 : i32
        %add3A_483 = arith.addi %add3A_482, %scan3A_228 : i32
        %swap3A_484 = arith.index_cast %add3A_483 : i32 to index
        %swap3A_485 = arith.constant 96 : index
        %swap3A_486 = tpu.vector_load %arg15[%swap3A_484, %swap3A_485] {strides = array<i32>} : memref<8x512xf32, #tpu.memory_space<vmem>>, vector<1x16xf32>,
        %swap3A_487 = vector.shape_cast %swap3A_486 : vector<1x16xf32> to vector<16xf32>
        %swap3A_488 = vector.shape_cast %mul3A_481 : vector<16xf32> to vector<1x16xf32>
        tpu.vector_store %arg15[%swap3A_484, %swap3A_485], %swap3A_488 {strides = array<i32>} : memref<8x512xf32, #tpu.memory_space<vmem>>, vector<1x16xf32>,
        %mul3A_489 = vector.broadcast %scan3A : f32 to vector<16xf32>
        %mul3A_490 = arith.mulf %scan3A_425#7, %mul3A_489 : vector<16xf32>
        %add3A_491 = arith.constant 0 : i32
        %add3A_492 = arith.addi %add3A_491, %scan3A_228 : i32
        %swap3A_493 = arith.index_cast %add3A_492 : i32 to index
        %swap3A_494 = arith.constant 112 : index
        %swap3A_495 = tpu.vector_load %arg15[%swap3A_493, %swap3A_494] {strides = array<i32>} : memref<8x512xf32, #tpu.memory_space<vmem>>, vector<1x16xf32>,
        %swap3A_496 = vector.shape_cast %swap3A_495 : vector<1x16xf32> to vector<16xf32>
        %swap3A_497 = vector.shape_cast %mul3A_490 : vector<16xf32> to vector<1x16xf32>
        tpu.vector_store %arg15[%swap3A_493, %swap3A_494], %swap3A_497 {strides = array<i32>} : memref<8x512xf32, #tpu.memory_space<vmem>>, vector<1x16xf32>,
        %mul3A_498 = vector.broadcast %scan3A : f32 to vector<16xf32>
        %mul3A_499 = arith.mulf %scan3A_425#8, %mul3A_498 : vector<16xf32>
        %add3A_500 = arith.constant 0 : i32
        %add3A_501 = arith.addi %add3A_500, %scan3A_228 : i32
        %swap3A_502 = arith.index_cast %add3A_501 : i32 to index
        %swap3A_503 = arith.constant 128 : index
        %swap3A_504 = tpu.vector_load %arg15[%swap3A_502, %swap3A_503] {strides = array<i32>} : memref<8x512xf32, #tpu.memory_space<vmem>>, vector<1x16xf32>,
        %swap3A_505 = vector.shape_cast %swap3A_504 : vector<1x16xf32> to vector<16xf32>
        %swap3A_506 = vector.shape_cast %mul3A_499 : vector<16xf32> to vector<1x16xf32>
        tpu.vector_store %arg15[%swap3A_502, %swap3A_503], %swap3A_506 {strides = array<i32>} : memref<8x512xf32, #tpu.memory_space<vmem>>, vector<1x16xf32>,
        %mul3A_507 = vector.broadcast %scan3A : f32 to vector<16xf32>
        %mul3A_508 = arith.mulf %scan3A_425#9, %mul3A_507 : vector<16xf32>
        %add3A_509 = arith.constant 0 : i32
        %add3A_510 = arith.addi %add3A_509, %scan3A_228 : i32
        %swap3A_511 = arith.index_cast %add3A_510 : i32 to index
        %swap3A_512 = arith.constant 144 : index
        %swap3A_513 = tpu.vector_load %arg15[%swap3A_511, %swap3A_512] {strides = array<i32>} : memref<8x512xf32, #tpu.memory_space<vmem>>, vector<1x16xf32>,
        %swap3A_514 = vector.shape_cast %swap3A_513 : vector<1x16xf32> to vector<16xf32>
        %swap3A_515 = vector.shape_cast %mul3A_508 : vector<16xf32> to vector<1x16xf32>
        tpu.vector_store %arg15[%swap3A_511, %swap3A_512], %swap3A_515 {strides = array<i32>} : memref<8x512xf32, #tpu.memory_space<vmem>>, vector<1x16xf32>,
        %mul3A_516 = vector.broadcast %scan3A : f32 to vector<16xf32>
        %mul3A_517 = arith.mulf %scan3A_425#10, %mul3A_516 : vector<16xf32>
        %add3A_518 = arith.constant 0 : i32
        %add3A_519 = arith.addi %add3A_518, %scan3A_228 : i32
        %swap3A_520 = arith.index_cast %add3A_519 : i32 to index
        %swap3A_521 = arith.constant 160 : index
        %swap3A_522 = tpu.vector_load %arg15[%swap3A_520, %swap3A_521] {strides = array<i32>} : memref<8x512xf32, #tpu.memory_space<vmem>>, vector<1x16xf32>,
        %swap3A_523 = vector.shape_cast %swap3A_522 : vector<1x16xf32> to vector<16xf32>
        %swap3A_524 = vector.shape_cast %mul3A_517 : vector<16xf32> to vector<1x16xf32>
        tpu.vector_store %arg15[%swap3A_520, %swap3A_521], %swap3A_524 {strides = array<i32>} : memref<8x512xf32, #tpu.memory_space<vmem>>, vector<1x16xf32>,
        %mul3A_525 = vector.broadcast %scan3A : f32 to vector<16xf32>
        %mul3A_526 = arith.mulf %scan3A_425#11, %mul3A_525 : vector<16xf32>
        %add3A_527 = arith.constant 0 : i32
        %add3A_528 = arith.addi %add3A_527, %scan3A_228 : i32
        %swap3A_529 = arith.index_cast %add3A_528 : i32 to index
        %swap3A_530 = arith.constant 176 : index
        %swap3A_531 = tpu.vector_load %arg15[%swap3A_529, %swap3A_530] {strides = array<i32>} : memref<8x512xf32, #tpu.memory_space<vmem>>, vector<1x16xf32>,
        %swap3A_532 = vector.shape_cast %swap3A_531 : vector<1x16xf32> to vector<16xf32>
        %swap3A_533 = vector.shape_cast %mul3A_526 : vector<16xf32> to vector<1x16xf32>
        tpu.vector_store %arg15[%swap3A_529, %swap3A_530], %swap3A_533 {strides = array<i32>} : memref<8x512xf32, #tpu.memory_space<vmem>>, vector<1x16xf32>,
        %mul3A_534 = vector.broadcast %scan3A : f32 to vector<16xf32>
        %mul3A_535 = arith.mulf %scan3A_425#12, %mul3A_534 : vector<16xf32>
        %add3A_536 = arith.constant 0 : i32
        %add3A_537 = arith.addi %add3A_536, %scan3A_228 : i32
        %swap3A_538 = arith.index_cast %add3A_537 : i32 to index
        %swap3A_539 = arith.constant 192 : index
        %swap3A_540 = tpu.vector_load %arg15[%swap3A_538, %swap3A_539] {strides = array<i32>} : memref<8x512xf32, #tpu.memory_space<vmem>>, vector<1x16xf32>,
        %swap3A_541 = vector.shape_cast %swap3A_540 : vector<1x16xf32> to vector<16xf32>
        %swap3A_542 = vector.shape_cast %mul3A_535 : vector<16xf32> to vector<1x16xf32>
        tpu.vector_store %arg15[%swap3A_538, %swap3A_539], %swap3A_542 {strides = array<i32>} : memref<8x512xf32, #tpu.memory_space<vmem>>, vector<1x16xf32>,
        %mul3A_543 = vector.broadcast %scan3A : f32 to vector<16xf32>
        %mul3A_544 = arith.mulf %scan3A_425#13, %mul3A_543 : vector<16xf32>
        %add3A_545 = arith.constant 0 : i32
        %add3A_546 = arith.addi %add3A_545, %scan3A_228 : i32
        %swap3A_547 = arith.index_cast %add3A_546 : i32 to index
        %swap3A_548 = arith.constant 208 : index
        %swap3A_549 = tpu.vector_load %arg15[%swap3A_547, %swap3A_548] {strides = array<i32>} : memref<8x512xf32, #tpu.memory_space<vmem>>, vector<1x16xf32>,
        %swap3A_550 = vector.shape_cast %swap3A_549 : vector<1x16xf32> to vector<16xf32>
        %swap3A_551 = vector.shape_cast %mul3A_544 : vector<16xf32> to vector<1x16xf32>
        tpu.vector_store %arg15[%swap3A_547, %swap3A_548], %swap3A_551 {strides = array<i32>} : memref<8x512xf32, #tpu.memory_space<vmem>>, vector<1x16xf32>,
        %mul3A_552 = vector.broadcast %scan3A : f32 to vector<16xf32>
        %mul3A_553 = arith.mulf %scan3A_425#14, %mul3A_552 : vector<16xf32>
        %add3A_554 = arith.constant 0 : i32
        %add3A_555 = arith.addi %add3A_554, %scan3A_228 : i32
        %swap3A_556 = arith.index_cast %add3A_555 : i32 to index
        %swap3A_557 = arith.constant 224 : index
        %swap3A_558 = tpu.vector_load %arg15[%swap3A_556, %swap3A_557] {strides = array<i32>} : memref<8x512xf32, #tpu.memory_space<vmem>>, vector<1x16xf32>,
        %swap3A_559 = vector.shape_cast %swap3A_558 : vector<1x16xf32> to vector<16xf32>
        %swap3A_560 = vector.shape_cast %mul3A_553 : vector<16xf32> to vector<1x16xf32>
        tpu.vector_store %arg15[%swap3A_556, %swap3A_557], %swap3A_560 {strides = array<i32>} : memref<8x512xf32, #tpu.memory_space<vmem>>, vector<1x16xf32>,
        %mul3A_561 = vector.broadcast %scan3A : f32 to vector<16xf32>
        %mul3A_562 = arith.mulf %scan3A_425#15, %mul3A_561 : vector<16xf32>
        %add3A_563 = arith.constant 0 : i32
        %add3A_564 = arith.addi %add3A_563, %scan3A_228 : i32
        %swap3A_565 = arith.index_cast %add3A_564 : i32 to index
        %swap3A_566 = arith.constant 240 : index
        %swap3A_567 = tpu.vector_load %arg15[%swap3A_565, %swap3A_566] {strides = array<i32>} : memref<8x512xf32, #tpu.memory_space<vmem>>, vector<1x16xf32>,
        %swap3A_568 = vector.shape_cast %swap3A_567 : vector<1x16xf32> to vector<16xf32>
        %swap3A_569 = vector.shape_cast %mul3A_562 : vector<16xf32> to vector<1x16xf32>
        tpu.vector_store %arg15[%swap3A_565, %swap3A_566], %swap3A_569 {strides = array<i32>} : memref<8x512xf32, #tpu.memory_space<vmem>>, vector<1x16xf32>,
        %mul3A_570 = vector.broadcast %scan3A : f32 to vector<16xf32>
        %mul3A_571 = arith.mulf %scan3A_425#16, %mul3A_570 : vector<16xf32>
        %add3A_572 = arith.constant 0 : i32
        %add3A_573 = arith.addi %add3A_572, %scan3A_228 : i32
        %swap3A_574 = arith.index_cast %add3A_573 : i32 to index
        %swap3A_575 = arith.constant 256 : index
        %swap3A_576 = tpu.vector_load %arg15[%swap3A_574, %swap3A_575] {strides = array<i32>} : memref<8x512xf32, #tpu.memory_space<vmem>>, vector<1x16xf32>,
        %swap3A_577 = vector.shape_cast %swap3A_576 : vector<1x16xf32> to vector<16xf32>
        %swap3A_578 = vector.shape_cast %mul3A_571 : vector<16xf32> to vector<1x16xf32>
        tpu.vector_store %arg15[%swap3A_574, %swap3A_575], %swap3A_578 {strides = array<i32>} : memref<8x512xf32, #tpu.memory_space<vmem>>, vector<1x16xf32>,
        %mul3A_579 = vector.broadcast %scan3A : f32 to vector<16xf32>
        %mul3A_580 = arith.mulf %scan3A_425#17, %mul3A_579 : vector<16xf32>
        %add3A_581 = arith.constant 0 : i32
        %add3A_582 = arith.addi %add3A_581, %scan3A_228 : i32
        %swap3A_583 = arith.index_cast %add3A_582 : i32 to index
        %swap3A_584 = arith.constant 272 : index
        %swap3A_585 = tpu.vector_load %arg15[%swap3A_583, %swap3A_584] {strides = array<i32>} : memref<8x512xf32, #tpu.memory_space<vmem>>, vector<1x16xf32>,
        %swap3A_586 = vector.shape_cast %swap3A_585 : vector<1x16xf32> to vector<16xf32>
        %swap3A_587 = vector.shape_cast %mul3A_580 : vector<16xf32> to vector<1x16xf32>
        tpu.vector_store %arg15[%swap3A_583, %swap3A_584], %swap3A_587 {strides = array<i32>} : memref<8x512xf32, #tpu.memory_space<vmem>>, vector<1x16xf32>,
        %mul3A_588 = vector.broadcast %scan3A : f32 to vector<16xf32>
        %mul3A_589 = arith.mulf %scan3A_425#18, %mul3A_588 : vector<16xf32>
        %add3A_590 = arith.constant 0 : i32
        %add3A_591 = arith.addi %add3A_590, %scan3A_228 : i32
        %swap3A_592 = arith.index_cast %add3A_591 : i32 to index
        %swap3A_593 = arith.constant 288 : index
        %swap3A_594 = tpu.vector_load %arg15[%swap3A_592, %swap3A_593] {strides = array<i32>} : memref<8x512xf32, #tpu.memory_space<vmem>>, vector<1x16xf32>,
        %swap3A_595 = vector.shape_cast %swap3A_594 : vector<1x16xf32> to vector<16xf32>
        %swap3A_596 = vector.shape_cast %mul3A_589 : vector<16xf32> to vector<1x16xf32>
        tpu.vector_store %arg15[%swap3A_592, %swap3A_593], %swap3A_596 {strides = array<i32>} : memref<8x512xf32, #tpu.memory_space<vmem>>, vector<1x16xf32>,
        %mul3A_597 = vector.broadcast %scan3A : f32 to vector<16xf32>
        %mul3A_598 = arith.mulf %scan3A_425#19, %mul3A_597 : vector<16xf32>
        %add3A_599 = arith.constant 0 : i32
        %add3A_600 = arith.addi %add3A_599, %scan3A_228 : i32
        %swap3A_601 = arith.index_cast %add3A_600 : i32 to index
        %swap3A_602 = arith.constant 304 : index
        %swap3A_603 = tpu.vector_load %arg15[%swap3A_601, %swap3A_602] {strides = array<i32>} : memref<8x512xf32, #tpu.memory_space<vmem>>, vector<1x16xf32>,
        %swap3A_604 = vector.shape_cast %swap3A_603 : vector<1x16xf32> to vector<16xf32>
        %swap3A_605 = vector.shape_cast %mul3A_598 : vector<16xf32> to vector<1x16xf32>
        tpu.vector_store %arg15[%swap3A_601, %swap3A_602], %swap3A_605 {strides = array<i32>} : memref<8x512xf32, #tpu.memory_space<vmem>>, vector<1x16xf32>,
        %mul3A_606 = vector.broadcast %scan3A : f32 to vector<16xf32>
        %mul3A_607 = arith.mulf %scan3A_425#20, %mul3A_606 : vector<16xf32>
        %add3A_608 = arith.constant 0 : i32
        %add3A_609 = arith.addi %add3A_608, %scan3A_228 : i32
        %swap3A_610 = arith.index_cast %add3A_609 : i32 to index
        %swap3A_611 = arith.constant 320 : index
        %swap3A_612 = tpu.vector_load %arg15[%swap3A_610, %swap3A_611] {strides = array<i32>} : memref<8x512xf32, #tpu.memory_space<vmem>>, vector<1x16xf32>,
        %swap3A_613 = vector.shape_cast %swap3A_612 : vector<1x16xf32> to vector<16xf32>
        %swap3A_614 = vector.shape_cast %mul3A_607 : vector<16xf32> to vector<1x16xf32>
        tpu.vector_store %arg15[%swap3A_610, %swap3A_611], %swap3A_614 {strides = array<i32>} : memref<8x512xf32, #tpu.memory_space<vmem>>, vector<1x16xf32>,
        %mul3A_615 = vector.broadcast %scan3A : f32 to vector<16xf32>
        %mul3A_616 = arith.mulf %scan3A_425#21, %mul3A_615 : vector<16xf32>
        %add3A_617 = arith.constant 0 : i32
        %add3A_618 = arith.addi %add3A_617, %scan3A_228 : i32
        %swap3A_619 = arith.index_cast %add3A_618 : i32 to index
        %swap3A_620 = arith.constant 336 : index
        %swap3A_621 = tpu.vector_load %arg15[%swap3A_619, %swap3A_620] {strides = array<i32>} : memref<8x512xf32, #tpu.memory_space<vmem>>, vector<1x16xf32>,
        %swap3A_622 = vector.shape_cast %swap3A_621 : vector<1x16xf32> to vector<16xf32>
        %swap3A_623 = vector.shape_cast %mul3A_616 : vector<16xf32> to vector<1x16xf32>
        tpu.vector_store %arg15[%swap3A_619, %swap3A_620], %swap3A_623 {strides = array<i32>} : memref<8x512xf32, #tpu.memory_space<vmem>>, vector<1x16xf32>,
        %mul3A_624 = vector.broadcast %scan3A : f32 to vector<16xf32>
        %mul3A_625 = arith.mulf %scan3A_425#22, %mul3A_624 : vector<16xf32>
        %add3A_626 = arith.constant 0 : i32
        %add3A_627 = arith.addi %add3A_626, %scan3A_228 : i32
        %swap3A_628 = arith.index_cast %add3A_627 : i32 to index
        %swap3A_629 = arith.constant 352 : index
        %swap3A_630 = tpu.vector_load %arg15[%swap3A_628, %swap3A_629] {strides = array<i32>} : memref<8x512xf32, #tpu.memory_space<vmem>>, vector<1x16xf32>,
        %swap3A_631 = vector.shape_cast %swap3A_630 : vector<1x16xf32> to vector<16xf32>
        %swap3A_632 = vector.shape_cast %mul3A_625 : vector<16xf32> to vector<1x16xf32>
        tpu.vector_store %arg15[%swap3A_628, %swap3A_629], %swap3A_632 {strides = array<i32>} : memref<8x512xf32, #tpu.memory_space<vmem>>, vector<1x16xf32>,
        %mul3A_633 = vector.broadcast %scan3A : f32 to vector<16xf32>
        %mul3A_634 = arith.mulf %scan3A_425#23, %mul3A_633 : vector<16xf32>
        %add3A_635 = arith.constant 0 : i32
        %add3A_636 = arith.addi %add3A_635, %scan3A_228 : i32
        %swap3A_637 = arith.index_cast %add3A_636 : i32 to index
        %swap3A_638 = arith.constant 368 : index
        %swap3A_639 = tpu.vector_load %arg15[%swap3A_637, %swap3A_638] {strides = array<i32>} : memref<8x512xf32, #tpu.memory_space<vmem>>, vector<1x16xf32>,
        %swap3A_640 = vector.shape_cast %swap3A_639 : vector<1x16xf32> to vector<16xf32>
        %swap3A_641 = vector.shape_cast %mul3A_634 : vector<16xf32> to vector<1x16xf32>
        tpu.vector_store %arg15[%swap3A_637, %swap3A_638], %swap3A_641 {strides = array<i32>} : memref<8x512xf32, #tpu.memory_space<vmem>>, vector<1x16xf32>,
        %mul3A_642 = vector.broadcast %scan3A : f32 to vector<16xf32>
        %mul3A_643 = arith.mulf %scan3A_425#24, %mul3A_642 : vector<16xf32>
        %add3A_644 = arith.constant 0 : i32
        %add3A_645 = arith.addi %add3A_644, %scan3A_228 : i32
        %swap3A_646 = arith.index_cast %add3A_645 : i32 to index
        %swap3A_647 = arith.constant 384 : index
        %swap3A_648 = tpu.vector_load %arg15[%swap3A_646, %swap3A_647] {strides = array<i32>} : memref<8x512xf32, #tpu.memory_space<vmem>>, vector<1x16xf32>,
        %swap3A_649 = vector.shape_cast %swap3A_648 : vector<1x16xf32> to vector<16xf32>
        %swap3A_650 = vector.shape_cast %mul3A_643 : vector<16xf32> to vector<1x16xf32>
        tpu.vector_store %arg15[%swap3A_646, %swap3A_647], %swap3A_650 {strides = array<i32>} : memref<8x512xf32, #tpu.memory_space<vmem>>, vector<1x16xf32>,
        %mul3A_651 = vector.broadcast %scan3A : f32 to vector<16xf32>
        %mul3A_652 = arith.mulf %scan3A_425#25, %mul3A_651 : vector<16xf32>
        %add3A_653 = arith.constant 0 : i32
        %add3A_654 = arith.addi %add3A_653, %scan3A_228 : i32
        %swap3A_655 = arith.index_cast %add3A_654 : i32 to index
        %swap3A_656 = arith.constant 400 : index
        %swap3A_657 = tpu.vector_load %arg15[%swap3A_655, %swap3A_656] {strides = array<i32>} : memref<8x512xf32, #tpu.memory_space<vmem>>, vector<1x16xf32>,
        %swap3A_658 = vector.shape_cast %swap3A_657 : vector<1x16xf32> to vector<16xf32>
        %swap3A_659 = vector.shape_cast %mul3A_652 : vector<16xf32> to vector<1x16xf32>
        tpu.vector_store %arg15[%swap3A_655, %swap3A_656], %swap3A_659 {strides = array<i32>} : memref<8x512xf32, #tpu.memory_space<vmem>>, vector<1x16xf32>,
        %mul3A_660 = vector.broadcast %scan3A : f32 to vector<16xf32>
        %mul3A_661 = arith.mulf %scan3A_425#26, %mul3A_660 : vector<16xf32>
        %add3A_662 = arith.constant 0 : i32
        %add3A_663 = arith.addi %add3A_662, %scan3A_228 : i32
        %swap3A_664 = arith.index_cast %add3A_663 : i32 to index
        %swap3A_665 = arith.constant 416 : index
        %swap3A_666 = tpu.vector_load %arg15[%swap3A_664, %swap3A_665] {strides = array<i32>} : memref<8x512xf32, #tpu.memory_space<vmem>>, vector<1x16xf32>,
        %swap3A_667 = vector.shape_cast %swap3A_666 : vector<1x16xf32> to vector<16xf32>
        %swap3A_668 = vector.shape_cast %mul3A_661 : vector<16xf32> to vector<1x16xf32>
        tpu.vector_store %arg15[%swap3A_664, %swap3A_665], %swap3A_668 {strides = array<i32>} : memref<8x512xf32, #tpu.memory_space<vmem>>, vector<1x16xf32>,
        %mul3A_669 = vector.broadcast %scan3A : f32 to vector<16xf32>
        %mul3A_670 = arith.mulf %scan3A_425#27, %mul3A_669 : vector<16xf32>
        %add3A_671 = arith.constant 0 : i32
        %add3A_672 = arith.addi %add3A_671, %scan3A_228 : i32
        %swap3A_673 = arith.index_cast %add3A_672 : i32 to index
        %swap3A_674 = arith.constant 432 : index
        %swap3A_675 = tpu.vector_load %arg15[%swap3A_673, %swap3A_674] {strides = array<i32>} : memref<8x512xf32, #tpu.memory_space<vmem>>, vector<1x16xf32>,
        %swap3A_676 = vector.shape_cast %swap3A_675 : vector<1x16xf32> to vector<16xf32>
        %swap3A_677 = vector.shape_cast %mul3A_670 : vector<16xf32> to vector<1x16xf32>
        tpu.vector_store %arg15[%swap3A_673, %swap3A_674], %swap3A_677 {strides = array<i32>} : memref<8x512xf32, #tpu.memory_space<vmem>>, vector<1x16xf32>,
        %mul3A_678 = vector.broadcast %scan3A : f32 to vector<16xf32>
        %mul3A_679 = arith.mulf %scan3A_425#28, %mul3A_678 : vector<16xf32>
        %add3A_680 = arith.constant 0 : i32
        %add3A_681 = arith.addi %add3A_680, %scan3A_228 : i32
        %swap3A_682 = arith.index_cast %add3A_681 : i32 to index
        %swap3A_683 = arith.constant 448 : index
        %swap3A_684 = tpu.vector_load %arg15[%swap3A_682, %swap3A_683] {strides = array<i32>} : memref<8x512xf32, #tpu.memory_space<vmem>>, vector<1x16xf32>,
        %swap3A_685 = vector.shape_cast %swap3A_684 : vector<1x16xf32> to vector<16xf32>
        %swap3A_686 = vector.shape_cast %mul3A_679 : vector<16xf32> to vector<1x16xf32>
        tpu.vector_store %arg15[%swap3A_682, %swap3A_683], %swap3A_686 {strides = array<i32>} : memref<8x512xf32, #tpu.memory_space<vmem>>, vector<1x16xf32>,
        %mul3A_687 = vector.broadcast %scan3A : f32 to vector<16xf32>
        %mul3A_688 = arith.mulf %scan3A_425#29, %mul3A_687 : vector<16xf32>
        %add3A_689 = arith.constant 0 : i32
        %add3A_690 = arith.addi %add3A_689, %scan3A_228 : i32
        %swap3A_691 = arith.index_cast %add3A_690 : i32 to index
        %swap3A_692 = arith.constant 464 : index
        %swap3A_693 = tpu.vector_load %arg15[%swap3A_691, %swap3A_692] {strides = array<i32>} : memref<8x512xf32, #tpu.memory_space<vmem>>, vector<1x16xf32>,
        %swap3A_694 = vector.shape_cast %swap3A_693 : vector<1x16xf32> to vector<16xf32>
        %swap3A_695 = vector.shape_cast %mul3A_688 : vector<16xf32> to vector<1x16xf32>
        tpu.vector_store %arg15[%swap3A_691, %swap3A_692], %swap3A_695 {strides = array<i32>} : memref<8x512xf32, #tpu.memory_space<vmem>>, vector<1x16xf32>,
        %mul3A_696 = vector.broadcast %scan3A : f32 to vector<16xf32>
        %mul3A_697 = arith.mulf %scan3A_425#30, %mul3A_696 : vector<16xf32>
        %add3A_698 = arith.constant 0 : i32
        %add3A_699 = arith.addi %add3A_698, %scan3A_228 : i32
        %swap3A_700 = arith.index_cast %add3A_699 : i32 to index
        %swap3A_701 = arith.constant 480 : index
        %swap3A_702 = tpu.vector_load %arg15[%swap3A_700, %swap3A_701] {strides = array<i32>} : memref<8x512xf32, #tpu.memory_space<vmem>>, vector<1x16xf32>,
        %swap3A_703 = vector.shape_cast %swap3A_702 : vector<1x16xf32> to vector<16xf32>
        %swap3A_704 = vector.shape_cast %mul3A_697 : vector<16xf32> to vector<1x16xf32>
        tpu.vector_store %arg15[%swap3A_700, %swap3A_701], %swap3A_704 {strides = array<i32>} : memref<8x512xf32, #tpu.memory_space<vmem>>, vector<1x16xf32>,
        %mul3A_705 = vector.broadcast %scan3A : f32 to vector<16xf32>
        %mul3A_706 = arith.mulf %scan3A_425#31, %mul3A_705 : vector<16xf32>
        %add3A_707 = arith.constant 0 : i32
        %add3A_708 = arith.addi %add3A_707, %scan3A_228 : i32
        %swap3A_709 = arith.index_cast %add3A_708 : i32 to index
        %swap3A_710 = arith.constant 496 : index
        %swap3A_711 = tpu.vector_load %arg15[%swap3A_709, %swap3A_710] {strides = array<i32>} : memref<8x512xf32, #tpu.memory_space<vmem>>, vector<1x16xf32>,
        %swap3A_712 = vector.shape_cast %swap3A_711 : vector<1x16xf32> to vector<16xf32>
        %swap3A_713 = vector.shape_cast %mul3A_706 : vector<16xf32> to vector<1x16xf32>
        tpu.vector_store %arg15[%swap3A_709, %swap3A_710], %swap3A_713 {strides = array<i32>} : memref<8x512xf32, #tpu.memory_space<vmem>>, vector<1x16xf32>,
        %scan3A_714 = arith.constant 0 : i32
        scf.yield %scan3A_714 : i32
      }
      %scan3A_104 = arith.constant 4 : i32
      %add3A_105 = arith.constant 3 : i32
      %add3A_106 = arith.addi %add3A_91, %add3A_105 : i32
      %lt3A = arith.constant 80 : i32
      %lt3A_107 = arith.cmpi slt, %add3A_106, %lt3A : i32
      %convert_element_type3A_108 = arith.extui %lt3A_107 : i1 to i32
      %cond3A_109 = arith.constant 0 : i32
      %cond3A_110 = arith.cmpi ne, %convert_element_type3A_108, %cond3A_109 : i32
      scf.if %cond3A_110 {
        %add3A_228 = arith.constant 3 : i32
        %add3A_229 = arith.addi %add3A_91, %add3A_228 : i32
        %dma_start3A_230 = arith.constant 0 : i32
        %dma_start3A_231 = tpu.memref_slice %arg8[%add3A_229, %dma_start3A_230] : memref<80x40xi32, #tpu.memory_space<vmem>> -> memref<1x40xi32, #tpu.memory_space<vmem>>
        %dma_start3A_232 = tpu.memref_squeeze %dma_start3A_231 : memref<1x40xi32, #tpu.memory_space<vmem>> -> memref<40xi32, #tpu.memory_space<vmem>>
        %dma_start3A_233 = arith.constant 0 : i32
        %dma_start3A_234 = arith.constant 0 : i32
        %dma_start3A_235 = tpu.memref_slice %arg4[%dma_start3A_233, %dma_start3A_234] : memref<50000x512xf32, #tpu.memory_space<hbm>> -> memref<50000x512xf32, #tpu.memory_space<hbm>>
        tpu.enqueue_indirect_dma source(%dma_start3A_235 : memref<50000x512xf32, #tpu.memory_space<hbm>>) target(%arg14 : memref<40x512xf32, #tpu.memory_space<vmem>>) offsets(%dma_start3A_232 : memref<40xi32, #tpu.memory_space<vmem>>) semaphore(%arg22 : memref<!tpu.dma_semaphore, #tpu.memory_space<semaphore_mem>>)
      } else {
      }
      %mul3A_111 = arith.constant 2 : i32
      %mul3A_112 = arith.muli %add3A_72, %mul3A_111 : i32
      %add3A_113 = arith.constant 1 : i32
      %add3A_114 = arith.addi %mul3A_112, %add3A_113 : i32
      %dma_wait3A_115 = arith.constant 0 : i32
      %dma_wait3A_116 = tpu.memref_slice %arg8[%add3A_114, %dma_wait3A_115] : memref<80x40xi32, #tpu.memory_space<vmem>> -> memref<1x40xi32, #tpu.memory_space<vmem>>
      %dma_wait3A_117 = tpu.memref_squeeze %dma_wait3A_116 : memref<1x40xi32, #tpu.memory_space<vmem>> -> memref<40xi32, #tpu.memory_space<vmem>>
      %dma_wait3A_118 = arith.constant 0 : i32
      %dma_wait3A_119 = arith.constant 0 : i32
      %dma_wait3A_120 = tpu.memref_slice %arg4[%dma_wait3A_118, %dma_wait3A_119] : memref<50000x512xf32, #tpu.memory_space<hbm>> -> memref<50000x512xf32, #tpu.memory_space<hbm>>
      tpu.wait_indirect_dma semaphore(%arg20 : memref<!tpu.dma_semaphore, #tpu.memory_space<semaphore_mem>>) src(%dma_wait3A_120 : memref<50000x512xf32, #tpu.memory_space<hbm>>) dst(%arg12 : memref<40x512xf32, #tpu.memory_space<vmem>>)
      %scan3A_121 = arith.constant 0 : i32
      %scan3A_122 = arith.constant 0 : i32
      %scan3A_123 = arith.constant 4 : i32
      %scan3A_124 = arith.addi %scan3A_122, %scan3A_123 : i32
      %scan3A_125 = arith.constant 1 : i32
      %scan3A_126 = scf.for %scan3A_228 = %scan3A_122 to %scan3A_124 step %scan3A_125 iter_args(%scan3A_229 = %scan3A_121) -> (i32)  : i32 {
        %mul3A_230 = arith.constant 10 : i32
        %mul3A_231 = arith.muli %scan3A_228, %mul3A_230 : i32
        %get3A = arith.index_cast %mul3A_231 : i32 to index
        %get3A_232 = arith.constant 0 : index
        %get3A_233 = tpu.vector_load %arg12[%get3A, %get3A_232] {strides = array<i32>} : memref<40x512xf32, #tpu.memory_space<vmem>>, vector<1x16xf32>,
        %get3A_234 = vector.shape_cast %get3A_233 : vector<1x16xf32> to vector<16xf32>
        %mul3A_235 = arith.constant 10 : i32
        %mul3A_236 = arith.muli %scan3A_228, %mul3A_235 : i32
        %get3A_237 = arith.index_cast %mul3A_236 : i32 to index
        %get3A_238 = arith.constant 16 : index
        %get3A_239 = tpu.vector_load %arg12[%get3A_237, %get3A_238] {strides = array<i32>} : memref<40x512xf32, #tpu.memory_space<vmem>>, vector<1x16xf32>,
        %get3A_240 = vector.shape_cast %get3A_239 : vector<1x16xf32> to vector<16xf32>
        %mul3A_241 = arith.constant 10 : i32
        %mul3A_242 = arith.muli %scan3A_228, %mul3A_241 : i32
        %get3A_243 = arith.index_cast %mul3A_242 : i32 to index
        %get3A_244 = arith.constant 32 : index
        %get3A_245 = tpu.vector_load %arg12[%get3A_243, %get3A_244] {strides = array<i32>} : memref<40x512xf32, #tpu.memory_space<vmem>>, vector<1x16xf32>,
        %get3A_246 = vector.shape_cast %get3A_245 : vector<1x16xf32> to vector<16xf32>
        %mul3A_247 = arith.constant 10 : i32
        %mul3A_248 = arith.muli %scan3A_228, %mul3A_247 : i32
        %get3A_249 = arith.index_cast %mul3A_248 : i32 to index
        %get3A_250 = arith.constant 48 : index
        %get3A_251 = tpu.vector_load %arg12[%get3A_249, %get3A_250] {strides = array<i32>} : memref<40x512xf32, #tpu.memory_space<vmem>>, vector<1x16xf32>,
        %get3A_252 = vector.shape_cast %get3A_251 : vector<1x16xf32> to vector<16xf32>
        %mul3A_253 = arith.constant 10 : i32
        %mul3A_254 = arith.muli %scan3A_228, %mul3A_253 : i32
        %get3A_255 = arith.index_cast %mul3A_254 : i32 to index
        %get3A_256 = arith.constant 64 : index
        %get3A_257 = tpu.vector_load %arg12[%get3A_255, %get3A_256] {strides = array<i32>} : memref<40x512xf32, #tpu.memory_space<vmem>>, vector<1x16xf32>,
        %get3A_258 = vector.shape_cast %get3A_257 : vector<1x16xf32> to vector<16xf32>
        %mul3A_259 = arith.constant 10 : i32
        %mul3A_260 = arith.muli %scan3A_228, %mul3A_259 : i32
        %get3A_261 = arith.index_cast %mul3A_260 : i32 to index
        %get3A_262 = arith.constant 80 : index
        %get3A_263 = tpu.vector_load %arg12[%get3A_261, %get3A_262] {strides = array<i32>} : memref<40x512xf32, #tpu.memory_space<vmem>>, vector<1x16xf32>,
        %get3A_264 = vector.shape_cast %get3A_263 : vector<1x16xf32> to vector<16xf32>
        %mul3A_265 = arith.constant 10 : i32
        %mul3A_266 = arith.muli %scan3A_228, %mul3A_265 : i32
        %get3A_267 = arith.index_cast %mul3A_266 : i32 to index
        %get3A_268 = arith.constant 96 : index
        %get3A_269 = tpu.vector_load %arg12[%get3A_267, %get3A_268] {strides = array<i32>} : memref<40x512xf32, #tpu.memory_space<vmem>>, vector<1x16xf32>,
        %get3A_270 = vector.shape_cast %get3A_269 : vector<1x16xf32> to vector<16xf32>
        %mul3A_271 = arith.constant 10 : i32
        %mul3A_272 = arith.muli %scan3A_228, %mul3A_271 : i32
        %get3A_273 = arith.index_cast %mul3A_272 : i32 to index
        %get3A_274 = arith.constant 112 : index
        %get3A_275 = tpu.vector_load %arg12[%get3A_273, %get3A_274] {strides = array<i32>} : memref<40x512xf32, #tpu.memory_space<vmem>>, vector<1x16xf32>,
        %get3A_276 = vector.shape_cast %get3A_275 : vector<1x16xf32> to vector<16xf32>
        %mul3A_277 = arith.constant 10 : i32
        %mul3A_278 = arith.muli %scan3A_228, %mul3A_277 : i32
        %get3A_279 = arith.index_cast %mul3A_278 : i32 to index
        %get3A_280 = arith.constant 128 : index
        %get3A_281 = tpu.vector_load %arg12[%get3A_279, %get3A_280] {strides = array<i32>} : memref<40x512xf32, #tpu.memory_space<vmem>>, vector<1x16xf32>,
        %get3A_282 = vector.shape_cast %get3A_281 : vector<1x16xf32> to vector<16xf32>
        %mul3A_283 = arith.constant 10 : i32
        %mul3A_284 = arith.muli %scan3A_228, %mul3A_283 : i32
        %get3A_285 = arith.index_cast %mul3A_284 : i32 to index
        %get3A_286 = arith.constant 144 : index
        %get3A_287 = tpu.vector_load %arg12[%get3A_285, %get3A_286] {strides = array<i32>} : memref<40x512xf32, #tpu.memory_space<vmem>>, vector<1x16xf32>,
        %get3A_288 = vector.shape_cast %get3A_287 : vector<1x16xf32> to vector<16xf32>
        %mul3A_289 = arith.constant 10 : i32
        %mul3A_290 = arith.muli %scan3A_228, %mul3A_289 : i32
        %get3A_291 = arith.index_cast %mul3A_290 : i32 to index
        %get3A_292 = arith.constant 160 : index
        %get3A_293 = tpu.vector_load %arg12[%get3A_291, %get3A_292] {strides = array<i32>} : memref<40x512xf32, #tpu.memory_space<vmem>>, vector<1x16xf32>,
        %get3A_294 = vector.shape_cast %get3A_293 : vector<1x16xf32> to vector<16xf32>
        %mul3A_295 = arith.constant 10 : i32
        %mul3A_296 = arith.muli %scan3A_228, %mul3A_295 : i32
        %get3A_297 = arith.index_cast %mul3A_296 : i32 to index
        %get3A_298 = arith.constant 176 : index
        %get3A_299 = tpu.vector_load %arg12[%get3A_297, %get3A_298] {strides = array<i32>} : memref<40x512xf32, #tpu.memory_space<vmem>>, vector<1x16xf32>,
        %get3A_300 = vector.shape_cast %get3A_299 : vector<1x16xf32> to vector<16xf32>
        %mul3A_301 = arith.constant 10 : i32
        %mul3A_302 = arith.muli %scan3A_228, %mul3A_301 : i32
        %get3A_303 = arith.index_cast %mul3A_302 : i32 to index
        %get3A_304 = arith.constant 192 : index
        %get3A_305 = tpu.vector_load %arg12[%get3A_303, %get3A_304] {strides = array<i32>} : memref<40x512xf32, #tpu.memory_space<vmem>>, vector<1x16xf32>,
        %get3A_306 = vector.shape_cast %get3A_305 : vector<1x16xf32> to vector<16xf32>
        %mul3A_307 = arith.constant 10 : i32
        %mul3A_308 = arith.muli %scan3A_228, %mul3A_307 : i32
        %get3A_309 = arith.index_cast %mul3A_308 : i32 to index
        %get3A_310 = arith.constant 208 : index
        %get3A_311 = tpu.vector_load %arg12[%get3A_309, %get3A_310] {strides = array<i32>} : memref<40x512xf32, #tpu.memory_space<vmem>>, vector<1x16xf32>,
        %get3A_312 = vector.shape_cast %get3A_311 : vector<1x16xf32> to vector<16xf32>
        %mul3A_313 = arith.constant 10 : i32
        %mul3A_314 = arith.muli %scan3A_228, %mul3A_313 : i32
        %get3A_315 = arith.index_cast %mul3A_314 : i32 to index
        %get3A_316 = arith.constant 224 : index
        %get3A_317 = tpu.vector_load %arg12[%get3A_315, %get3A_316] {strides = array<i32>} : memref<40x512xf32, #tpu.memory_space<vmem>>, vector<1x16xf32>,
        %get3A_318 = vector.shape_cast %get3A_317 : vector<1x16xf32> to vector<16xf32>
        %mul3A_319 = arith.constant 10 : i32
        %mul3A_320 = arith.muli %scan3A_228, %mul3A_319 : i32
        %get3A_321 = arith.index_cast %mul3A_320 : i32 to index
        %get3A_322 = arith.constant 240 : index
        %get3A_323 = tpu.vector_load %arg12[%get3A_321, %get3A_322] {strides = array<i32>} : memref<40x512xf32, #tpu.memory_space<vmem>>, vector<1x16xf32>,
        %get3A_324 = vector.shape_cast %get3A_323 : vector<1x16xf32> to vector<16xf32>
        %mul3A_325 = arith.constant 10 : i32
        %mul3A_326 = arith.muli %scan3A_228, %mul3A_325 : i32
        %get3A_327 = arith.index_cast %mul3A_326 : i32 to index
        %get3A_328 = arith.constant 256 : index
        %get3A_329 = tpu.vector_load %arg12[%get3A_327, %get3A_328] {strides = array<i32>} : memref<40x512xf32, #tpu.memory_space<vmem>>, vector<1x16xf32>,
        %get3A_330 = vector.shape_cast %get3A_329 : vector<1x16xf32> to vector<16xf32>
        %mul3A_331 = arith.constant 10 : i32
        %mul3A_332 = arith.muli %scan3A_228, %mul3A_331 : i32
        %get3A_333 = arith.index_cast %mul3A_332 : i32 to index
        %get3A_334 = arith.constant 272 : index
        %get3A_335 = tpu.vector_load %arg12[%get3A_333, %get3A_334] {strides = array<i32>} : memref<40x512xf32, #tpu.memory_space<vmem>>, vector<1x16xf32>,
        %get3A_336 = vector.shape_cast %get3A_335 : vector<1x16xf32> to vector<16xf32>
        %mul3A_337 = arith.constant 10 : i32
        %mul3A_338 = arith.muli %scan3A_228, %mul3A_337 : i32
        %get3A_339 = arith.index_cast %mul3A_338 : i32 to index
        %get3A_340 = arith.constant 288 : index
        %get3A_341 = tpu.vector_load %arg12[%get3A_339, %get3A_340] {strides = array<i32>} : memref<40x512xf32, #tpu.memory_space<vmem>>, vector<1x16xf32>,
        %get3A_342 = vector.shape_cast %get3A_341 : vector<1x16xf32> to vector<16xf32>
        %mul3A_343 = arith.constant 10 : i32
        %mul3A_344 = arith.muli %scan3A_228, %mul3A_343 : i32
        %get3A_345 = arith.index_cast %mul3A_344 : i32 to index
        %get3A_346 = arith.constant 304 : index
        %get3A_347 = tpu.vector_load %arg12[%get3A_345, %get3A_346] {strides = array<i32>} : memref<40x512xf32, #tpu.memory_space<vmem>>, vector<1x16xf32>,
        %get3A_348 = vector.shape_cast %get3A_347 : vector<1x16xf32> to vector<16xf32>
        %mul3A_349 = arith.constant 10 : i32
        %mul3A_350 = arith.muli %scan3A_228, %mul3A_349 : i32
        %get3A_351 = arith.index_cast %mul3A_350 : i32 to index
        %get3A_352 = arith.constant 320 : index
        %get3A_353 = tpu.vector_load %arg12[%get3A_351, %get3A_352] {strides = array<i32>} : memref<40x512xf32, #tpu.memory_space<vmem>>, vector<1x16xf32>,
        %get3A_354 = vector.shape_cast %get3A_353 : vector<1x16xf32> to vector<16xf32>
        %mul3A_355 = arith.constant 10 : i32
        %mul3A_356 = arith.muli %scan3A_228, %mul3A_355 : i32
        %get3A_357 = arith.index_cast %mul3A_356 : i32 to index
        %get3A_358 = arith.constant 336 : index
        %get3A_359 = tpu.vector_load %arg12[%get3A_357, %get3A_358] {strides = array<i32>} : memref<40x512xf32, #tpu.memory_space<vmem>>, vector<1x16xf32>,
        %get3A_360 = vector.shape_cast %get3A_359 : vector<1x16xf32> to vector<16xf32>
        %mul3A_361 = arith.constant 10 : i32
        %mul3A_362 = arith.muli %scan3A_228, %mul3A_361 : i32
        %get3A_363 = arith.index_cast %mul3A_362 : i32 to index
        %get3A_364 = arith.constant 352 : index
        %get3A_365 = tpu.vector_load %arg12[%get3A_363, %get3A_364] {strides = array<i32>} : memref<40x512xf32, #tpu.memory_space<vmem>>, vector<1x16xf32>,
        %get3A_366 = vector.shape_cast %get3A_365 : vector<1x16xf32> to vector<16xf32>
        %mul3A_367 = arith.constant 10 : i32
        %mul3A_368 = arith.muli %scan3A_228, %mul3A_367 : i32
        %get3A_369 = arith.index_cast %mul3A_368 : i32 to index
        %get3A_370 = arith.constant 368 : index
        %get3A_371 = tpu.vector_load %arg12[%get3A_369, %get3A_370] {strides = array<i32>} : memref<40x512xf32, #tpu.memory_space<vmem>>, vector<1x16xf32>,
        %get3A_372 = vector.shape_cast %get3A_371 : vector<1x16xf32> to vector<16xf32>
        %mul3A_373 = arith.constant 10 : i32
        %mul3A_374 = arith.muli %scan3A_228, %mul3A_373 : i32
        %get3A_375 = arith.index_cast %mul3A_374 : i32 to index
        %get3A_376 = arith.constant 384 : index
        %get3A_377 = tpu.vector_load %arg12[%get3A_375, %get3A_376] {strides = array<i32>} : memref<40x512xf32, #tpu.memory_space<vmem>>, vector<1x16xf32>,
        %get3A_378 = vector.shape_cast %get3A_377 : vector<1x16xf32> to vector<16xf32>
        %mul3A_379 = arith.constant 10 : i32
        %mul3A_380 = arith.muli %scan3A_228, %mul3A_379 : i32
        %get3A_381 = arith.index_cast %mul3A_380 : i32 to index
        %get3A_382 = arith.constant 400 : index
        %get3A_383 = tpu.vector_load %arg12[%get3A_381, %get3A_382] {strides = array<i32>} : memref<40x512xf32, #tpu.memory_space<vmem>>, vector<1x16xf32>,
        %get3A_384 = vector.shape_cast %get3A_383 : vector<1x16xf32> to vector<16xf32>
        %mul3A_385 = arith.constant 10 : i32
        %mul3A_386 = arith.muli %scan3A_228, %mul3A_385 : i32
        %get3A_387 = arith.index_cast %mul3A_386 : i32 to index
        %get3A_388 = arith.constant 416 : index
        %get3A_389 = tpu.vector_load %arg12[%get3A_387, %get3A_388] {strides = array<i32>} : memref<40x512xf32, #tpu.memory_space<vmem>>, vector<1x16xf32>,
        %get3A_390 = vector.shape_cast %get3A_389 : vector<1x16xf32> to vector<16xf32>
        %mul3A_391 = arith.constant 10 : i32
        %mul3A_392 = arith.muli %scan3A_228, %mul3A_391 : i32
        %get3A_393 = arith.index_cast %mul3A_392 : i32 to index
        %get3A_394 = arith.constant 432 : index
        %get3A_395 = tpu.vector_load %arg12[%get3A_393, %get3A_394] {strides = array<i32>} : memref<40x512xf32, #tpu.memory_space<vmem>>, vector<1x16xf32>,
        %get3A_396 = vector.shape_cast %get3A_395 : vector<1x16xf32> to vector<16xf32>
        %mul3A_397 = arith.constant 10 : i32
        %mul3A_398 = arith.muli %scan3A_228, %mul3A_397 : i32
        %get3A_399 = arith.index_cast %mul3A_398 : i32 to index
        %get3A_400 = arith.constant 448 : index
        %get3A_401 = tpu.vector_load %arg12[%get3A_399, %get3A_400] {strides = array<i32>} : memref<40x512xf32, #tpu.memory_space<vmem>>, vector<1x16xf32>,
        %get3A_402 = vector.shape_cast %get3A_401 : vector<1x16xf32> to vector<16xf32>
        %mul3A_403 = arith.constant 10 : i32
        %mul3A_404 = arith.muli %scan3A_228, %mul3A_403 : i32
        %get3A_405 = arith.index_cast %mul3A_404 : i32 to index
        %get3A_406 = arith.constant 464 : index
        %get3A_407 = tpu.vector_load %arg12[%get3A_405, %get3A_406] {strides = array<i32>} : memref<40x512xf32, #tpu.memory_space<vmem>>, vector<1x16xf32>,
        %get3A_408 = vector.shape_cast %get3A_407 : vector<1x16xf32> to vector<16xf32>
        %mul3A_409 = arith.constant 10 : i32
        %mul3A_410 = arith.muli %scan3A_228, %mul3A_409 : i32
        %get3A_411 = arith.index_cast %mul3A_410 : i32 to index
        %get3A_412 = arith.constant 480 : index
        %get3A_413 = tpu.vector_load %arg12[%get3A_411, %get3A_412] {strides = array<i32>} : memref<40x512xf32, #tpu.memory_space<vmem>>, vector<1x16xf32>,
        %get3A_414 = vector.shape_cast %get3A_413 : vector<1x16xf32> to vector<16xf32>
        %mul3A_415 = arith.constant 10 : i32
        %mul3A_416 = arith.muli %scan3A_228, %mul3A_415 : i32
        %get3A_417 = arith.index_cast %mul3A_416 : i32 to index
        %get3A_418 = arith.constant 496 : index
        %get3A_419 = tpu.vector_load %arg12[%get3A_417, %get3A_418] {strides = array<i32>} : memref<40x512xf32, #tpu.memory_space<vmem>>, vector<1x16xf32>,
        %get3A_420 = vector.shape_cast %get3A_419 : vector<1x16xf32> to vector<16xf32>
        %scan3A_421 = arith.constant 1 : i32
        %scan3A_422 = arith.constant 9 : i32
        %scan3A_423 = arith.addi %scan3A_421, %scan3A_422 : i32
        %scan3A_424 = arith.constant 1 : i32
        %scan3A_425:32 = scf.for %scan3A_715 = %scan3A_421 to %scan3A_423 step %scan3A_424 iter_args(%scan3A_716 = %get3A_234, %scan3A_717 = %get3A_240, %scan3A_718 = %get3A_246, %scan3A_719 = %get3A_252, %scan3A_720 = %get3A_258, %scan3A_721 = %get3A_264, %scan3A_722 = %get3A_270, %scan3A_723 = %get3A_276, %scan3A_724 = %get3A_282, %scan3A_725 = %get3A_288, %scan3A_726 = %get3A_294, %scan3A_727 = %get3A_300, %scan3A_728 = %get3A_306, %scan3A_729 = %get3A_312, %scan3A_730 = %get3A_318, %scan3A_731 = %get3A_324, %scan3A_732 = %get3A_330, %scan3A_733 = %get3A_336, %scan3A_734 = %get3A_342, %scan3A_735 = %get3A_348, %scan3A_736 = %get3A_354, %scan3A_737 = %get3A_360, %scan3A_738 = %get3A_366, %scan3A_739 = %get3A_372, %scan3A_740 = %get3A_378, %scan3A_741 = %get3A_384, %scan3A_742 = %get3A_390, %scan3A_743 = %get3A_396, %scan3A_744 = %get3A_402, %scan3A_745 = %get3A_408, %scan3A_746 = %get3A_414, %scan3A_747 = %get3A_420) -> (vector<16xf32>, vector<16xf32>, vector<16xf32>, vector<16xf32>, vector<16xf32>, vector<16xf32>, vector<16xf32>, vector<16xf32>, vector<16xf32>, vector<16xf32>, vector<16xf32>, vector<16xf32>, vector<16xf32>, vector<16xf32>, vector<16xf32>, vector<16xf32>, vector<16xf32>, vector<16xf32>, vector<16xf32>, vector<16xf32>, vector<16xf32>, vector<16xf32>, vector<16xf32>, vector<16xf32>, vector<16xf32>, vector<16xf32>, vector<16xf32>, vector<16xf32>, vector<16xf32>, vector<16xf32>, vector<16xf32>, vector<16xf32>)  : i32 {
          %mul3A_748 = arith.constant 10 : i32
          %mul3A_749 = arith.muli %scan3A_228, %mul3A_748 : i32
          %add3A_750 = arith.addi %mul3A_749, %scan3A_715 : i32
          %get3A_751 = arith.index_cast %add3A_750 : i32 to index
          %get3A_752 = arith.constant 0 : index
          %get3A_753 = tpu.vector_load %arg12[%get3A_751, %get3A_752] {strides = array<i32>} : memref<40x512xf32, #tpu.memory_space<vmem>>, vector<1x16xf32>,
          %get3A_754 = vector.shape_cast %get3A_753 : vector<1x16xf32> to vector<16xf32>
          %add3A_755 = arith.addf %scan3A_716, %get3A_754 : vector<16xf32>
          %get3A_756 = arith.index_cast %add3A_750 : i32 to index
          %get3A_757 = arith.constant 16 : index
          %get3A_758 = tpu.vector_load %arg12[%get3A_756, %get3A_757] {strides = array<i32>} : memref<40x512xf32, #tpu.memory_space<vmem>>, vector<1x16xf32>,
          %get3A_759 = vector.shape_cast %get3A_758 : vector<1x16xf32> to vector<16xf32>
          %add3A_760 = arith.addf %scan3A_717, %get3A_759 : vector<16xf32>
          %get3A_761 = arith.index_cast %add3A_750 : i32 to index
          %get3A_762 = arith.constant 32 : index
          %get3A_763 = tpu.vector_load %arg12[%get3A_761, %get3A_762] {strides = array<i32>} : memref<40x512xf32, #tpu.memory_space<vmem>>, vector<1x16xf32>,
          %get3A_764 = vector.shape_cast %get3A_763 : vector<1x16xf32> to vector<16xf32>
          %add3A_765 = arith.addf %scan3A_718, %get3A_764 : vector<16xf32>
          %get3A_766 = arith.index_cast %add3A_750 : i32 to index
          %get3A_767 = arith.constant 48 : index
          %get3A_768 = tpu.vector_load %arg12[%get3A_766, %get3A_767] {strides = array<i32>} : memref<40x512xf32, #tpu.memory_space<vmem>>, vector<1x16xf32>,
          %get3A_769 = vector.shape_cast %get3A_768 : vector<1x16xf32> to vector<16xf32>
          %add3A_770 = arith.addf %scan3A_719, %get3A_769 : vector<16xf32>
          %get3A_771 = arith.index_cast %add3A_750 : i32 to index
          %get3A_772 = arith.constant 64 : index
          %get3A_773 = tpu.vector_load %arg12[%get3A_771, %get3A_772] {strides = array<i32>} : memref<40x512xf32, #tpu.memory_space<vmem>>, vector<1x16xf32>,
          %get3A_774 = vector.shape_cast %get3A_773 : vector<1x16xf32> to vector<16xf32>
          %add3A_775 = arith.addf %scan3A_720, %get3A_774 : vector<16xf32>
          %get3A_776 = arith.index_cast %add3A_750 : i32 to index
          %get3A_777 = arith.constant 80 : index
          %get3A_778 = tpu.vector_load %arg12[%get3A_776, %get3A_777] {strides = array<i32>} : memref<40x512xf32, #tpu.memory_space<vmem>>, vector<1x16xf32>,
          %get3A_779 = vector.shape_cast %get3A_778 : vector<1x16xf32> to vector<16xf32>
          %add3A_780 = arith.addf %scan3A_721, %get3A_779 : vector<16xf32>
          %get3A_781 = arith.index_cast %add3A_750 : i32 to index
          %get3A_782 = arith.constant 96 : index
          %get3A_783 = tpu.vector_load %arg12[%get3A_781, %get3A_782] {strides = array<i32>} : memref<40x512xf32, #tpu.memory_space<vmem>>, vector<1x16xf32>,
          %get3A_784 = vector.shape_cast %get3A_783 : vector<1x16xf32> to vector<16xf32>
          %add3A_785 = arith.addf %scan3A_722, %get3A_784 : vector<16xf32>
          %get3A_786 = arith.index_cast %add3A_750 : i32 to index
          %get3A_787 = arith.constant 112 : index
          %get3A_788 = tpu.vector_load %arg12[%get3A_786, %get3A_787] {strides = array<i32>} : memref<40x512xf32, #tpu.memory_space<vmem>>, vector<1x16xf32>,
          %get3A_789 = vector.shape_cast %get3A_788 : vector<1x16xf32> to vector<16xf32>
          %add3A_790 = arith.addf %scan3A_723, %get3A_789 : vector<16xf32>
          %get3A_791 = arith.index_cast %add3A_750 : i32 to index
          %get3A_792 = arith.constant 128 : index
          %get3A_793 = tpu.vector_load %arg12[%get3A_791, %get3A_792] {strides = array<i32>} : memref<40x512xf32, #tpu.memory_space<vmem>>, vector<1x16xf32>,
          %get3A_794 = vector.shape_cast %get3A_793 : vector<1x16xf32> to vector<16xf32>
          %add3A_795 = arith.addf %scan3A_724, %get3A_794 : vector<16xf32>
          %get3A_796 = arith.index_cast %add3A_750 : i32 to index
          %get3A_797 = arith.constant 144 : index
          %get3A_798 = tpu.vector_load %arg12[%get3A_796, %get3A_797] {strides = array<i32>} : memref<40x512xf32, #tpu.memory_space<vmem>>, vector<1x16xf32>,
          %get3A_799 = vector.shape_cast %get3A_798 : vector<1x16xf32> to vector<16xf32>
          %add3A_800 = arith.addf %scan3A_725, %get3A_799 : vector<16xf32>
          %get3A_801 = arith.index_cast %add3A_750 : i32 to index
          %get3A_802 = arith.constant 160 : index
          %get3A_803 = tpu.vector_load %arg12[%get3A_801, %get3A_802] {strides = array<i32>} : memref<40x512xf32, #tpu.memory_space<vmem>>, vector<1x16xf32>,
          %get3A_804 = vector.shape_cast %get3A_803 : vector<1x16xf32> to vector<16xf32>
          %add3A_805 = arith.addf %scan3A_726, %get3A_804 : vector<16xf32>
          %get3A_806 = arith.index_cast %add3A_750 : i32 to index
          %get3A_807 = arith.constant 176 : index
          %get3A_808 = tpu.vector_load %arg12[%get3A_806, %get3A_807] {strides = array<i32>} : memref<40x512xf32, #tpu.memory_space<vmem>>, vector<1x16xf32>,
          %get3A_809 = vector.shape_cast %get3A_808 : vector<1x16xf32> to vector<16xf32>
          %add3A_810 = arith.addf %scan3A_727, %get3A_809 : vector<16xf32>
          %get3A_811 = arith.index_cast %add3A_750 : i32 to index
          %get3A_812 = arith.constant 192 : index
          %get3A_813 = tpu.vector_load %arg12[%get3A_811, %get3A_812] {strides = array<i32>} : memref<40x512xf32, #tpu.memory_space<vmem>>, vector<1x16xf32>,
          %get3A_814 = vector.shape_cast %get3A_813 : vector<1x16xf32> to vector<16xf32>
          %add3A_815 = arith.addf %scan3A_728, %get3A_814 : vector<16xf32>
          %get3A_816 = arith.index_cast %add3A_750 : i32 to index
          %get3A_817 = arith.constant 208 : index
          %get3A_818 = tpu.vector_load %arg12[%get3A_816, %get3A_817] {strides = array<i32>} : memref<40x512xf32, #tpu.memory_space<vmem>>, vector<1x16xf32>,
          %get3A_819 = vector.shape_cast %get3A_818 : vector<1x16xf32> to vector<16xf32>
          %add3A_820 = arith.addf %scan3A_729, %get3A_819 : vector<16xf32>
          %get3A_821 = arith.index_cast %add3A_750 : i32 to index
          %get3A_822 = arith.constant 224 : index
          %get3A_823 = tpu.vector_load %arg12[%get3A_821, %get3A_822] {strides = array<i32>} : memref<40x512xf32, #tpu.memory_space<vmem>>, vector<1x16xf32>,
          %get3A_824 = vector.shape_cast %get3A_823 : vector<1x16xf32> to vector<16xf32>
          %add3A_825 = arith.addf %scan3A_730, %get3A_824 : vector<16xf32>
          %get3A_826 = arith.index_cast %add3A_750 : i32 to index
          %get3A_827 = arith.constant 240 : index
          %get3A_828 = tpu.vector_load %arg12[%get3A_826, %get3A_827] {strides = array<i32>} : memref<40x512xf32, #tpu.memory_space<vmem>>, vector<1x16xf32>,
          %get3A_829 = vector.shape_cast %get3A_828 : vector<1x16xf32> to vector<16xf32>
          %add3A_830 = arith.addf %scan3A_731, %get3A_829 : vector<16xf32>
          %get3A_831 = arith.index_cast %add3A_750 : i32 to index
          %get3A_832 = arith.constant 256 : index
          %get3A_833 = tpu.vector_load %arg12[%get3A_831, %get3A_832] {strides = array<i32>} : memref<40x512xf32, #tpu.memory_space<vmem>>, vector<1x16xf32>,
          %get3A_834 = vector.shape_cast %get3A_833 : vector<1x16xf32> to vector<16xf32>
          %add3A_835 = arith.addf %scan3A_732, %get3A_834 : vector<16xf32>
          %get3A_836 = arith.index_cast %add3A_750 : i32 to index
          %get3A_837 = arith.constant 272 : index
          %get3A_838 = tpu.vector_load %arg12[%get3A_836, %get3A_837] {strides = array<i32>} : memref<40x512xf32, #tpu.memory_space<vmem>>, vector<1x16xf32>,
          %get3A_839 = vector.shape_cast %get3A_838 : vector<1x16xf32> to vector<16xf32>
          %add3A_840 = arith.addf %scan3A_733, %get3A_839 : vector<16xf32>
          %get3A_841 = arith.index_cast %add3A_750 : i32 to index
          %get3A_842 = arith.constant 288 : index
          %get3A_843 = tpu.vector_load %arg12[%get3A_841, %get3A_842] {strides = array<i32>} : memref<40x512xf32, #tpu.memory_space<vmem>>, vector<1x16xf32>,
          %get3A_844 = vector.shape_cast %get3A_843 : vector<1x16xf32> to vector<16xf32>
          %add3A_845 = arith.addf %scan3A_734, %get3A_844 : vector<16xf32>
          %get3A_846 = arith.index_cast %add3A_750 : i32 to index
          %get3A_847 = arith.constant 304 : index
          %get3A_848 = tpu.vector_load %arg12[%get3A_846, %get3A_847] {strides = array<i32>} : memref<40x512xf32, #tpu.memory_space<vmem>>, vector<1x16xf32>,
          %get3A_849 = vector.shape_cast %get3A_848 : vector<1x16xf32> to vector<16xf32>
          %add3A_850 = arith.addf %scan3A_735, %get3A_849 : vector<16xf32>
          %get3A_851 = arith.index_cast %add3A_750 : i32 to index
          %get3A_852 = arith.constant 320 : index
          %get3A_853 = tpu.vector_load %arg12[%get3A_851, %get3A_852] {strides = array<i32>} : memref<40x512xf32, #tpu.memory_space<vmem>>, vector<1x16xf32>,
          %get3A_854 = vector.shape_cast %get3A_853 : vector<1x16xf32> to vector<16xf32>
          %add3A_855 = arith.addf %scan3A_736, %get3A_854 : vector<16xf32>
          %get3A_856 = arith.index_cast %add3A_750 : i32 to index
          %get3A_857 = arith.constant 336 : index
          %get3A_858 = tpu.vector_load %arg12[%get3A_856, %get3A_857] {strides = array<i32>} : memref<40x512xf32, #tpu.memory_space<vmem>>, vector<1x16xf32>,
          %get3A_859 = vector.shape_cast %get3A_858 : vector<1x16xf32> to vector<16xf32>
          %add3A_860 = arith.addf %scan3A_737, %get3A_859 : vector<16xf32>
          %get3A_861 = arith.index_cast %add3A_750 : i32 to index
          %get3A_862 = arith.constant 352 : index
          %get3A_863 = tpu.vector_load %arg12[%get3A_861, %get3A_862] {strides = array<i32>} : memref<40x512xf32, #tpu.memory_space<vmem>>, vector<1x16xf32>,
          %get3A_864 = vector.shape_cast %get3A_863 : vector<1x16xf32> to vector<16xf32>
          %add3A_865 = arith.addf %scan3A_738, %get3A_864 : vector<16xf32>
          %get3A_866 = arith.index_cast %add3A_750 : i32 to index
          %get3A_867 = arith.constant 368 : index
          %get3A_868 = tpu.vector_load %arg12[%get3A_866, %get3A_867] {strides = array<i32>} : memref<40x512xf32, #tpu.memory_space<vmem>>, vector<1x16xf32>,
          %get3A_869 = vector.shape_cast %get3A_868 : vector<1x16xf32> to vector<16xf32>
          %add3A_870 = arith.addf %scan3A_739, %get3A_869 : vector<16xf32>
          %get3A_871 = arith.index_cast %add3A_750 : i32 to index
          %get3A_872 = arith.constant 384 : index
          %get3A_873 = tpu.vector_load %arg12[%get3A_871, %get3A_872] {strides = array<i32>} : memref<40x512xf32, #tpu.memory_space<vmem>>, vector<1x16xf32>,
          %get3A_874 = vector.shape_cast %get3A_873 : vector<1x16xf32> to vector<16xf32>
          %add3A_875 = arith.addf %scan3A_740, %get3A_874 : vector<16xf32>
          %get3A_876 = arith.index_cast %add3A_750 : i32 to index
          %get3A_877 = arith.constant 400 : index
          %get3A_878 = tpu.vector_load %arg12[%get3A_876, %get3A_877] {strides = array<i32>} : memref<40x512xf32, #tpu.memory_space<vmem>>, vector<1x16xf32>,
          %get3A_879 = vector.shape_cast %get3A_878 : vector<1x16xf32> to vector<16xf32>
          %add3A_880 = arith.addf %scan3A_741, %get3A_879 : vector<16xf32>
          %get3A_881 = arith.index_cast %add3A_750 : i32 to index
          %get3A_882 = arith.constant 416 : index
          %get3A_883 = tpu.vector_load %arg12[%get3A_881, %get3A_882] {strides = array<i32>} : memref<40x512xf32, #tpu.memory_space<vmem>>, vector<1x16xf32>,
          %get3A_884 = vector.shape_cast %get3A_883 : vector<1x16xf32> to vector<16xf32>
          %add3A_885 = arith.addf %scan3A_742, %get3A_884 : vector<16xf32>
          %get3A_886 = arith.index_cast %add3A_750 : i32 to index
          %get3A_887 = arith.constant 432 : index
          %get3A_888 = tpu.vector_load %arg12[%get3A_886, %get3A_887] {strides = array<i32>} : memref<40x512xf32, #tpu.memory_space<vmem>>, vector<1x16xf32>,
          %get3A_889 = vector.shape_cast %get3A_888 : vector<1x16xf32> to vector<16xf32>
          %add3A_890 = arith.addf %scan3A_743, %get3A_889 : vector<16xf32>
          %get3A_891 = arith.index_cast %add3A_750 : i32 to index
          %get3A_892 = arith.constant 448 : index
          %get3A_893 = tpu.vector_load %arg12[%get3A_891, %get3A_892] {strides = array<i32>} : memref<40x512xf32, #tpu.memory_space<vmem>>, vector<1x16xf32>,
          %get3A_894 = vector.shape_cast %get3A_893 : vector<1x16xf32> to vector<16xf32>
          %add3A_895 = arith.addf %scan3A_744, %get3A_894 : vector<16xf32>
          %get3A_896 = arith.index_cast %add3A_750 : i32 to index
          %get3A_897 = arith.constant 464 : index
          %get3A_898 = tpu.vector_load %arg12[%get3A_896, %get3A_897] {strides = array<i32>} : memref<40x512xf32, #tpu.memory_space<vmem>>, vector<1x16xf32>,
          %get3A_899 = vector.shape_cast %get3A_898 : vector<1x16xf32> to vector<16xf32>
          %add3A_900 = arith.addf %scan3A_745, %get3A_899 : vector<16xf32>
          %get3A_901 = arith.index_cast %add3A_750 : i32 to index
          %get3A_902 = arith.constant 480 : index
          %get3A_903 = tpu.vector_load %arg12[%get3A_901, %get3A_902] {strides = array<i32>} : memref<40x512xf32, #tpu.memory_space<vmem>>, vector<1x16xf32>,
          %get3A_904 = vector.shape_cast %get3A_903 : vector<1x16xf32> to vector<16xf32>
          %add3A_905 = arith.addf %scan3A_746, %get3A_904 : vector<16xf32>
          %get3A_906 = arith.index_cast %add3A_750 : i32 to index
          %get3A_907 = arith.constant 496 : index
          %get3A_908 = tpu.vector_load %arg12[%get3A_906, %get3A_907] {strides = array<i32>} : memref<40x512xf32, #tpu.memory_space<vmem>>, vector<1x16xf32>,
          %get3A_909 = vector.shape_cast %get3A_908 : vector<1x16xf32> to vector<16xf32>
          %add3A_910 = arith.addf %scan3A_747, %get3A_909 : vector<16xf32>
          scf.yield %add3A_755, %add3A_760, %add3A_765, %add3A_770, %add3A_775, %add3A_780, %add3A_785, %add3A_790, %add3A_795, %add3A_800, %add3A_805, %add3A_810, %add3A_815, %add3A_820, %add3A_825, %add3A_830, %add3A_835, %add3A_840, %add3A_845, %add3A_850, %add3A_855, %add3A_860, %add3A_865, %add3A_870, %add3A_875, %add3A_880, %add3A_885, %add3A_890, %add3A_895, %add3A_900, %add3A_905, %add3A_910 : vector<16xf32>, vector<16xf32>, vector<16xf32>, vector<16xf32>, vector<16xf32>, vector<16xf32>, vector<16xf32>, vector<16xf32>, vector<16xf32>, vector<16xf32>, vector<16xf32>, vector<16xf32>, vector<16xf32>, vector<16xf32>, vector<16xf32>, vector<16xf32>, vector<16xf32>, vector<16xf32>, vector<16xf32>, vector<16xf32>, vector<16xf32>, vector<16xf32>, vector<16xf32>, vector<16xf32>, vector<16xf32>, vector<16xf32>, vector<16xf32>, vector<16xf32>, vector<16xf32>, vector<16xf32>, vector<16xf32>, vector<16xf32>
        }
        %scan3A_426 = arith.constant 9 : i32
        %mul3A_427 = vector.broadcast %scan3A : f32 to vector<16xf32>
        %mul3A_428 = arith.mulf %scan3A_425#0, %mul3A_427 : vector<16xf32>
        %add3A_429 = arith.constant 4 : i32
        %add3A_430 = arith.addi %add3A_429, %scan3A_228 : i32
        %swap3A = arith.index_cast %add3A_430 : i32 to index
        %swap3A_431 = arith.constant 0 : index
        %swap3A_432 = tpu.vector_load %arg15[%swap3A, %swap3A_431] {strides = array<i32>} : memref<8x512xf32, #tpu.memory_space<vmem>>, vector<1x16xf32>,
        %swap3A_433 = vector.shape_cast %swap3A_432 : vector<1x16xf32> to vector<16xf32>
        %swap3A_434 = vector.shape_cast %mul3A_428 : vector<16xf32> to vector<1x16xf32>
        tpu.vector_store %arg15[%swap3A, %swap3A_431], %swap3A_434 {strides = array<i32>} : memref<8x512xf32, #tpu.memory_space<vmem>>, vector<1x16xf32>,
        %mul3A_435 = vector.broadcast %scan3A : f32 to vector<16xf32>
        %mul3A_436 = arith.mulf %scan3A_425#1, %mul3A_435 : vector<16xf32>
        %add3A_437 = arith.constant 4 : i32
        %add3A_438 = arith.addi %add3A_437, %scan3A_228 : i32
        %swap3A_439 = arith.index_cast %add3A_438 : i32 to index
        %swap3A_440 = arith.constant 16 : index
        %swap3A_441 = tpu.vector_load %arg15[%swap3A_439, %swap3A_440] {strides = array<i32>} : memref<8x512xf32, #tpu.memory_space<vmem>>, vector<1x16xf32>,
        %swap3A_442 = vector.shape_cast %swap3A_441 : vector<1x16xf32> to vector<16xf32>
        %swap3A_443 = vector.shape_cast %mul3A_436 : vector<16xf32> to vector<1x16xf32>
        tpu.vector_store %arg15[%swap3A_439, %swap3A_440], %swap3A_443 {strides = array<i32>} : memref<8x512xf32, #tpu.memory_space<vmem>>, vector<1x16xf32>,
        %mul3A_444 = vector.broadcast %scan3A : f32 to vector<16xf32>
        %mul3A_445 = arith.mulf %scan3A_425#2, %mul3A_444 : vector<16xf32>
        %add3A_446 = arith.constant 4 : i32
        %add3A_447 = arith.addi %add3A_446, %scan3A_228 : i32
        %swap3A_448 = arith.index_cast %add3A_447 : i32 to index
        %swap3A_449 = arith.constant 32 : index
        %swap3A_450 = tpu.vector_load %arg15[%swap3A_448, %swap3A_449] {strides = array<i32>} : memref<8x512xf32, #tpu.memory_space<vmem>>, vector<1x16xf32>,
        %swap3A_451 = vector.shape_cast %swap3A_450 : vector<1x16xf32> to vector<16xf32>
        %swap3A_452 = vector.shape_cast %mul3A_445 : vector<16xf32> to vector<1x16xf32>
        tpu.vector_store %arg15[%swap3A_448, %swap3A_449], %swap3A_452 {strides = array<i32>} : memref<8x512xf32, #tpu.memory_space<vmem>>, vector<1x16xf32>,
        %mul3A_453 = vector.broadcast %scan3A : f32 to vector<16xf32>
        %mul3A_454 = arith.mulf %scan3A_425#3, %mul3A_453 : vector<16xf32>
        %add3A_455 = arith.constant 4 : i32
        %add3A_456 = arith.addi %add3A_455, %scan3A_228 : i32
        %swap3A_457 = arith.index_cast %add3A_456 : i32 to index
        %swap3A_458 = arith.constant 48 : index
        %swap3A_459 = tpu.vector_load %arg15[%swap3A_457, %swap3A_458] {strides = array<i32>} : memref<8x512xf32, #tpu.memory_space<vmem>>, vector<1x16xf32>,
        %swap3A_460 = vector.shape_cast %swap3A_459 : vector<1x16xf32> to vector<16xf32>
        %swap3A_461 = vector.shape_cast %mul3A_454 : vector<16xf32> to vector<1x16xf32>
        tpu.vector_store %arg15[%swap3A_457, %swap3A_458], %swap3A_461 {strides = array<i32>} : memref<8x512xf32, #tpu.memory_space<vmem>>, vector<1x16xf32>,
        %mul3A_462 = vector.broadcast %scan3A : f32 to vector<16xf32>
        %mul3A_463 = arith.mulf %scan3A_425#4, %mul3A_462 : vector<16xf32>
        %add3A_464 = arith.constant 4 : i32
        %add3A_465 = arith.addi %add3A_464, %scan3A_228 : i32
        %swap3A_466 = arith.index_cast %add3A_465 : i32 to index
        %swap3A_467 = arith.constant 64 : index
        %swap3A_468 = tpu.vector_load %arg15[%swap3A_466, %swap3A_467] {strides = array<i32>} : memref<8x512xf32, #tpu.memory_space<vmem>>, vector<1x16xf32>,
        %swap3A_469 = vector.shape_cast %swap3A_468 : vector<1x16xf32> to vector<16xf32>
        %swap3A_470 = vector.shape_cast %mul3A_463 : vector<16xf32> to vector<1x16xf32>
        tpu.vector_store %arg15[%swap3A_466, %swap3A_467], %swap3A_470 {strides = array<i32>} : memref<8x512xf32, #tpu.memory_space<vmem>>, vector<1x16xf32>,
        %mul3A_471 = vector.broadcast %scan3A : f32 to vector<16xf32>
        %mul3A_472 = arith.mulf %scan3A_425#5, %mul3A_471 : vector<16xf32>
        %add3A_473 = arith.constant 4 : i32
        %add3A_474 = arith.addi %add3A_473, %scan3A_228 : i32
        %swap3A_475 = arith.index_cast %add3A_474 : i32 to index
        %swap3A_476 = arith.constant 80 : index
        %swap3A_477 = tpu.vector_load %arg15[%swap3A_475, %swap3A_476] {strides = array<i32>} : memref<8x512xf32, #tpu.memory_space<vmem>>, vector<1x16xf32>,
        %swap3A_478 = vector.shape_cast %swap3A_477 : vector<1x16xf32> to vector<16xf32>
        %swap3A_479 = vector.shape_cast %mul3A_472 : vector<16xf32> to vector<1x16xf32>
        tpu.vector_store %arg15[%swap3A_475, %swap3A_476], %swap3A_479 {strides = array<i32>} : memref<8x512xf32, #tpu.memory_space<vmem>>, vector<1x16xf32>,
        %mul3A_480 = vector.broadcast %scan3A : f32 to vector<16xf32>
        %mul3A_481 = arith.mulf %scan3A_425#6, %mul3A_480 : vector<16xf32>
        %add3A_482 = arith.constant 4 : i32
        %add3A_483 = arith.addi %add3A_482, %scan3A_228 : i32
        %swap3A_484 = arith.index_cast %add3A_483 : i32 to index
        %swap3A_485 = arith.constant 96 : index
        %swap3A_486 = tpu.vector_load %arg15[%swap3A_484, %swap3A_485] {strides = array<i32>} : memref<8x512xf32, #tpu.memory_space<vmem>>, vector<1x16xf32>,
        %swap3A_487 = vector.shape_cast %swap3A_486 : vector<1x16xf32> to vector<16xf32>
        %swap3A_488 = vector.shape_cast %mul3A_481 : vector<16xf32> to vector<1x16xf32>
        tpu.vector_store %arg15[%swap3A_484, %swap3A_485], %swap3A_488 {strides = array<i32>} : memref<8x512xf32, #tpu.memory_space<vmem>>, vector<1x16xf32>,
        %mul3A_489 = vector.broadcast %scan3A : f32 to vector<16xf32>
        %mul3A_490 = arith.mulf %scan3A_425#7, %mul3A_489 : vector<16xf32>
        %add3A_491 = arith.constant 4 : i32
        %add3A_492 = arith.addi %add3A_491, %scan3A_228 : i32
        %swap3A_493 = arith.index_cast %add3A_492 : i32 to index
        %swap3A_494 = arith.constant 112 : index
        %swap3A_495 = tpu.vector_load %arg15[%swap3A_493, %swap3A_494] {strides = array<i32>} : memref<8x512xf32, #tpu.memory_space<vmem>>, vector<1x16xf32>,
        %swap3A_496 = vector.shape_cast %swap3A_495 : vector<1x16xf32> to vector<16xf32>
        %swap3A_497 = vector.shape_cast %mul3A_490 : vector<16xf32> to vector<1x16xf32>
        tpu.vector_store %arg15[%swap3A_493, %swap3A_494], %swap3A_497 {strides = array<i32>} : memref<8x512xf32, #tpu.memory_space<vmem>>, vector<1x16xf32>,
        %mul3A_498 = vector.broadcast %scan3A : f32 to vector<16xf32>
        %mul3A_499 = arith.mulf %scan3A_425#8, %mul3A_498 : vector<16xf32>
        %add3A_500 = arith.constant 4 : i32
        %add3A_501 = arith.addi %add3A_500, %scan3A_228 : i32
        %swap3A_502 = arith.index_cast %add3A_501 : i32 to index
        %swap3A_503 = arith.constant 128 : index
        %swap3A_504 = tpu.vector_load %arg15[%swap3A_502, %swap3A_503] {strides = array<i32>} : memref<8x512xf32, #tpu.memory_space<vmem>>, vector<1x16xf32>,
        %swap3A_505 = vector.shape_cast %swap3A_504 : vector<1x16xf32> to vector<16xf32>
        %swap3A_506 = vector.shape_cast %mul3A_499 : vector<16xf32> to vector<1x16xf32>
        tpu.vector_store %arg15[%swap3A_502, %swap3A_503], %swap3A_506 {strides = array<i32>} : memref<8x512xf32, #tpu.memory_space<vmem>>, vector<1x16xf32>,
        %mul3A_507 = vector.broadcast %scan3A : f32 to vector<16xf32>
        %mul3A_508 = arith.mulf %scan3A_425#9, %mul3A_507 : vector<16xf32>
        %add3A_509 = arith.constant 4 : i32
        %add3A_510 = arith.addi %add3A_509, %scan3A_228 : i32
        %swap3A_511 = arith.index_cast %add3A_510 : i32 to index
        %swap3A_512 = arith.constant 144 : index
        %swap3A_513 = tpu.vector_load %arg15[%swap3A_511, %swap3A_512] {strides = array<i32>} : memref<8x512xf32, #tpu.memory_space<vmem>>, vector<1x16xf32>,
        %swap3A_514 = vector.shape_cast %swap3A_513 : vector<1x16xf32> to vector<16xf32>
        %swap3A_515 = vector.shape_cast %mul3A_508 : vector<16xf32> to vector<1x16xf32>
        tpu.vector_store %arg15[%swap3A_511, %swap3A_512], %swap3A_515 {strides = array<i32>} : memref<8x512xf32, #tpu.memory_space<vmem>>, vector<1x16xf32>,
        %mul3A_516 = vector.broadcast %scan3A : f32 to vector<16xf32>
        %mul3A_517 = arith.mulf %scan3A_425#10, %mul3A_516 : vector<16xf32>
        %add3A_518 = arith.constant 4 : i32
        %add3A_519 = arith.addi %add3A_518, %scan3A_228 : i32
        %swap3A_520 = arith.index_cast %add3A_519 : i32 to index
        %swap3A_521 = arith.constant 160 : index
        %swap3A_522 = tpu.vector_load %arg15[%swap3A_520, %swap3A_521] {strides = array<i32>} : memref<8x512xf32, #tpu.memory_space<vmem>>, vector<1x16xf32>,
        %swap3A_523 = vector.shape_cast %swap3A_522 : vector<1x16xf32> to vector<16xf32>
        %swap3A_524 = vector.shape_cast %mul3A_517 : vector<16xf32> to vector<1x16xf32>
        tpu.vector_store %arg15[%swap3A_520, %swap3A_521], %swap3A_524 {strides = array<i32>} : memref<8x512xf32, #tpu.memory_space<vmem>>, vector<1x16xf32>,
        %mul3A_525 = vector.broadcast %scan3A : f32 to vector<16xf32>
        %mul3A_526 = arith.mulf %scan3A_425#11, %mul3A_525 : vector<16xf32>
        %add3A_527 = arith.constant 4 : i32
        %add3A_528 = arith.addi %add3A_527, %scan3A_228 : i32
        %swap3A_529 = arith.index_cast %add3A_528 : i32 to index
        %swap3A_530 = arith.constant 176 : index
        %swap3A_531 = tpu.vector_load %arg15[%swap3A_529, %swap3A_530] {strides = array<i32>} : memref<8x512xf32, #tpu.memory_space<vmem>>, vector<1x16xf32>,
        %swap3A_532 = vector.shape_cast %swap3A_531 : vector<1x16xf32> to vector<16xf32>
        %swap3A_533 = vector.shape_cast %mul3A_526 : vector<16xf32> to vector<1x16xf32>
        tpu.vector_store %arg15[%swap3A_529, %swap3A_530], %swap3A_533 {strides = array<i32>} : memref<8x512xf32, #tpu.memory_space<vmem>>, vector<1x16xf32>,
        %mul3A_534 = vector.broadcast %scan3A : f32 to vector<16xf32>
        %mul3A_535 = arith.mulf %scan3A_425#12, %mul3A_534 : vector<16xf32>
        %add3A_536 = arith.constant 4 : i32
        %add3A_537 = arith.addi %add3A_536, %scan3A_228 : i32
        %swap3A_538 = arith.index_cast %add3A_537 : i32 to index
        %swap3A_539 = arith.constant 192 : index
        %swap3A_540 = tpu.vector_load %arg15[%swap3A_538, %swap3A_539] {strides = array<i32>} : memref<8x512xf32, #tpu.memory_space<vmem>>, vector<1x16xf32>,
        %swap3A_541 = vector.shape_cast %swap3A_540 : vector<1x16xf32> to vector<16xf32>
        %swap3A_542 = vector.shape_cast %mul3A_535 : vector<16xf32> to vector<1x16xf32>
        tpu.vector_store %arg15[%swap3A_538, %swap3A_539], %swap3A_542 {strides = array<i32>} : memref<8x512xf32, #tpu.memory_space<vmem>>, vector<1x16xf32>,
        %mul3A_543 = vector.broadcast %scan3A : f32 to vector<16xf32>
        %mul3A_544 = arith.mulf %scan3A_425#13, %mul3A_543 : vector<16xf32>
        %add3A_545 = arith.constant 4 : i32
        %add3A_546 = arith.addi %add3A_545, %scan3A_228 : i32
        %swap3A_547 = arith.index_cast %add3A_546 : i32 to index
        %swap3A_548 = arith.constant 208 : index
        %swap3A_549 = tpu.vector_load %arg15[%swap3A_547, %swap3A_548] {strides = array<i32>} : memref<8x512xf32, #tpu.memory_space<vmem>>, vector<1x16xf32>,
        %swap3A_550 = vector.shape_cast %swap3A_549 : vector<1x16xf32> to vector<16xf32>
        %swap3A_551 = vector.shape_cast %mul3A_544 : vector<16xf32> to vector<1x16xf32>
        tpu.vector_store %arg15[%swap3A_547, %swap3A_548], %swap3A_551 {strides = array<i32>} : memref<8x512xf32, #tpu.memory_space<vmem>>, vector<1x16xf32>,
        %mul3A_552 = vector.broadcast %scan3A : f32 to vector<16xf32>
        %mul3A_553 = arith.mulf %scan3A_425#14, %mul3A_552 : vector<16xf32>
        %add3A_554 = arith.constant 4 : i32
        %add3A_555 = arith.addi %add3A_554, %scan3A_228 : i32
        %swap3A_556 = arith.index_cast %add3A_555 : i32 to index
        %swap3A_557 = arith.constant 224 : index
        %swap3A_558 = tpu.vector_load %arg15[%swap3A_556, %swap3A_557] {strides = array<i32>} : memref<8x512xf32, #tpu.memory_space<vmem>>, vector<1x16xf32>,
        %swap3A_559 = vector.shape_cast %swap3A_558 : vector<1x16xf32> to vector<16xf32>
        %swap3A_560 = vector.shape_cast %mul3A_553 : vector<16xf32> to vector<1x16xf32>
        tpu.vector_store %arg15[%swap3A_556, %swap3A_557], %swap3A_560 {strides = array<i32>} : memref<8x512xf32, #tpu.memory_space<vmem>>, vector<1x16xf32>,
        %mul3A_561 = vector.broadcast %scan3A : f32 to vector<16xf32>
        %mul3A_562 = arith.mulf %scan3A_425#15, %mul3A_561 : vector<16xf32>
        %add3A_563 = arith.constant 4 : i32
        %add3A_564 = arith.addi %add3A_563, %scan3A_228 : i32
        %swap3A_565 = arith.index_cast %add3A_564 : i32 to index
        %swap3A_566 = arith.constant 240 : index
        %swap3A_567 = tpu.vector_load %arg15[%swap3A_565, %swap3A_566] {strides = array<i32>} : memref<8x512xf32, #tpu.memory_space<vmem>>, vector<1x16xf32>,
        %swap3A_568 = vector.shape_cast %swap3A_567 : vector<1x16xf32> to vector<16xf32>
        %swap3A_569 = vector.shape_cast %mul3A_562 : vector<16xf32> to vector<1x16xf32>
        tpu.vector_store %arg15[%swap3A_565, %swap3A_566], %swap3A_569 {strides = array<i32>} : memref<8x512xf32, #tpu.memory_space<vmem>>, vector<1x16xf32>,
        %mul3A_570 = vector.broadcast %scan3A : f32 to vector<16xf32>
        %mul3A_571 = arith.mulf %scan3A_425#16, %mul3A_570 : vector<16xf32>
        %add3A_572 = arith.constant 4 : i32
        %add3A_573 = arith.addi %add3A_572, %scan3A_228 : i32
        %swap3A_574 = arith.index_cast %add3A_573 : i32 to index
        %swap3A_575 = arith.constant 256 : index
        %swap3A_576 = tpu.vector_load %arg15[%swap3A_574, %swap3A_575] {strides = array<i32>} : memref<8x512xf32, #tpu.memory_space<vmem>>, vector<1x16xf32>,
        %swap3A_577 = vector.shape_cast %swap3A_576 : vector<1x16xf32> to vector<16xf32>
        %swap3A_578 = vector.shape_cast %mul3A_571 : vector<16xf32> to vector<1x16xf32>
        tpu.vector_store %arg15[%swap3A_574, %swap3A_575], %swap3A_578 {strides = array<i32>} : memref<8x512xf32, #tpu.memory_space<vmem>>, vector<1x16xf32>,
        %mul3A_579 = vector.broadcast %scan3A : f32 to vector<16xf32>
        %mul3A_580 = arith.mulf %scan3A_425#17, %mul3A_579 : vector<16xf32>
        %add3A_581 = arith.constant 4 : i32
        %add3A_582 = arith.addi %add3A_581, %scan3A_228 : i32
        %swap3A_583 = arith.index_cast %add3A_582 : i32 to index
        %swap3A_584 = arith.constant 272 : index
        %swap3A_585 = tpu.vector_load %arg15[%swap3A_583, %swap3A_584] {strides = array<i32>} : memref<8x512xf32, #tpu.memory_space<vmem>>, vector<1x16xf32>,
        %swap3A_586 = vector.shape_cast %swap3A_585 : vector<1x16xf32> to vector<16xf32>
        %swap3A_587 = vector.shape_cast %mul3A_580 : vector<16xf32> to vector<1x16xf32>
        tpu.vector_store %arg15[%swap3A_583, %swap3A_584], %swap3A_587 {strides = array<i32>} : memref<8x512xf32, #tpu.memory_space<vmem>>, vector<1x16xf32>,
        %mul3A_588 = vector.broadcast %scan3A : f32 to vector<16xf32>
        %mul3A_589 = arith.mulf %scan3A_425#18, %mul3A_588 : vector<16xf32>
        %add3A_590 = arith.constant 4 : i32
        %add3A_591 = arith.addi %add3A_590, %scan3A_228 : i32
        %swap3A_592 = arith.index_cast %add3A_591 : i32 to index
        %swap3A_593 = arith.constant 288 : index
        %swap3A_594 = tpu.vector_load %arg15[%swap3A_592, %swap3A_593] {strides = array<i32>} : memref<8x512xf32, #tpu.memory_space<vmem>>, vector<1x16xf32>,
        %swap3A_595 = vector.shape_cast %swap3A_594 : vector<1x16xf32> to vector<16xf32>
        %swap3A_596 = vector.shape_cast %mul3A_589 : vector<16xf32> to vector<1x16xf32>
        tpu.vector_store %arg15[%swap3A_592, %swap3A_593], %swap3A_596 {strides = array<i32>} : memref<8x512xf32, #tpu.memory_space<vmem>>, vector<1x16xf32>,
        %mul3A_597 = vector.broadcast %scan3A : f32 to vector<16xf32>
        %mul3A_598 = arith.mulf %scan3A_425#19, %mul3A_597 : vector<16xf32>
        %add3A_599 = arith.constant 4 : i32
        %add3A_600 = arith.addi %add3A_599, %scan3A_228 : i32
        %swap3A_601 = arith.index_cast %add3A_600 : i32 to index
        %swap3A_602 = arith.constant 304 : index
        %swap3A_603 = tpu.vector_load %arg15[%swap3A_601, %swap3A_602] {strides = array<i32>} : memref<8x512xf32, #tpu.memory_space<vmem>>, vector<1x16xf32>,
        %swap3A_604 = vector.shape_cast %swap3A_603 : vector<1x16xf32> to vector<16xf32>
        %swap3A_605 = vector.shape_cast %mul3A_598 : vector<16xf32> to vector<1x16xf32>
        tpu.vector_store %arg15[%swap3A_601, %swap3A_602], %swap3A_605 {strides = array<i32>} : memref<8x512xf32, #tpu.memory_space<vmem>>, vector<1x16xf32>,
        %mul3A_606 = vector.broadcast %scan3A : f32 to vector<16xf32>
        %mul3A_607 = arith.mulf %scan3A_425#20, %mul3A_606 : vector<16xf32>
        %add3A_608 = arith.constant 4 : i32
        %add3A_609 = arith.addi %add3A_608, %scan3A_228 : i32
        %swap3A_610 = arith.index_cast %add3A_609 : i32 to index
        %swap3A_611 = arith.constant 320 : index
        %swap3A_612 = tpu.vector_load %arg15[%swap3A_610, %swap3A_611] {strides = array<i32>} : memref<8x512xf32, #tpu.memory_space<vmem>>, vector<1x16xf32>,
        %swap3A_613 = vector.shape_cast %swap3A_612 : vector<1x16xf32> to vector<16xf32>
        %swap3A_614 = vector.shape_cast %mul3A_607 : vector<16xf32> to vector<1x16xf32>
        tpu.vector_store %arg15[%swap3A_610, %swap3A_611], %swap3A_614 {strides = array<i32>} : memref<8x512xf32, #tpu.memory_space<vmem>>, vector<1x16xf32>,
        %mul3A_615 = vector.broadcast %scan3A : f32 to vector<16xf32>
        %mul3A_616 = arith.mulf %scan3A_425#21, %mul3A_615 : vector<16xf32>
        %add3A_617 = arith.constant 4 : i32
        %add3A_618 = arith.addi %add3A_617, %scan3A_228 : i32
        %swap3A_619 = arith.index_cast %add3A_618 : i32 to index
        %swap3A_620 = arith.constant 336 : index
        %swap3A_621 = tpu.vector_load %arg15[%swap3A_619, %swap3A_620] {strides = array<i32>} : memref<8x512xf32, #tpu.memory_space<vmem>>, vector<1x16xf32>,
        %swap3A_622 = vector.shape_cast %swap3A_621 : vector<1x16xf32> to vector<16xf32>
        %swap3A_623 = vector.shape_cast %mul3A_616 : vector<16xf32> to vector<1x16xf32>
        tpu.vector_store %arg15[%swap3A_619, %swap3A_620], %swap3A_623 {strides = array<i32>} : memref<8x512xf32, #tpu.memory_space<vmem>>, vector<1x16xf32>,
        %mul3A_624 = vector.broadcast %scan3A : f32 to vector<16xf32>
        %mul3A_625 = arith.mulf %scan3A_425#22, %mul3A_624 : vector<16xf32>
        %add3A_626 = arith.constant 4 : i32
        %add3A_627 = arith.addi %add3A_626, %scan3A_228 : i32
        %swap3A_628 = arith.index_cast %add3A_627 : i32 to index
        %swap3A_629 = arith.constant 352 : index
        %swap3A_630 = tpu.vector_load %arg15[%swap3A_628, %swap3A_629] {strides = array<i32>} : memref<8x512xf32, #tpu.memory_space<vmem>>, vector<1x16xf32>,
        %swap3A_631 = vector.shape_cast %swap3A_630 : vector<1x16xf32> to vector<16xf32>
        %swap3A_632 = vector.shape_cast %mul3A_625 : vector<16xf32> to vector<1x16xf32>
        tpu.vector_store %arg15[%swap3A_628, %swap3A_629], %swap3A_632 {strides = array<i32>} : memref<8x512xf32, #tpu.memory_space<vmem>>, vector<1x16xf32>,
        %mul3A_633 = vector.broadcast %scan3A : f32 to vector<16xf32>
        %mul3A_634 = arith.mulf %scan3A_425#23, %mul3A_633 : vector<16xf32>
        %add3A_635 = arith.constant 4 : i32
        %add3A_636 = arith.addi %add3A_635, %scan3A_228 : i32
        %swap3A_637 = arith.index_cast %add3A_636 : i32 to index
        %swap3A_638 = arith.constant 368 : index
        %swap3A_639 = tpu.vector_load %arg15[%swap3A_637, %swap3A_638] {strides = array<i32>} : memref<8x512xf32, #tpu.memory_space<vmem>>, vector<1x16xf32>,
        %swap3A_640 = vector.shape_cast %swap3A_639 : vector<1x16xf32> to vector<16xf32>
        %swap3A_641 = vector.shape_cast %mul3A_634 : vector<16xf32> to vector<1x16xf32>
        tpu.vector_store %arg15[%swap3A_637, %swap3A_638], %swap3A_641 {strides = array<i32>} : memref<8x512xf32, #tpu.memory_space<vmem>>, vector<1x16xf32>,
        %mul3A_642 = vector.broadcast %scan3A : f32 to vector<16xf32>
        %mul3A_643 = arith.mulf %scan3A_425#24, %mul3A_642 : vector<16xf32>
        %add3A_644 = arith.constant 4 : i32
        %add3A_645 = arith.addi %add3A_644, %scan3A_228 : i32
        %swap3A_646 = arith.index_cast %add3A_645 : i32 to index
        %swap3A_647 = arith.constant 384 : index
        %swap3A_648 = tpu.vector_load %arg15[%swap3A_646, %swap3A_647] {strides = array<i32>} : memref<8x512xf32, #tpu.memory_space<vmem>>, vector<1x16xf32>,
        %swap3A_649 = vector.shape_cast %swap3A_648 : vector<1x16xf32> to vector<16xf32>
        %swap3A_650 = vector.shape_cast %mul3A_643 : vector<16xf32> to vector<1x16xf32>
        tpu.vector_store %arg15[%swap3A_646, %swap3A_647], %swap3A_650 {strides = array<i32>} : memref<8x512xf32, #tpu.memory_space<vmem>>, vector<1x16xf32>,
        %mul3A_651 = vector.broadcast %scan3A : f32 to vector<16xf32>
        %mul3A_652 = arith.mulf %scan3A_425#25, %mul3A_651 : vector<16xf32>
        %add3A_653 = arith.constant 4 : i32
        %add3A_654 = arith.addi %add3A_653, %scan3A_228 : i32
        %swap3A_655 = arith.index_cast %add3A_654 : i32 to index
        %swap3A_656 = arith.constant 400 : index
        %swap3A_657 = tpu.vector_load %arg15[%swap3A_655, %swap3A_656] {strides = array<i32>} : memref<8x512xf32, #tpu.memory_space<vmem>>, vector<1x16xf32>,
        %swap3A_658 = vector.shape_cast %swap3A_657 : vector<1x16xf32> to vector<16xf32>
        %swap3A_659 = vector.shape_cast %mul3A_652 : vector<16xf32> to vector<1x16xf32>
        tpu.vector_store %arg15[%swap3A_655, %swap3A_656], %swap3A_659 {strides = array<i32>} : memref<8x512xf32, #tpu.memory_space<vmem>>, vector<1x16xf32>,
        %mul3A_660 = vector.broadcast %scan3A : f32 to vector<16xf32>
        %mul3A_661 = arith.mulf %scan3A_425#26, %mul3A_660 : vector<16xf32>
        %add3A_662 = arith.constant 4 : i32
        %add3A_663 = arith.addi %add3A_662, %scan3A_228 : i32
        %swap3A_664 = arith.index_cast %add3A_663 : i32 to index
        %swap3A_665 = arith.constant 416 : index
        %swap3A_666 = tpu.vector_load %arg15[%swap3A_664, %swap3A_665] {strides = array<i32>} : memref<8x512xf32, #tpu.memory_space<vmem>>, vector<1x16xf32>,
        %swap3A_667 = vector.shape_cast %swap3A_666 : vector<1x16xf32> to vector<16xf32>
        %swap3A_668 = vector.shape_cast %mul3A_661 : vector<16xf32> to vector<1x16xf32>
        tpu.vector_store %arg15[%swap3A_664, %swap3A_665], %swap3A_668 {strides = array<i32>} : memref<8x512xf32, #tpu.memory_space<vmem>>, vector<1x16xf32>,
        %mul3A_669 = vector.broadcast %scan3A : f32 to vector<16xf32>
        %mul3A_670 = arith.mulf %scan3A_425#27, %mul3A_669 : vector<16xf32>
        %add3A_671 = arith.constant 4 : i32
        %add3A_672 = arith.addi %add3A_671, %scan3A_228 : i32
        %swap3A_673 = arith.index_cast %add3A_672 : i32 to index
        %swap3A_674 = arith.constant 432 : index
        %swap3A_675 = tpu.vector_load %arg15[%swap3A_673, %swap3A_674] {strides = array<i32>} : memref<8x512xf32, #tpu.memory_space<vmem>>, vector<1x16xf32>,
        %swap3A_676 = vector.shape_cast %swap3A_675 : vector<1x16xf32> to vector<16xf32>
        %swap3A_677 = vector.shape_cast %mul3A_670 : vector<16xf32> to vector<1x16xf32>
        tpu.vector_store %arg15[%swap3A_673, %swap3A_674], %swap3A_677 {strides = array<i32>} : memref<8x512xf32, #tpu.memory_space<vmem>>, vector<1x16xf32>,
        %mul3A_678 = vector.broadcast %scan3A : f32 to vector<16xf32>
        %mul3A_679 = arith.mulf %scan3A_425#28, %mul3A_678 : vector<16xf32>
        %add3A_680 = arith.constant 4 : i32
        %add3A_681 = arith.addi %add3A_680, %scan3A_228 : i32
        %swap3A_682 = arith.index_cast %add3A_681 : i32 to index
        %swap3A_683 = arith.constant 448 : index
        %swap3A_684 = tpu.vector_load %arg15[%swap3A_682, %swap3A_683] {strides = array<i32>} : memref<8x512xf32, #tpu.memory_space<vmem>>, vector<1x16xf32>,
        %swap3A_685 = vector.shape_cast %swap3A_684 : vector<1x16xf32> to vector<16xf32>
        %swap3A_686 = vector.shape_cast %mul3A_679 : vector<16xf32> to vector<1x16xf32>
        tpu.vector_store %arg15[%swap3A_682, %swap3A_683], %swap3A_686 {strides = array<i32>} : memref<8x512xf32, #tpu.memory_space<vmem>>, vector<1x16xf32>,
        %mul3A_687 = vector.broadcast %scan3A : f32 to vector<16xf32>
        %mul3A_688 = arith.mulf %scan3A_425#29, %mul3A_687 : vector<16xf32>
        %add3A_689 = arith.constant 4 : i32
        %add3A_690 = arith.addi %add3A_689, %scan3A_228 : i32
        %swap3A_691 = arith.index_cast %add3A_690 : i32 to index
        %swap3A_692 = arith.constant 464 : index
        %swap3A_693 = tpu.vector_load %arg15[%swap3A_691, %swap3A_692] {strides = array<i32>} : memref<8x512xf32, #tpu.memory_space<vmem>>, vector<1x16xf32>,
        %swap3A_694 = vector.shape_cast %swap3A_693 : vector<1x16xf32> to vector<16xf32>
        %swap3A_695 = vector.shape_cast %mul3A_688 : vector<16xf32> to vector<1x16xf32>
        tpu.vector_store %arg15[%swap3A_691, %swap3A_692], %swap3A_695 {strides = array<i32>} : memref<8x512xf32, #tpu.memory_space<vmem>>, vector<1x16xf32>,
        %mul3A_696 = vector.broadcast %scan3A : f32 to vector<16xf32>
        %mul3A_697 = arith.mulf %scan3A_425#30, %mul3A_696 : vector<16xf32>
        %add3A_698 = arith.constant 4 : i32
        %add3A_699 = arith.addi %add3A_698, %scan3A_228 : i32
        %swap3A_700 = arith.index_cast %add3A_699 : i32 to index
        %swap3A_701 = arith.constant 480 : index
        %swap3A_702 = tpu.vector_load %arg15[%swap3A_700, %swap3A_701] {strides = array<i32>} : memref<8x512xf32, #tpu.memory_space<vmem>>, vector<1x16xf32>,
        %swap3A_703 = vector.shape_cast %swap3A_702 : vector<1x16xf32> to vector<16xf32>
        %swap3A_704 = vector.shape_cast %mul3A_697 : vector<16xf32> to vector<1x16xf32>
        tpu.vector_store %arg15[%swap3A_700, %swap3A_701], %swap3A_704 {strides = array<i32>} : memref<8x512xf32, #tpu.memory_space<vmem>>, vector<1x16xf32>,
        %mul3A_705 = vector.broadcast %scan3A : f32 to vector<16xf32>
        %mul3A_706 = arith.mulf %scan3A_425#31, %mul3A_705 : vector<16xf32>
        %add3A_707 = arith.constant 4 : i32
        %add3A_708 = arith.addi %add3A_707, %scan3A_228 : i32
        %swap3A_709 = arith.index_cast %add3A_708 : i32 to index
        %swap3A_710 = arith.constant 496 : index
        %swap3A_711 = tpu.vector_load %arg15[%swap3A_709, %swap3A_710] {strides = array<i32>} : memref<8x512xf32, #tpu.memory_space<vmem>>, vector<1x16xf32>,
        %swap3A_712 = vector.shape_cast %swap3A_711 : vector<1x16xf32> to vector<16xf32>
        %swap3A_713 = vector.shape_cast %mul3A_706 : vector<16xf32> to vector<1x16xf32>
        tpu.vector_store %arg15[%swap3A_709, %swap3A_710], %swap3A_713 {strides = array<i32>} : memref<8x512xf32, #tpu.memory_space<vmem>>, vector<1x16xf32>,
        %scan3A_714 = arith.constant 0 : i32
        scf.yield %scan3A_714 : i32
      }
      %scan3A_127 = arith.constant 4 : i32
      %add3A_128 = arith.constant 3 : i32
      %add3A_129 = arith.addi %add3A_114, %add3A_128 : i32
      %lt3A_130 = arith.constant 80 : i32
      %lt3A_131 = arith.cmpi slt, %add3A_129, %lt3A_130 : i32
      %convert_element_type3A_132 = arith.extui %lt3A_131 : i1 to i32
      %cond3A_133 = arith.constant 0 : i32
      %cond3A_134 = arith.cmpi ne, %convert_element_type3A_132, %cond3A_133 : i32
      scf.if %cond3A_134 {
        %add3A_228 = arith.constant 3 : i32
        %add3A_229 = arith.addi %add3A_114, %add3A_228 : i32
        %dma_start3A_230 = arith.constant 0 : i32
        %dma_start3A_231 = tpu.memref_slice %arg8[%add3A_229, %dma_start3A_230] : memref<80x40xi32, #tpu.memory_space<vmem>> -> memref<1x40xi32, #tpu.memory_space<vmem>>
        %dma_start3A_232 = tpu.memref_squeeze %dma_start3A_231 : memref<1x40xi32, #tpu.memory_space<vmem>> -> memref<40xi32, #tpu.memory_space<vmem>>
        %dma_start3A_233 = arith.constant 0 : i32
        %dma_start3A_234 = arith.constant 0 : i32
        %dma_start3A_235 = tpu.memref_slice %arg4[%dma_start3A_233, %dma_start3A_234] : memref<50000x512xf32, #tpu.memory_space<hbm>> -> memref<50000x512xf32, #tpu.memory_space<hbm>>
        tpu.enqueue_indirect_dma source(%dma_start3A_235 : memref<50000x512xf32, #tpu.memory_space<hbm>>) target(%arg11 : memref<40x512xf32, #tpu.memory_space<vmem>>) offsets(%dma_start3A_232 : memref<40xi32, #tpu.memory_space<vmem>>) semaphore(%arg19 : memref<!tpu.dma_semaphore, #tpu.memory_space<semaphore_mem>>)
      } else {
      }
      %dma_start3A_135 = arith.constant 0 : i32
      %dma_start3A_136 = tpu.memref_slice %arg6[%add3A_75, %dma_start3A_135] : memref<10240x512xf32, #tpu.memory_space<hbm>> -> memref<8x512xf32, #tpu.memory_space<hbm>>
      %dma_start3A_137 = arith.constant 0 : i32
      %dma_start3A_138 = tpu.memref_slice %arg6[%add3A_75, %dma_start3A_137] : memref<10240x512xf32, #tpu.memory_space<hbm>> -> memref<8x512xf32, #tpu.memory_space<hbm>>
      tpu.enqueue_dma source(%arg15 : memref<8x512xf32, #tpu.memory_space<vmem>>) target(%dma_start3A_138 : memref<8x512xf32, #tpu.memory_space<hbm>>) target_semaphore(%arg23 : memref<!tpu.dma_semaphore, #tpu.memory_space<semaphore_mem>>)
      %add3A_139 = arith.constant 2 : i32
      %add3A_140 = arith.addi %add3A_72, %add3A_139 : i32
      %lt3A_141 = arith.constant 40 : i32
      %lt3A_142 = arith.cmpi slt, %add3A_140, %lt3A_141 : i32
      %convert_element_type3A_143 = arith.extui %lt3A_142 : i1 to i32
      %cond3A_144 = arith.constant 0 : i32
      %cond3A_145 = arith.cmpi ne, %convert_element_type3A_143, %cond3A_144 : i32
      scf.if %cond3A_145 {
        %dma_wait3A_228 = arith.constant 0 : i32
        %dma_wait3A_229 = tpu.memref_slice %arg5[%add3A_75, %dma_wait3A_228] : memref<10240x512xf32, #tpu.memory_space<hbm>> -> memref<8x512xf32, #tpu.memory_space<hbm>>
        %dma_wait3A_230 = arith.constant 0 : i32
        %dma_wait3A_231 = tpu.memref_slice %arg5[%add3A_75, %dma_wait3A_230] : memref<10240x512xf32, #tpu.memory_space<hbm>> -> memref<8x512xf32, #tpu.memory_space<hbm>>
        tpu.wait_dma2 semaphore(%arg25 : memref<!tpu.dma_semaphore, #tpu.memory_space<semaphore_mem>>) src(%arg9 : memref<8x512xf32, #tpu.memory_space<vmem>>) dst(%dma_wait3A_231 : memref<8x512xf32, #tpu.memory_space<hbm>>)
        %add3A_232 = arith.constant 2 : i32
        %add3A_233 = arith.addi %add3A_72, %add3A_232 : i32
        %dma_start3A_234 = arith.constant 0 : i32
        %dma_start3A_235 = tpu.memref_slice %arg7[%add3A_233, %dma_start3A_234] : memref<40x8xi32, #tpu.memory_space<vmem>> -> memref<1x8xi32, #tpu.memory_space<vmem>>
        %dma_start3A_236 = tpu.memref_squeeze %dma_start3A_235 : memref<1x8xi32, #tpu.memory_space<vmem>> -> memref<8xi32, #tpu.memory_space<vmem>>
        %dma_start3A_237 = arith.constant 0 : i32
        %dma_start3A_238 = arith.constant 0 : i32
        %dma_start3A_239 = tpu.memref_slice %arg4[%dma_start3A_237, %dma_start3A_238] : memref<50000x512xf32, #tpu.memory_space<hbm>> -> memref<50000x512xf32, #tpu.memory_space<hbm>>
        tpu.enqueue_indirect_dma source(%dma_start3A_239 : memref<50000x512xf32, #tpu.memory_space<hbm>>) target(%arg9 : memref<8x512xf32, #tpu.memory_space<vmem>>) offsets(%dma_start3A_236 : memref<8xi32, #tpu.memory_space<vmem>>) semaphore(%arg17 : memref<!tpu.dma_semaphore, #tpu.memory_space<semaphore_mem>>)
      } else {
      }
      %mul3A_146 = arith.constant 2 : i32
      %mul3A_147 = arith.muli %scan3A_67, %mul3A_146 : i32
      %add3A_148 = arith.constant 1 : i32
      %add3A_149 = arith.addi %mul3A_147, %add3A_148 : i32
      %mul3A_150 = arith.constant 8 : i32
      %mul3A_151 = arith.muli %add3A_149, %mul3A_150 : i32
      %add3A_152 = arith.addi %mul3A_2, %mul3A_151 : i32
      %dma_wait3A_153 = arith.constant 0 : i32
      %dma_wait3A_154 = tpu.memref_slice %arg7[%add3A_149, %dma_wait3A_153] : memref<40x8xi32, #tpu.memory_space<vmem>> -> memref<1x8xi32, #tpu.memory_space<vmem>>
      %dma_wait3A_155 = tpu.memref_squeeze %dma_wait3A_154 : memref<1x8xi32, #tpu.memory_space<vmem>> -> memref<8xi32, #tpu.memory_space<vmem>>
      %dma_wait3A_156 = arith.constant 0 : i32
      %dma_wait3A_157 = arith.constant 0 : i32
      %dma_wait3A_158 = tpu.memref_slice %arg4[%dma_wait3A_156, %dma_wait3A_157] : memref<50000x512xf32, #tpu.memory_space<hbm>> -> memref<50000x512xf32, #tpu.memory_space<hbm>>
      tpu.wait_indirect_dma semaphore(%arg18 : memref<!tpu.dma_semaphore, #tpu.memory_space<semaphore_mem>>) src(%dma_wait3A_158 : memref<50000x512xf32, #tpu.memory_space<hbm>>) dst(%arg10 : memref<8x512xf32, #tpu.memory_space<vmem>>)
      %dma_start3A_159 = arith.constant 0 : i32
      %dma_start3A_160 = tpu.memref_slice %arg5[%add3A_152, %dma_start3A_159] : memref<10240x512xf32, #tpu.memory_space<hbm>> -> memref<8x512xf32, #tpu.memory_space<hbm>>
      %dma_start3A_161 = arith.constant 0 : i32
      %dma_start3A_162 = tpu.memref_slice %arg5[%add3A_152, %dma_start3A_161] : memref<10240x512xf32, #tpu.memory_space<hbm>> -> memref<8x512xf32, #tpu.memory_space<hbm>>
      tpu.enqueue_dma source(%arg10 : memref<8x512xf32, #tpu.memory_space<vmem>>) target(%dma_start3A_162 : memref<8x512xf32, #tpu.memory_space<hbm>>) target_semaphore(%arg26 : memref<!tpu.dma_semaphore, #tpu.memory_space<semaphore_mem>>)
      %ge3A_163 = arith.constant 2 : i32
      %ge3A_164 = arith.cmpi sge, %add3A_149, %ge3A_163 : i32
      %convert_element_type3A_165 = arith.extui %ge3A_164 : i1 to i32
      %cond3A_166 = arith.constant 0 : i32
      %cond3A_167 = arith.cmpi ne, %convert_element_type3A_165, %cond3A_166 : i32
      scf.if %cond3A_167 {
        %dma_wait3A_228 = arith.constant 0 : i32
        %dma_wait3A_229 = tpu.memref_slice %arg6[%add3A_152, %dma_wait3A_228] : memref<10240x512xf32, #tpu.memory_space<hbm>> -> memref<8x512xf32, #tpu.memory_space<hbm>>
        %dma_wait3A_230 = arith.constant 0 : i32
        %dma_wait3A_231 = tpu.memref_slice %arg6[%add3A_152, %dma_wait3A_230] : memref<10240x512xf32, #tpu.memory_space<hbm>> -> memref<8x512xf32, #tpu.memory_space<hbm>>
        tpu.wait_dma2 semaphore(%arg24 : memref<!tpu.dma_semaphore, #tpu.memory_space<semaphore_mem>>) src(%arg16 : memref<8x512xf32, #tpu.memory_space<vmem>>) dst(%dma_wait3A_231 : memref<8x512xf32, #tpu.memory_space<hbm>>)
      } else {
      }
      %mul3A_168 = arith.constant 2 : i32
      %mul3A_169 = arith.muli %add3A_149, %mul3A_168 : i32
      %add3A_170 = arith.constant 0 : i32
      %add3A_171 = arith.addi %mul3A_169, %add3A_170 : i32
      %dma_wait3A_172 = arith.constant 0 : i32
      %dma_wait3A_173 = tpu.memref_slice %arg8[%add3A_171, %dma_wait3A_172] : memref<80x40xi32, #tpu.memory_space<vmem>> -> memref<1x40xi32, #tpu.memory_space<vmem>>
      %dma_wait3A_174 = tpu.memref_squeeze %dma_wait3A_173 : memref<1x40xi32, #tpu.memory_space<vmem>> -> memref<40xi32, #tpu.memory_space<vmem>>
      %dma_wait3A_175 = arith.constant 0 : i32
      %dma_wait3A_176 = arith.constant 0 : i32
      %dma_wait3A_177 = tpu.memref_slice %arg4[%dma_wait3A_175, %dma_wait3A_176] : memref<50000x512xf32, #tpu.memory_space<hbm>> -> memref<50000x512xf32, #tpu.memory_space<hbm>>
      tpu.wait_indirect_dma semaphore(%arg21 : memref<!tpu.dma_semaphore, #tpu.memory_space<semaphore_mem>>) src(%dma_wait3A_177 : memref<50000x512xf32, #tpu.memory_space<hbm>>) dst(%arg13 : memref<40x512xf32, #tpu.memory_space<vmem>>)
      %scan3A_178 = arith.constant 0 : i32
      %scan3A_179 = arith.constant 0 : i32
      %scan3A_180 = arith.constant 4 : i32
      %scan3A_181 = arith.addi %scan3A_179, %scan3A_180 : i32
      %scan3A_182 = arith.constant 1 : i32
      %scan3A_183 = scf.for %scan3A_228 = %scan3A_179 to %scan3A_181 step %scan3A_182 iter_args(%scan3A_229 = %scan3A_178) -> (i32)  : i32 {
        %mul3A_230 = arith.constant 10 : i32
        %mul3A_231 = arith.muli %scan3A_228, %mul3A_230 : i32
        %get3A = arith.index_cast %mul3A_231 : i32 to index
        %get3A_232 = arith.constant 0 : index
        %get3A_233 = tpu.vector_load %arg13[%get3A, %get3A_232] {strides = array<i32>} : memref<40x512xf32, #tpu.memory_space<vmem>>, vector<1x16xf32>,
        %get3A_234 = vector.shape_cast %get3A_233 : vector<1x16xf32> to vector<16xf32>
        %mul3A_235 = arith.constant 10 : i32
        %mul3A_236 = arith.muli %scan3A_228, %mul3A_235 : i32
        %get3A_237 = arith.index_cast %mul3A_236 : i32 to index
        %get3A_238 = arith.constant 16 : index
        %get3A_239 = tpu.vector_load %arg13[%get3A_237, %get3A_238] {strides = array<i32>} : memref<40x512xf32, #tpu.memory_space<vmem>>, vector<1x16xf32>,
        %get3A_240 = vector.shape_cast %get3A_239 : vector<1x16xf32> to vector<16xf32>
        %mul3A_241 = arith.constant 10 : i32
        %mul3A_242 = arith.muli %scan3A_228, %mul3A_241 : i32
        %get3A_243 = arith.index_cast %mul3A_242 : i32 to index
        %get3A_244 = arith.constant 32 : index
        %get3A_245 = tpu.vector_load %arg13[%get3A_243, %get3A_244] {strides = array<i32>} : memref<40x512xf32, #tpu.memory_space<vmem>>, vector<1x16xf32>,
        %get3A_246 = vector.shape_cast %get3A_245 : vector<1x16xf32> to vector<16xf32>
        %mul3A_247 = arith.constant 10 : i32
        %mul3A_248 = arith.muli %scan3A_228, %mul3A_247 : i32
        %get3A_249 = arith.index_cast %mul3A_248 : i32 to index
        %get3A_250 = arith.constant 48 : index
        %get3A_251 = tpu.vector_load %arg13[%get3A_249, %get3A_250] {strides = array<i32>} : memref<40x512xf32, #tpu.memory_space<vmem>>, vector<1x16xf32>,
        %get3A_252 = vector.shape_cast %get3A_251 : vector<1x16xf32> to vector<16xf32>
        %mul3A_253 = arith.constant 10 : i32
        %mul3A_254 = arith.muli %scan3A_228, %mul3A_253 : i32
        %get3A_255 = arith.index_cast %mul3A_254 : i32 to index
        %get3A_256 = arith.constant 64 : index
        %get3A_257 = tpu.vector_load %arg13[%get3A_255, %get3A_256] {strides = array<i32>} : memref<40x512xf32, #tpu.memory_space<vmem>>, vector<1x16xf32>,
        %get3A_258 = vector.shape_cast %get3A_257 : vector<1x16xf32> to vector<16xf32>
        %mul3A_259 = arith.constant 10 : i32
        %mul3A_260 = arith.muli %scan3A_228, %mul3A_259 : i32
        %get3A_261 = arith.index_cast %mul3A_260 : i32 to index
        %get3A_262 = arith.constant 80 : index
        %get3A_263 = tpu.vector_load %arg13[%get3A_261, %get3A_262] {strides = array<i32>} : memref<40x512xf32, #tpu.memory_space<vmem>>, vector<1x16xf32>,
        %get3A_264 = vector.shape_cast %get3A_263 : vector<1x16xf32> to vector<16xf32>
        %mul3A_265 = arith.constant 10 : i32
        %mul3A_266 = arith.muli %scan3A_228, %mul3A_265 : i32
        %get3A_267 = arith.index_cast %mul3A_266 : i32 to index
        %get3A_268 = arith.constant 96 : index
        %get3A_269 = tpu.vector_load %arg13[%get3A_267, %get3A_268] {strides = array<i32>} : memref<40x512xf32, #tpu.memory_space<vmem>>, vector<1x16xf32>,
        %get3A_270 = vector.shape_cast %get3A_269 : vector<1x16xf32> to vector<16xf32>
        %mul3A_271 = arith.constant 10 : i32
        %mul3A_272 = arith.muli %scan3A_228, %mul3A_271 : i32
        %get3A_273 = arith.index_cast %mul3A_272 : i32 to index
        %get3A_274 = arith.constant 112 : index
        %get3A_275 = tpu.vector_load %arg13[%get3A_273, %get3A_274] {strides = array<i32>} : memref<40x512xf32, #tpu.memory_space<vmem>>, vector<1x16xf32>,
        %get3A_276 = vector.shape_cast %get3A_275 : vector<1x16xf32> to vector<16xf32>
        %mul3A_277 = arith.constant 10 : i32
        %mul3A_278 = arith.muli %scan3A_228, %mul3A_277 : i32
        %get3A_279 = arith.index_cast %mul3A_278 : i32 to index
        %get3A_280 = arith.constant 128 : index
        %get3A_281 = tpu.vector_load %arg13[%get3A_279, %get3A_280] {strides = array<i32>} : memref<40x512xf32, #tpu.memory_space<vmem>>, vector<1x16xf32>,
        %get3A_282 = vector.shape_cast %get3A_281 : vector<1x16xf32> to vector<16xf32>
        %mul3A_283 = arith.constant 10 : i32
        %mul3A_284 = arith.muli %scan3A_228, %mul3A_283 : i32
        %get3A_285 = arith.index_cast %mul3A_284 : i32 to index
        %get3A_286 = arith.constant 144 : index
        %get3A_287 = tpu.vector_load %arg13[%get3A_285, %get3A_286] {strides = array<i32>} : memref<40x512xf32, #tpu.memory_space<vmem>>, vector<1x16xf32>,
        %get3A_288 = vector.shape_cast %get3A_287 : vector<1x16xf32> to vector<16xf32>
        %mul3A_289 = arith.constant 10 : i32
        %mul3A_290 = arith.muli %scan3A_228, %mul3A_289 : i32
        %get3A_291 = arith.index_cast %mul3A_290 : i32 to index
        %get3A_292 = arith.constant 160 : index
        %get3A_293 = tpu.vector_load %arg13[%get3A_291, %get3A_292] {strides = array<i32>} : memref<40x512xf32, #tpu.memory_space<vmem>>, vector<1x16xf32>,
        %get3A_294 = vector.shape_cast %get3A_293 : vector<1x16xf32> to vector<16xf32>
        %mul3A_295 = arith.constant 10 : i32
        %mul3A_296 = arith.muli %scan3A_228, %mul3A_295 : i32
        %get3A_297 = arith.index_cast %mul3A_296 : i32 to index
        %get3A_298 = arith.constant 176 : index
        %get3A_299 = tpu.vector_load %arg13[%get3A_297, %get3A_298] {strides = array<i32>} : memref<40x512xf32, #tpu.memory_space<vmem>>, vector<1x16xf32>,
        %get3A_300 = vector.shape_cast %get3A_299 : vector<1x16xf32> to vector<16xf32>
        %mul3A_301 = arith.constant 10 : i32
        %mul3A_302 = arith.muli %scan3A_228, %mul3A_301 : i32
        %get3A_303 = arith.index_cast %mul3A_302 : i32 to index
        %get3A_304 = arith.constant 192 : index
        %get3A_305 = tpu.vector_load %arg13[%get3A_303, %get3A_304] {strides = array<i32>} : memref<40x512xf32, #tpu.memory_space<vmem>>, vector<1x16xf32>,
        %get3A_306 = vector.shape_cast %get3A_305 : vector<1x16xf32> to vector<16xf32>
        %mul3A_307 = arith.constant 10 : i32
        %mul3A_308 = arith.muli %scan3A_228, %mul3A_307 : i32
        %get3A_309 = arith.index_cast %mul3A_308 : i32 to index
        %get3A_310 = arith.constant 208 : index
        %get3A_311 = tpu.vector_load %arg13[%get3A_309, %get3A_310] {strides = array<i32>} : memref<40x512xf32, #tpu.memory_space<vmem>>, vector<1x16xf32>,
        %get3A_312 = vector.shape_cast %get3A_311 : vector<1x16xf32> to vector<16xf32>
        %mul3A_313 = arith.constant 10 : i32
        %mul3A_314 = arith.muli %scan3A_228, %mul3A_313 : i32
        %get3A_315 = arith.index_cast %mul3A_314 : i32 to index
        %get3A_316 = arith.constant 224 : index
        %get3A_317 = tpu.vector_load %arg13[%get3A_315, %get3A_316] {strides = array<i32>} : memref<40x512xf32, #tpu.memory_space<vmem>>, vector<1x16xf32>,
        %get3A_318 = vector.shape_cast %get3A_317 : vector<1x16xf32> to vector<16xf32>
        %mul3A_319 = arith.constant 10 : i32
        %mul3A_320 = arith.muli %scan3A_228, %mul3A_319 : i32
        %get3A_321 = arith.index_cast %mul3A_320 : i32 to index
        %get3A_322 = arith.constant 240 : index
        %get3A_323 = tpu.vector_load %arg13[%get3A_321, %get3A_322] {strides = array<i32>} : memref<40x512xf32, #tpu.memory_space<vmem>>, vector<1x16xf32>,
        %get3A_324 = vector.shape_cast %get3A_323 : vector<1x16xf32> to vector<16xf32>
        %mul3A_325 = arith.constant 10 : i32
        %mul3A_326 = arith.muli %scan3A_228, %mul3A_325 : i32
        %get3A_327 = arith.index_cast %mul3A_326 : i32 to index
        %get3A_328 = arith.constant 256 : index
        %get3A_329 = tpu.vector_load %arg13[%get3A_327, %get3A_328] {strides = array<i32>} : memref<40x512xf32, #tpu.memory_space<vmem>>, vector<1x16xf32>,
        %get3A_330 = vector.shape_cast %get3A_329 : vector<1x16xf32> to vector<16xf32>
        %mul3A_331 = arith.constant 10 : i32
        %mul3A_332 = arith.muli %scan3A_228, %mul3A_331 : i32
        %get3A_333 = arith.index_cast %mul3A_332 : i32 to index
        %get3A_334 = arith.constant 272 : index
        %get3A_335 = tpu.vector_load %arg13[%get3A_333, %get3A_334] {strides = array<i32>} : memref<40x512xf32, #tpu.memory_space<vmem>>, vector<1x16xf32>,
        %get3A_336 = vector.shape_cast %get3A_335 : vector<1x16xf32> to vector<16xf32>
        %mul3A_337 = arith.constant 10 : i32
        %mul3A_338 = arith.muli %scan3A_228, %mul3A_337 : i32
        %get3A_339 = arith.index_cast %mul3A_338 : i32 to index
        %get3A_340 = arith.constant 288 : index
        %get3A_341 = tpu.vector_load %arg13[%get3A_339, %get3A_340] {strides = array<i32>} : memref<40x512xf32, #tpu.memory_space<vmem>>, vector<1x16xf32>,
        %get3A_342 = vector.shape_cast %get3A_341 : vector<1x16xf32> to vector<16xf32>
        %mul3A_343 = arith.constant 10 : i32
        %mul3A_344 = arith.muli %scan3A_228, %mul3A_343 : i32
        %get3A_345 = arith.index_cast %mul3A_344 : i32 to index
        %get3A_346 = arith.constant 304 : index
        %get3A_347 = tpu.vector_load %arg13[%get3A_345, %get3A_346] {strides = array<i32>} : memref<40x512xf32, #tpu.memory_space<vmem>>, vector<1x16xf32>,
        %get3A_348 = vector.shape_cast %get3A_347 : vector<1x16xf32> to vector<16xf32>
        %mul3A_349 = arith.constant 10 : i32
        %mul3A_350 = arith.muli %scan3A_228, %mul3A_349 : i32
        %get3A_351 = arith.index_cast %mul3A_350 : i32 to index
        %get3A_352 = arith.constant 320 : index
        %get3A_353 = tpu.vector_load %arg13[%get3A_351, %get3A_352] {strides = array<i32>} : memref<40x512xf32, #tpu.memory_space<vmem>>, vector<1x16xf32>,
        %get3A_354 = vector.shape_cast %get3A_353 : vector<1x16xf32> to vector<16xf32>
        %mul3A_355 = arith.constant 10 : i32
        %mul3A_356 = arith.muli %scan3A_228, %mul3A_355 : i32
        %get3A_357 = arith.index_cast %mul3A_356 : i32 to index
        %get3A_358 = arith.constant 336 : index
        %get3A_359 = tpu.vector_load %arg13[%get3A_357, %get3A_358] {strides = array<i32>} : memref<40x512xf32, #tpu.memory_space<vmem>>, vector<1x16xf32>,
        %get3A_360 = vector.shape_cast %get3A_359 : vector<1x16xf32> to vector<16xf32>
        %mul3A_361 = arith.constant 10 : i32
        %mul3A_362 = arith.muli %scan3A_228, %mul3A_361 : i32
        %get3A_363 = arith.index_cast %mul3A_362 : i32 to index
        %get3A_364 = arith.constant 352 : index
        %get3A_365 = tpu.vector_load %arg13[%get3A_363, %get3A_364] {strides = array<i32>} : memref<40x512xf32, #tpu.memory_space<vmem>>, vector<1x16xf32>,
        %get3A_366 = vector.shape_cast %get3A_365 : vector<1x16xf32> to vector<16xf32>
        %mul3A_367 = arith.constant 10 : i32
        %mul3A_368 = arith.muli %scan3A_228, %mul3A_367 : i32
        %get3A_369 = arith.index_cast %mul3A_368 : i32 to index
        %get3A_370 = arith.constant 368 : index
        %get3A_371 = tpu.vector_load %arg13[%get3A_369, %get3A_370] {strides = array<i32>} : memref<40x512xf32, #tpu.memory_space<vmem>>, vector<1x16xf32>,
        %get3A_372 = vector.shape_cast %get3A_371 : vector<1x16xf32> to vector<16xf32>
        %mul3A_373 = arith.constant 10 : i32
        %mul3A_374 = arith.muli %scan3A_228, %mul3A_373 : i32
        %get3A_375 = arith.index_cast %mul3A_374 : i32 to index
        %get3A_376 = arith.constant 384 : index
        %get3A_377 = tpu.vector_load %arg13[%get3A_375, %get3A_376] {strides = array<i32>} : memref<40x512xf32, #tpu.memory_space<vmem>>, vector<1x16xf32>,
        %get3A_378 = vector.shape_cast %get3A_377 : vector<1x16xf32> to vector<16xf32>
        %mul3A_379 = arith.constant 10 : i32
        %mul3A_380 = arith.muli %scan3A_228, %mul3A_379 : i32
        %get3A_381 = arith.index_cast %mul3A_380 : i32 to index
        %get3A_382 = arith.constant 400 : index
        %get3A_383 = tpu.vector_load %arg13[%get3A_381, %get3A_382] {strides = array<i32>} : memref<40x512xf32, #tpu.memory_space<vmem>>, vector<1x16xf32>,
        %get3A_384 = vector.shape_cast %get3A_383 : vector<1x16xf32> to vector<16xf32>
        %mul3A_385 = arith.constant 10 : i32
        %mul3A_386 = arith.muli %scan3A_228, %mul3A_385 : i32
        %get3A_387 = arith.index_cast %mul3A_386 : i32 to index
        %get3A_388 = arith.constant 416 : index
        %get3A_389 = tpu.vector_load %arg13[%get3A_387, %get3A_388] {strides = array<i32>} : memref<40x512xf32, #tpu.memory_space<vmem>>, vector<1x16xf32>,
        %get3A_390 = vector.shape_cast %get3A_389 : vector<1x16xf32> to vector<16xf32>
        %mul3A_391 = arith.constant 10 : i32
        %mul3A_392 = arith.muli %scan3A_228, %mul3A_391 : i32
        %get3A_393 = arith.index_cast %mul3A_392 : i32 to index
        %get3A_394 = arith.constant 432 : index
        %get3A_395 = tpu.vector_load %arg13[%get3A_393, %get3A_394] {strides = array<i32>} : memref<40x512xf32, #tpu.memory_space<vmem>>, vector<1x16xf32>,
        %get3A_396 = vector.shape_cast %get3A_395 : vector<1x16xf32> to vector<16xf32>
        %mul3A_397 = arith.constant 10 : i32
        %mul3A_398 = arith.muli %scan3A_228, %mul3A_397 : i32
        %get3A_399 = arith.index_cast %mul3A_398 : i32 to index
        %get3A_400 = arith.constant 448 : index
        %get3A_401 = tpu.vector_load %arg13[%get3A_399, %get3A_400] {strides = array<i32>} : memref<40x512xf32, #tpu.memory_space<vmem>>, vector<1x16xf32>,
        %get3A_402 = vector.shape_cast %get3A_401 : vector<1x16xf32> to vector<16xf32>
        %mul3A_403 = arith.constant 10 : i32
        %mul3A_404 = arith.muli %scan3A_228, %mul3A_403 : i32
        %get3A_405 = arith.index_cast %mul3A_404 : i32 to index
        %get3A_406 = arith.constant 464 : index
        %get3A_407 = tpu.vector_load %arg13[%get3A_405, %get3A_406] {strides = array<i32>} : memref<40x512xf32, #tpu.memory_space<vmem>>, vector<1x16xf32>,
        %get3A_408 = vector.shape_cast %get3A_407 : vector<1x16xf32> to vector<16xf32>
        %mul3A_409 = arith.constant 10 : i32
        %mul3A_410 = arith.muli %scan3A_228, %mul3A_409 : i32
        %get3A_411 = arith.index_cast %mul3A_410 : i32 to index
        %get3A_412 = arith.constant 480 : index
        %get3A_413 = tpu.vector_load %arg13[%get3A_411, %get3A_412] {strides = array<i32>} : memref<40x512xf32, #tpu.memory_space<vmem>>, vector<1x16xf32>,
        %get3A_414 = vector.shape_cast %get3A_413 : vector<1x16xf32> to vector<16xf32>
        %mul3A_415 = arith.constant 10 : i32
        %mul3A_416 = arith.muli %scan3A_228, %mul3A_415 : i32
        %get3A_417 = arith.index_cast %mul3A_416 : i32 to index
        %get3A_418 = arith.constant 496 : index
        %get3A_419 = tpu.vector_load %arg13[%get3A_417, %get3A_418] {strides = array<i32>} : memref<40x512xf32, #tpu.memory_space<vmem>>, vector<1x16xf32>,
        %get3A_420 = vector.shape_cast %get3A_419 : vector<1x16xf32> to vector<16xf32>
        %scan3A_421 = arith.constant 1 : i32
        %scan3A_422 = arith.constant 9 : i32
        %scan3A_423 = arith.addi %scan3A_421, %scan3A_422 : i32
        %scan3A_424 = arith.constant 1 : i32
        %scan3A_425:32 = scf.for %scan3A_715 = %scan3A_421 to %scan3A_423 step %scan3A_424 iter_args(%scan3A_716 = %get3A_234, %scan3A_717 = %get3A_240, %scan3A_718 = %get3A_246, %scan3A_719 = %get3A_252, %scan3A_720 = %get3A_258, %scan3A_721 = %get3A_264, %scan3A_722 = %get3A_270, %scan3A_723 = %get3A_276, %scan3A_724 = %get3A_282, %scan3A_725 = %get3A_288, %scan3A_726 = %get3A_294, %scan3A_727 = %get3A_300, %scan3A_728 = %get3A_306, %scan3A_729 = %get3A_312, %scan3A_730 = %get3A_318, %scan3A_731 = %get3A_324, %scan3A_732 = %get3A_330, %scan3A_733 = %get3A_336, %scan3A_734 = %get3A_342, %scan3A_735 = %get3A_348, %scan3A_736 = %get3A_354, %scan3A_737 = %get3A_360, %scan3A_738 = %get3A_366, %scan3A_739 = %get3A_372, %scan3A_740 = %get3A_378, %scan3A_741 = %get3A_384, %scan3A_742 = %get3A_390, %scan3A_743 = %get3A_396, %scan3A_744 = %get3A_402, %scan3A_745 = %get3A_408, %scan3A_746 = %get3A_414, %scan3A_747 = %get3A_420) -> (vector<16xf32>, vector<16xf32>, vector<16xf32>, vector<16xf32>, vector<16xf32>, vector<16xf32>, vector<16xf32>, vector<16xf32>, vector<16xf32>, vector<16xf32>, vector<16xf32>, vector<16xf32>, vector<16xf32>, vector<16xf32>, vector<16xf32>, vector<16xf32>, vector<16xf32>, vector<16xf32>, vector<16xf32>, vector<16xf32>, vector<16xf32>, vector<16xf32>, vector<16xf32>, vector<16xf32>, vector<16xf32>, vector<16xf32>, vector<16xf32>, vector<16xf32>, vector<16xf32>, vector<16xf32>, vector<16xf32>, vector<16xf32>)  : i32 {
          %mul3A_748 = arith.constant 10 : i32
          %mul3A_749 = arith.muli %scan3A_228, %mul3A_748 : i32
          %add3A_750 = arith.addi %mul3A_749, %scan3A_715 : i32
          %get3A_751 = arith.index_cast %add3A_750 : i32 to index
          %get3A_752 = arith.constant 0 : index
          %get3A_753 = tpu.vector_load %arg13[%get3A_751, %get3A_752] {strides = array<i32>} : memref<40x512xf32, #tpu.memory_space<vmem>>, vector<1x16xf32>,
          %get3A_754 = vector.shape_cast %get3A_753 : vector<1x16xf32> to vector<16xf32>
          %add3A_755 = arith.addf %scan3A_716, %get3A_754 : vector<16xf32>
          %get3A_756 = arith.index_cast %add3A_750 : i32 to index
          %get3A_757 = arith.constant 16 : index
          %get3A_758 = tpu.vector_load %arg13[%get3A_756, %get3A_757] {strides = array<i32>} : memref<40x512xf32, #tpu.memory_space<vmem>>, vector<1x16xf32>,
          %get3A_759 = vector.shape_cast %get3A_758 : vector<1x16xf32> to vector<16xf32>
          %add3A_760 = arith.addf %scan3A_717, %get3A_759 : vector<16xf32>
          %get3A_761 = arith.index_cast %add3A_750 : i32 to index
          %get3A_762 = arith.constant 32 : index
          %get3A_763 = tpu.vector_load %arg13[%get3A_761, %get3A_762] {strides = array<i32>} : memref<40x512xf32, #tpu.memory_space<vmem>>, vector<1x16xf32>,
          %get3A_764 = vector.shape_cast %get3A_763 : vector<1x16xf32> to vector<16xf32>
          %add3A_765 = arith.addf %scan3A_718, %get3A_764 : vector<16xf32>
          %get3A_766 = arith.index_cast %add3A_750 : i32 to index
          %get3A_767 = arith.constant 48 : index
          %get3A_768 = tpu.vector_load %arg13[%get3A_766, %get3A_767] {strides = array<i32>} : memref<40x512xf32, #tpu.memory_space<vmem>>, vector<1x16xf32>,
          %get3A_769 = vector.shape_cast %get3A_768 : vector<1x16xf32> to vector<16xf32>
          %add3A_770 = arith.addf %scan3A_719, %get3A_769 : vector<16xf32>
          %get3A_771 = arith.index_cast %add3A_750 : i32 to index
          %get3A_772 = arith.constant 64 : index
          %get3A_773 = tpu.vector_load %arg13[%get3A_771, %get3A_772] {strides = array<i32>} : memref<40x512xf32, #tpu.memory_space<vmem>>, vector<1x16xf32>,
          %get3A_774 = vector.shape_cast %get3A_773 : vector<1x16xf32> to vector<16xf32>
          %add3A_775 = arith.addf %scan3A_720, %get3A_774 : vector<16xf32>
          %get3A_776 = arith.index_cast %add3A_750 : i32 to index
          %get3A_777 = arith.constant 80 : index
          %get3A_778 = tpu.vector_load %arg13[%get3A_776, %get3A_777] {strides = array<i32>} : memref<40x512xf32, #tpu.memory_space<vmem>>, vector<1x16xf32>,
          %get3A_779 = vector.shape_cast %get3A_778 : vector<1x16xf32> to vector<16xf32>
          %add3A_780 = arith.addf %scan3A_721, %get3A_779 : vector<16xf32>
          %get3A_781 = arith.index_cast %add3A_750 : i32 to index
          %get3A_782 = arith.constant 96 : index
          %get3A_783 = tpu.vector_load %arg13[%get3A_781, %get3A_782] {strides = array<i32>} : memref<40x512xf32, #tpu.memory_space<vmem>>, vector<1x16xf32>,
          %get3A_784 = vector.shape_cast %get3A_783 : vector<1x16xf32> to vector<16xf32>
          %add3A_785 = arith.addf %scan3A_722, %get3A_784 : vector<16xf32>
          %get3A_786 = arith.index_cast %add3A_750 : i32 to index
          %get3A_787 = arith.constant 112 : index
          %get3A_788 = tpu.vector_load %arg13[%get3A_786, %get3A_787] {strides = array<i32>} : memref<40x512xf32, #tpu.memory_space<vmem>>, vector<1x16xf32>,
          %get3A_789 = vector.shape_cast %get3A_788 : vector<1x16xf32> to vector<16xf32>
          %add3A_790 = arith.addf %scan3A_723, %get3A_789 : vector<16xf32>
          %get3A_791 = arith.index_cast %add3A_750 : i32 to index
          %get3A_792 = arith.constant 128 : index
          %get3A_793 = tpu.vector_load %arg13[%get3A_791, %get3A_792] {strides = array<i32>} : memref<40x512xf32, #tpu.memory_space<vmem>>, vector<1x16xf32>,
          %get3A_794 = vector.shape_cast %get3A_793 : vector<1x16xf32> to vector<16xf32>
          %add3A_795 = arith.addf %scan3A_724, %get3A_794 : vector<16xf32>
          %get3A_796 = arith.index_cast %add3A_750 : i32 to index
          %get3A_797 = arith.constant 144 : index
          %get3A_798 = tpu.vector_load %arg13[%get3A_796, %get3A_797] {strides = array<i32>} : memref<40x512xf32, #tpu.memory_space<vmem>>, vector<1x16xf32>,
          %get3A_799 = vector.shape_cast %get3A_798 : vector<1x16xf32> to vector<16xf32>
          %add3A_800 = arith.addf %scan3A_725, %get3A_799 : vector<16xf32>
          %get3A_801 = arith.index_cast %add3A_750 : i32 to index
          %get3A_802 = arith.constant 160 : index
          %get3A_803 = tpu.vector_load %arg13[%get3A_801, %get3A_802] {strides = array<i32>} : memref<40x512xf32, #tpu.memory_space<vmem>>, vector<1x16xf32>,
          %get3A_804 = vector.shape_cast %get3A_803 : vector<1x16xf32> to vector<16xf32>
          %add3A_805 = arith.addf %scan3A_726, %get3A_804 : vector<16xf32>
          %get3A_806 = arith.index_cast %add3A_750 : i32 to index
          %get3A_807 = arith.constant 176 : index
          %get3A_808 = tpu.vector_load %arg13[%get3A_806, %get3A_807] {strides = array<i32>} : memref<40x512xf32, #tpu.memory_space<vmem>>, vector<1x16xf32>,
          %get3A_809 = vector.shape_cast %get3A_808 : vector<1x16xf32> to vector<16xf32>
          %add3A_810 = arith.addf %scan3A_727, %get3A_809 : vector<16xf32>
          %get3A_811 = arith.index_cast %add3A_750 : i32 to index
          %get3A_812 = arith.constant 192 : index
          %get3A_813 = tpu.vector_load %arg13[%get3A_811, %get3A_812] {strides = array<i32>} : memref<40x512xf32, #tpu.memory_space<vmem>>, vector<1x16xf32>,
          %get3A_814 = vector.shape_cast %get3A_813 : vector<1x16xf32> to vector<16xf32>
          %add3A_815 = arith.addf %scan3A_728, %get3A_814 : vector<16xf32>
          %get3A_816 = arith.index_cast %add3A_750 : i32 to index
          %get3A_817 = arith.constant 208 : index
          %get3A_818 = tpu.vector_load %arg13[%get3A_816, %get3A_817] {strides = array<i32>} : memref<40x512xf32, #tpu.memory_space<vmem>>, vector<1x16xf32>,
          %get3A_819 = vector.shape_cast %get3A_818 : vector<1x16xf32> to vector<16xf32>
          %add3A_820 = arith.addf %scan3A_729, %get3A_819 : vector<16xf32>
          %get3A_821 = arith.index_cast %add3A_750 : i32 to index
          %get3A_822 = arith.constant 224 : index
          %get3A_823 = tpu.vector_load %arg13[%get3A_821, %get3A_822] {strides = array<i32>} : memref<40x512xf32, #tpu.memory_space<vmem>>, vector<1x16xf32>,
          %get3A_824 = vector.shape_cast %get3A_823 : vector<1x16xf32> to vector<16xf32>
          %add3A_825 = arith.addf %scan3A_730, %get3A_824 : vector<16xf32>
          %get3A_826 = arith.index_cast %add3A_750 : i32 to index
          %get3A_827 = arith.constant 240 : index
          %get3A_828 = tpu.vector_load %arg13[%get3A_826, %get3A_827] {strides = array<i32>} : memref<40x512xf32, #tpu.memory_space<vmem>>, vector<1x16xf32>,
          %get3A_829 = vector.shape_cast %get3A_828 : vector<1x16xf32> to vector<16xf32>
          %add3A_830 = arith.addf %scan3A_731, %get3A_829 : vector<16xf32>
          %get3A_831 = arith.index_cast %add3A_750 : i32 to index
          %get3A_832 = arith.constant 256 : index
          %get3A_833 = tpu.vector_load %arg13[%get3A_831, %get3A_832] {strides = array<i32>} : memref<40x512xf32, #tpu.memory_space<vmem>>, vector<1x16xf32>,
          %get3A_834 = vector.shape_cast %get3A_833 : vector<1x16xf32> to vector<16xf32>
          %add3A_835 = arith.addf %scan3A_732, %get3A_834 : vector<16xf32>
          %get3A_836 = arith.index_cast %add3A_750 : i32 to index
          %get3A_837 = arith.constant 272 : index
          %get3A_838 = tpu.vector_load %arg13[%get3A_836, %get3A_837] {strides = array<i32>} : memref<40x512xf32, #tpu.memory_space<vmem>>, vector<1x16xf32>,
          %get3A_839 = vector.shape_cast %get3A_838 : vector<1x16xf32> to vector<16xf32>
          %add3A_840 = arith.addf %scan3A_733, %get3A_839 : vector<16xf32>
          %get3A_841 = arith.index_cast %add3A_750 : i32 to index
          %get3A_842 = arith.constant 288 : index
          %get3A_843 = tpu.vector_load %arg13[%get3A_841, %get3A_842] {strides = array<i32>} : memref<40x512xf32, #tpu.memory_space<vmem>>, vector<1x16xf32>,
          %get3A_844 = vector.shape_cast %get3A_843 : vector<1x16xf32> to vector<16xf32>
          %add3A_845 = arith.addf %scan3A_734, %get3A_844 : vector<16xf32>
          %get3A_846 = arith.index_cast %add3A_750 : i32 to index
          %get3A_847 = arith.constant 304 : index
          %get3A_848 = tpu.vector_load %arg13[%get3A_846, %get3A_847] {strides = array<i32>} : memref<40x512xf32, #tpu.memory_space<vmem>>, vector<1x16xf32>,
          %get3A_849 = vector.shape_cast %get3A_848 : vector<1x16xf32> to vector<16xf32>
          %add3A_850 = arith.addf %scan3A_735, %get3A_849 : vector<16xf32>
          %get3A_851 = arith.index_cast %add3A_750 : i32 to index
          %get3A_852 = arith.constant 320 : index
          %get3A_853 = tpu.vector_load %arg13[%get3A_851, %get3A_852] {strides = array<i32>} : memref<40x512xf32, #tpu.memory_space<vmem>>, vector<1x16xf32>,
          %get3A_854 = vector.shape_cast %get3A_853 : vector<1x16xf32> to vector<16xf32>
          %add3A_855 = arith.addf %scan3A_736, %get3A_854 : vector<16xf32>
          %get3A_856 = arith.index_cast %add3A_750 : i32 to index
          %get3A_857 = arith.constant 336 : index
          %get3A_858 = tpu.vector_load %arg13[%get3A_856, %get3A_857] {strides = array<i32>} : memref<40x512xf32, #tpu.memory_space<vmem>>, vector<1x16xf32>,
          %get3A_859 = vector.shape_cast %get3A_858 : vector<1x16xf32> to vector<16xf32>
          %add3A_860 = arith.addf %scan3A_737, %get3A_859 : vector<16xf32>
          %get3A_861 = arith.index_cast %add3A_750 : i32 to index
          %get3A_862 = arith.constant 352 : index
          %get3A_863 = tpu.vector_load %arg13[%get3A_861, %get3A_862] {strides = array<i32>} : memref<40x512xf32, #tpu.memory_space<vmem>>, vector<1x16xf32>,
          %get3A_864 = vector.shape_cast %get3A_863 : vector<1x16xf32> to vector<16xf32>
          %add3A_865 = arith.addf %scan3A_738, %get3A_864 : vector<16xf32>
          %get3A_866 = arith.index_cast %add3A_750 : i32 to index
          %get3A_867 = arith.constant 368 : index
          %get3A_868 = tpu.vector_load %arg13[%get3A_866, %get3A_867] {strides = array<i32>} : memref<40x512xf32, #tpu.memory_space<vmem>>, vector<1x16xf32>,
          %get3A_869 = vector.shape_cast %get3A_868 : vector<1x16xf32> to vector<16xf32>
          %add3A_870 = arith.addf %scan3A_739, %get3A_869 : vector<16xf32>
          %get3A_871 = arith.index_cast %add3A_750 : i32 to index
          %get3A_872 = arith.constant 384 : index
          %get3A_873 = tpu.vector_load %arg13[%get3A_871, %get3A_872] {strides = array<i32>} : memref<40x512xf32, #tpu.memory_space<vmem>>, vector<1x16xf32>,
          %get3A_874 = vector.shape_cast %get3A_873 : vector<1x16xf32> to vector<16xf32>
          %add3A_875 = arith.addf %scan3A_740, %get3A_874 : vector<16xf32>
          %get3A_876 = arith.index_cast %add3A_750 : i32 to index
          %get3A_877 = arith.constant 400 : index
          %get3A_878 = tpu.vector_load %arg13[%get3A_876, %get3A_877] {strides = array<i32>} : memref<40x512xf32, #tpu.memory_space<vmem>>, vector<1x16xf32>,
          %get3A_879 = vector.shape_cast %get3A_878 : vector<1x16xf32> to vector<16xf32>
          %add3A_880 = arith.addf %scan3A_741, %get3A_879 : vector<16xf32>
          %get3A_881 = arith.index_cast %add3A_750 : i32 to index
          %get3A_882 = arith.constant 416 : index
          %get3A_883 = tpu.vector_load %arg13[%get3A_881, %get3A_882] {strides = array<i32>} : memref<40x512xf32, #tpu.memory_space<vmem>>, vector<1x16xf32>,
          %get3A_884 = vector.shape_cast %get3A_883 : vector<1x16xf32> to vector<16xf32>
          %add3A_885 = arith.addf %scan3A_742, %get3A_884 : vector<16xf32>
          %get3A_886 = arith.index_cast %add3A_750 : i32 to index
          %get3A_887 = arith.constant 432 : index
          %get3A_888 = tpu.vector_load %arg13[%get3A_886, %get3A_887] {strides = array<i32>} : memref<40x512xf32, #tpu.memory_space<vmem>>, vector<1x16xf32>,
          %get3A_889 = vector.shape_cast %get3A_888 : vector<1x16xf32> to vector<16xf32>
          %add3A_890 = arith.addf %scan3A_743, %get3A_889 : vector<16xf32>
          %get3A_891 = arith.index_cast %add3A_750 : i32 to index
          %get3A_892 = arith.constant 448 : index
          %get3A_893 = tpu.vector_load %arg13[%get3A_891, %get3A_892] {strides = array<i32>} : memref<40x512xf32, #tpu.memory_space<vmem>>, vector<1x16xf32>,
          %get3A_894 = vector.shape_cast %get3A_893 : vector<1x16xf32> to vector<16xf32>
          %add3A_895 = arith.addf %scan3A_744, %get3A_894 : vector<16xf32>
          %get3A_896 = arith.index_cast %add3A_750 : i32 to index
          %get3A_897 = arith.constant 464 : index
          %get3A_898 = tpu.vector_load %arg13[%get3A_896, %get3A_897] {strides = array<i32>} : memref<40x512xf32, #tpu.memory_space<vmem>>, vector<1x16xf32>,
          %get3A_899 = vector.shape_cast %get3A_898 : vector<1x16xf32> to vector<16xf32>
          %add3A_900 = arith.addf %scan3A_745, %get3A_899 : vector<16xf32>
          %get3A_901 = arith.index_cast %add3A_750 : i32 to index
          %get3A_902 = arith.constant 480 : index
          %get3A_903 = tpu.vector_load %arg13[%get3A_901, %get3A_902] {strides = array<i32>} : memref<40x512xf32, #tpu.memory_space<vmem>>, vector<1x16xf32>,
          %get3A_904 = vector.shape_cast %get3A_903 : vector<1x16xf32> to vector<16xf32>
          %add3A_905 = arith.addf %scan3A_746, %get3A_904 : vector<16xf32>
          %get3A_906 = arith.index_cast %add3A_750 : i32 to index
          %get3A_907 = arith.constant 496 : index
          %get3A_908 = tpu.vector_load %arg13[%get3A_906, %get3A_907] {strides = array<i32>} : memref<40x512xf32, #tpu.memory_space<vmem>>, vector<1x16xf32>,
          %get3A_909 = vector.shape_cast %get3A_908 : vector<1x16xf32> to vector<16xf32>
          %add3A_910 = arith.addf %scan3A_747, %get3A_909 : vector<16xf32>
          scf.yield %add3A_755, %add3A_760, %add3A_765, %add3A_770, %add3A_775, %add3A_780, %add3A_785, %add3A_790, %add3A_795, %add3A_800, %add3A_805, %add3A_810, %add3A_815, %add3A_820, %add3A_825, %add3A_830, %add3A_835, %add3A_840, %add3A_845, %add3A_850, %add3A_855, %add3A_860, %add3A_865, %add3A_870, %add3A_875, %add3A_880, %add3A_885, %add3A_890, %add3A_895, %add3A_900, %add3A_905, %add3A_910 : vector<16xf32>, vector<16xf32>, vector<16xf32>, vector<16xf32>, vector<16xf32>, vector<16xf32>, vector<16xf32>, vector<16xf32>, vector<16xf32>, vector<16xf32>, vector<16xf32>, vector<16xf32>, vector<16xf32>, vector<16xf32>, vector<16xf32>, vector<16xf32>, vector<16xf32>, vector<16xf32>, vector<16xf32>, vector<16xf32>, vector<16xf32>, vector<16xf32>, vector<16xf32>, vector<16xf32>, vector<16xf32>, vector<16xf32>, vector<16xf32>, vector<16xf32>, vector<16xf32>, vector<16xf32>, vector<16xf32>, vector<16xf32>
        }
        %scan3A_426 = arith.constant 9 : i32
        %mul3A_427 = vector.broadcast %scan3A : f32 to vector<16xf32>
        %mul3A_428 = arith.mulf %scan3A_425#0, %mul3A_427 : vector<16xf32>
        %add3A_429 = arith.constant 0 : i32
        %add3A_430 = arith.addi %add3A_429, %scan3A_228 : i32
        %swap3A = arith.index_cast %add3A_430 : i32 to index
        %swap3A_431 = arith.constant 0 : index
        %swap3A_432 = tpu.vector_load %arg16[%swap3A, %swap3A_431] {strides = array<i32>} : memref<8x512xf32, #tpu.memory_space<vmem>>, vector<1x16xf32>,
        %swap3A_433 = vector.shape_cast %swap3A_432 : vector<1x16xf32> to vector<16xf32>
        %swap3A_434 = vector.shape_cast %mul3A_428 : vector<16xf32> to vector<1x16xf32>
        tpu.vector_store %arg16[%swap3A, %swap3A_431], %swap3A_434 {strides = array<i32>} : memref<8x512xf32, #tpu.memory_space<vmem>>, vector<1x16xf32>,
        %mul3A_435 = vector.broadcast %scan3A : f32 to vector<16xf32>
        %mul3A_436 = arith.mulf %scan3A_425#1, %mul3A_435 : vector<16xf32>
        %add3A_437 = arith.constant 0 : i32
        %add3A_438 = arith.addi %add3A_437, %scan3A_228 : i32
        %swap3A_439 = arith.index_cast %add3A_438 : i32 to index
        %swap3A_440 = arith.constant 16 : index
        %swap3A_441 = tpu.vector_load %arg16[%swap3A_439, %swap3A_440] {strides = array<i32>} : memref<8x512xf32, #tpu.memory_space<vmem>>, vector<1x16xf32>,
        %swap3A_442 = vector.shape_cast %swap3A_441 : vector<1x16xf32> to vector<16xf32>
        %swap3A_443 = vector.shape_cast %mul3A_436 : vector<16xf32> to vector<1x16xf32>
        tpu.vector_store %arg16[%swap3A_439, %swap3A_440], %swap3A_443 {strides = array<i32>} : memref<8x512xf32, #tpu.memory_space<vmem>>, vector<1x16xf32>,
        %mul3A_444 = vector.broadcast %scan3A : f32 to vector<16xf32>
        %mul3A_445 = arith.mulf %scan3A_425#2, %mul3A_444 : vector<16xf32>
        %add3A_446 = arith.constant 0 : i32
        %add3A_447 = arith.addi %add3A_446, %scan3A_228 : i32
        %swap3A_448 = arith.index_cast %add3A_447 : i32 to index
        %swap3A_449 = arith.constant 32 : index
        %swap3A_450 = tpu.vector_load %arg16[%swap3A_448, %swap3A_449] {strides = array<i32>} : memref<8x512xf32, #tpu.memory_space<vmem>>, vector<1x16xf32>,
        %swap3A_451 = vector.shape_cast %swap3A_450 : vector<1x16xf32> to vector<16xf32>
        %swap3A_452 = vector.shape_cast %mul3A_445 : vector<16xf32> to vector<1x16xf32>
        tpu.vector_store %arg16[%swap3A_448, %swap3A_449], %swap3A_452 {strides = array<i32>} : memref<8x512xf32, #tpu.memory_space<vmem>>, vector<1x16xf32>,
        %mul3A_453 = vector.broadcast %scan3A : f32 to vector<16xf32>
        %mul3A_454 = arith.mulf %scan3A_425#3, %mul3A_453 : vector<16xf32>
        %add3A_455 = arith.constant 0 : i32
        %add3A_456 = arith.addi %add3A_455, %scan3A_228 : i32
        %swap3A_457 = arith.index_cast %add3A_456 : i32 to index
        %swap3A_458 = arith.constant 48 : index
        %swap3A_459 = tpu.vector_load %arg16[%swap3A_457, %swap3A_458] {strides = array<i32>} : memref<8x512xf32, #tpu.memory_space<vmem>>, vector<1x16xf32>,
        %swap3A_460 = vector.shape_cast %swap3A_459 : vector<1x16xf32> to vector<16xf32>
        %swap3A_461 = vector.shape_cast %mul3A_454 : vector<16xf32> to vector<1x16xf32>
        tpu.vector_store %arg16[%swap3A_457, %swap3A_458], %swap3A_461 {strides = array<i32>} : memref<8x512xf32, #tpu.memory_space<vmem>>, vector<1x16xf32>,
        %mul3A_462 = vector.broadcast %scan3A : f32 to vector<16xf32>
        %mul3A_463 = arith.mulf %scan3A_425#4, %mul3A_462 : vector<16xf32>
        %add3A_464 = arith.constant 0 : i32
        %add3A_465 = arith.addi %add3A_464, %scan3A_228 : i32
        %swap3A_466 = arith.index_cast %add3A_465 : i32 to index
        %swap3A_467 = arith.constant 64 : index
        %swap3A_468 = tpu.vector_load %arg16[%swap3A_466, %swap3A_467] {strides = array<i32>} : memref<8x512xf32, #tpu.memory_space<vmem>>, vector<1x16xf32>,
        %swap3A_469 = vector.shape_cast %swap3A_468 : vector<1x16xf32> to vector<16xf32>
        %swap3A_470 = vector.shape_cast %mul3A_463 : vector<16xf32> to vector<1x16xf32>
        tpu.vector_store %arg16[%swap3A_466, %swap3A_467], %swap3A_470 {strides = array<i32>} : memref<8x512xf32, #tpu.memory_space<vmem>>, vector<1x16xf32>,
        %mul3A_471 = vector.broadcast %scan3A : f32 to vector<16xf32>
        %mul3A_472 = arith.mulf %scan3A_425#5, %mul3A_471 : vector<16xf32>
        %add3A_473 = arith.constant 0 : i32
        %add3A_474 = arith.addi %add3A_473, %scan3A_228 : i32
        %swap3A_475 = arith.index_cast %add3A_474 : i32 to index
        %swap3A_476 = arith.constant 80 : index
        %swap3A_477 = tpu.vector_load %arg16[%swap3A_475, %swap3A_476] {strides = array<i32>} : memref<8x512xf32, #tpu.memory_space<vmem>>, vector<1x16xf32>,
        %swap3A_478 = vector.shape_cast %swap3A_477 : vector<1x16xf32> to vector<16xf32>
        %swap3A_479 = vector.shape_cast %mul3A_472 : vector<16xf32> to vector<1x16xf32>
        tpu.vector_store %arg16[%swap3A_475, %swap3A_476], %swap3A_479 {strides = array<i32>} : memref<8x512xf32, #tpu.memory_space<vmem>>, vector<1x16xf32>,
        %mul3A_480 = vector.broadcast %scan3A : f32 to vector<16xf32>
        %mul3A_481 = arith.mulf %scan3A_425#6, %mul3A_480 : vector<16xf32>
        %add3A_482 = arith.constant 0 : i32
        %add3A_483 = arith.addi %add3A_482, %scan3A_228 : i32
        %swap3A_484 = arith.index_cast %add3A_483 : i32 to index
        %swap3A_485 = arith.constant 96 : index
        %swap3A_486 = tpu.vector_load %arg16[%swap3A_484, %swap3A_485] {strides = array<i32>} : memref<8x512xf32, #tpu.memory_space<vmem>>, vector<1x16xf32>,
        %swap3A_487 = vector.shape_cast %swap3A_486 : vector<1x16xf32> to vector<16xf32>
        %swap3A_488 = vector.shape_cast %mul3A_481 : vector<16xf32> to vector<1x16xf32>
        tpu.vector_store %arg16[%swap3A_484, %swap3A_485], %swap3A_488 {strides = array<i32>} : memref<8x512xf32, #tpu.memory_space<vmem>>, vector<1x16xf32>,
        %mul3A_489 = vector.broadcast %scan3A : f32 to vector<16xf32>
        %mul3A_490 = arith.mulf %scan3A_425#7, %mul3A_489 : vector<16xf32>
        %add3A_491 = arith.constant 0 : i32
        %add3A_492 = arith.addi %add3A_491, %scan3A_228 : i32
        %swap3A_493 = arith.index_cast %add3A_492 : i32 to index
        %swap3A_494 = arith.constant 112 : index
        %swap3A_495 = tpu.vector_load %arg16[%swap3A_493, %swap3A_494] {strides = array<i32>} : memref<8x512xf32, #tpu.memory_space<vmem>>, vector<1x16xf32>,
        %swap3A_496 = vector.shape_cast %swap3A_495 : vector<1x16xf32> to vector<16xf32>
        %swap3A_497 = vector.shape_cast %mul3A_490 : vector<16xf32> to vector<1x16xf32>
        tpu.vector_store %arg16[%swap3A_493, %swap3A_494], %swap3A_497 {strides = array<i32>} : memref<8x512xf32, #tpu.memory_space<vmem>>, vector<1x16xf32>,
        %mul3A_498 = vector.broadcast %scan3A : f32 to vector<16xf32>
        %mul3A_499 = arith.mulf %scan3A_425#8, %mul3A_498 : vector<16xf32>
        %add3A_500 = arith.constant 0 : i32
        %add3A_501 = arith.addi %add3A_500, %scan3A_228 : i32
        %swap3A_502 = arith.index_cast %add3A_501 : i32 to index
        %swap3A_503 = arith.constant 128 : index
        %swap3A_504 = tpu.vector_load %arg16[%swap3A_502, %swap3A_503] {strides = array<i32>} : memref<8x512xf32, #tpu.memory_space<vmem>>, vector<1x16xf32>,
        %swap3A_505 = vector.shape_cast %swap3A_504 : vector<1x16xf32> to vector<16xf32>
        %swap3A_506 = vector.shape_cast %mul3A_499 : vector<16xf32> to vector<1x16xf32>
        tpu.vector_store %arg16[%swap3A_502, %swap3A_503], %swap3A_506 {strides = array<i32>} : memref<8x512xf32, #tpu.memory_space<vmem>>, vector<1x16xf32>,
        %mul3A_507 = vector.broadcast %scan3A : f32 to vector<16xf32>
        %mul3A_508 = arith.mulf %scan3A_425#9, %mul3A_507 : vector<16xf32>
        %add3A_509 = arith.constant 0 : i32
        %add3A_510 = arith.addi %add3A_509, %scan3A_228 : i32
        %swap3A_511 = arith.index_cast %add3A_510 : i32 to index
        %swap3A_512 = arith.constant 144 : index
        %swap3A_513 = tpu.vector_load %arg16[%swap3A_511, %swap3A_512] {strides = array<i32>} : memref<8x512xf32, #tpu.memory_space<vmem>>, vector<1x16xf32>,
        %swap3A_514 = vector.shape_cast %swap3A_513 : vector<1x16xf32> to vector<16xf32>
        %swap3A_515 = vector.shape_cast %mul3A_508 : vector<16xf32> to vector<1x16xf32>
        tpu.vector_store %arg16[%swap3A_511, %swap3A_512], %swap3A_515 {strides = array<i32>} : memref<8x512xf32, #tpu.memory_space<vmem>>, vector<1x16xf32>,
        %mul3A_516 = vector.broadcast %scan3A : f32 to vector<16xf32>
        %mul3A_517 = arith.mulf %scan3A_425#10, %mul3A_516 : vector<16xf32>
        %add3A_518 = arith.constant 0 : i32
        %add3A_519 = arith.addi %add3A_518, %scan3A_228 : i32
        %swap3A_520 = arith.index_cast %add3A_519 : i32 to index
        %swap3A_521 = arith.constant 160 : index
        %swap3A_522 = tpu.vector_load %arg16[%swap3A_520, %swap3A_521] {strides = array<i32>} : memref<8x512xf32, #tpu.memory_space<vmem>>, vector<1x16xf32>,
        %swap3A_523 = vector.shape_cast %swap3A_522 : vector<1x16xf32> to vector<16xf32>
        %swap3A_524 = vector.shape_cast %mul3A_517 : vector<16xf32> to vector<1x16xf32>
        tpu.vector_store %arg16[%swap3A_520, %swap3A_521], %swap3A_524 {strides = array<i32>} : memref<8x512xf32, #tpu.memory_space<vmem>>, vector<1x16xf32>,
        %mul3A_525 = vector.broadcast %scan3A : f32 to vector<16xf32>
        %mul3A_526 = arith.mulf %scan3A_425#11, %mul3A_525 : vector<16xf32>
        %add3A_527 = arith.constant 0 : i32
        %add3A_528 = arith.addi %add3A_527, %scan3A_228 : i32
        %swap3A_529 = arith.index_cast %add3A_528 : i32 to index
        %swap3A_530 = arith.constant 176 : index
        %swap3A_531 = tpu.vector_load %arg16[%swap3A_529, %swap3A_530] {strides = array<i32>} : memref<8x512xf32, #tpu.memory_space<vmem>>, vector<1x16xf32>,
        %swap3A_532 = vector.shape_cast %swap3A_531 : vector<1x16xf32> to vector<16xf32>
        %swap3A_533 = vector.shape_cast %mul3A_526 : vector<16xf32> to vector<1x16xf32>
        tpu.vector_store %arg16[%swap3A_529, %swap3A_530], %swap3A_533 {strides = array<i32>} : memref<8x512xf32, #tpu.memory_space<vmem>>, vector<1x16xf32>,
        %mul3A_534 = vector.broadcast %scan3A : f32 to vector<16xf32>
        %mul3A_535 = arith.mulf %scan3A_425#12, %mul3A_534 : vector<16xf32>
        %add3A_536 = arith.constant 0 : i32
        %add3A_537 = arith.addi %add3A_536, %scan3A_228 : i32
        %swap3A_538 = arith.index_cast %add3A_537 : i32 to index
        %swap3A_539 = arith.constant 192 : index
        %swap3A_540 = tpu.vector_load %arg16[%swap3A_538, %swap3A_539] {strides = array<i32>} : memref<8x512xf32, #tpu.memory_space<vmem>>, vector<1x16xf32>,
        %swap3A_541 = vector.shape_cast %swap3A_540 : vector<1x16xf32> to vector<16xf32>
        %swap3A_542 = vector.shape_cast %mul3A_535 : vector<16xf32> to vector<1x16xf32>
        tpu.vector_store %arg16[%swap3A_538, %swap3A_539], %swap3A_542 {strides = array<i32>} : memref<8x512xf32, #tpu.memory_space<vmem>>, vector<1x16xf32>,
        %mul3A_543 = vector.broadcast %scan3A : f32 to vector<16xf32>
        %mul3A_544 = arith.mulf %scan3A_425#13, %mul3A_543 : vector<16xf32>
        %add3A_545 = arith.constant 0 : i32
        %add3A_546 = arith.addi %add3A_545, %scan3A_228 : i32
        %swap3A_547 = arith.index_cast %add3A_546 : i32 to index
        %swap3A_548 = arith.constant 208 : index
        %swap3A_549 = tpu.vector_load %arg16[%swap3A_547, %swap3A_548] {strides = array<i32>} : memref<8x512xf32, #tpu.memory_space<vmem>>, vector<1x16xf32>,
        %swap3A_550 = vector.shape_cast %swap3A_549 : vector<1x16xf32> to vector<16xf32>
        %swap3A_551 = vector.shape_cast %mul3A_544 : vector<16xf32> to vector<1x16xf32>
        tpu.vector_store %arg16[%swap3A_547, %swap3A_548], %swap3A_551 {strides = array<i32>} : memref<8x512xf32, #tpu.memory_space<vmem>>, vector<1x16xf32>,
        %mul3A_552 = vector.broadcast %scan3A : f32 to vector<16xf32>
        %mul3A_553 = arith.mulf %scan3A_425#14, %mul3A_552 : vector<16xf32>
        %add3A_554 = arith.constant 0 : i32
        %add3A_555 = arith.addi %add3A_554, %scan3A_228 : i32
        %swap3A_556 = arith.index_cast %add3A_555 : i32 to index
        %swap3A_557 = arith.constant 224 : index
        %swap3A_558 = tpu.vector_load %arg16[%swap3A_556, %swap3A_557] {strides = array<i32>} : memref<8x512xf32, #tpu.memory_space<vmem>>, vector<1x16xf32>,
        %swap3A_559 = vector.shape_cast %swap3A_558 : vector<1x16xf32> to vector<16xf32>
        %swap3A_560 = vector.shape_cast %mul3A_553 : vector<16xf32> to vector<1x16xf32>
        tpu.vector_store %arg16[%swap3A_556, %swap3A_557], %swap3A_560 {strides = array<i32>} : memref<8x512xf32, #tpu.memory_space<vmem>>, vector<1x16xf32>,
        %mul3A_561 = vector.broadcast %scan3A : f32 to vector<16xf32>
        %mul3A_562 = arith.mulf %scan3A_425#15, %mul3A_561 : vector<16xf32>
        %add3A_563 = arith.constant 0 : i32
        %add3A_564 = arith.addi %add3A_563, %scan3A_228 : i32
        %swap3A_565 = arith.index_cast %add3A_564 : i32 to index
        %swap3A_566 = arith.constant 240 : index
        %swap3A_567 = tpu.vector_load %arg16[%swap3A_565, %swap3A_566] {strides = array<i32>} : memref<8x512xf32, #tpu.memory_space<vmem>>, vector<1x16xf32>,
        %swap3A_568 = vector.shape_cast %swap3A_567 : vector<1x16xf32> to vector<16xf32>
        %swap3A_569 = vector.shape_cast %mul3A_562 : vector<16xf32> to vector<1x16xf32>
        tpu.vector_store %arg16[%swap3A_565, %swap3A_566], %swap3A_569 {strides = array<i32>} : memref<8x512xf32, #tpu.memory_space<vmem>>, vector<1x16xf32>,
        %mul3A_570 = vector.broadcast %scan3A : f32 to vector<16xf32>
        %mul3A_571 = arith.mulf %scan3A_425#16, %mul3A_570 : vector<16xf32>
        %add3A_572 = arith.constant 0 : i32
        %add3A_573 = arith.addi %add3A_572, %scan3A_228 : i32
        %swap3A_574 = arith.index_cast %add3A_573 : i32 to index
        %swap3A_575 = arith.constant 256 : index
        %swap3A_576 = tpu.vector_load %arg16[%swap3A_574, %swap3A_575] {strides = array<i32>} : memref<8x512xf32, #tpu.memory_space<vmem>>, vector<1x16xf32>,
        %swap3A_577 = vector.shape_cast %swap3A_576 : vector<1x16xf32> to vector<16xf32>
        %swap3A_578 = vector.shape_cast %mul3A_571 : vector<16xf32> to vector<1x16xf32>
        tpu.vector_store %arg16[%swap3A_574, %swap3A_575], %swap3A_578 {strides = array<i32>} : memref<8x512xf32, #tpu.memory_space<vmem>>, vector<1x16xf32>,
        %mul3A_579 = vector.broadcast %scan3A : f32 to vector<16xf32>
        %mul3A_580 = arith.mulf %scan3A_425#17, %mul3A_579 : vector<16xf32>
        %add3A_581 = arith.constant 0 : i32
        %add3A_582 = arith.addi %add3A_581, %scan3A_228 : i32
        %swap3A_583 = arith.index_cast %add3A_582 : i32 to index
        %swap3A_584 = arith.constant 272 : index
        %swap3A_585 = tpu.vector_load %arg16[%swap3A_583, %swap3A_584] {strides = array<i32>} : memref<8x512xf32, #tpu.memory_space<vmem>>, vector<1x16xf32>,
        %swap3A_586 = vector.shape_cast %swap3A_585 : vector<1x16xf32> to vector<16xf32>
        %swap3A_587 = vector.shape_cast %mul3A_580 : vector<16xf32> to vector<1x16xf32>
        tpu.vector_store %arg16[%swap3A_583, %swap3A_584], %swap3A_587 {strides = array<i32>} : memref<8x512xf32, #tpu.memory_space<vmem>>, vector<1x16xf32>,
        %mul3A_588 = vector.broadcast %scan3A : f32 to vector<16xf32>
        %mul3A_589 = arith.mulf %scan3A_425#18, %mul3A_588 : vector<16xf32>
        %add3A_590 = arith.constant 0 : i32
        %add3A_591 = arith.addi %add3A_590, %scan3A_228 : i32
        %swap3A_592 = arith.index_cast %add3A_591 : i32 to index
        %swap3A_593 = arith.constant 288 : index
        %swap3A_594 = tpu.vector_load %arg16[%swap3A_592, %swap3A_593] {strides = array<i32>} : memref<8x512xf32, #tpu.memory_space<vmem>>, vector<1x16xf32>,
        %swap3A_595 = vector.shape_cast %swap3A_594 : vector<1x16xf32> to vector<16xf32>
        %swap3A_596 = vector.shape_cast %mul3A_589 : vector<16xf32> to vector<1x16xf32>
        tpu.vector_store %arg16[%swap3A_592, %swap3A_593], %swap3A_596 {strides = array<i32>} : memref<8x512xf32, #tpu.memory_space<vmem>>, vector<1x16xf32>,
        %mul3A_597 = vector.broadcast %scan3A : f32 to vector<16xf32>
        %mul3A_598 = arith.mulf %scan3A_425#19, %mul3A_597 : vector<16xf32>
        %add3A_599 = arith.constant 0 : i32
        %add3A_600 = arith.addi %add3A_599, %scan3A_228 : i32
        %swap3A_601 = arith.index_cast %add3A_600 : i32 to index
        %swap3A_602 = arith.constant 304 : index
        %swap3A_603 = tpu.vector_load %arg16[%swap3A_601, %swap3A_602] {strides = array<i32>} : memref<8x512xf32, #tpu.memory_space<vmem>>, vector<1x16xf32>,
        %swap3A_604 = vector.shape_cast %swap3A_603 : vector<1x16xf32> to vector<16xf32>
        %swap3A_605 = vector.shape_cast %mul3A_598 : vector<16xf32> to vector<1x16xf32>
        tpu.vector_store %arg16[%swap3A_601, %swap3A_602], %swap3A_605 {strides = array<i32>} : memref<8x512xf32, #tpu.memory_space<vmem>>, vector<1x16xf32>,
        %mul3A_606 = vector.broadcast %scan3A : f32 to vector<16xf32>
        %mul3A_607 = arith.mulf %scan3A_425#20, %mul3A_606 : vector<16xf32>
        %add3A_608 = arith.constant 0 : i32
        %add3A_609 = arith.addi %add3A_608, %scan3A_228 : i32
        %swap3A_610 = arith.index_cast %add3A_609 : i32 to index
        %swap3A_611 = arith.constant 320 : index
        %swap3A_612 = tpu.vector_load %arg16[%swap3A_610, %swap3A_611] {strides = array<i32>} : memref<8x512xf32, #tpu.memory_space<vmem>>, vector<1x16xf32>,
        %swap3A_613 = vector.shape_cast %swap3A_612 : vector<1x16xf32> to vector<16xf32>
        %swap3A_614 = vector.shape_cast %mul3A_607 : vector<16xf32> to vector<1x16xf32>
        tpu.vector_store %arg16[%swap3A_610, %swap3A_611], %swap3A_614 {strides = array<i32>} : memref<8x512xf32, #tpu.memory_space<vmem>>, vector<1x16xf32>,
        %mul3A_615 = vector.broadcast %scan3A : f32 to vector<16xf32>
        %mul3A_616 = arith.mulf %scan3A_425#21, %mul3A_615 : vector<16xf32>
        %add3A_617 = arith.constant 0 : i32
        %add3A_618 = arith.addi %add3A_617, %scan3A_228 : i32
        %swap3A_619 = arith.index_cast %add3A_618 : i32 to index
        %swap3A_620 = arith.constant 336 : index
        %swap3A_621 = tpu.vector_load %arg16[%swap3A_619, %swap3A_620] {strides = array<i32>} : memref<8x512xf32, #tpu.memory_space<vmem>>, vector<1x16xf32>,
        %swap3A_622 = vector.shape_cast %swap3A_621 : vector<1x16xf32> to vector<16xf32>
        %swap3A_623 = vector.shape_cast %mul3A_616 : vector<16xf32> to vector<1x16xf32>
        tpu.vector_store %arg16[%swap3A_619, %swap3A_620], %swap3A_623 {strides = array<i32>} : memref<8x512xf32, #tpu.memory_space<vmem>>, vector<1x16xf32>,
        %mul3A_624 = vector.broadcast %scan3A : f32 to vector<16xf32>
        %mul3A_625 = arith.mulf %scan3A_425#22, %mul3A_624 : vector<16xf32>
        %add3A_626 = arith.constant 0 : i32
        %add3A_627 = arith.addi %add3A_626, %scan3A_228 : i32
        %swap3A_628 = arith.index_cast %add3A_627 : i32 to index
        %swap3A_629 = arith.constant 352 : index
        %swap3A_630 = tpu.vector_load %arg16[%swap3A_628, %swap3A_629] {strides = array<i32>} : memref<8x512xf32, #tpu.memory_space<vmem>>, vector<1x16xf32>,
        %swap3A_631 = vector.shape_cast %swap3A_630 : vector<1x16xf32> to vector<16xf32>
        %swap3A_632 = vector.shape_cast %mul3A_625 : vector<16xf32> to vector<1x16xf32>
        tpu.vector_store %arg16[%swap3A_628, %swap3A_629], %swap3A_632 {strides = array<i32>} : memref<8x512xf32, #tpu.memory_space<vmem>>, vector<1x16xf32>,
        %mul3A_633 = vector.broadcast %scan3A : f32 to vector<16xf32>
        %mul3A_634 = arith.mulf %scan3A_425#23, %mul3A_633 : vector<16xf32>
        %add3A_635 = arith.constant 0 : i32
        %add3A_636 = arith.addi %add3A_635, %scan3A_228 : i32
        %swap3A_637 = arith.index_cast %add3A_636 : i32 to index
        %swap3A_638 = arith.constant 368 : index
        %swap3A_639 = tpu.vector_load %arg16[%swap3A_637, %swap3A_638] {strides = array<i32>} : memref<8x512xf32, #tpu.memory_space<vmem>>, vector<1x16xf32>,
        %swap3A_640 = vector.shape_cast %swap3A_639 : vector<1x16xf32> to vector<16xf32>
        %swap3A_641 = vector.shape_cast %mul3A_634 : vector<16xf32> to vector<1x16xf32>
        tpu.vector_store %arg16[%swap3A_637, %swap3A_638], %swap3A_641 {strides = array<i32>} : memref<8x512xf32, #tpu.memory_space<vmem>>, vector<1x16xf32>,
        %mul3A_642 = vector.broadcast %scan3A : f32 to vector<16xf32>
        %mul3A_643 = arith.mulf %scan3A_425#24, %mul3A_642 : vector<16xf32>
        %add3A_644 = arith.constant 0 : i32
        %add3A_645 = arith.addi %add3A_644, %scan3A_228 : i32
        %swap3A_646 = arith.index_cast %add3A_645 : i32 to index
        %swap3A_647 = arith.constant 384 : index
        %swap3A_648 = tpu.vector_load %arg16[%swap3A_646, %swap3A_647] {strides = array<i32>} : memref<8x512xf32, #tpu.memory_space<vmem>>, vector<1x16xf32>,
        %swap3A_649 = vector.shape_cast %swap3A_648 : vector<1x16xf32> to vector<16xf32>
        %swap3A_650 = vector.shape_cast %mul3A_643 : vector<16xf32> to vector<1x16xf32>
        tpu.vector_store %arg16[%swap3A_646, %swap3A_647], %swap3A_650 {strides = array<i32>} : memref<8x512xf32, #tpu.memory_space<vmem>>, vector<1x16xf32>,
        %mul3A_651 = vector.broadcast %scan3A : f32 to vector<16xf32>
        %mul3A_652 = arith.mulf %scan3A_425#25, %mul3A_651 : vector<16xf32>
        %add3A_653 = arith.constant 0 : i32
        %add3A_654 = arith.addi %add3A_653, %scan3A_228 : i32
        %swap3A_655 = arith.index_cast %add3A_654 : i32 to index
        %swap3A_656 = arith.constant 400 : index
        %swap3A_657 = tpu.vector_load %arg16[%swap3A_655, %swap3A_656] {strides = array<i32>} : memref<8x512xf32, #tpu.memory_space<vmem>>, vector<1x16xf32>,
        %swap3A_658 = vector.shape_cast %swap3A_657 : vector<1x16xf32> to vector<16xf32>
        %swap3A_659 = vector.shape_cast %mul3A_652 : vector<16xf32> to vector<1x16xf32>
        tpu.vector_store %arg16[%swap3A_655, %swap3A_656], %swap3A_659 {strides = array<i32>} : memref<8x512xf32, #tpu.memory_space<vmem>>, vector<1x16xf32>,
        %mul3A_660 = vector.broadcast %scan3A : f32 to vector<16xf32>
        %mul3A_661 = arith.mulf %scan3A_425#26, %mul3A_660 : vector<16xf32>
        %add3A_662 = arith.constant 0 : i32
        %add3A_663 = arith.addi %add3A_662, %scan3A_228 : i32
        %swap3A_664 = arith.index_cast %add3A_663 : i32 to index
        %swap3A_665 = arith.constant 416 : index
        %swap3A_666 = tpu.vector_load %arg16[%swap3A_664, %swap3A_665] {strides = array<i32>} : memref<8x512xf32, #tpu.memory_space<vmem>>, vector<1x16xf32>,
        %swap3A_667 = vector.shape_cast %swap3A_666 : vector<1x16xf32> to vector<16xf32>
        %swap3A_668 = vector.shape_cast %mul3A_661 : vector<16xf32> to vector<1x16xf32>
        tpu.vector_store %arg16[%swap3A_664, %swap3A_665], %swap3A_668 {strides = array<i32>} : memref<8x512xf32, #tpu.memory_space<vmem>>, vector<1x16xf32>,
        %mul3A_669 = vector.broadcast %scan3A : f32 to vector<16xf32>
        %mul3A_670 = arith.mulf %scan3A_425#27, %mul3A_669 : vector<16xf32>
        %add3A_671 = arith.constant 0 : i32
        %add3A_672 = arith.addi %add3A_671, %scan3A_228 : i32
        %swap3A_673 = arith.index_cast %add3A_672 : i32 to index
        %swap3A_674 = arith.constant 432 : index
        %swap3A_675 = tpu.vector_load %arg16[%swap3A_673, %swap3A_674] {strides = array<i32>} : memref<8x512xf32, #tpu.memory_space<vmem>>, vector<1x16xf32>,
        %swap3A_676 = vector.shape_cast %swap3A_675 : vector<1x16xf32> to vector<16xf32>
        %swap3A_677 = vector.shape_cast %mul3A_670 : vector<16xf32> to vector<1x16xf32>
        tpu.vector_store %arg16[%swap3A_673, %swap3A_674], %swap3A_677 {strides = array<i32>} : memref<8x512xf32, #tpu.memory_space<vmem>>, vector<1x16xf32>,
        %mul3A_678 = vector.broadcast %scan3A : f32 to vector<16xf32>
        %mul3A_679 = arith.mulf %scan3A_425#28, %mul3A_678 : vector<16xf32>
        %add3A_680 = arith.constant 0 : i32
        %add3A_681 = arith.addi %add3A_680, %scan3A_228 : i32
        %swap3A_682 = arith.index_cast %add3A_681 : i32 to index
        %swap3A_683 = arith.constant 448 : index
        %swap3A_684 = tpu.vector_load %arg16[%swap3A_682, %swap3A_683] {strides = array<i32>} : memref<8x512xf32, #tpu.memory_space<vmem>>, vector<1x16xf32>,
        %swap3A_685 = vector.shape_cast %swap3A_684 : vector<1x16xf32> to vector<16xf32>
        %swap3A_686 = vector.shape_cast %mul3A_679 : vector<16xf32> to vector<1x16xf32>
        tpu.vector_store %arg16[%swap3A_682, %swap3A_683], %swap3A_686 {strides = array<i32>} : memref<8x512xf32, #tpu.memory_space<vmem>>, vector<1x16xf32>,
        %mul3A_687 = vector.broadcast %scan3A : f32 to vector<16xf32>
        %mul3A_688 = arith.mulf %scan3A_425#29, %mul3A_687 : vector<16xf32>
        %add3A_689 = arith.constant 0 : i32
        %add3A_690 = arith.addi %add3A_689, %scan3A_228 : i32
        %swap3A_691 = arith.index_cast %add3A_690 : i32 to index
        %swap3A_692 = arith.constant 464 : index
        %swap3A_693 = tpu.vector_load %arg16[%swap3A_691, %swap3A_692] {strides = array<i32>} : memref<8x512xf32, #tpu.memory_space<vmem>>, vector<1x16xf32>,
        %swap3A_694 = vector.shape_cast %swap3A_693 : vector<1x16xf32> to vector<16xf32>
        %swap3A_695 = vector.shape_cast %mul3A_688 : vector<16xf32> to vector<1x16xf32>
        tpu.vector_store %arg16[%swap3A_691, %swap3A_692], %swap3A_695 {strides = array<i32>} : memref<8x512xf32, #tpu.memory_space<vmem>>, vector<1x16xf32>,
        %mul3A_696 = vector.broadcast %scan3A : f32 to vector<16xf32>
        %mul3A_697 = arith.mulf %scan3A_425#30, %mul3A_696 : vector<16xf32>
        %add3A_698 = arith.constant 0 : i32
        %add3A_699 = arith.addi %add3A_698, %scan3A_228 : i32
        %swap3A_700 = arith.index_cast %add3A_699 : i32 to index
        %swap3A_701 = arith.constant 480 : index
        %swap3A_702 = tpu.vector_load %arg16[%swap3A_700, %swap3A_701] {strides = array<i32>} : memref<8x512xf32, #tpu.memory_space<vmem>>, vector<1x16xf32>,
        %swap3A_703 = vector.shape_cast %swap3A_702 : vector<1x16xf32> to vector<16xf32>
        %swap3A_704 = vector.shape_cast %mul3A_697 : vector<16xf32> to vector<1x16xf32>
        tpu.vector_store %arg16[%swap3A_700, %swap3A_701], %swap3A_704 {strides = array<i32>} : memref<8x512xf32, #tpu.memory_space<vmem>>, vector<1x16xf32>,
        %mul3A_705 = vector.broadcast %scan3A : f32 to vector<16xf32>
        %mul3A_706 = arith.mulf %scan3A_425#31, %mul3A_705 : vector<16xf32>
        %add3A_707 = arith.constant 0 : i32
        %add3A_708 = arith.addi %add3A_707, %scan3A_228 : i32
        %swap3A_709 = arith.index_cast %add3A_708 : i32 to index
        %swap3A_710 = arith.constant 496 : index
        %swap3A_711 = tpu.vector_load %arg16[%swap3A_709, %swap3A_710] {strides = array<i32>} : memref<8x512xf32, #tpu.memory_space<vmem>>, vector<1x16xf32>,
        %swap3A_712 = vector.shape_cast %swap3A_711 : vector<1x16xf32> to vector<16xf32>
        %swap3A_713 = vector.shape_cast %mul3A_706 : vector<16xf32> to vector<1x16xf32>
        tpu.vector_store %arg16[%swap3A_709, %swap3A_710], %swap3A_713 {strides = array<i32>} : memref<8x512xf32, #tpu.memory_space<vmem>>, vector<1x16xf32>,
        %scan3A_714 = arith.constant 0 : i32
        scf.yield %scan3A_714 : i32
      }
      %scan3A_184 = arith.constant 4 : i32
      %add3A_185 = arith.constant 3 : i32
      %add3A_186 = arith.addi %add3A_171, %add3A_185 : i32
      %lt3A_187 = arith.constant 80 : i32
      %lt3A_188 = arith.cmpi slt, %add3A_186, %lt3A_187 : i32
      %convert_element_type3A_189 = arith.extui %lt3A_188 : i1 to i32
      %cond3A_190 = arith.constant 0 : i32
      %cond3A_191 = arith.cmpi ne, %convert_element_type3A_189, %cond3A_190 : i32
      scf.if %cond3A_191 {
        %add3A_228 = arith.constant 3 : i32
        %add3A_229 = arith.addi %add3A_171, %add3A_228 : i32
        %dma_start3A_230 = arith.constant 0 : i32
        %dma_start3A_231 = tpu.memref_slice %arg8[%add3A_229, %dma_start3A_230] : memref<80x40xi32, #tpu.memory_space<vmem>> -> memref<1x40xi32, #tpu.memory_space<vmem>>
        %dma_start3A_232 = tpu.memref_squeeze %dma_start3A_231 : memref<1x40xi32, #tpu.memory_space<vmem>> -> memref<40xi32, #tpu.memory_space<vmem>>
        %dma_start3A_233 = arith.constant 0 : i32
        %dma_start3A_234 = arith.constant 0 : i32
        %dma_start3A_235 = tpu.memref_slice %arg4[%dma_start3A_233, %dma_start3A_234] : memref<50000x512xf32, #tpu.memory_space<hbm>> -> memref<50000x512xf32, #tpu.memory_space<hbm>>
        tpu.enqueue_indirect_dma source(%dma_start3A_235 : memref<50000x512xf32, #tpu.memory_space<hbm>>) target(%arg12 : memref<40x512xf32, #tpu.memory_space<vmem>>) offsets(%dma_start3A_232 : memref<40xi32, #tpu.memory_space<vmem>>) semaphore(%arg20 : memref<!tpu.dma_semaphore, #tpu.memory_space<semaphore_mem>>)
      } else {
      }
      %mul3A_192 = arith.constant 2 : i32
      %mul3A_193 = arith.muli %add3A_149, %mul3A_192 : i32
      %add3A_194 = arith.constant 1 : i32
      %add3A_195 = arith.addi %mul3A_193, %add3A_194 : i32
      %dma_wait3A_196 = arith.constant 0 : i32
      %dma_wait3A_197 = tpu.memref_slice %arg8[%add3A_195, %dma_wait3A_196] : memref<80x40xi32, #tpu.memory_space<vmem>> -> memref<1x40xi32, #tpu.memory_space<vmem>>
      %dma_wait3A_198 = tpu.memref_squeeze %dma_wait3A_197 : memref<1x40xi32, #tpu.memory_space<vmem>> -> memref<40xi32, #tpu.memory_space<vmem>>
      %dma_wait3A_199 = arith.constant 0 : i32
      %dma_wait3A_200 = arith.constant 0 : i32
      %dma_wait3A_201 = tpu.memref_slice %arg4[%dma_wait3A_199, %dma_wait3A_200] : memref<50000x512xf32, #tpu.memory_space<hbm>> -> memref<50000x512xf32, #tpu.memory_space<hbm>>
      tpu.wait_indirect_dma semaphore(%arg22 : memref<!tpu.dma_semaphore, #tpu.memory_space<semaphore_mem>>) src(%dma_wait3A_201 : memref<50000x512xf32, #tpu.memory_space<hbm>>) dst(%arg14 : memref<40x512xf32, #tpu.memory_space<vmem>>)
      %scan3A_202 = arith.constant 0 : i32
      %scan3A_203 = arith.constant 0 : i32
      %scan3A_204 = arith.constant 4 : i32
      %scan3A_205 = arith.addi %scan3A_203, %scan3A_204 : i32
      %scan3A_206 = arith.constant 1 : i32
      %scan3A_207 = scf.for %scan3A_228 = %scan3A_203 to %scan3A_205 step %scan3A_206 iter_args(%scan3A_229 = %scan3A_202) -> (i32)  : i32 {
        %mul3A_230 = arith.constant 10 : i32
        %mul3A_231 = arith.muli %scan3A_228, %mul3A_230 : i32
        %get3A = arith.index_cast %mul3A_231 : i32 to index
        %get3A_232 = arith.constant 0 : index
        %get3A_233 = tpu.vector_load %arg14[%get3A, %get3A_232] {strides = array<i32>} : memref<40x512xf32, #tpu.memory_space<vmem>>, vector<1x16xf32>,
        %get3A_234 = vector.shape_cast %get3A_233 : vector<1x16xf32> to vector<16xf32>
        %mul3A_235 = arith.constant 10 : i32
        %mul3A_236 = arith.muli %scan3A_228, %mul3A_235 : i32
        %get3A_237 = arith.index_cast %mul3A_236 : i32 to index
        %get3A_238 = arith.constant 16 : index
        %get3A_239 = tpu.vector_load %arg14[%get3A_237, %get3A_238] {strides = array<i32>} : memref<40x512xf32, #tpu.memory_space<vmem>>, vector<1x16xf32>,
        %get3A_240 = vector.shape_cast %get3A_239 : vector<1x16xf32> to vector<16xf32>
        %mul3A_241 = arith.constant 10 : i32
        %mul3A_242 = arith.muli %scan3A_228, %mul3A_241 : i32
        %get3A_243 = arith.index_cast %mul3A_242 : i32 to index
        %get3A_244 = arith.constant 32 : index
        %get3A_245 = tpu.vector_load %arg14[%get3A_243, %get3A_244] {strides = array<i32>} : memref<40x512xf32, #tpu.memory_space<vmem>>, vector<1x16xf32>,
        %get3A_246 = vector.shape_cast %get3A_245 : vector<1x16xf32> to vector<16xf32>
        %mul3A_247 = arith.constant 10 : i32
        %mul3A_248 = arith.muli %scan3A_228, %mul3A_247 : i32
        %get3A_249 = arith.index_cast %mul3A_248 : i32 to index
        %get3A_250 = arith.constant 48 : index
        %get3A_251 = tpu.vector_load %arg14[%get3A_249, %get3A_250] {strides = array<i32>} : memref<40x512xf32, #tpu.memory_space<vmem>>, vector<1x16xf32>,
        %get3A_252 = vector.shape_cast %get3A_251 : vector<1x16xf32> to vector<16xf32>
        %mul3A_253 = arith.constant 10 : i32
        %mul3A_254 = arith.muli %scan3A_228, %mul3A_253 : i32
        %get3A_255 = arith.index_cast %mul3A_254 : i32 to index
        %get3A_256 = arith.constant 64 : index
        %get3A_257 = tpu.vector_load %arg14[%get3A_255, %get3A_256] {strides = array<i32>} : memref<40x512xf32, #tpu.memory_space<vmem>>, vector<1x16xf32>,
        %get3A_258 = vector.shape_cast %get3A_257 : vector<1x16xf32> to vector<16xf32>
        %mul3A_259 = arith.constant 10 : i32
        %mul3A_260 = arith.muli %scan3A_228, %mul3A_259 : i32
        %get3A_261 = arith.index_cast %mul3A_260 : i32 to index
        %get3A_262 = arith.constant 80 : index
        %get3A_263 = tpu.vector_load %arg14[%get3A_261, %get3A_262] {strides = array<i32>} : memref<40x512xf32, #tpu.memory_space<vmem>>, vector<1x16xf32>,
        %get3A_264 = vector.shape_cast %get3A_263 : vector<1x16xf32> to vector<16xf32>
        %mul3A_265 = arith.constant 10 : i32
        %mul3A_266 = arith.muli %scan3A_228, %mul3A_265 : i32
        %get3A_267 = arith.index_cast %mul3A_266 : i32 to index
        %get3A_268 = arith.constant 96 : index
        %get3A_269 = tpu.vector_load %arg14[%get3A_267, %get3A_268] {strides = array<i32>} : memref<40x512xf32, #tpu.memory_space<vmem>>, vector<1x16xf32>,
        %get3A_270 = vector.shape_cast %get3A_269 : vector<1x16xf32> to vector<16xf32>
        %mul3A_271 = arith.constant 10 : i32
        %mul3A_272 = arith.muli %scan3A_228, %mul3A_271 : i32
        %get3A_273 = arith.index_cast %mul3A_272 : i32 to index
        %get3A_274 = arith.constant 112 : index
        %get3A_275 = tpu.vector_load %arg14[%get3A_273, %get3A_274] {strides = array<i32>} : memref<40x512xf32, #tpu.memory_space<vmem>>, vector<1x16xf32>,
        %get3A_276 = vector.shape_cast %get3A_275 : vector<1x16xf32> to vector<16xf32>
        %mul3A_277 = arith.constant 10 : i32
        %mul3A_278 = arith.muli %scan3A_228, %mul3A_277 : i32
        %get3A_279 = arith.index_cast %mul3A_278 : i32 to index
        %get3A_280 = arith.constant 128 : index
        %get3A_281 = tpu.vector_load %arg14[%get3A_279, %get3A_280] {strides = array<i32>} : memref<40x512xf32, #tpu.memory_space<vmem>>, vector<1x16xf32>,
        %get3A_282 = vector.shape_cast %get3A_281 : vector<1x16xf32> to vector<16xf32>
        %mul3A_283 = arith.constant 10 : i32
        %mul3A_284 = arith.muli %scan3A_228, %mul3A_283 : i32
        %get3A_285 = arith.index_cast %mul3A_284 : i32 to index
        %get3A_286 = arith.constant 144 : index
        %get3A_287 = tpu.vector_load %arg14[%get3A_285, %get3A_286] {strides = array<i32>} : memref<40x512xf32, #tpu.memory_space<vmem>>, vector<1x16xf32>,
        %get3A_288 = vector.shape_cast %get3A_287 : vector<1x16xf32> to vector<16xf32>
        %mul3A_289 = arith.constant 10 : i32
        %mul3A_290 = arith.muli %scan3A_228, %mul3A_289 : i32
        %get3A_291 = arith.index_cast %mul3A_290 : i32 to index
        %get3A_292 = arith.constant 160 : index
        %get3A_293 = tpu.vector_load %arg14[%get3A_291, %get3A_292] {strides = array<i32>} : memref<40x512xf32, #tpu.memory_space<vmem>>, vector<1x16xf32>,
        %get3A_294 = vector.shape_cast %get3A_293 : vector<1x16xf32> to vector<16xf32>
        %mul3A_295 = arith.constant 10 : i32
        %mul3A_296 = arith.muli %scan3A_228, %mul3A_295 : i32
        %get3A_297 = arith.index_cast %mul3A_296 : i32 to index
        %get3A_298 = arith.constant 176 : index
        %get3A_299 = tpu.vector_load %arg14[%get3A_297, %get3A_298] {strides = array<i32>} : memref<40x512xf32, #tpu.memory_space<vmem>>, vector<1x16xf32>,
        %get3A_300 = vector.shape_cast %get3A_299 : vector<1x16xf32> to vector<16xf32>
        %mul3A_301 = arith.constant 10 : i32
        %mul3A_302 = arith.muli %scan3A_228, %mul3A_301 : i32
        %get3A_303 = arith.index_cast %mul3A_302 : i32 to index
        %get3A_304 = arith.constant 192 : index
        %get3A_305 = tpu.vector_load %arg14[%get3A_303, %get3A_304] {strides = array<i32>} : memref<40x512xf32, #tpu.memory_space<vmem>>, vector<1x16xf32>,
        %get3A_306 = vector.shape_cast %get3A_305 : vector<1x16xf32> to vector<16xf32>
        %mul3A_307 = arith.constant 10 : i32
        %mul3A_308 = arith.muli %scan3A_228, %mul3A_307 : i32
        %get3A_309 = arith.index_cast %mul3A_308 : i32 to index
        %get3A_310 = arith.constant 208 : index
        %get3A_311 = tpu.vector_load %arg14[%get3A_309, %get3A_310] {strides = array<i32>} : memref<40x512xf32, #tpu.memory_space<vmem>>, vector<1x16xf32>,
        %get3A_312 = vector.shape_cast %get3A_311 : vector<1x16xf32> to vector<16xf32>
        %mul3A_313 = arith.constant 10 : i32
        %mul3A_314 = arith.muli %scan3A_228, %mul3A_313 : i32
        %get3A_315 = arith.index_cast %mul3A_314 : i32 to index
        %get3A_316 = arith.constant 224 : index
        %get3A_317 = tpu.vector_load %arg14[%get3A_315, %get3A_316] {strides = array<i32>} : memref<40x512xf32, #tpu.memory_space<vmem>>, vector<1x16xf32>,
        %get3A_318 = vector.shape_cast %get3A_317 : vector<1x16xf32> to vector<16xf32>
        %mul3A_319 = arith.constant 10 : i32
        %mul3A_320 = arith.muli %scan3A_228, %mul3A_319 : i32
        %get3A_321 = arith.index_cast %mul3A_320 : i32 to index
        %get3A_322 = arith.constant 240 : index
        %get3A_323 = tpu.vector_load %arg14[%get3A_321, %get3A_322] {strides = array<i32>} : memref<40x512xf32, #tpu.memory_space<vmem>>, vector<1x16xf32>,
        %get3A_324 = vector.shape_cast %get3A_323 : vector<1x16xf32> to vector<16xf32>
        %mul3A_325 = arith.constant 10 : i32
        %mul3A_326 = arith.muli %scan3A_228, %mul3A_325 : i32
        %get3A_327 = arith.index_cast %mul3A_326 : i32 to index
        %get3A_328 = arith.constant 256 : index
        %get3A_329 = tpu.vector_load %arg14[%get3A_327, %get3A_328] {strides = array<i32>} : memref<40x512xf32, #tpu.memory_space<vmem>>, vector<1x16xf32>,
        %get3A_330 = vector.shape_cast %get3A_329 : vector<1x16xf32> to vector<16xf32>
        %mul3A_331 = arith.constant 10 : i32
        %mul3A_332 = arith.muli %scan3A_228, %mul3A_331 : i32
        %get3A_333 = arith.index_cast %mul3A_332 : i32 to index
        %get3A_334 = arith.constant 272 : index
        %get3A_335 = tpu.vector_load %arg14[%get3A_333, %get3A_334] {strides = array<i32>} : memref<40x512xf32, #tpu.memory_space<vmem>>, vector<1x16xf32>,
        %get3A_336 = vector.shape_cast %get3A_335 : vector<1x16xf32> to vector<16xf32>
        %mul3A_337 = arith.constant 10 : i32
        %mul3A_338 = arith.muli %scan3A_228, %mul3A_337 : i32
        %get3A_339 = arith.index_cast %mul3A_338 : i32 to index
        %get3A_340 = arith.constant 288 : index
        %get3A_341 = tpu.vector_load %arg14[%get3A_339, %get3A_340] {strides = array<i32>} : memref<40x512xf32, #tpu.memory_space<vmem>>, vector<1x16xf32>,
        %get3A_342 = vector.shape_cast %get3A_341 : vector<1x16xf32> to vector<16xf32>
        %mul3A_343 = arith.constant 10 : i32
        %mul3A_344 = arith.muli %scan3A_228, %mul3A_343 : i32
        %get3A_345 = arith.index_cast %mul3A_344 : i32 to index
        %get3A_346 = arith.constant 304 : index
        %get3A_347 = tpu.vector_load %arg14[%get3A_345, %get3A_346] {strides = array<i32>} : memref<40x512xf32, #tpu.memory_space<vmem>>, vector<1x16xf32>,
        %get3A_348 = vector.shape_cast %get3A_347 : vector<1x16xf32> to vector<16xf32>
        %mul3A_349 = arith.constant 10 : i32
        %mul3A_350 = arith.muli %scan3A_228, %mul3A_349 : i32
        %get3A_351 = arith.index_cast %mul3A_350 : i32 to index
        %get3A_352 = arith.constant 320 : index
        %get3A_353 = tpu.vector_load %arg14[%get3A_351, %get3A_352] {strides = array<i32>} : memref<40x512xf32, #tpu.memory_space<vmem>>, vector<1x16xf32>,
        %get3A_354 = vector.shape_cast %get3A_353 : vector<1x16xf32> to vector<16xf32>
        %mul3A_355 = arith.constant 10 : i32
        %mul3A_356 = arith.muli %scan3A_228, %mul3A_355 : i32
        %get3A_357 = arith.index_cast %mul3A_356 : i32 to index
        %get3A_358 = arith.constant 336 : index
        %get3A_359 = tpu.vector_load %arg14[%get3A_357, %get3A_358] {strides = array<i32>} : memref<40x512xf32, #tpu.memory_space<vmem>>, vector<1x16xf32>,
        %get3A_360 = vector.shape_cast %get3A_359 : vector<1x16xf32> to vector<16xf32>
        %mul3A_361 = arith.constant 10 : i32
        %mul3A_362 = arith.muli %scan3A_228, %mul3A_361 : i32
        %get3A_363 = arith.index_cast %mul3A_362 : i32 to index
        %get3A_364 = arith.constant 352 : index
        %get3A_365 = tpu.vector_load %arg14[%get3A_363, %get3A_364] {strides = array<i32>} : memref<40x512xf32, #tpu.memory_space<vmem>>, vector<1x16xf32>,
        %get3A_366 = vector.shape_cast %get3A_365 : vector<1x16xf32> to vector<16xf32>
        %mul3A_367 = arith.constant 10 : i32
        %mul3A_368 = arith.muli %scan3A_228, %mul3A_367 : i32
        %get3A_369 = arith.index_cast %mul3A_368 : i32 to index
        %get3A_370 = arith.constant 368 : index
        %get3A_371 = tpu.vector_load %arg14[%get3A_369, %get3A_370] {strides = array<i32>} : memref<40x512xf32, #tpu.memory_space<vmem>>, vector<1x16xf32>,
        %get3A_372 = vector.shape_cast %get3A_371 : vector<1x16xf32> to vector<16xf32>
        %mul3A_373 = arith.constant 10 : i32
        %mul3A_374 = arith.muli %scan3A_228, %mul3A_373 : i32
        %get3A_375 = arith.index_cast %mul3A_374 : i32 to index
        %get3A_376 = arith.constant 384 : index
        %get3A_377 = tpu.vector_load %arg14[%get3A_375, %get3A_376] {strides = array<i32>} : memref<40x512xf32, #tpu.memory_space<vmem>>, vector<1x16xf32>,
        %get3A_378 = vector.shape_cast %get3A_377 : vector<1x16xf32> to vector<16xf32>
        %mul3A_379 = arith.constant 10 : i32
        %mul3A_380 = arith.muli %scan3A_228, %mul3A_379 : i32
        %get3A_381 = arith.index_cast %mul3A_380 : i32 to index
        %get3A_382 = arith.constant 400 : index
        %get3A_383 = tpu.vector_load %arg14[%get3A_381, %get3A_382] {strides = array<i32>} : memref<40x512xf32, #tpu.memory_space<vmem>>, vector<1x16xf32>,
        %get3A_384 = vector.shape_cast %get3A_383 : vector<1x16xf32> to vector<16xf32>
        %mul3A_385 = arith.constant 10 : i32
        %mul3A_386 = arith.muli %scan3A_228, %mul3A_385 : i32
        %get3A_387 = arith.index_cast %mul3A_386 : i32 to index
        %get3A_388 = arith.constant 416 : index
        %get3A_389 = tpu.vector_load %arg14[%get3A_387, %get3A_388] {strides = array<i32>} : memref<40x512xf32, #tpu.memory_space<vmem>>, vector<1x16xf32>,
        %get3A_390 = vector.shape_cast %get3A_389 : vector<1x16xf32> to vector<16xf32>
        %mul3A_391 = arith.constant 10 : i32
        %mul3A_392 = arith.muli %scan3A_228, %mul3A_391 : i32
        %get3A_393 = arith.index_cast %mul3A_392 : i32 to index
        %get3A_394 = arith.constant 432 : index
        %get3A_395 = tpu.vector_load %arg14[%get3A_393, %get3A_394] {strides = array<i32>} : memref<40x512xf32, #tpu.memory_space<vmem>>, vector<1x16xf32>,
        %get3A_396 = vector.shape_cast %get3A_395 : vector<1x16xf32> to vector<16xf32>
        %mul3A_397 = arith.constant 10 : i32
        %mul3A_398 = arith.muli %scan3A_228, %mul3A_397 : i32
        %get3A_399 = arith.index_cast %mul3A_398 : i32 to index
        %get3A_400 = arith.constant 448 : index
        %get3A_401 = tpu.vector_load %arg14[%get3A_399, %get3A_400] {strides = array<i32>} : memref<40x512xf32, #tpu.memory_space<vmem>>, vector<1x16xf32>,
        %get3A_402 = vector.shape_cast %get3A_401 : vector<1x16xf32> to vector<16xf32>
        %mul3A_403 = arith.constant 10 : i32
        %mul3A_404 = arith.muli %scan3A_228, %mul3A_403 : i32
        %get3A_405 = arith.index_cast %mul3A_404 : i32 to index
        %get3A_406 = arith.constant 464 : index
        %get3A_407 = tpu.vector_load %arg14[%get3A_405, %get3A_406] {strides = array<i32>} : memref<40x512xf32, #tpu.memory_space<vmem>>, vector<1x16xf32>,
        %get3A_408 = vector.shape_cast %get3A_407 : vector<1x16xf32> to vector<16xf32>
        %mul3A_409 = arith.constant 10 : i32
        %mul3A_410 = arith.muli %scan3A_228, %mul3A_409 : i32
        %get3A_411 = arith.index_cast %mul3A_410 : i32 to index
        %get3A_412 = arith.constant 480 : index
        %get3A_413 = tpu.vector_load %arg14[%get3A_411, %get3A_412] {strides = array<i32>} : memref<40x512xf32, #tpu.memory_space<vmem>>, vector<1x16xf32>,
        %get3A_414 = vector.shape_cast %get3A_413 : vector<1x16xf32> to vector<16xf32>
        %mul3A_415 = arith.constant 10 : i32
        %mul3A_416 = arith.muli %scan3A_228, %mul3A_415 : i32
        %get3A_417 = arith.index_cast %mul3A_416 : i32 to index
        %get3A_418 = arith.constant 496 : index
        %get3A_419 = tpu.vector_load %arg14[%get3A_417, %get3A_418] {strides = array<i32>} : memref<40x512xf32, #tpu.memory_space<vmem>>, vector<1x16xf32>,
        %get3A_420 = vector.shape_cast %get3A_419 : vector<1x16xf32> to vector<16xf32>
        %scan3A_421 = arith.constant 1 : i32
        %scan3A_422 = arith.constant 9 : i32
        %scan3A_423 = arith.addi %scan3A_421, %scan3A_422 : i32
        %scan3A_424 = arith.constant 1 : i32
        %scan3A_425:32 = scf.for %scan3A_715 = %scan3A_421 to %scan3A_423 step %scan3A_424 iter_args(%scan3A_716 = %get3A_234, %scan3A_717 = %get3A_240, %scan3A_718 = %get3A_246, %scan3A_719 = %get3A_252, %scan3A_720 = %get3A_258, %scan3A_721 = %get3A_264, %scan3A_722 = %get3A_270, %scan3A_723 = %get3A_276, %scan3A_724 = %get3A_282, %scan3A_725 = %get3A_288, %scan3A_726 = %get3A_294, %scan3A_727 = %get3A_300, %scan3A_728 = %get3A_306, %scan3A_729 = %get3A_312, %scan3A_730 = %get3A_318, %scan3A_731 = %get3A_324, %scan3A_732 = %get3A_330, %scan3A_733 = %get3A_336, %scan3A_734 = %get3A_342, %scan3A_735 = %get3A_348, %scan3A_736 = %get3A_354, %scan3A_737 = %get3A_360, %scan3A_738 = %get3A_366, %scan3A_739 = %get3A_372, %scan3A_740 = %get3A_378, %scan3A_741 = %get3A_384, %scan3A_742 = %get3A_390, %scan3A_743 = %get3A_396, %scan3A_744 = %get3A_402, %scan3A_745 = %get3A_408, %scan3A_746 = %get3A_414, %scan3A_747 = %get3A_420) -> (vector<16xf32>, vector<16xf32>, vector<16xf32>, vector<16xf32>, vector<16xf32>, vector<16xf32>, vector<16xf32>, vector<16xf32>, vector<16xf32>, vector<16xf32>, vector<16xf32>, vector<16xf32>, vector<16xf32>, vector<16xf32>, vector<16xf32>, vector<16xf32>, vector<16xf32>, vector<16xf32>, vector<16xf32>, vector<16xf32>, vector<16xf32>, vector<16xf32>, vector<16xf32>, vector<16xf32>, vector<16xf32>, vector<16xf32>, vector<16xf32>, vector<16xf32>, vector<16xf32>, vector<16xf32>, vector<16xf32>, vector<16xf32>)  : i32 {
          %mul3A_748 = arith.constant 10 : i32
          %mul3A_749 = arith.muli %scan3A_228, %mul3A_748 : i32
          %add3A_750 = arith.addi %mul3A_749, %scan3A_715 : i32
          %get3A_751 = arith.index_cast %add3A_750 : i32 to index
          %get3A_752 = arith.constant 0 : index
          %get3A_753 = tpu.vector_load %arg14[%get3A_751, %get3A_752] {strides = array<i32>} : memref<40x512xf32, #tpu.memory_space<vmem>>, vector<1x16xf32>,
          %get3A_754 = vector.shape_cast %get3A_753 : vector<1x16xf32> to vector<16xf32>
          %add3A_755 = arith.addf %scan3A_716, %get3A_754 : vector<16xf32>
          %get3A_756 = arith.index_cast %add3A_750 : i32 to index
          %get3A_757 = arith.constant 16 : index
          %get3A_758 = tpu.vector_load %arg14[%get3A_756, %get3A_757] {strides = array<i32>} : memref<40x512xf32, #tpu.memory_space<vmem>>, vector<1x16xf32>,
          %get3A_759 = vector.shape_cast %get3A_758 : vector<1x16xf32> to vector<16xf32>
          %add3A_760 = arith.addf %scan3A_717, %get3A_759 : vector<16xf32>
          %get3A_761 = arith.index_cast %add3A_750 : i32 to index
          %get3A_762 = arith.constant 32 : index
          %get3A_763 = tpu.vector_load %arg14[%get3A_761, %get3A_762] {strides = array<i32>} : memref<40x512xf32, #tpu.memory_space<vmem>>, vector<1x16xf32>,
          %get3A_764 = vector.shape_cast %get3A_763 : vector<1x16xf32> to vector<16xf32>
          %add3A_765 = arith.addf %scan3A_718, %get3A_764 : vector<16xf32>
          %get3A_766 = arith.index_cast %add3A_750 : i32 to index
          %get3A_767 = arith.constant 48 : index
          %get3A_768 = tpu.vector_load %arg14[%get3A_766, %get3A_767] {strides = array<i32>} : memref<40x512xf32, #tpu.memory_space<vmem>>, vector<1x16xf32>,
          %get3A_769 = vector.shape_cast %get3A_768 : vector<1x16xf32> to vector<16xf32>
          %add3A_770 = arith.addf %scan3A_719, %get3A_769 : vector<16xf32>
          %get3A_771 = arith.index_cast %add3A_750 : i32 to index
          %get3A_772 = arith.constant 64 : index
          %get3A_773 = tpu.vector_load %arg14[%get3A_771, %get3A_772] {strides = array<i32>} : memref<40x512xf32, #tpu.memory_space<vmem>>, vector<1x16xf32>,
          %get3A_774 = vector.shape_cast %get3A_773 : vector<1x16xf32> to vector<16xf32>
          %add3A_775 = arith.addf %scan3A_720, %get3A_774 : vector<16xf32>
          %get3A_776 = arith.index_cast %add3A_750 : i32 to index
          %get3A_777 = arith.constant 80 : index
          %get3A_778 = tpu.vector_load %arg14[%get3A_776, %get3A_777] {strides = array<i32>} : memref<40x512xf32, #tpu.memory_space<vmem>>, vector<1x16xf32>,
          %get3A_779 = vector.shape_cast %get3A_778 : vector<1x16xf32> to vector<16xf32>
          %add3A_780 = arith.addf %scan3A_721, %get3A_779 : vector<16xf32>
          %get3A_781 = arith.index_cast %add3A_750 : i32 to index
          %get3A_782 = arith.constant 96 : index
          %get3A_783 = tpu.vector_load %arg14[%get3A_781, %get3A_782] {strides = array<i32>} : memref<40x512xf32, #tpu.memory_space<vmem>>, vector<1x16xf32>,
          %get3A_784 = vector.shape_cast %get3A_783 : vector<1x16xf32> to vector<16xf32>
          %add3A_785 = arith.addf %scan3A_722, %get3A_784 : vector<16xf32>
          %get3A_786 = arith.index_cast %add3A_750 : i32 to index
          %get3A_787 = arith.constant 112 : index
          %get3A_788 = tpu.vector_load %arg14[%get3A_786, %get3A_787] {strides = array<i32>} : memref<40x512xf32, #tpu.memory_space<vmem>>, vector<1x16xf32>,
          %get3A_789 = vector.shape_cast %get3A_788 : vector<1x16xf32> to vector<16xf32>
          %add3A_790 = arith.addf %scan3A_723, %get3A_789 : vector<16xf32>
          %get3A_791 = arith.index_cast %add3A_750 : i32 to index
          %get3A_792 = arith.constant 128 : index
          %get3A_793 = tpu.vector_load %arg14[%get3A_791, %get3A_792] {strides = array<i32>} : memref<40x512xf32, #tpu.memory_space<vmem>>, vector<1x16xf32>,
          %get3A_794 = vector.shape_cast %get3A_793 : vector<1x16xf32> to vector<16xf32>
          %add3A_795 = arith.addf %scan3A_724, %get3A_794 : vector<16xf32>
          %get3A_796 = arith.index_cast %add3A_750 : i32 to index
          %get3A_797 = arith.constant 144 : index
          %get3A_798 = tpu.vector_load %arg14[%get3A_796, %get3A_797] {strides = array<i32>} : memref<40x512xf32, #tpu.memory_space<vmem>>, vector<1x16xf32>,
          %get3A_799 = vector.shape_cast %get3A_798 : vector<1x16xf32> to vector<16xf32>
          %add3A_800 = arith.addf %scan3A_725, %get3A_799 : vector<16xf32>
          %get3A_801 = arith.index_cast %add3A_750 : i32 to index
          %get3A_802 = arith.constant 160 : index
          %get3A_803 = tpu.vector_load %arg14[%get3A_801, %get3A_802] {strides = array<i32>} : memref<40x512xf32, #tpu.memory_space<vmem>>, vector<1x16xf32>,
          %get3A_804 = vector.shape_cast %get3A_803 : vector<1x16xf32> to vector<16xf32>
          %add3A_805 = arith.addf %scan3A_726, %get3A_804 : vector<16xf32>
          %get3A_806 = arith.index_cast %add3A_750 : i32 to index
          %get3A_807 = arith.constant 176 : index
          %get3A_808 = tpu.vector_load %arg14[%get3A_806, %get3A_807] {strides = array<i32>} : memref<40x512xf32, #tpu.memory_space<vmem>>, vector<1x16xf32>,
          %get3A_809 = vector.shape_cast %get3A_808 : vector<1x16xf32> to vector<16xf32>
          %add3A_810 = arith.addf %scan3A_727, %get3A_809 : vector<16xf32>
          %get3A_811 = arith.index_cast %add3A_750 : i32 to index
          %get3A_812 = arith.constant 192 : index
          %get3A_813 = tpu.vector_load %arg14[%get3A_811, %get3A_812] {strides = array<i32>} : memref<40x512xf32, #tpu.memory_space<vmem>>, vector<1x16xf32>,
          %get3A_814 = vector.shape_cast %get3A_813 : vector<1x16xf32> to vector<16xf32>
          %add3A_815 = arith.addf %scan3A_728, %get3A_814 : vector<16xf32>
          %get3A_816 = arith.index_cast %add3A_750 : i32 to index
          %get3A_817 = arith.constant 208 : index
          %get3A_818 = tpu.vector_load %arg14[%get3A_816, %get3A_817] {strides = array<i32>} : memref<40x512xf32, #tpu.memory_space<vmem>>, vector<1x16xf32>,
          %get3A_819 = vector.shape_cast %get3A_818 : vector<1x16xf32> to vector<16xf32>
          %add3A_820 = arith.addf %scan3A_729, %get3A_819 : vector<16xf32>
          %get3A_821 = arith.index_cast %add3A_750 : i32 to index
          %get3A_822 = arith.constant 224 : index
          %get3A_823 = tpu.vector_load %arg14[%get3A_821, %get3A_822] {strides = array<i32>} : memref<40x512xf32, #tpu.memory_space<vmem>>, vector<1x16xf32>,
          %get3A_824 = vector.shape_cast %get3A_823 : vector<1x16xf32> to vector<16xf32>
          %add3A_825 = arith.addf %scan3A_730, %get3A_824 : vector<16xf32>
          %get3A_826 = arith.index_cast %add3A_750 : i32 to index
          %get3A_827 = arith.constant 240 : index
          %get3A_828 = tpu.vector_load %arg14[%get3A_826, %get3A_827] {strides = array<i32>} : memref<40x512xf32, #tpu.memory_space<vmem>>, vector<1x16xf32>,
          %get3A_829 = vector.shape_cast %get3A_828 : vector<1x16xf32> to vector<16xf32>
          %add3A_830 = arith.addf %scan3A_731, %get3A_829 : vector<16xf32>
          %get3A_831 = arith.index_cast %add3A_750 : i32 to index
          %get3A_832 = arith.constant 256 : index
          %get3A_833 = tpu.vector_load %arg14[%get3A_831, %get3A_832] {strides = array<i32>} : memref<40x512xf32, #tpu.memory_space<vmem>>, vector<1x16xf32>,
          %get3A_834 = vector.shape_cast %get3A_833 : vector<1x16xf32> to vector<16xf32>
          %add3A_835 = arith.addf %scan3A_732, %get3A_834 : vector<16xf32>
          %get3A_836 = arith.index_cast %add3A_750 : i32 to index
          %get3A_837 = arith.constant 272 : index
          %get3A_838 = tpu.vector_load %arg14[%get3A_836, %get3A_837] {strides = array<i32>} : memref<40x512xf32, #tpu.memory_space<vmem>>, vector<1x16xf32>,
          %get3A_839 = vector.shape_cast %get3A_838 : vector<1x16xf32> to vector<16xf32>
          %add3A_840 = arith.addf %scan3A_733, %get3A_839 : vector<16xf32>
          %get3A_841 = arith.index_cast %add3A_750 : i32 to index
          %get3A_842 = arith.constant 288 : index
          %get3A_843 = tpu.vector_load %arg14[%get3A_841, %get3A_842] {strides = array<i32>} : memref<40x512xf32, #tpu.memory_space<vmem>>, vector<1x16xf32>,
          %get3A_844 = vector.shape_cast %get3A_843 : vector<1x16xf32> to vector<16xf32>
          %add3A_845 = arith.addf %scan3A_734, %get3A_844 : vector<16xf32>
          %get3A_846 = arith.index_cast %add3A_750 : i32 to index
          %get3A_847 = arith.constant 304 : index
          %get3A_848 = tpu.vector_load %arg14[%get3A_846, %get3A_847] {strides = array<i32>} : memref<40x512xf32, #tpu.memory_space<vmem>>, vector<1x16xf32>,
          %get3A_849 = vector.shape_cast %get3A_848 : vector<1x16xf32> to vector<16xf32>
          %add3A_850 = arith.addf %scan3A_735, %get3A_849 : vector<16xf32>
          %get3A_851 = arith.index_cast %add3A_750 : i32 to index
          %get3A_852 = arith.constant 320 : index
          %get3A_853 = tpu.vector_load %arg14[%get3A_851, %get3A_852] {strides = array<i32>} : memref<40x512xf32, #tpu.memory_space<vmem>>, vector<1x16xf32>,
          %get3A_854 = vector.shape_cast %get3A_853 : vector<1x16xf32> to vector<16xf32>
          %add3A_855 = arith.addf %scan3A_736, %get3A_854 : vector<16xf32>
          %get3A_856 = arith.index_cast %add3A_750 : i32 to index
          %get3A_857 = arith.constant 336 : index
          %get3A_858 = tpu.vector_load %arg14[%get3A_856, %get3A_857] {strides = array<i32>} : memref<40x512xf32, #tpu.memory_space<vmem>>, vector<1x16xf32>,
          %get3A_859 = vector.shape_cast %get3A_858 : vector<1x16xf32> to vector<16xf32>
          %add3A_860 = arith.addf %scan3A_737, %get3A_859 : vector<16xf32>
          %get3A_861 = arith.index_cast %add3A_750 : i32 to index
          %get3A_862 = arith.constant 352 : index
          %get3A_863 = tpu.vector_load %arg14[%get3A_861, %get3A_862] {strides = array<i32>} : memref<40x512xf32, #tpu.memory_space<vmem>>, vector<1x16xf32>,
          %get3A_864 = vector.shape_cast %get3A_863 : vector<1x16xf32> to vector<16xf32>
          %add3A_865 = arith.addf %scan3A_738, %get3A_864 : vector<16xf32>
          %get3A_866 = arith.index_cast %add3A_750 : i32 to index
          %get3A_867 = arith.constant 368 : index
          %get3A_868 = tpu.vector_load %arg14[%get3A_866, %get3A_867] {strides = array<i32>} : memref<40x512xf32, #tpu.memory_space<vmem>>, vector<1x16xf32>,
          %get3A_869 = vector.shape_cast %get3A_868 : vector<1x16xf32> to vector<16xf32>
          %add3A_870 = arith.addf %scan3A_739, %get3A_869 : vector<16xf32>
          %get3A_871 = arith.index_cast %add3A_750 : i32 to index
          %get3A_872 = arith.constant 384 : index
          %get3A_873 = tpu.vector_load %arg14[%get3A_871, %get3A_872] {strides = array<i32>} : memref<40x512xf32, #tpu.memory_space<vmem>>, vector<1x16xf32>,
          %get3A_874 = vector.shape_cast %get3A_873 : vector<1x16xf32> to vector<16xf32>
          %add3A_875 = arith.addf %scan3A_740, %get3A_874 : vector<16xf32>
          %get3A_876 = arith.index_cast %add3A_750 : i32 to index
          %get3A_877 = arith.constant 400 : index
          %get3A_878 = tpu.vector_load %arg14[%get3A_876, %get3A_877] {strides = array<i32>} : memref<40x512xf32, #tpu.memory_space<vmem>>, vector<1x16xf32>,
          %get3A_879 = vector.shape_cast %get3A_878 : vector<1x16xf32> to vector<16xf32>
          %add3A_880 = arith.addf %scan3A_741, %get3A_879 : vector<16xf32>
          %get3A_881 = arith.index_cast %add3A_750 : i32 to index
          %get3A_882 = arith.constant 416 : index
          %get3A_883 = tpu.vector_load %arg14[%get3A_881, %get3A_882] {strides = array<i32>} : memref<40x512xf32, #tpu.memory_space<vmem>>, vector<1x16xf32>,
          %get3A_884 = vector.shape_cast %get3A_883 : vector<1x16xf32> to vector<16xf32>
          %add3A_885 = arith.addf %scan3A_742, %get3A_884 : vector<16xf32>
          %get3A_886 = arith.index_cast %add3A_750 : i32 to index
          %get3A_887 = arith.constant 432 : index
          %get3A_888 = tpu.vector_load %arg14[%get3A_886, %get3A_887] {strides = array<i32>} : memref<40x512xf32, #tpu.memory_space<vmem>>, vector<1x16xf32>,
          %get3A_889 = vector.shape_cast %get3A_888 : vector<1x16xf32> to vector<16xf32>
          %add3A_890 = arith.addf %scan3A_743, %get3A_889 : vector<16xf32>
          %get3A_891 = arith.index_cast %add3A_750 : i32 to index
          %get3A_892 = arith.constant 448 : index
          %get3A_893 = tpu.vector_load %arg14[%get3A_891, %get3A_892] {strides = array<i32>} : memref<40x512xf32, #tpu.memory_space<vmem>>, vector<1x16xf32>,
          %get3A_894 = vector.shape_cast %get3A_893 : vector<1x16xf32> to vector<16xf32>
          %add3A_895 = arith.addf %scan3A_744, %get3A_894 : vector<16xf32>
          %get3A_896 = arith.index_cast %add3A_750 : i32 to index
          %get3A_897 = arith.constant 464 : index
          %get3A_898 = tpu.vector_load %arg14[%get3A_896, %get3A_897] {strides = array<i32>} : memref<40x512xf32, #tpu.memory_space<vmem>>, vector<1x16xf32>,
          %get3A_899 = vector.shape_cast %get3A_898 : vector<1x16xf32> to vector<16xf32>
          %add3A_900 = arith.addf %scan3A_745, %get3A_899 : vector<16xf32>
          %get3A_901 = arith.index_cast %add3A_750 : i32 to index
          %get3A_902 = arith.constant 480 : index
          %get3A_903 = tpu.vector_load %arg14[%get3A_901, %get3A_902] {strides = array<i32>} : memref<40x512xf32, #tpu.memory_space<vmem>>, vector<1x16xf32>,
          %get3A_904 = vector.shape_cast %get3A_903 : vector<1x16xf32> to vector<16xf32>
          %add3A_905 = arith.addf %scan3A_746, %get3A_904 : vector<16xf32>
          %get3A_906 = arith.index_cast %add3A_750 : i32 to index
          %get3A_907 = arith.constant 496 : index
          %get3A_908 = tpu.vector_load %arg14[%get3A_906, %get3A_907] {strides = array<i32>} : memref<40x512xf32, #tpu.memory_space<vmem>>, vector<1x16xf32>,
          %get3A_909 = vector.shape_cast %get3A_908 : vector<1x16xf32> to vector<16xf32>
          %add3A_910 = arith.addf %scan3A_747, %get3A_909 : vector<16xf32>
          scf.yield %add3A_755, %add3A_760, %add3A_765, %add3A_770, %add3A_775, %add3A_780, %add3A_785, %add3A_790, %add3A_795, %add3A_800, %add3A_805, %add3A_810, %add3A_815, %add3A_820, %add3A_825, %add3A_830, %add3A_835, %add3A_840, %add3A_845, %add3A_850, %add3A_855, %add3A_860, %add3A_865, %add3A_870, %add3A_875, %add3A_880, %add3A_885, %add3A_890, %add3A_895, %add3A_900, %add3A_905, %add3A_910 : vector<16xf32>, vector<16xf32>, vector<16xf32>, vector<16xf32>, vector<16xf32>, vector<16xf32>, vector<16xf32>, vector<16xf32>, vector<16xf32>, vector<16xf32>, vector<16xf32>, vector<16xf32>, vector<16xf32>, vector<16xf32>, vector<16xf32>, vector<16xf32>, vector<16xf32>, vector<16xf32>, vector<16xf32>, vector<16xf32>, vector<16xf32>, vector<16xf32>, vector<16xf32>, vector<16xf32>, vector<16xf32>, vector<16xf32>, vector<16xf32>, vector<16xf32>, vector<16xf32>, vector<16xf32>, vector<16xf32>, vector<16xf32>
        }
        %scan3A_426 = arith.constant 9 : i32
        %mul3A_427 = vector.broadcast %scan3A : f32 to vector<16xf32>
        %mul3A_428 = arith.mulf %scan3A_425#0, %mul3A_427 : vector<16xf32>
        %add3A_429 = arith.constant 4 : i32
        %add3A_430 = arith.addi %add3A_429, %scan3A_228 : i32
        %swap3A = arith.index_cast %add3A_430 : i32 to index
        %swap3A_431 = arith.constant 0 : index
        %swap3A_432 = tpu.vector_load %arg16[%swap3A, %swap3A_431] {strides = array<i32>} : memref<8x512xf32, #tpu.memory_space<vmem>>, vector<1x16xf32>,
        %swap3A_433 = vector.shape_cast %swap3A_432 : vector<1x16xf32> to vector<16xf32>
        %swap3A_434 = vector.shape_cast %mul3A_428 : vector<16xf32> to vector<1x16xf32>
        tpu.vector_store %arg16[%swap3A, %swap3A_431], %swap3A_434 {strides = array<i32>} : memref<8x512xf32, #tpu.memory_space<vmem>>, vector<1x16xf32>,
        %mul3A_435 = vector.broadcast %scan3A : f32 to vector<16xf32>
        %mul3A_436 = arith.mulf %scan3A_425#1, %mul3A_435 : vector<16xf32>
        %add3A_437 = arith.constant 4 : i32
        %add3A_438 = arith.addi %add3A_437, %scan3A_228 : i32
        %swap3A_439 = arith.index_cast %add3A_438 : i32 to index
        %swap3A_440 = arith.constant 16 : index
        %swap3A_441 = tpu.vector_load %arg16[%swap3A_439, %swap3A_440] {strides = array<i32>} : memref<8x512xf32, #tpu.memory_space<vmem>>, vector<1x16xf32>,
        %swap3A_442 = vector.shape_cast %swap3A_441 : vector<1x16xf32> to vector<16xf32>
        %swap3A_443 = vector.shape_cast %mul3A_436 : vector<16xf32> to vector<1x16xf32>
        tpu.vector_store %arg16[%swap3A_439, %swap3A_440], %swap3A_443 {strides = array<i32>} : memref<8x512xf32, #tpu.memory_space<vmem>>, vector<1x16xf32>,
        %mul3A_444 = vector.broadcast %scan3A : f32 to vector<16xf32>
        %mul3A_445 = arith.mulf %scan3A_425#2, %mul3A_444 : vector<16xf32>
        %add3A_446 = arith.constant 4 : i32
        %add3A_447 = arith.addi %add3A_446, %scan3A_228 : i32
        %swap3A_448 = arith.index_cast %add3A_447 : i32 to index
        %swap3A_449 = arith.constant 32 : index
        %swap3A_450 = tpu.vector_load %arg16[%swap3A_448, %swap3A_449] {strides = array<i32>} : memref<8x512xf32, #tpu.memory_space<vmem>>, vector<1x16xf32>,
        %swap3A_451 = vector.shape_cast %swap3A_450 : vector<1x16xf32> to vector<16xf32>
        %swap3A_452 = vector.shape_cast %mul3A_445 : vector<16xf32> to vector<1x16xf32>
        tpu.vector_store %arg16[%swap3A_448, %swap3A_449], %swap3A_452 {strides = array<i32>} : memref<8x512xf32, #tpu.memory_space<vmem>>, vector<1x16xf32>,
        %mul3A_453 = vector.broadcast %scan3A : f32 to vector<16xf32>
        %mul3A_454 = arith.mulf %scan3A_425#3, %mul3A_453 : vector<16xf32>
        %add3A_455 = arith.constant 4 : i32
        %add3A_456 = arith.addi %add3A_455, %scan3A_228 : i32
        %swap3A_457 = arith.index_cast %add3A_456 : i32 to index
        %swap3A_458 = arith.constant 48 : index
        %swap3A_459 = tpu.vector_load %arg16[%swap3A_457, %swap3A_458] {strides = array<i32>} : memref<8x512xf32, #tpu.memory_space<vmem>>, vector<1x16xf32>,
        %swap3A_460 = vector.shape_cast %swap3A_459 : vector<1x16xf32> to vector<16xf32>
        %swap3A_461 = vector.shape_cast %mul3A_454 : vector<16xf32> to vector<1x16xf32>
        tpu.vector_store %arg16[%swap3A_457, %swap3A_458], %swap3A_461 {strides = array<i32>} : memref<8x512xf32, #tpu.memory_space<vmem>>, vector<1x16xf32>,
        %mul3A_462 = vector.broadcast %scan3A : f32 to vector<16xf32>
        %mul3A_463 = arith.mulf %scan3A_425#4, %mul3A_462 : vector<16xf32>
        %add3A_464 = arith.constant 4 : i32
        %add3A_465 = arith.addi %add3A_464, %scan3A_228 : i32
        %swap3A_466 = arith.index_cast %add3A_465 : i32 to index
        %swap3A_467 = arith.constant 64 : index
        %swap3A_468 = tpu.vector_load %arg16[%swap3A_466, %swap3A_467] {strides = array<i32>} : memref<8x512xf32, #tpu.memory_space<vmem>>, vector<1x16xf32>,
        %swap3A_469 = vector.shape_cast %swap3A_468 : vector<1x16xf32> to vector<16xf32>
        %swap3A_470 = vector.shape_cast %mul3A_463 : vector<16xf32> to vector<1x16xf32>
        tpu.vector_store %arg16[%swap3A_466, %swap3A_467], %swap3A_470 {strides = array<i32>} : memref<8x512xf32, #tpu.memory_space<vmem>>, vector<1x16xf32>,
        %mul3A_471 = vector.broadcast %scan3A : f32 to vector<16xf32>
        %mul3A_472 = arith.mulf %scan3A_425#5, %mul3A_471 : vector<16xf32>
        %add3A_473 = arith.constant 4 : i32
        %add3A_474 = arith.addi %add3A_473, %scan3A_228 : i32
        %swap3A_475 = arith.index_cast %add3A_474 : i32 to index
        %swap3A_476 = arith.constant 80 : index
        %swap3A_477 = tpu.vector_load %arg16[%swap3A_475, %swap3A_476] {strides = array<i32>} : memref<8x512xf32, #tpu.memory_space<vmem>>, vector<1x16xf32>,
        %swap3A_478 = vector.shape_cast %swap3A_477 : vector<1x16xf32> to vector<16xf32>
        %swap3A_479 = vector.shape_cast %mul3A_472 : vector<16xf32> to vector<1x16xf32>
        tpu.vector_store %arg16[%swap3A_475, %swap3A_476], %swap3A_479 {strides = array<i32>} : memref<8x512xf32, #tpu.memory_space<vmem>>, vector<1x16xf32>,
        %mul3A_480 = vector.broadcast %scan3A : f32 to vector<16xf32>
        %mul3A_481 = arith.mulf %scan3A_425#6, %mul3A_480 : vector<16xf32>
        %add3A_482 = arith.constant 4 : i32
        %add3A_483 = arith.addi %add3A_482, %scan3A_228 : i32
        %swap3A_484 = arith.index_cast %add3A_483 : i32 to index
        %swap3A_485 = arith.constant 96 : index
        %swap3A_486 = tpu.vector_load %arg16[%swap3A_484, %swap3A_485] {strides = array<i32>} : memref<8x512xf32, #tpu.memory_space<vmem>>, vector<1x16xf32>,
        %swap3A_487 = vector.shape_cast %swap3A_486 : vector<1x16xf32> to vector<16xf32>
        %swap3A_488 = vector.shape_cast %mul3A_481 : vector<16xf32> to vector<1x16xf32>
        tpu.vector_store %arg16[%swap3A_484, %swap3A_485], %swap3A_488 {strides = array<i32>} : memref<8x512xf32, #tpu.memory_space<vmem>>, vector<1x16xf32>,
        %mul3A_489 = vector.broadcast %scan3A : f32 to vector<16xf32>
        %mul3A_490 = arith.mulf %scan3A_425#7, %mul3A_489 : vector<16xf32>
        %add3A_491 = arith.constant 4 : i32
        %add3A_492 = arith.addi %add3A_491, %scan3A_228 : i32
        %swap3A_493 = arith.index_cast %add3A_492 : i32 to index
        %swap3A_494 = arith.constant 112 : index
        %swap3A_495 = tpu.vector_load %arg16[%swap3A_493, %swap3A_494] {strides = array<i32>} : memref<8x512xf32, #tpu.memory_space<vmem>>, vector<1x16xf32>,
        %swap3A_496 = vector.shape_cast %swap3A_495 : vector<1x16xf32> to vector<16xf32>
        %swap3A_497 = vector.shape_cast %mul3A_490 : vector<16xf32> to vector<1x16xf32>
        tpu.vector_store %arg16[%swap3A_493, %swap3A_494], %swap3A_497 {strides = array<i32>} : memref<8x512xf32, #tpu.memory_space<vmem>>, vector<1x16xf32>,
        %mul3A_498 = vector.broadcast %scan3A : f32 to vector<16xf32>
        %mul3A_499 = arith.mulf %scan3A_425#8, %mul3A_498 : vector<16xf32>
        %add3A_500 = arith.constant 4 : i32
        %add3A_501 = arith.addi %add3A_500, %scan3A_228 : i32
        %swap3A_502 = arith.index_cast %add3A_501 : i32 to index
        %swap3A_503 = arith.constant 128 : index
        %swap3A_504 = tpu.vector_load %arg16[%swap3A_502, %swap3A_503] {strides = array<i32>} : memref<8x512xf32, #tpu.memory_space<vmem>>, vector<1x16xf32>,
        %swap3A_505 = vector.shape_cast %swap3A_504 : vector<1x16xf32> to vector<16xf32>
        %swap3A_506 = vector.shape_cast %mul3A_499 : vector<16xf32> to vector<1x16xf32>
        tpu.vector_store %arg16[%swap3A_502, %swap3A_503], %swap3A_506 {strides = array<i32>} : memref<8x512xf32, #tpu.memory_space<vmem>>, vector<1x16xf32>,
        %mul3A_507 = vector.broadcast %scan3A : f32 to vector<16xf32>
        %mul3A_508 = arith.mulf %scan3A_425#9, %mul3A_507 : vector<16xf32>
        %add3A_509 = arith.constant 4 : i32
        %add3A_510 = arith.addi %add3A_509, %scan3A_228 : i32
        %swap3A_511 = arith.index_cast %add3A_510 : i32 to index
        %swap3A_512 = arith.constant 144 : index
        %swap3A_513 = tpu.vector_load %arg16[%swap3A_511, %swap3A_512] {strides = array<i32>} : memref<8x512xf32, #tpu.memory_space<vmem>>, vector<1x16xf32>,
        %swap3A_514 = vector.shape_cast %swap3A_513 : vector<1x16xf32> to vector<16xf32>
        %swap3A_515 = vector.shape_cast %mul3A_508 : vector<16xf32> to vector<1x16xf32>
        tpu.vector_store %arg16[%swap3A_511, %swap3A_512], %swap3A_515 {strides = array<i32>} : memref<8x512xf32, #tpu.memory_space<vmem>>, vector<1x16xf32>,
        %mul3A_516 = vector.broadcast %scan3A : f32 to vector<16xf32>
        %mul3A_517 = arith.mulf %scan3A_425#10, %mul3A_516 : vector<16xf32>
        %add3A_518 = arith.constant 4 : i32
        %add3A_519 = arith.addi %add3A_518, %scan3A_228 : i32
        %swap3A_520 = arith.index_cast %add3A_519 : i32 to index
        %swap3A_521 = arith.constant 160 : index
        %swap3A_522 = tpu.vector_load %arg16[%swap3A_520, %swap3A_521] {strides = array<i32>} : memref<8x512xf32, #tpu.memory_space<vmem>>, vector<1x16xf32>,
        %swap3A_523 = vector.shape_cast %swap3A_522 : vector<1x16xf32> to vector<16xf32>
        %swap3A_524 = vector.shape_cast %mul3A_517 : vector<16xf32> to vector<1x16xf32>
        tpu.vector_store %arg16[%swap3A_520, %swap3A_521], %swap3A_524 {strides = array<i32>} : memref<8x512xf32, #tpu.memory_space<vmem>>, vector<1x16xf32>,
        %mul3A_525 = vector.broadcast %scan3A : f32 to vector<16xf32>
        %mul3A_526 = arith.mulf %scan3A_425#11, %mul3A_525 : vector<16xf32>
        %add3A_527 = arith.constant 4 : i32
        %add3A_528 = arith.addi %add3A_527, %scan3A_228 : i32
        %swap3A_529 = arith.index_cast %add3A_528 : i32 to index
        %swap3A_530 = arith.constant 176 : index
        %swap3A_531 = tpu.vector_load %arg16[%swap3A_529, %swap3A_530] {strides = array<i32>} : memref<8x512xf32, #tpu.memory_space<vmem>>, vector<1x16xf32>,
        %swap3A_532 = vector.shape_cast %swap3A_531 : vector<1x16xf32> to vector<16xf32>
        %swap3A_533 = vector.shape_cast %mul3A_526 : vector<16xf32> to vector<1x16xf32>
        tpu.vector_store %arg16[%swap3A_529, %swap3A_530], %swap3A_533 {strides = array<i32>} : memref<8x512xf32, #tpu.memory_space<vmem>>, vector<1x16xf32>,
        %mul3A_534 = vector.broadcast %scan3A : f32 to vector<16xf32>
        %mul3A_535 = arith.mulf %scan3A_425#12, %mul3A_534 : vector<16xf32>
        %add3A_536 = arith.constant 4 : i32
        %add3A_537 = arith.addi %add3A_536, %scan3A_228 : i32
        %swap3A_538 = arith.index_cast %add3A_537 : i32 to index
        %swap3A_539 = arith.constant 192 : index
        %swap3A_540 = tpu.vector_load %arg16[%swap3A_538, %swap3A_539] {strides = array<i32>} : memref<8x512xf32, #tpu.memory_space<vmem>>, vector<1x16xf32>,
        %swap3A_541 = vector.shape_cast %swap3A_540 : vector<1x16xf32> to vector<16xf32>
        %swap3A_542 = vector.shape_cast %mul3A_535 : vector<16xf32> to vector<1x16xf32>
        tpu.vector_store %arg16[%swap3A_538, %swap3A_539], %swap3A_542 {strides = array<i32>} : memref<8x512xf32, #tpu.memory_space<vmem>>, vector<1x16xf32>,
        %mul3A_543 = vector.broadcast %scan3A : f32 to vector<16xf32>
        %mul3A_544 = arith.mulf %scan3A_425#13, %mul3A_543 : vector<16xf32>
        %add3A_545 = arith.constant 4 : i32
        %add3A_546 = arith.addi %add3A_545, %scan3A_228 : i32
        %swap3A_547 = arith.index_cast %add3A_546 : i32 to index
        %swap3A_548 = arith.constant 208 : index
        %swap3A_549 = tpu.vector_load %arg16[%swap3A_547, %swap3A_548] {strides = array<i32>} : memref<8x512xf32, #tpu.memory_space<vmem>>, vector<1x16xf32>,
        %swap3A_550 = vector.shape_cast %swap3A_549 : vector<1x16xf32> to vector<16xf32>
        %swap3A_551 = vector.shape_cast %mul3A_544 : vector<16xf32> to vector<1x16xf32>
        tpu.vector_store %arg16[%swap3A_547, %swap3A_548], %swap3A_551 {strides = array<i32>} : memref<8x512xf32, #tpu.memory_space<vmem>>, vector<1x16xf32>,
        %mul3A_552 = vector.broadcast %scan3A : f32 to vector<16xf32>
        %mul3A_553 = arith.mulf %scan3A_425#14, %mul3A_552 : vector<16xf32>
        %add3A_554 = arith.constant 4 : i32
        %add3A_555 = arith.addi %add3A_554, %scan3A_228 : i32
        %swap3A_556 = arith.index_cast %add3A_555 : i32 to index
        %swap3A_557 = arith.constant 224 : index
        %swap3A_558 = tpu.vector_load %arg16[%swap3A_556, %swap3A_557] {strides = array<i32>} : memref<8x512xf32, #tpu.memory_space<vmem>>, vector<1x16xf32>,
        %swap3A_559 = vector.shape_cast %swap3A_558 : vector<1x16xf32> to vector<16xf32>
        %swap3A_560 = vector.shape_cast %mul3A_553 : vector<16xf32> to vector<1x16xf32>
        tpu.vector_store %arg16[%swap3A_556, %swap3A_557], %swap3A_560 {strides = array<i32>} : memref<8x512xf32, #tpu.memory_space<vmem>>, vector<1x16xf32>,
        %mul3A_561 = vector.broadcast %scan3A : f32 to vector<16xf32>
        %mul3A_562 = arith.mulf %scan3A_425#15, %mul3A_561 : vector<16xf32>
        %add3A_563 = arith.constant 4 : i32
        %add3A_564 = arith.addi %add3A_563, %scan3A_228 : i32
        %swap3A_565 = arith.index_cast %add3A_564 : i32 to index
        %swap3A_566 = arith.constant 240 : index
        %swap3A_567 = tpu.vector_load %arg16[%swap3A_565, %swap3A_566] {strides = array<i32>} : memref<8x512xf32, #tpu.memory_space<vmem>>, vector<1x16xf32>,
        %swap3A_568 = vector.shape_cast %swap3A_567 : vector<1x16xf32> to vector<16xf32>
        %swap3A_569 = vector.shape_cast %mul3A_562 : vector<16xf32> to vector<1x16xf32>
        tpu.vector_store %arg16[%swap3A_565, %swap3A_566], %swap3A_569 {strides = array<i32>} : memref<8x512xf32, #tpu.memory_space<vmem>>, vector<1x16xf32>,
        %mul3A_570 = vector.broadcast %scan3A : f32 to vector<16xf32>
        %mul3A_571 = arith.mulf %scan3A_425#16, %mul3A_570 : vector<16xf32>
        %add3A_572 = arith.constant 4 : i32
        %add3A_573 = arith.addi %add3A_572, %scan3A_228 : i32
        %swap3A_574 = arith.index_cast %add3A_573 : i32 to index
        %swap3A_575 = arith.constant 256 : index
        %swap3A_576 = tpu.vector_load %arg16[%swap3A_574, %swap3A_575] {strides = array<i32>} : memref<8x512xf32, #tpu.memory_space<vmem>>, vector<1x16xf32>,
        %swap3A_577 = vector.shape_cast %swap3A_576 : vector<1x16xf32> to vector<16xf32>
        %swap3A_578 = vector.shape_cast %mul3A_571 : vector<16xf32> to vector<1x16xf32>
        tpu.vector_store %arg16[%swap3A_574, %swap3A_575], %swap3A_578 {strides = array<i32>} : memref<8x512xf32, #tpu.memory_space<vmem>>, vector<1x16xf32>,
        %mul3A_579 = vector.broadcast %scan3A : f32 to vector<16xf32>
        %mul3A_580 = arith.mulf %scan3A_425#17, %mul3A_579 : vector<16xf32>
        %add3A_581 = arith.constant 4 : i32
        %add3A_582 = arith.addi %add3A_581, %scan3A_228 : i32
        %swap3A_583 = arith.index_cast %add3A_582 : i32 to index
        %swap3A_584 = arith.constant 272 : index
        %swap3A_585 = tpu.vector_load %arg16[%swap3A_583, %swap3A_584] {strides = array<i32>} : memref<8x512xf32, #tpu.memory_space<vmem>>, vector<1x16xf32>,
        %swap3A_586 = vector.shape_cast %swap3A_585 : vector<1x16xf32> to vector<16xf32>
        %swap3A_587 = vector.shape_cast %mul3A_580 : vector<16xf32> to vector<1x16xf32>
        tpu.vector_store %arg16[%swap3A_583, %swap3A_584], %swap3A_587 {strides = array<i32>} : memref<8x512xf32, #tpu.memory_space<vmem>>, vector<1x16xf32>,
        %mul3A_588 = vector.broadcast %scan3A : f32 to vector<16xf32>
        %mul3A_589 = arith.mulf %scan3A_425#18, %mul3A_588 : vector<16xf32>
        %add3A_590 = arith.constant 4 : i32
        %add3A_591 = arith.addi %add3A_590, %scan3A_228 : i32
        %swap3A_592 = arith.index_cast %add3A_591 : i32 to index
        %swap3A_593 = arith.constant 288 : index
        %swap3A_594 = tpu.vector_load %arg16[%swap3A_592, %swap3A_593] {strides = array<i32>} : memref<8x512xf32, #tpu.memory_space<vmem>>, vector<1x16xf32>,
        %swap3A_595 = vector.shape_cast %swap3A_594 : vector<1x16xf32> to vector<16xf32>
        %swap3A_596 = vector.shape_cast %mul3A_589 : vector<16xf32> to vector<1x16xf32>
        tpu.vector_store %arg16[%swap3A_592, %swap3A_593], %swap3A_596 {strides = array<i32>} : memref<8x512xf32, #tpu.memory_space<vmem>>, vector<1x16xf32>,
        %mul3A_597 = vector.broadcast %scan3A : f32 to vector<16xf32>
        %mul3A_598 = arith.mulf %scan3A_425#19, %mul3A_597 : vector<16xf32>
        %add3A_599 = arith.constant 4 : i32
        %add3A_600 = arith.addi %add3A_599, %scan3A_228 : i32
        %swap3A_601 = arith.index_cast %add3A_600 : i32 to index
        %swap3A_602 = arith.constant 304 : index
        %swap3A_603 = tpu.vector_load %arg16[%swap3A_601, %swap3A_602] {strides = array<i32>} : memref<8x512xf32, #tpu.memory_space<vmem>>, vector<1x16xf32>,
        %swap3A_604 = vector.shape_cast %swap3A_603 : vector<1x16xf32> to vector<16xf32>
        %swap3A_605 = vector.shape_cast %mul3A_598 : vector<16xf32> to vector<1x16xf32>
        tpu.vector_store %arg16[%swap3A_601, %swap3A_602], %swap3A_605 {strides = array<i32>} : memref<8x512xf32, #tpu.memory_space<vmem>>, vector<1x16xf32>,
        %mul3A_606 = vector.broadcast %scan3A : f32 to vector<16xf32>
        %mul3A_607 = arith.mulf %scan3A_425#20, %mul3A_606 : vector<16xf32>
        %add3A_608 = arith.constant 4 : i32
        %add3A_609 = arith.addi %add3A_608, %scan3A_228 : i32
        %swap3A_610 = arith.index_cast %add3A_609 : i32 to index
        %swap3A_611 = arith.constant 320 : index
        %swap3A_612 = tpu.vector_load %arg16[%swap3A_610, %swap3A_611] {strides = array<i32>} : memref<8x512xf32, #tpu.memory_space<vmem>>, vector<1x16xf32>,
        %swap3A_613 = vector.shape_cast %swap3A_612 : vector<1x16xf32> to vector<16xf32>
        %swap3A_614 = vector.shape_cast %mul3A_607 : vector<16xf32> to vector<1x16xf32>
        tpu.vector_store %arg16[%swap3A_610, %swap3A_611], %swap3A_614 {strides = array<i32>} : memref<8x512xf32, #tpu.memory_space<vmem>>, vector<1x16xf32>,
        %mul3A_615 = vector.broadcast %scan3A : f32 to vector<16xf32>
        %mul3A_616 = arith.mulf %scan3A_425#21, %mul3A_615 : vector<16xf32>
        %add3A_617 = arith.constant 4 : i32
        %add3A_618 = arith.addi %add3A_617, %scan3A_228 : i32
        %swap3A_619 = arith.index_cast %add3A_618 : i32 to index
        %swap3A_620 = arith.constant 336 : index
        %swap3A_621 = tpu.vector_load %arg16[%swap3A_619, %swap3A_620] {strides = array<i32>} : memref<8x512xf32, #tpu.memory_space<vmem>>, vector<1x16xf32>,
        %swap3A_622 = vector.shape_cast %swap3A_621 : vector<1x16xf32> to vector<16xf32>
        %swap3A_623 = vector.shape_cast %mul3A_616 : vector<16xf32> to vector<1x16xf32>
        tpu.vector_store %arg16[%swap3A_619, %swap3A_620], %swap3A_623 {strides = array<i32>} : memref<8x512xf32, #tpu.memory_space<vmem>>, vector<1x16xf32>,
        %mul3A_624 = vector.broadcast %scan3A : f32 to vector<16xf32>
        %mul3A_625 = arith.mulf %scan3A_425#22, %mul3A_624 : vector<16xf32>
        %add3A_626 = arith.constant 4 : i32
        %add3A_627 = arith.addi %add3A_626, %scan3A_228 : i32
        %swap3A_628 = arith.index_cast %add3A_627 : i32 to index
        %swap3A_629 = arith.constant 352 : index
        %swap3A_630 = tpu.vector_load %arg16[%swap3A_628, %swap3A_629] {strides = array<i32>} : memref<8x512xf32, #tpu.memory_space<vmem>>, vector<1x16xf32>,
        %swap3A_631 = vector.shape_cast %swap3A_630 : vector<1x16xf32> to vector<16xf32>
        %swap3A_632 = vector.shape_cast %mul3A_625 : vector<16xf32> to vector<1x16xf32>
        tpu.vector_store %arg16[%swap3A_628, %swap3A_629], %swap3A_632 {strides = array<i32>} : memref<8x512xf32, #tpu.memory_space<vmem>>, vector<1x16xf32>,
        %mul3A_633 = vector.broadcast %scan3A : f32 to vector<16xf32>
        %mul3A_634 = arith.mulf %scan3A_425#23, %mul3A_633 : vector<16xf32>
        %add3A_635 = arith.constant 4 : i32
        %add3A_636 = arith.addi %add3A_635, %scan3A_228 : i32
        %swap3A_637 = arith.index_cast %add3A_636 : i32 to index
        %swap3A_638 = arith.constant 368 : index
        %swap3A_639 = tpu.vector_load %arg16[%swap3A_637, %swap3A_638] {strides = array<i32>} : memref<8x512xf32, #tpu.memory_space<vmem>>, vector<1x16xf32>,
        %swap3A_640 = vector.shape_cast %swap3A_639 : vector<1x16xf32> to vector<16xf32>
        %swap3A_641 = vector.shape_cast %mul3A_634 : vector<16xf32> to vector<1x16xf32>
        tpu.vector_store %arg16[%swap3A_637, %swap3A_638], %swap3A_641 {strides = array<i32>} : memref<8x512xf32, #tpu.memory_space<vmem>>, vector<1x16xf32>,
        %mul3A_642 = vector.broadcast %scan3A : f32 to vector<16xf32>
        %mul3A_643 = arith.mulf %scan3A_425#24, %mul3A_642 : vector<16xf32>
        %add3A_644 = arith.constant 4 : i32
        %add3A_645 = arith.addi %add3A_644, %scan3A_228 : i32
        %swap3A_646 = arith.index_cast %add3A_645 : i32 to index
        %swap3A_647 = arith.constant 384 : index
        %swap3A_648 = tpu.vector_load %arg16[%swap3A_646, %swap3A_647] {strides = array<i32>} : memref<8x512xf32, #tpu.memory_space<vmem>>, vector<1x16xf32>,
        %swap3A_649 = vector.shape_cast %swap3A_648 : vector<1x16xf32> to vector<16xf32>
        %swap3A_650 = vector.shape_cast %mul3A_643 : vector<16xf32> to vector<1x16xf32>
        tpu.vector_store %arg16[%swap3A_646, %swap3A_647], %swap3A_650 {strides = array<i32>} : memref<8x512xf32, #tpu.memory_space<vmem>>, vector<1x16xf32>,
        %mul3A_651 = vector.broadcast %scan3A : f32 to vector<16xf32>
        %mul3A_652 = arith.mulf %scan3A_425#25, %mul3A_651 : vector<16xf32>
        %add3A_653 = arith.constant 4 : i32
        %add3A_654 = arith.addi %add3A_653, %scan3A_228 : i32
        %swap3A_655 = arith.index_cast %add3A_654 : i32 to index
        %swap3A_656 = arith.constant 400 : index
        %swap3A_657 = tpu.vector_load %arg16[%swap3A_655, %swap3A_656] {strides = array<i32>} : memref<8x512xf32, #tpu.memory_space<vmem>>, vector<1x16xf32>,
        %swap3A_658 = vector.shape_cast %swap3A_657 : vector<1x16xf32> to vector<16xf32>
        %swap3A_659 = vector.shape_cast %mul3A_652 : vector<16xf32> to vector<1x16xf32>
        tpu.vector_store %arg16[%swap3A_655, %swap3A_656], %swap3A_659 {strides = array<i32>} : memref<8x512xf32, #tpu.memory_space<vmem>>, vector<1x16xf32>,
        %mul3A_660 = vector.broadcast %scan3A : f32 to vector<16xf32>
        %mul3A_661 = arith.mulf %scan3A_425#26, %mul3A_660 : vector<16xf32>
        %add3A_662 = arith.constant 4 : i32
        %add3A_663 = arith.addi %add3A_662, %scan3A_228 : i32
        %swap3A_664 = arith.index_cast %add3A_663 : i32 to index
        %swap3A_665 = arith.constant 416 : index
        %swap3A_666 = tpu.vector_load %arg16[%swap3A_664, %swap3A_665] {strides = array<i32>} : memref<8x512xf32, #tpu.memory_space<vmem>>, vector<1x16xf32>,
        %swap3A_667 = vector.shape_cast %swap3A_666 : vector<1x16xf32> to vector<16xf32>
        %swap3A_668 = vector.shape_cast %mul3A_661 : vector<16xf32> to vector<1x16xf32>
        tpu.vector_store %arg16[%swap3A_664, %swap3A_665], %swap3A_668 {strides = array<i32>} : memref<8x512xf32, #tpu.memory_space<vmem>>, vector<1x16xf32>,
        %mul3A_669 = vector.broadcast %scan3A : f32 to vector<16xf32>
        %mul3A_670 = arith.mulf %scan3A_425#27, %mul3A_669 : vector<16xf32>
        %add3A_671 = arith.constant 4 : i32
        %add3A_672 = arith.addi %add3A_671, %scan3A_228 : i32
        %swap3A_673 = arith.index_cast %add3A_672 : i32 to index
        %swap3A_674 = arith.constant 432 : index
        %swap3A_675 = tpu.vector_load %arg16[%swap3A_673, %swap3A_674] {strides = array<i32>} : memref<8x512xf32, #tpu.memory_space<vmem>>, vector<1x16xf32>,
        %swap3A_676 = vector.shape_cast %swap3A_675 : vector<1x16xf32> to vector<16xf32>
        %swap3A_677 = vector.shape_cast %mul3A_670 : vector<16xf32> to vector<1x16xf32>
        tpu.vector_store %arg16[%swap3A_673, %swap3A_674], %swap3A_677 {strides = array<i32>} : memref<8x512xf32, #tpu.memory_space<vmem>>, vector<1x16xf32>,
        %mul3A_678 = vector.broadcast %scan3A : f32 to vector<16xf32>
        %mul3A_679 = arith.mulf %scan3A_425#28, %mul3A_678 : vector<16xf32>
        %add3A_680 = arith.constant 4 : i32
        %add3A_681 = arith.addi %add3A_680, %scan3A_228 : i32
        %swap3A_682 = arith.index_cast %add3A_681 : i32 to index
        %swap3A_683 = arith.constant 448 : index
        %swap3A_684 = tpu.vector_load %arg16[%swap3A_682, %swap3A_683] {strides = array<i32>} : memref<8x512xf32, #tpu.memory_space<vmem>>, vector<1x16xf32>,
        %swap3A_685 = vector.shape_cast %swap3A_684 : vector<1x16xf32> to vector<16xf32>
        %swap3A_686 = vector.shape_cast %mul3A_679 : vector<16xf32> to vector<1x16xf32>
        tpu.vector_store %arg16[%swap3A_682, %swap3A_683], %swap3A_686 {strides = array<i32>} : memref<8x512xf32, #tpu.memory_space<vmem>>, vector<1x16xf32>,
        %mul3A_687 = vector.broadcast %scan3A : f32 to vector<16xf32>
        %mul3A_688 = arith.mulf %scan3A_425#29, %mul3A_687 : vector<16xf32>
        %add3A_689 = arith.constant 4 : i32
        %add3A_690 = arith.addi %add3A_689, %scan3A_228 : i32
        %swap3A_691 = arith.index_cast %add3A_690 : i32 to index
        %swap3A_692 = arith.constant 464 : index
        %swap3A_693 = tpu.vector_load %arg16[%swap3A_691, %swap3A_692] {strides = array<i32>} : memref<8x512xf32, #tpu.memory_space<vmem>>, vector<1x16xf32>,
        %swap3A_694 = vector.shape_cast %swap3A_693 : vector<1x16xf32> to vector<16xf32>
        %swap3A_695 = vector.shape_cast %mul3A_688 : vector<16xf32> to vector<1x16xf32>
        tpu.vector_store %arg16[%swap3A_691, %swap3A_692], %swap3A_695 {strides = array<i32>} : memref<8x512xf32, #tpu.memory_space<vmem>>, vector<1x16xf32>,
        %mul3A_696 = vector.broadcast %scan3A : f32 to vector<16xf32>
        %mul3A_697 = arith.mulf %scan3A_425#30, %mul3A_696 : vector<16xf32>
        %add3A_698 = arith.constant 4 : i32
        %add3A_699 = arith.addi %add3A_698, %scan3A_228 : i32
        %swap3A_700 = arith.index_cast %add3A_699 : i32 to index
        %swap3A_701 = arith.constant 480 : index
        %swap3A_702 = tpu.vector_load %arg16[%swap3A_700, %swap3A_701] {strides = array<i32>} : memref<8x512xf32, #tpu.memory_space<vmem>>, vector<1x16xf32>,
        %swap3A_703 = vector.shape_cast %swap3A_702 : vector<1x16xf32> to vector<16xf32>
        %swap3A_704 = vector.shape_cast %mul3A_697 : vector<16xf32> to vector<1x16xf32>
        tpu.vector_store %arg16[%swap3A_700, %swap3A_701], %swap3A_704 {strides = array<i32>} : memref<8x512xf32, #tpu.memory_space<vmem>>, vector<1x16xf32>,
        %mul3A_705 = vector.broadcast %scan3A : f32 to vector<16xf32>
        %mul3A_706 = arith.mulf %scan3A_425#31, %mul3A_705 : vector<16xf32>
        %add3A_707 = arith.constant 4 : i32
        %add3A_708 = arith.addi %add3A_707, %scan3A_228 : i32
        %swap3A_709 = arith.index_cast %add3A_708 : i32 to index
        %swap3A_710 = arith.constant 496 : index
        %swap3A_711 = tpu.vector_load %arg16[%swap3A_709, %swap3A_710] {strides = array<i32>} : memref<8x512xf32, #tpu.memory_space<vmem>>, vector<1x16xf32>,
        %swap3A_712 = vector.shape_cast %swap3A_711 : vector<1x16xf32> to vector<16xf32>
        %swap3A_713 = vector.shape_cast %mul3A_706 : vector<16xf32> to vector<1x16xf32>
        tpu.vector_store %arg16[%swap3A_709, %swap3A_710], %swap3A_713 {strides = array<i32>} : memref<8x512xf32, #tpu.memory_space<vmem>>, vector<1x16xf32>,
        %scan3A_714 = arith.constant 0 : i32
        scf.yield %scan3A_714 : i32
      }
      %scan3A_208 = arith.constant 4 : i32
      %add3A_209 = arith.constant 3 : i32
      %add3A_210 = arith.addi %add3A_195, %add3A_209 : i32
      %lt3A_211 = arith.constant 80 : i32
      %lt3A_212 = arith.cmpi slt, %add3A_210, %lt3A_211 : i32
      %convert_element_type3A_213 = arith.extui %lt3A_212 : i1 to i32
      %cond3A_214 = arith.constant 0 : i32
      %cond3A_215 = arith.cmpi ne, %convert_element_type3A_213, %cond3A_214 : i32
      scf.if %cond3A_215 {
        %add3A_228 = arith.constant 3 : i32
        %add3A_229 = arith.addi %add3A_195, %add3A_228 : i32
        %dma_start3A_230 = arith.constant 0 : i32
        %dma_start3A_231 = tpu.memref_slice %arg8[%add3A_229, %dma_start3A_230] : memref<80x40xi32, #tpu.memory_space<vmem>> -> memref<1x40xi32, #tpu.memory_space<vmem>>
        %dma_start3A_232 = tpu.memref_squeeze %dma_start3A_231 : memref<1x40xi32, #tpu.memory_space<vmem>> -> memref<40xi32, #tpu.memory_space<vmem>>
        %dma_start3A_233 = arith.constant 0 : i32
        %dma_start3A_234 = arith.constant 0 : i32
        %dma_start3A_235 = tpu.memref_slice %arg4[%dma_start3A_233, %dma_start3A_234] : memref<50000x512xf32, #tpu.memory_space<hbm>> -> memref<50000x512xf32, #tpu.memory_space<hbm>>
        tpu.enqueue_indirect_dma source(%dma_start3A_235 : memref<50000x512xf32, #tpu.memory_space<hbm>>) target(%arg13 : memref<40x512xf32, #tpu.memory_space<vmem>>) offsets(%dma_start3A_232 : memref<40xi32, #tpu.memory_space<vmem>>) semaphore(%arg21 : memref<!tpu.dma_semaphore, #tpu.memory_space<semaphore_mem>>)
      } else {
      }
      %dma_start3A_216 = arith.constant 0 : i32
      %dma_start3A_217 = tpu.memref_slice %arg6[%add3A_152, %dma_start3A_216] : memref<10240x512xf32, #tpu.memory_space<hbm>> -> memref<8x512xf32, #tpu.memory_space<hbm>>
      %dma_start3A_218 = arith.constant 0 : i32
      %dma_start3A_219 = tpu.memref_slice %arg6[%add3A_152, %dma_start3A_218] : memref<10240x512xf32, #tpu.memory_space<hbm>> -> memref<8x512xf32, #tpu.memory_space<hbm>>
      tpu.enqueue_dma source(%arg16 : memref<8x512xf32, #tpu.memory_space<vmem>>) target(%dma_start3A_219 : memref<8x512xf32, #tpu.memory_space<hbm>>) target_semaphore(%arg24 : memref<!tpu.dma_semaphore, #tpu.memory_space<semaphore_mem>>)
      %add3A_220 = arith.constant 2 : i32
      %add3A_221 = arith.addi %add3A_149, %add3A_220 : i32
      %lt3A_222 = arith.constant 40 : i32
      %lt3A_223 = arith.cmpi slt, %add3A_221, %lt3A_222 : i32
      %convert_element_type3A_224 = arith.extui %lt3A_223 : i1 to i32
      %cond3A_225 = arith.constant 0 : i32
      %cond3A_226 = arith.cmpi ne, %convert_element_type3A_224, %cond3A_225 : i32
      scf.if %cond3A_226 {
        %dma_wait3A_228 = arith.constant 0 : i32
        %dma_wait3A_229 = tpu.memref_slice %arg5[%add3A_152, %dma_wait3A_228] : memref<10240x512xf32, #tpu.memory_space<hbm>> -> memref<8x512xf32, #tpu.memory_space<hbm>>
        %dma_wait3A_230 = arith.constant 0 : i32
        %dma_wait3A_231 = tpu.memref_slice %arg5[%add3A_152, %dma_wait3A_230] : memref<10240x512xf32, #tpu.memory_space<hbm>> -> memref<8x512xf32, #tpu.memory_space<hbm>>
        tpu.wait_dma2 semaphore(%arg26 : memref<!tpu.dma_semaphore, #tpu.memory_space<semaphore_mem>>) src(%arg10 : memref<8x512xf32, #tpu.memory_space<vmem>>) dst(%dma_wait3A_231 : memref<8x512xf32, #tpu.memory_space<hbm>>)
        %add3A_232 = arith.constant 2 : i32
        %add3A_233 = arith.addi %add3A_149, %add3A_232 : i32
        %dma_start3A_234 = arith.constant 0 : i32
        %dma_start3A_235 = tpu.memref_slice %arg7[%add3A_233, %dma_start3A_234] : memref<40x8xi32, #tpu.memory_space<vmem>> -> memref<1x8xi32, #tpu.memory_space<vmem>>
        %dma_start3A_236 = tpu.memref_squeeze %dma_start3A_235 : memref<1x8xi32, #tpu.memory_space<vmem>> -> memref<8xi32, #tpu.memory_space<vmem>>
        %dma_start3A_237 = arith.constant 0 : i32
        %dma_start3A_238 = arith.constant 0 : i32
        %dma_start3A_239 = tpu.memref_slice %arg4[%dma_start3A_237, %dma_start3A_238] : memref<50000x512xf32, #tpu.memory_space<hbm>> -> memref<50000x512xf32, #tpu.memory_space<hbm>>
        tpu.enqueue_indirect_dma source(%dma_start3A_239 : memref<50000x512xf32, #tpu.memory_space<hbm>>) target(%arg10 : memref<8x512xf32, #tpu.memory_space<vmem>>) offsets(%dma_start3A_236 : memref<8xi32, #tpu.memory_space<vmem>>) semaphore(%arg18 : memref<!tpu.dma_semaphore, #tpu.memory_space<semaphore_mem>>)
      } else {
      }
      %scan3A_227 = arith.constant 0 : i32
      scf.yield %scan3A_227 : i32
    }
    %scan3A_43 = arith.constant 20 : i32
    %dma_wait3A = arith.constant 0 : i32
    %dma_wait3A_44 = arith.constant 0 : i32
    %dma_wait3A_45 = tpu.memref_slice %arg6[%dma_wait3A, %dma_wait3A_44] : memref<10240x512xf32, #tpu.memory_space<hbm>> -> memref<8x512xf32, #tpu.memory_space<hbm>>
    %dma_wait3A_46 = arith.constant 0 : i32
    %dma_wait3A_47 = arith.constant 0 : i32
    %dma_wait3A_48 = tpu.memref_slice %arg6[%dma_wait3A_46, %dma_wait3A_47] : memref<10240x512xf32, #tpu.memory_space<hbm>> -> memref<8x512xf32, #tpu.memory_space<hbm>>
    tpu.wait_dma2 semaphore(%arg23 : memref<!tpu.dma_semaphore, #tpu.memory_space<semaphore_mem>>) src(%arg15 : memref<8x512xf32, #tpu.memory_space<vmem>>) dst(%dma_wait3A_48 : memref<8x512xf32, #tpu.memory_space<hbm>>)
    %dma_wait3A_49 = arith.constant 0 : i32
    %dma_wait3A_50 = arith.constant 0 : i32
    %dma_wait3A_51 = tpu.memref_slice %arg5[%dma_wait3A_49, %dma_wait3A_50] : memref<10240x512xf32, #tpu.memory_space<hbm>> -> memref<8x512xf32, #tpu.memory_space<hbm>>
    %dma_wait3A_52 = arith.constant 0 : i32
    %dma_wait3A_53 = arith.constant 0 : i32
    %dma_wait3A_54 = tpu.memref_slice %arg5[%dma_wait3A_52, %dma_wait3A_53] : memref<10240x512xf32, #tpu.memory_space<hbm>> -> memref<8x512xf32, #tpu.memory_space<hbm>>
    tpu.wait_dma2 semaphore(%arg25 : memref<!tpu.dma_semaphore, #tpu.memory_space<semaphore_mem>>) src(%arg9 : memref<8x512xf32, #tpu.memory_space<vmem>>) dst(%dma_wait3A_54 : memref<8x512xf32, #tpu.memory_space<hbm>>)
    %dma_wait3A_55 = arith.constant 0 : i32
    %dma_wait3A_56 = arith.constant 0 : i32
    %dma_wait3A_57 = tpu.memref_slice %arg6[%dma_wait3A_55, %dma_wait3A_56] : memref<10240x512xf32, #tpu.memory_space<hbm>> -> memref<8x512xf32, #tpu.memory_space<hbm>>
    %dma_wait3A_58 = arith.constant 0 : i32
    %dma_wait3A_59 = arith.constant 0 : i32
    %dma_wait3A_60 = tpu.memref_slice %arg6[%dma_wait3A_58, %dma_wait3A_59] : memref<10240x512xf32, #tpu.memory_space<hbm>> -> memref<8x512xf32, #tpu.memory_space<hbm>>
    tpu.wait_dma2 semaphore(%arg24 : memref<!tpu.dma_semaphore, #tpu.memory_space<semaphore_mem>>) src(%arg16 : memref<8x512xf32, #tpu.memory_space<vmem>>) dst(%dma_wait3A_60 : memref<8x512xf32, #tpu.memory_space<hbm>>)
    %dma_wait3A_61 = arith.constant 0 : i32
    %dma_wait3A_62 = arith.constant 0 : i32
    %dma_wait3A_63 = tpu.memref_slice %arg5[%dma_wait3A_61, %dma_wait3A_62] : memref<10240x512xf32, #tpu.memory_space<hbm>> -> memref<8x512xf32, #tpu.memory_space<hbm>>
    %dma_wait3A_64 = arith.constant 0 : i32
    %dma_wait3A_65 = arith.constant 0 : i32
    %dma_wait3A_66 = tpu.memref_slice %arg5[%dma_wait3A_64, %dma_wait3A_65] : memref<10240x512xf32, #tpu.memory_space<hbm>> -> memref<8x512xf32, #tpu.memory_space<hbm>>
    tpu.wait_dma2 semaphore(%arg26 : memref<!tpu.dma_semaphore, #tpu.memory_space<semaphore_mem>>) src(%arg10 : memref<8x512xf32, #tpu.memory_space<vmem>>) dst(%dma_wait3A_66 : memref<8x512xf32, #tpu.memory_space<hbm>>)
    return
  }
}

module attributes {stable_mosaic.version = 14 : i64} {
  func.func @_mm_body(%arg0: i32, %arg1: memref<512x512xf32, #tpu.memory_space<vmem>>, %arg2: memref<512x512xf32, #tpu.memory_space<vmem>>, %arg3: memref<1024x512xf32, #tpu.memory_space<vmem>>, %arg4: memref<1024x512xf32, #tpu.memory_space<vmem>>, %arg5: memref<512x1024xf32, #tpu.memory_space<vmem>>) attributes {dimension_semantics = [#tpu.dimension_semantics<parallel>], iteration_bounds = array<i64: 10>, scalar_prefetch = 0 : i64, scratch_operands = 0 : i64, tpu.core_type = #tpu.core_type<tc>, window_params = [{pipeline_mode = #tpu.pipeline_mode<synchronous>, transform_indices = @transform_0, window_bounds = array<i64: 512, 512>}, {pipeline_mode = #tpu.pipeline_mode<synchronous>, transform_indices = @transform_1, window_bounds = array<i64: 512, 512>}, {transform_indices = @transform_2, window_bounds = array<i64: 1024, 512>}, {transform_indices = @transform_3, window_bounds = array<i64: 1024, 512>}, {transform_indices = @transform_4, window_bounds = array<i64: 512, 1024>}]} {
    %get3A = arith.constant 0 : index
    %get3A_0 = arith.constant 0 : index
    %get3A_1 = vector.load %arg1[%get3A, %get3A_0] : memref<512x512xf32, #tpu.memory_space<vmem>>, vector<512x512xf32>
    %get3A_2 = arith.constant 0 : index
    %get3A_3 = arith.constant 0 : index
    %get3A_4 = vector.load %arg3[%get3A_2, %get3A_3] : memref<1024x512xf32, #tpu.memory_space<vmem>>, vector<1024x512xf32>
    %dot_general3A = arith.constant dense<0.000000e+00> : vector<512x1024xf32>
    %dot_general3A_5 = tpu.matmul %get3A_1, %get3A_4, %dot_general3A {dimension_numbers = #tpu.dot_dimension_numbers<[1], [1], [0], [0], [0, 0, 1, 0], [], []>, transpose_lhs_hint = false} : vector<512x512xf32>, vector<1024x512xf32>, vector<512x1024xf32> -> vector<512x1024xf32>
    %get3A_6 = arith.constant 0 : index
    %get3A_7 = arith.constant 0 : index
    %get3A_8 = vector.load %arg2[%get3A_6, %get3A_7] : memref<512x512xf32, #tpu.memory_space<vmem>>, vector<512x512xf32>
    %get3A_9 = arith.constant 0 : index
    %get3A_10 = arith.constant 0 : index
    %get3A_11 = vector.load %arg4[%get3A_9, %get3A_10] : memref<1024x512xf32, #tpu.memory_space<vmem>>, vector<1024x512xf32>
    %dot_general3A_12 = arith.constant dense<0.000000e+00> : vector<512x1024xf32>
    %dot_general3A_13 = tpu.matmul %get3A_8, %get3A_11, %dot_general3A_12 {dimension_numbers = #tpu.dot_dimension_numbers<[1], [1], [0], [0], [0, 0, 1, 0], [], []>, transpose_lhs_hint = false} : vector<512x512xf32>, vector<1024x512xf32>, vector<512x1024xf32> -> vector<512x1024xf32>
    %add3A = arith.addf %dot_general3A_5, %dot_general3A_13 : vector<512x1024xf32>
    %max3A = arith.constant 0.000000e+00 : f32
    %max3A_14 = vector.broadcast %max3A : f32 to vector<512x1024xf32>
    %max3A_15 = arith.maximumf %add3A, %max3A_14 : vector<512x1024xf32>
    %swap3A = arith.constant 0 : index
    %swap3A_16 = arith.constant 0 : index
    %swap3A_17 = vector.load %arg5[%swap3A, %swap3A_16] : memref<512x1024xf32, #tpu.memory_space<vmem>>, vector<512x1024xf32>
    tpu.vector_store %arg5[%swap3A, %swap3A_16], %max3A_15 {strides = array<i32>} : memref<512x1024xf32, #tpu.memory_space<vmem>>, vector<512x1024xf32>,
    return
  }
  func.func @transform_0(%arg0: i32) -> (i32, i32) {
    %c0_i32 = arith.constant 0 : i32
    %c0_i32_0 = arith.constant 0 : i32
    %c0_i32_1 = arith.constant 0 : i32
    return %c0_i32, %c0_i32_0 : i32, i32
  }
  func.func @transform_1(%arg0: i32) -> (i32, i32) {
    %c0_i32 = arith.constant 0 : i32
    %c0_i32_0 = arith.constant 0 : i32
    %c0_i32_1 = arith.constant 0 : i32
    return %c0_i32, %c0_i32_0 : i32, i32
  }
  func.func @transform_2(%arg0: i32) -> (i32, i32) {
    %c0_i32 = arith.constant 0 : i32
    %c0_i32_0 = arith.constant 0 : i32
    return %arg0, %c0_i32 : i32, i32
  }
  func.func @transform_3(%arg0: i32) -> (i32, i32) {
    %c0_i32 = arith.constant 0 : i32
    %c0_i32_0 = arith.constant 0 : i32
    return %arg0, %c0_i32 : i32, i32
  }
  func.func @transform_4(%arg0: i32) -> (i32, i32) {
    %c0_i32 = arith.constant 0 : i32
    %c0_i32_0 = arith.constant 0 : i32
    return %c0_i32, %arg0 : i32, i32
  }
}

</mosaic_0001>

<sc_bundles>
// kernel: kernel.4.cloned.1.call-start
scs
__scs_entry_jumppad:
0x0: {  	(pc) =	sbr.rel $0x88, $3  }
0x1: {  	(tag) =	ssettag $0x0;
	lr =	simm.s32 $0x1  }
0x2: {  	[smem:$0x3F9D] =	sst lr;
	_ =	strace $0xD0000000  }
0x3: {  	_ = 	snop  }
0x4: {  	_ = 	snop  }
0x5: {  	_ = 	snop  }
0x6: {  	_ = 	snop  }
0x7: {  	_ = 	snop  }
__scs_overlays_trampoline_lowered:
0x8: {  	[smem:$0x3FAC] =	sst s0  }
0x9: {  	[smem:$0x3FAD] =	sst s1  }
0xa: {  	[smem:$0x3FAE] =	sst s2  }
0xb: {  	[smem:$0x3FAF] =	sst s3  }
0xc: {  	[smem:$0x3FB0] =	sst s4  }
0xd: {  	[smem:$0x3FB1] =	sst s5  }
0xe: {  	[smem:$0x3FB2] =	sst s6  }
0xf: {  	[smem:$0x3FB3] =	sst s7  }
0x10: {  	[smem:$0x3FB4] =	sst s8  }
0x11: {  	[smem:$0x3FB5] =	sst s9;
	s0 =	simm.s32 @!p0 $0x0  }
0x12: {  	s1 =	sld [smem:$0x3F9B];
	s0 =	simm.s32 @p0 $0x1  }
0x13: {  	[smem:$0x3FB6] =	sst s0;
	s0 =	simm.s32 @!p1 $0x0  }
0x14: {  	s2 =	sld [smem:$0x3F9A];
	s0 =	simm.s32 @p1 $0x1  }
0x15: {  	[smem:$0x3FB7] =	sst s0;
	s0 =	simm.s32 @!p2 $0x0  }
0x16: {  	s3 =	sld [smem:$0x3FDB];
	s0 =	simm.s32 @p2 $0x1  }
0x17: {  	s4 =	simm.s32 $0x1BF5;
	[smem:$0x3FB9] =	sst s0  }
0x18: {  	s0 =	sld [smem:$0x3F9C];
	_ =	swait.ge [sflag:s4], $0x0  }
0x19: {  	s7 =	sld [smem:$0x3F9D]  }
0x1a: {  	s8 =	sadd.s32 $0xFFFFE003, lr  }
0x1b: {  	s9 =	sadd.s32 $0xFFFFFEF7, lr;
	s5 =	simm.s32 $0xFFFFFFFF;
	p2 =	slt.u32 s8, $0xFFFFF086  }
0x1c: {  	p1 =	slt.u32 s9, $0xF7A;
	s5 =	simm.s32 @!p2 $0x0  }
0x1d: {  	s5 =	simm.s32 @p1 $0x1;
	p0 =	seq.s32 s7, s2  }
0x1e: {  	s7 =	smul.u32 @!p0 $0xF7A, s2;
	p2 =	seq.s32 @!p0 s5, $0x0  }
0x1f: {  	s9 =	smul.u32 $0xF7A, s1;
	s8 =	simm.s32 @!p0 $0x1BF5;
	p2 =	por !p2, p0  }
0x20: {  	[sflag:s8] =	ssyncset.s32 @!p0 $0xFFFFF086;
	s6 =	sadd.s32 @!p0 s3, s7;
	s7 =	simm.s32 @!p0 $0x108  }
0x21: {  	s3 =	sadd.s32 s3, s9;
	s6 =	sadd.s32 @!p0 $0x88, s6;
	s7 =	simm.s32 @p2 $0x1082  }
0x22: {  	[simem:s7], [sflag:s8] =	dma.local @!p0 [hbm:s6], $0xF7A  }
0x23: {  	s9 =	sor.u32 $0xD0000000, s2;
	s6 =	simm.s32 $0x108;
	_ =	swait.ge @!p0 [sflag:s8], $0x0  }
0x24: {  	s3 =	sadd.s32 $0x88, s3;
	s6 =	simm.s32 @!p1 $0x1082;
	[sflag:s4] =	ssyncset.s32 $0xFFFFF086  }
0x25: {  	[simem:s6], [sflag:s4] =	dma.local [hbm:s3], $0xF7A  }
0x26: {  	[smem:$0x3F9D] =	sst s1;
	(tag) =	ssettag s2;
	_ =	strace s9  }
0x27: {  	s1 =	sld [smem:$0x3FAD]  }
0x28: {  	s2 =	sld [smem:$0x3FAE]  }
0x29: {  	s4 =	sld [smem:$0x3FB0]  }
0x2a: {  	p0 =	seq.s32 s5, $0x0;
	s5 =	sld [smem:$0x3FB1]  }
0x2b: {  	s6 =	sld [smem:$0x3FB2]  }
0x2c: {  	s7 =	sld [smem:$0x3FB3]  }
0x2d: {  	s3 =	simm.s32 $0x108;
	s8 =	sld [smem:$0x3FB4]  }
0x2e: {  	s3 =	simm.s32 @!p0 $0x1082;
	s9 =	sld [smem:$0x3FB5]  }
0x2f: {  	lr =	sadd.s32 s0, s3;
	s0 =	sld [smem:$0x3FAC]  }
0x30: {  	s3 =	sld [smem:$0x3FAF]  }
0x31: {  	[smem:$0x3FB8] =	sst s10  }
0x32: {  	s10 =	sld [smem:$0x3FB6];
	_ =	sdelay $0x3  }
0x33: {  	p0 =	seq.s32 s10, $0x1;
	s10 =	sld [smem:$0x3FB8];
	_ =	sdelay $0x3  }
0x34: {  	[smem:$0x3FB8] =	sst s10  }
0x35: {  	s10 =	sld [smem:$0x3FB7];
	_ =	sdelay $0x3  }
0x36: {  	p1 =	seq.s32 s10, $0x1;
	s10 =	sld [smem:$0x3FB8];
	_ =	sdelay $0x3  }
0x37: {  	[smem:$0x3FB8] =	sst s10  }
0x38: {  	s10 =	sld [smem:$0x3FB9]  }
0x39: {  	_ = 	snop;
	(pc) =	sbr.ind lr, $3  }
0x3a: {  	_ = 	snop  }
0x3b: {  	_ = 	snop  }
0x3c: {  	p2 =	seq.s32 s10, $0x1;
	s10 =	sld [smem:$0x3FB8]  }
0x3d: {  	_ =	shalt  }
0x3e: {  	_ =	shalt  }
0x3f: {  	_ =	shalt  }
0x40: {  	_ =	shalt  }
0x41: {  	_ =	shalt  }
0x42: {  	_ =	shalt  }
0x43: {  	_ =	shalt  }
0x44: {  	_ =	shalt  }
0x45: {  	_ =	shalt  }
0x46: {  	_ =	shalt  }
0x47: {  	_ =	shalt  }
0x48: {  	_ =	shalt  }
0x49: {  	_ =	shalt  }
0x4a: {  	_ =	shalt  }
0x4b: {  	_ =	shalt  }
0x4c: {  	_ =	shalt  }
0x4d: {  	_ =	shalt  }
0x4e: {  	_ =	shalt  }
0x4f: {  	_ =	shalt  }
0x50: {  	_ =	shalt  }
0x51: {  	_ =	shalt  }
0x52: {  	_ =	shalt  }
0x53: {  	_ =	shalt  }
0x54: {  	_ =	shalt  }
0x55: {  	_ =	shalt  }
0x56: {  	_ =	shalt  }
0x57: {  	_ =	shalt  }
0x58: {  	_ =	shalt  }
0x59: {  	_ =	shalt  }
0x5a: {  	_ =	shalt  }
0x5b: {  	_ =	shalt  }
0x5c: {  	_ =	shalt  }
0x5d: {  	_ =	shalt  }
0x5e: {  	_ =	shalt  }
0x5f: {  	_ =	shalt  }
0x60: {  	_ =	shalt  }
0x61: {  	_ =	shalt  }
0x62: {  	_ =	shalt  }
0x63: {  	_ =	shalt  }
0x64: {  	_ =	shalt  }
0x65: {  	_ =	shalt  }
0x66: {  	_ =	shalt  }
0x67: {  	_ =	shalt  }
0x68: {  	_ =	shalt  }
0x69: {  	_ =	shalt  }
0x6a: {  	_ =	shalt  }
0x6b: {  	_ =	shalt  }
0x6c: {  	_ =	shalt  }
0x6d: {  	_ =	shalt  }
0x6e: {  	_ =	shalt  }
0x6f: {  	_ =	shalt  }
0x70: {  	_ =	shalt  }
0x71: {  	_ =	shalt  }
0x72: {  	_ =	shalt  }
0x73: {  	_ =	shalt  }
0x74: {  	_ =	shalt  }
0x75: {  	_ =	shalt  }
0x76: {  	_ =	shalt  }
0x77: {  	_ =	shalt  }
0x78: {  	_ =	shalt  }
0x79: {  	_ =	shalt  }
0x7a: {  	_ =	shalt  }
0x7b: {  	_ =	shalt  }
0x7c: {  	_ =	shalt  }
0x7d: {  	_ =	shalt  }
0x7e: {  	_ =	shalt  }
0x7f: {  	_ =	shalt  }
0x80: {  	_ =	shalt  }
0x81: {  	_ =	shalt  }
0x82: {  	_ =	shalt  }
0x83: {  	_ =	shalt  }
0x84: {  	_ =	shalt  }
0x85: {  	_ =	shalt  }
0x86: {  	_ =	shalt  }
0x87: {  	_ =	shalt  }
.Lfunc_end0:
.L_simem_size_0:
called_computation_lowered:
.L_overlay_start_0:
0x88: {  	s2 =	sld [smem:$0x3FD9]  }
0x89: {  	s3 =	sld [smem:$0x3FFE];
	_ =	sdelay $0x1  }
0x8a: {  	s1 =	srdreg.scid  }
0x8b: {  	s0 =	sand.u32 $0x1, s1  }
0x8c: {  	s17 =	sshll.u32 s0, $0xA;
	s2 =	sadd.s32 s3, s2  }
0x8d: {  	s2 =	sadd.s32 s2, s17  }
0x8e: {  	[smem:$0x3FC4] =	sst s2  }
0x8f: {  	_ = 	snop  }
0x90: {  	s2 =	sld [smem:$0x3FC7]  }
0x91: {  	s18 =	sld [smem:$0x3FD0];
	(tm) =	ssettm $0x1  }
0x92: {  	s4 =	sld [smem:$0x3FFB];
	_ =	sdelay $0x3  }
0x93: {  	_ =	strace s4  }
0x94: {  	s4 =	sld [smem:$0x3FFC];
	_ =	sdelay $0x3  }
0x95: {  	_ =	strace s4  }
0x96: {  	s4 =	sld [smem:$0x3FFD];
	_ =	sdelay $0x3  }
0x97: {  	_ =	strace s4  }
0x98: {  	_ =	strace $0x8FFFFFFF  }
0x99: {  	s19 =	sld [smem:$0x3FDB];
	_ =	sdelay $0x1  }
0x9a: {  	s5 =	simm.s32 $_scs_section_size  }
0x9b: {  	s6 =	simm.s32 $_size__tile_overlayer_lowered;
	s7 =	simm.s32 $_tile_overlayer_lowered  }
0x9c: {  	s22 =	simm.s32 $0x1BFF;
	s21 =	sshll.u32 s7, $0x1;
	s4 =	sadd.s32 s5, s19  }
0x9d: {  	s8 =	simm.s32 $0x0;
	s20 =	sshll.u32 s6, $0x1;
	s6 =	sadd.s32 s21, s4  }
0x9e: {  	[timem:s8], [sflag:s22] =	dma.local [hbm:s6], s20  }
0x9f: {  	_ =	swait.ge [sflag:s22], s20  }
0xa0: {  	s5 =	ssub.s32 $0x0, s20;
	[sflag:s22] =	ssyncset.done $0x0  }
0xa1: {  	[sflag:s22] =	ssyncadd.s32 s5;
	_ =	sdelay $0x1  }
0xa2: {  	s23 =	simm.s32 $0x1B8B  }
0xa3: {  	_ =	swait.ge [sflag:s23], $0x1  }
0xa4: {  	[sflag:s23] =	ssyncset.done $0x0  }
0xa5: {  	s25 =	simm.s32 $0x1B8E;
	s24 =	sld [smem:$0x3FFE];
	[sflag:s23] =	ssyncadd.s32 $0xFFFFFFFF  }
0xa6: {  	s26 =	simm.s32 $execute0_lowered;
	[smem:$0x3FD2] =	sst s25  }
0xa7: {  	s6 =	sshll.u32 s26, $0x1;
	_ =	strace $0x80000046;
	[dreg:$0x1] =	wrdreg $0xFFFFFFFF  }
0xa8: {  	s28 =	simm.s32 $_size_execute0_lowered;
	s4 =	sadd.s32 s4, s6;
	[dreg:$0x0] =	wrdreg $0x0  }
0xa9: {  	s6 =	sshll.u32 s28, $0x1;
	[dreg:$0x2] =	wrdreg s4  }
0xaa: {  	[dreg:$0x3] =	wrdreg s6  }
0xab: {  	[dreg:$0x4] =	wrdreg $0xC0  }
0xac: {  	_ =	task [dreg:s8], $0x5FFFF  }
0xad: {  	[dreg:$0x1] =	wrdreg $0xFFFFFFFF  }
0xae: {  	[dreg:$0x0] =	wrdreg $0x60  }
0xaf: {  	[dreg:$0x2] =	wrdreg s24  }
0xb0: {  	[dreg:$0x3] =	wrdreg s18  }
0xb1: {  	[dreg:$0x4] =	wrdreg s2  }
0xb2: {  	[dreg:$0x5] =	wrdreg $0x9  }
0xb3: {  	_ =	task.clear_ibuf [dreg:s8], $0x6FFFF;
	_ =	strace $0x90000046  }
0xb4: {  	s29 =	simm.s32 $0x9;
	_ =	strace $0x80000048  }
0xb5: {  	_ =	swait.ge [sflag:s29], $0x1  }
0xb6: {  	[sflag:s29] =	ssyncadd.s32 $0xFFFFFFFF  }
0xb7: {  	_ =	strace $0x90000048  }
0xb8: {  	_ =	sfence  }
0xb9: {  	s30 =	sld [smem:$0x0];
	_ =	sdelay $0x2  }
0xba: {  	s31 =	sshll.u32 s1, $0xD;
	s1 =	sshrl.u32 s1, $0x2  }
0xbb: {  	s3 =	sand.u32 $0x4000, s31;
	s1 =	sadd.s32 s1, s30  }
0xbc: {  	s0 =	sor.u32 s3, s0;
	s1 =	sshll.u32 s1, $0x11  }
0xbd: {  	s0 =	sor.u32 s1, s0  }
0xbe: {  	s0 =	sadd.s32 $0x8F2B, s0  }
0xbf: {  	[sflag:s0] =	ssyncadd.remote.s32 $0x1  }
0xc0: {  	_ =	sfence.sel $0xFFFF  }
0xc1: {  	[dreg:$0x0] =	wrdreg $0xFFFFFFFF;
	(pc) =	sbr.abs _section_cstart, $3  }
0xc2: {  	[dreg:$0x1] =	wrdreg $0xFFFFFFFF  }
0xc3: {  	_ =	task.clear_ibuf [dreg:s8], $0x2FFFF;
	_ =	strace $0x9FFFFFFF  }
0xc4: {  	(tm) =	ssettm $0x7FFFFFFF  }
0xc5: {  	_ =	shalt  }
tec
execute0_lowered:
.L_overlay_start_1:
0x0: {  	(tag) =	ssettag $0x1  }
0x1: {  	s0 =	rddreg [dreg:$0x0]  }
0x2: {  	s1 =	rddreg [dreg:$0x1];
	s3 =	srdreg.scid  }
0x3: {  	s4 =	stileid.u32;
	s2 =	rddreg [dreg:$0x2];
	s14 =	simm.s32 $0x3C00  }
0x4: {  	s16 =	simm.s32 $0x4C00;
	s15 =	simm.s32 $0x1;
	s18 =	simm.s32 $0x3  }
0x5: {  	s13 =	simm.s32 $0x19C00;
	s29 =	simm.s32 $0x2;
	s30 =	simm.s32 $0x5  }
0x6: {  	s31 =	simm.s32 $0x6;
	s5 =	sand.u32 $0x1, s3;
	s4 =	sshll.u32 s4, $0x1  }
0x7: {  	s12 =	simm.s32 $0x0;
	s3 =	simm.s32 $0x0;
	s6 =	sor.u32 s5, s4  }
0x8: {  	[smem:$0x7FF] =	sst s3;
	s8 =	ssub.s32 $0x2, s5;
	s4 =	smul.u32 $0x280, s6  }
0x9: {  	s5 =	sadd.s32 $0xA5C00, s0;
	_ =	strace $0x80000047;
	s9 =	smul.u32 $0x500, s6  }
0xa: {  	s28 =	sshrl.u32 s8, $0x1;
	s10 =	smul.u32 $0x28, s6;
	s7 =	sadd.s32 s4, s0  }
.Ltmp0:
0xb: {  	v2 =	vlaneseq.u32;
	s4 =	sadd.s32 $0x5C00, s0;
	s0 =	ssub.s32 s8, s28;
	(pc) =	sbr.rel .LBB2_1-.Ltmp0, $4  }
0xc: {  	v0 =	vand.u32 $0x7, v2;
	v1 =	vshrl.u32 v2, $0x3;
	s1 =	sadd.s32 s1, s9;
	s9 =	sadd.s32 $0x100, s2;
	s8 =	simm.s32 $0xA  }
0xd: {  	v63 =	vor.u32 $0x8, v2;
	v62 =	vmul.u32 $0x8, v1;
	[tilespmem:$0x1FFD0] =	vst v0;
	s7 =	sadd.s32 $0xC00, s7;
	[dreg:$0x5] =	wrdreg s1;
	s0 =	smax.u32 s0, $0x1  }
0xe: {  	[tilespmem:$0x1FFF0] =	vst v63;
	s1 =	simm.s32 $0x1AC00;
	[dreg:$0x4] =	wrdreg s7;
	s7 =	smul.u32 $0x28000, s6  }
0xf: {  	vm0 =	vmmov $0xffff;
	[tilespmem:$0x1FFE0] =	vst v62;
	[dreg:$0x6] =	wrdreg s0;
	s0 =	simm.s32 $0x4;
	s6 =	simm.s32 $0x9  }
.LBB2_23:
0x10: {  	[hbm4b:s12+s3] =	stream.linear.scatter [tilespmem:s1], [sflag:$0x8], $0x1000, $0x38;
	[tilespmem:$0x1BC00] =	vst v63  }
0x11: {  	s11 =	simm.s32 $0x7  }
0x12: {  	_ =	swait.ge [sflag:s11], $0x1000  }
0x13: {  	[sflag:s11] =	ssyncset.done $0x0  }
0x14: {  	[sflag:s11] =	ssyncadd.s32 $0xFFFFF000  }
0x15: {  	_ =	swait.ge [sflag:s6], $0x1000  }
0x16: {  	[sflag:s6] =	ssyncset.done $0x0  }
0x17: {  	s25 =	simm.s32 $0x8;
	[sflag:s6] =	ssyncadd.s32 $0xFFFFF000  }
0x18: {  	_ =	swait.ge [sflag:s25], $0x1000  }
0x19: {  	[sflag:s25] =	ssyncset.done $0x0  }
0x1a: {  	[sflag:s25] =	ssyncadd.s32 $0xFFFFF000  }
0x1b: {  	_ =	swait.ge [sflag:s8], $0x1000  }
0x1c: {  	s26 =	rddreg [dreg:$0x7]  }
0x1d: {  	s28 =	rddreg [dreg:$0x6];
	s12 =	sadd.s32 $0x1, s26  }
0x1e: {  	p0 =	sne.s32 s12, s28  }
.Ltmp1:
0x1f: {  	_ = 	snop;
	(pc) =	sbr.rel @!p0 .LBB2_24-.Ltmp1, $3  }
0x20: {  	_ =	sdelay $0x1  }
0x21: {  	[sflag:s8] =	ssyncset.done $0x0  }
0x22: {  	[sflag:s8] =	ssyncadd.s32 $0xFFFFF000  }
.LBB2_1:
0x23: {  	[dreg:$0x7] =	wrdreg s12  }
0x24: {  	s11 =	rddreg [dreg:$0x4];
	s26 =	simm.s32 $0xB  }
0x25: {  	[tilespmem:s3], [sflag:$0xB] =	stream.linear.gather [hbm4b:s11+s3], $0x1400, $0x38;
	[tilespmem:$0x1BC00] =	vst v63  }
0x26: {  	_ =	swait.ge [sflag:s26], $0x1400  }
0x27: {  	[sflag:s26] =	ssyncset.done $0x0  }
0x28: {  	s17 =	simm.s32 $0x1400;
	s28 =	rddreg [dreg:$0x5];
	[sflag:s26] =	ssyncadd.s32 $0xFFFFEC00  }
0x29: {  	[tilespmem:s17], [sflag:$0xB] =	stream.linear.gather [hbm4b:s28+s3], $0x2800, $0x38;
	[tilespmem:$0x1BC00] =	vst v63  }
0x2a: {  	_ =	swait.ge [sflag:s26], $0x2800  }
0x2b: {  	[sflag:s26] =	ssyncset.done $0x0  }
0x2c: {  	[sflag:s26] =	ssyncadd.s32 $0xFFFFD800  }
0x2d: {  	v3 =	vld.msk [tilespmem:$0x0], $0xff;
	_ =	sdelay $0x2  }
0x2e: {  	v0 =	vld [tilespmem:$0x1FFD0];
	_ =	sdelay $0x1  }
0x2f: {  	v1 =	vld [tilespmem:$0x1FFE0];
	v4 =	vshll.u32 v3, $0x2  }
0x30: {  	v3 =	vand.u32 $0x7, v3;
	v4 =	vand.u32 $0xFFFFFFE0, v4  }
0x31: {  	v3 =	vor.u32 v3, v4  }
0x32: {  	v3 =	vperm.xlane v3, v0;
	_ =	sdelay $0x1  }
0x33: {  	v3 =	vadd.s32 v1, v3;
	_ =	sdelay $0x4  }
0x34: {  	[tilespmem:s14], [sflag:$0x1] =	stream.indirect_vreg.gather [hbm4b:s2+s3], $0x80, v3, vm0, $0xb8;
	[tilespmem:$0x1BC00] =	vst v63  }
0x35: {  	s17 =	simm.s32 $0x4400  }
0x36: {  	[tilespmem:s17], [sflag:$0x1] =	stream.indirect_vreg.gather [hbm4b:s9+s3], $0x80, v3, vm0, $0xb8;
	[tilespmem:$0x1BC00] =	vst v63  }
0x37: {  	v3 =	vld.msk [tilespmem:$0x80], $0xff;
	_ =	sdelay $0x4  }
0x38: {  	v54 =	vshll.u32 v3, $0x2  }
0x39: {  	v3 =	vand.u32 $0x7, v3;
	v4 =	vand.u32 $0xFFFFFFE0, v54  }
0x3a: {  	v3 =	vor.u32 v3, v4  }
0x3b: {  	v3 =	vperm.xlane v3, v0;
	_ =	sdelay $0x1  }
0x3c: {  	v3 =	vadd.s32 v1, v3;
	_ =	sdelay $0x4  }
0x3d: {  	[tilespmem:s16], [sflag:$0x2] =	stream.indirect_vreg.gather [hbm4b:s2+s3], $0x80, v3, vm0, $0xb8;
	[tilespmem:$0x1BC00] =	vst v63  }
0x3e: {  	s19 =	simm.s32 $0x5400  }
0x3f: {  	[tilespmem:s19], [sflag:$0x2] =	stream.indirect_vreg.gather [hbm4b:s9+s3], $0x80, v3, vm0, $0xb8;
	[tilespmem:$0x1BC00] =	vst v63  }
0x40: {  	v3 =	vld [tilespmem:$0x1400];
	_ =	sdelay $0x4  }
0x41: {  	v55 =	vshll.u32 v3, $0x2  }
0x42: {  	v3 =	vand.u32 $0x7, v3;
	v4 =	vand.u32 $0xFFFFFFE0, v55  }
0x43: {  	v2 =	vld [tilespmem:$0x1FFF0];
	v3 =	vor.u32 v3, v4  }
0x44: {  	v4 =	vperm.xlane v3, v0;
	_ =	sdelay $0x1  }
0x45: {  	v4 =	vadd.s32 v1, v4;
	_ =	sdelay $0x1  }
0x46: {  	v3 =	vperm.xlane v3, v2;
	_ =	sdelay $0x1  }
0x47: {  	s20 =	simm.s32 $0x5C00;
	v3 =	vadd.s32 v1, v3  }
0x48: {  	[tilespmem:s20], [sflag:$0x3] =	stream.indirect_vreg.gather [hbm4b:s2+s3], $0x80, v4, vm0, $0xb8;
	[tilespmem:$0x1BC00] =	vst v63  }
0x49: {  	s21 =	simm.s32 $0x6400  }
0x4a: {  	[tilespmem:s21], [sflag:$0x3] =	stream.indirect_vreg.gather [hbm4b:s9+s3], $0x80, v4, vm0, $0xb8;
	[tilespmem:$0x1BC00] =	vst v63  }
0x4b: {  	s22 =	simm.s32 $0x6C00  }
0x4c: {  	[tilespmem:s22], [sflag:$0x3] =	stream.indirect_vreg.gather [hbm4b:s2+s3], $0x80, v3, vm0, $0xb8;
	[tilespmem:$0x1BC00] =	vst v63  }
0x4d: {  	s23 =	simm.s32 $0x7400  }
0x4e: {  	[tilespmem:s23], [sflag:$0x3] =	stream.indirect_vreg.gather [hbm4b:s9+s3], $0x80, v3, vm0, $0xb8;
	[tilespmem:$0x1BC00] =	vst v63  }
0x4f: {  	v3 =	vld [tilespmem:$0x1410];
	_ =	sdelay $0x4  }
0x50: {  	v56 =	vshll.u32 v3, $0x2  }
0x51: {  	v3 =	vand.u32 $0x7, v3;
	v4 =	vand.u32 $0xFFFFFFE0, v56  }
0x52: {  	v3 =	vor.u32 v3, v4  }
0x53: {  	v4 =	vperm.xlane v3, v0;
	_ =	sdelay $0x1  }
0x54: {  	v4 =	vadd.s32 v1, v4;
	_ =	sdelay $0x1  }
0x55: {  	v3 =	vperm.xlane v3, v2;
	_ =	sdelay $0x1  }
0x56: {  	s24 =	simm.s32 $0x7C00;
	v3 =	vadd.s32 v1, v3  }
0x57: {  	[tilespmem:s24], [sflag:$0x3] =	stream.indirect_vreg.gather [hbm4b:s2+s3], $0x80, v4, vm0, $0xb8;
	[tilespmem:$0x1BC00] =	vst v63  }
0x58: {  	s25 =	simm.s32 $0x8400  }
0x59: {  	[tilespmem:s25], [sflag:$0x3] =	stream.indirect_vreg.gather [hbm4b:s9+s3], $0x80, v4, vm0, $0xb8;
	[tilespmem:$0x1BC00] =	vst v63  }
0x5a: {  	s26 =	simm.s32 $0x8C00  }
0x5b: {  	[tilespmem:s26], [sflag:$0x3] =	stream.indirect_vreg.gather [hbm4b:s2+s3], $0x80, v3, vm0, $0xb8;
	[tilespmem:$0x1BC00] =	vst v63  }
0x5c: {  	s28 =	simm.s32 $0x9400  }
0x5d: {  	[tilespmem:s28], [sflag:$0x3] =	stream.indirect_vreg.gather [hbm4b:s9+s3], $0x80, v3, vm0, $0xb8;
	[tilespmem:$0x1BC00] =	vst v63  }
0x5e: {  	v3 =	vld.msk [tilespmem:$0x1420], $0xff;
	_ =	sdelay $0x4  }
0x5f: {  	v57 =	vshll.u32 v3, $0x2  }
0x60: {  	v3 =	vand.u32 $0x7, v3;
	v4 =	vand.u32 $0xFFFFFFE0, v57  }
0x61: {  	v3 =	vor.u32 v3, v4  }
0x62: {  	v3 =	vperm.xlane v3, v0;
	_ =	sdelay $0x1  }
0x63: {  	v3 =	vadd.s32 v1, v3;
	_ =	sdelay $0x3  }
0x64: {  	s12 =	simm.s32 $0x9C00  }
0x65: {  	[tilespmem:s12], [sflag:$0x3] =	stream.indirect_vreg.gather [hbm4b:s2+s3], $0x80, v3, vm0, $0xb8;
	[tilespmem:$0x1BC00] =	vst v63  }
0x66: {  	s17 =	simm.s32 $0xA400  }
0x67: {  	[tilespmem:s17], [sflag:$0x3] =	stream.indirect_vreg.gather [hbm4b:s9+s3], $0x80, v3, vm0, $0xb8;
	[tilespmem:$0x1BC00] =	vst v63  }
0x68: {  	v3 =	vld [tilespmem:$0x1480];
	_ =	sdelay $0x4  }
0x69: {  	v58 =	vshll.u32 v3, $0x2  }
0x6a: {  	v3 =	vand.u32 $0x7, v3;
	v4 =	vand.u32 $0xFFFFFFE0, v58  }
0x6b: {  	v3 =	vor.u32 v3, v4  }
0x6c: {  	v4 =	vperm.xlane v3, v0;
	_ =	sdelay $0x1  }
0x6d: {  	v4 =	vadd.s32 v1, v4;
	_ =	sdelay $0x1  }
0x6e: {  	v3 =	vperm.xlane v3, v2;
	_ =	sdelay $0x1  }
0x6f: {  	s19 =	simm.s32 $0xAC00;
	v3 =	vadd.s32 v1, v3  }
0x70: {  	[tilespmem:s19], [sflag:$0x4] =	stream.indirect_vreg.gather [hbm4b:s2+s3], $0x80, v4, vm0, $0xb8;
	[tilespmem:$0x1BC00] =	vst v63  }
0x71: {  	s20 =	simm.s32 $0xB400  }
0x72: {  	[tilespmem:s20], [sflag:$0x4] =	stream.indirect_vreg.gather [hbm4b:s9+s3], $0x80, v4, vm0, $0xb8;
	[tilespmem:$0x1BC00] =	vst v63  }
0x73: {  	s21 =	simm.s32 $0xBC00  }
0x74: {  	[tilespmem:s21], [sflag:$0x4] =	stream.indirect_vreg.gather [hbm4b:s2+s3], $0x80, v3, vm0, $0xb8;
	[tilespmem:$0x1BC00] =	vst v63  }
0x75: {  	s22 =	simm.s32 $0xC400  }
0x76: {  	[tilespmem:s22], [sflag:$0x4] =	stream.indirect_vreg.gather [hbm4b:s9+s3], $0x80, v3, vm0, $0xb8;
	[tilespmem:$0x1BC00] =	vst v63  }
0x77: {  	v3 =	vld [tilespmem:$0x1490];
	_ =	sdelay $0x4  }
0x78: {  	v59 =	vshll.u32 v3, $0x2  }
0x79: {  	v3 =	vand.u32 $0x7, v3;
	v4 =	vand.u32 $0xFFFFFFE0, v59  }
0x7a: {  	v3 =	vor.u32 v3, v4  }
0x7b: {  	v4 =	vperm.xlane v3, v0;
	_ =	sdelay $0x1  }
0x7c: {  	v4 =	vadd.s32 v1, v4;
	_ =	sdelay $0x1  }
0x7d: {  	v3 =	vperm.xlane v3, v2;
	_ =	sdelay $0x1  }
0x7e: {  	s23 =	simm.s32 $0xCC00;
	v3 =	vadd.s32 v1, v3  }
0x7f: {  	[tilespmem:s23], [sflag:$0x4] =	stream.indirect_vreg.gather [hbm4b:s2+s3], $0x80, v4, vm0, $0xb8;
	[tilespmem:$0x1BC00] =	vst v63  }
0x80: {  	s24 =	simm.s32 $0xD400  }
0x81: {  	[tilespmem:s24], [sflag:$0x4] =	stream.indirect_vreg.gather [hbm4b:s9+s3], $0x80, v4, vm0, $0xb8;
	[tilespmem:$0x1BC00] =	vst v63  }
0x82: {  	s25 =	simm.s32 $0xDC00  }
0x83: {  	[tilespmem:s25], [sflag:$0x4] =	stream.indirect_vreg.gather [hbm4b:s2+s3], $0x80, v3, vm0, $0xb8;
	[tilespmem:$0x1BC00] =	vst v63  }
0x84: {  	s26 =	simm.s32 $0xE400  }
0x85: {  	[tilespmem:s26], [sflag:$0x4] =	stream.indirect_vreg.gather [hbm4b:s9+s3], $0x80, v3, vm0, $0xb8;
	[tilespmem:$0x1BC00] =	vst v63  }
0x86: {  	v3 =	vld.msk [tilespmem:$0x14A0], $0xff;
	_ =	sdelay $0x4  }
0x87: {  	v60 =	vshll.u32 v3, $0x2  }
0x88: {  	v3 =	vand.u32 $0x7, v3;
	v4 =	vand.u32 $0xFFFFFFE0, v60  }
0x89: {  	v3 =	vor.u32 v3, v4  }
0x8a: {  	v3 =	vperm.xlane v3, v0;
	_ =	sdelay $0x1  }
0x8b: {  	v3 =	vadd.s32 v1, v3;
	_ =	sdelay $0x3  }
0x8c: {  	s28 =	simm.s32 $0xEC00  }
0x8d: {  	[tilespmem:s28], [sflag:$0x4] =	stream.indirect_vreg.gather [hbm4b:s2+s3], $0x80, v3, vm0, $0xb8;
	[tilespmem:$0x1BC00] =	vst v63  }
0x8e: {  	s12 =	simm.s32 $0xF400  }
0x8f: {  	[tilespmem:s12], [sflag:$0x4] =	stream.indirect_vreg.gather [hbm4b:s9+s3], $0x80, v3, vm0, $0xb8;
	[tilespmem:$0x1BC00] =	vst v63  }
0x90: {  	v3 =	vld [tilespmem:$0x1500];
	_ =	sdelay $0x4  }
0x91: {  	v61 =	vshll.u32 v3, $0x2  }
0x92: {  	v3 =	vand.u32 $0x7, v3;
	v4 =	vand.u32 $0xFFFFFFE0, v61  }
0x93: {  	v3 =	vor.u32 v3, v4  }
0x94: {  	v4 =	vperm.xlane v3, v0;
	_ =	sdelay $0x1  }
0x95: {  	v4 =	vadd.s32 v1, v4;
	_ =	sdelay $0x1  }
0x96: {  	v3 =	vperm.xlane v3, v2;
	_ =	sdelay $0x1  }
0x97: {  	s17 =	simm.s32 $0xFC00;
	v3 =	vadd.s32 v1, v3  }
0x98: {  	[tilespmem:s17], [sflag:$0x5] =	stream.indirect_vreg.gather [hbm4b:s2+s3], $0x80, v4, vm0, $0xb8;
	[tilespmem:$0x1BC00] =	vst v63  }
0x99: {  	s19 =	simm.s32 $0x10400  }
0x9a: {  	[tilespmem:s19], [sflag:$0x5] =	stream.indirect_vreg.gather [hbm4b:s9+s3], $0x80, v4, vm0, $0xb8;
	[tilespmem:$0x1BC00] =	vst v63  }
0x9b: {  	s20 =	simm.s32 $0x10C00  }
0x9c: {  	[tilespmem:s20], [sflag:$0x5] =	stream.indirect_vreg.gather [hbm4b:s2+s3], $0x80, v3, vm0, $0xb8;
	[tilespmem:$0x1BC00] =	vst v63  }
0x9d: {  	s21 =	simm.s32 $0x11400  }
0x9e: {  	[tilespmem:s21], [sflag:$0x5] =	stream.indirect_vreg.gather [hbm4b:s9+s3], $0x80, v3, vm0, $0xb8;
	[tilespmem:$0x1BC00] =	vst v63  }
0x9f: {  	v3 =	vld [tilespmem:$0x1510];
	_ =	sdelay $0x4  }
0xa0: {  	v62 =	vshll.u32 v3, $0x2  }
0xa1: {  	v3 =	vand.u32 $0x7, v3;
	v4 =	vand.u32 $0xFFFFFFE0, v62  }
0xa2: {  	v3 =	vor.u32 v3, v4  }
0xa3: {  	v4 =	vperm.xlane v3, v0;
	_ =	sdelay $0x1  }
0xa4: {  	v4 =	vadd.s32 v1, v4;
	_ =	sdelay $0x1  }
0xa5: {  	v3 =	vperm.xlane v3, v2;
	_ =	sdelay $0x1  }
0xa6: {  	s22 =	simm.s32 $0x11C00;
	v3 =	vadd.s32 v1, v3  }
0xa7: {  	[tilespmem:s22], [sflag:$0x5] =	stream.indirect_vreg.gather [hbm4b:s2+s3], $0x80, v4, vm0, $0xb8;
	[tilespmem:$0x1BC00] =	vst v63  }
0xa8: {  	s23 =	simm.s32 $0x12400  }
0xa9: {  	[tilespmem:s23], [sflag:$0x5] =	stream.indirect_vreg.gather [hbm4b:s9+s3], $0x80, v4, vm0, $0xb8;
	[tilespmem:$0x1BC00] =	vst v63  }
0xaa: {  	s24 =	simm.s32 $0x12C00  }
0xab: {  	[tilespmem:s24], [sflag:$0x5] =	stream.indirect_vreg.gather [hbm4b:s2+s3], $0x80, v3, vm0, $0xb8;
	[tilespmem:$0x1BC00] =	vst v63  }
0xac: {  	s25 =	simm.s32 $0x13400  }
0xad: {  	[tilespmem:s25], [sflag:$0x5] =	stream.indirect_vreg.gather [hbm4b:s9+s3], $0x80, v3, vm0, $0xb8;
	[tilespmem:$0x1BC00] =	vst v63  }
0xae: {  	v3 =	vld.msk [tilespmem:$0x1520], $0xff;
	_ =	sdelay $0x4  }
0xaf: {  	v63 =	vshll.u32 v3, $0x2  }
0xb0: {  	v3 =	vand.u32 $0x7, v3;
	v4 =	vand.u32 $0xFFFFFFE0, v63  }
0xb1: {  	v3 =	vor.u32 v3, v4  }
0xb2: {  	v3 =	vperm.xlane v3, v0;
	_ =	sdelay $0x1  }
0xb3: {  	v3 =	vadd.s32 v1, v3;
	_ =	sdelay $0x3  }
0xb4: {  	s26 =	simm.s32 $0x13C00  }
0xb5: {  	[tilespmem:s26], [sflag:$0x5] =	stream.indirect_vreg.gather [hbm4b:s2+s3], $0x80, v3, vm0, $0xb8;
	[tilespmem:$0x1BC00] =	vst v63  }
0xb6: {  	s11 =	simm.s32 $0x0;
	s28 =	simm.s32 $0x14400  }
0xb7: {  	[tilespmem:s28], [sflag:$0x5] =	stream.indirect_vreg.gather [hbm4b:s9+s3], $0x80, v3, vm0, $0xb8;
	[tilespmem:$0x1BC00] =	vst v63  }
.LBB2_2:
0xb8: {  	s12 =	sshll.u32 s11, $0xD  }
0xb9: {  	_ =	swait.ge [sflag:s15], $0x1000;
	s12 =	sadd.s32 s7, s12  }
0xba: {  	[sflag:s15] =	ssyncset.done $0x0;
	s19 =	sshrl.u32 s12, $0x3  }
0xbb: {  	p1 =	seq.s32 s11, $0x0;
	[sflag:s15] =	ssyncadd.s32 $0xFFFFF000;
	s12 =	sadd.s32 s4, s19  }
0xbc: {  	[hbm4b:s12+s3] =	stream.linear.scatter [tilespmem:s14], [sflag:$0x9], $0x1000, $0x38;
	[tilespmem:$0x1BC00] =	vst v63  }
0xbd: {  	s12 =	simm.s32 @!p1 $0x7  }
0xbe: {  	_ =	swait.ge @!p1 [sflag:s12], $0x1000  }
0xbf: {  	[sflag:s12] =	ssyncset.done @!p1 $0x0  }
0xc0: {  	[sflag:s12] =	ssyncadd.s32 @!p1 $0xFFFFF000  }
0xc1: {  	_ =	swait.ge [sflag:s18], $0x5000  }
0xc2: {  	s20 =	simm.s32 $0x0;
	s21 =	simm.s32 $0x200;
	[sflag:s18] =	ssyncset.done $0x0  }
0xc3: {  	s22 =	simm.s32 $0x0;
	s12 =	sshll.u32 s11, $0x1;
	[sflag:s18] =	ssyncadd.s32 $0xFFFFB000  }
.LBB2_3:
0xc4: {  	s23 =	smul.u32 $0x1400, s22;
	_ =	sdelay $0x1  }
0xc5: {  	s25 =	sshll.u32 s22, $0x8;
	s24 =	sand.u32 $0x3000, s23  }
0xc6: {  	s24 =	sadd.s32 s25, s24  }
0xc7: {  	v11 =	vld [tilespmem:s24+$0x5C00]  }
0xc8: {  	v12 =	vld [tilespmem:s24+$0x5C10]  }
0xc9: {  	v13 =	vld [tilespmem:s24+$0x5C20]  }
0xca: {  	v14 =	vld [tilespmem:s24+$0x5C30]  }
0xcb: {  	v15 =	vld [tilespmem:s24+$0x5C40]  }
0xcc: {  	v16 =	vld [tilespmem:s24+$0x5C50]  }
0xcd: {  	v17 =	vld [tilespmem:s24+$0x5C60]  }
0xce: {  	v18 =	vld [tilespmem:s24+$0x5C70]  }
0xcf: {  	v19 =	vld [tilespmem:s24+$0x6000]  }
0xd0: {  	v20 =	vld [tilespmem:s24+$0x6010]  }
0xd1: {  	v21 =	vld [tilespmem:s24+$0x6020]  }
0xd2: {  	v22 =	vld [tilespmem:s24+$0x6030]  }
0xd3: {  	v35 =	vld [tilespmem:s24+$0x6040]  }
0xd4: {  	v36 =	vld [tilespmem:s24+$0x6050]  }
0xd5: {  	v37 =	vld [tilespmem:s24+$0x6060]  }
0xd6: {  	v38 =	vld [tilespmem:s24+$0x6070]  }
0xd7: {  	v40 =	vld [tilespmem:s24+$0x6400]  }
0xd8: {  	v41 =	vld [tilespmem:s24+$0x6410]  }
0xd9: {  	v42 =	vld [tilespmem:s24+$0x6420]  }
0xda: {  	v43 =	vld [tilespmem:s24+$0x6430]  }
0xdb: {  	v44 =	vld [tilespmem:s24+$0x6440]  }
0xdc: {  	v45 =	vld [tilespmem:s24+$0x6450]  }
0xdd: {  	s23 =	sor.u32 s25, s23;
	v46 =	vld [tilespmem:s24+$0x6460]  }
0xde: {  	s28 =	sor.u32 $0xC00, s23;
	v47 =	vld [tilespmem:s24+$0x6470]  }
0xdf: {  	s17 =	sor.u32 $0xC10, s23;
	v9 =	vld [tilespmem:s28+$0x5C00]  }
0xe0: {  	s25 =	sor.u32 $0xC20, s23;
	v8 =	vld [tilespmem:s17+$0x5C00]  }
0xe1: {  	s26 =	sor.u32 $0xC30, s23;
	v7 =	vld [tilespmem:s25+$0x5C00]  }
0xe2: {  	v6 =	vld [tilespmem:s26+$0x5C00];
	s28 =	sor.u32 $0xC40, s23  }
0xe3: {  	s17 =	sor.u32 $0xC50, s23;
	v5 =	vld [tilespmem:s28+$0x5C00]  }
0xe4: {  	s25 =	sor.u32 $0xC60, s23;
	s26 =	sadd.s32 $0x80, s20;
	v4 =	vld [tilespmem:s17+$0x5C00]  }
0xe5: {  	s23 =	sor.u32 $0xC70, s23;
	v3 =	vld [tilespmem:s25+$0x5C00];
	s28 =	sand.u32 $0x7000, s21;
	s25 =	sand.u32 $0x380, s26  }
0xe6: {  	v10 =	vld [tilespmem:s23+$0x5C00];
	s23 =	sor.u32 s25, s28  }
0xe7: {  	v23 =	vld [tilespmem:s23+$0x6870]  }
0xe8: {  	v24 =	vld [tilespmem:s23+$0x5C00]  }
0xe9: {  	v25 =	vld [tilespmem:s23+$0x5C10]  }
0xea: {  	v26 =	vld [tilespmem:s23+$0x5C20]  }
0xeb: {  	v27 =	vld [tilespmem:s23+$0x5C30]  }
0xec: {  	v28 =	vld [tilespmem:s23+$0x5C40]  }
0xed: {  	v29 =	vld [tilespmem:s23+$0x5C50]  }
0xee: {  	v39 =	vld [tilespmem:s23+$0x5C60]  }
0xef: {  	v48 =	vld [tilespmem:s23+$0x5C70]  }
0xf0: {  	v49 =	vld [tilespmem:s23+$0x6000]  }
0xf1: {  	v50 =	vld [tilespmem:s23+$0x6010]  }
0xf2: {  	v51 =	vld [tilespmem:s23+$0x6020]  }
0xf3: {  	v52 =	vld [tilespmem:s23+$0x6030]  }
0xf4: {  	v53 =	vld [tilespmem:s23+$0x6040]  }
0xf5: {  	v54 =	vld [tilespmem:s23+$0x6050]  }
0xf6: {  	v55 =	vld [tilespmem:s23+$0x6060]  }
0xf7: {  	v56 =	vld [tilespmem:s23+$0x6070]  }
0xf8: {  	v57 =	vld [tilespmem:s23+$0x6400];
	v10 =	vadd.f32 v23, v10  }
0xf9: {  	v61 =	vld [tilespmem:s23+$0x6450];
	v34 =	vadd.f32 v24, v11;
	v32 =	vadd.f32 v25, v12  }
0xfa: {  	v62 =	vld [tilespmem:s23+$0x6460];
	v33 =	vadd.f32 v26, v13;
	v31 =	vadd.f32 v27, v14  }
0xfb: {  	v11 =	vld [tilespmem:s23+$0x6410];
	v30 =	vadd.f32 v28, v15;
	v29 =	vadd.f32 v29, v16  }
0xfc: {  	v12 =	vld [tilespmem:s23+$0x6420];
	v28 =	vadd.f32 v39, v17;
	v27 =	vadd.f32 v48, v18  }
0xfd: {  	v13 =	vld [tilespmem:s23+$0x6430];
	v26 =	vadd.f32 v49, v19;
	v25 =	vadd.f32 v50, v20  }
0xfe: {  	v14 =	vld [tilespmem:s23+$0x6440];
	v24 =	vadd.f32 v51, v21;
	v23 =	vadd.f32 v52, v22  }
0xff: {  	v63 =	vld [tilespmem:s23+$0x6470];
	v22 =	vadd.f32 v53, v35;
	v21 =	vadd.f32 v54, v36  }
0x100: {  	v20 =	vadd.f32 v55, v37;
	v19 =	vadd.f32 v56, v38;
	v39 =	vld [tilespmem:s23+$0x6800]  }
0x101: {  	v18 =	vadd.f32 v57, v40;
	v38 =	vld [tilespmem:s23+$0x6810];
	v17 =	vadd.f32 v11, v41  }
0x102: {  	v36 =	vld [tilespmem:s23+$0x6820];
	v16 =	vadd.f32 v12, v42;
	v15 =	vadd.f32 v13, v43  }
0x103: {  	v35 =	vld [tilespmem:s23+$0x6830];
	v14 =	vadd.f32 v14, v44;
	v13 =	vadd.f32 v61, v45  }
0x104: {  	s24 =	simm.s32 $0x180;
	s26 =	sadd.s32 $0x100, s20;
	s25 =	sadd.s32 $0x200, s21;
	v37 =	vld [tilespmem:s23+$0x6840];
	v12 =	vadd.f32 v62, v46;
	v11 =	vadd.f32 v63, v47  }
.LBB2_4:
0x105: {  	p0 =	sne.s32 s24, $0x480;
	s28 =	sand.u32 $0x7000, s25;
	s26 =	sand.u32 $0x380, s26;
	v9 =	vadd.f32 v39, v9;
	v39 =	vld [tilespmem:s23+$0x6850]  }
0x106: {  	v8 =	vadd.f32 v38, v8;
	v38 =	vld [tilespmem:s23+$0x6860];
	s23 =	sor.u32 s26, s28  }
0x107: {  	v40 =	vld [tilespmem:s23+$0x6870];
	v7 =	vadd.f32 v36, v7  }
0x108: {  	v36 =	vld [tilespmem:s23+$0x5C00];
	v6 =	vadd.f32 v35, v6  }
0x109: {  	v35 =	vld [tilespmem:s23+$0x5C10];
	v5 =	vadd.f32 v37, v5  }
0x10a: {  	v37 =	vld [tilespmem:s23+$0x5C20];
	v4 =	vadd.f32 v39, v4  }
0x10b: {  	v39 =	vld [tilespmem:s23+$0x5C30];
	v3 =	vadd.f32 v38, v3  }
0x10c: {  	v38 =	vld [tilespmem:s23+$0x5C40];
	v10 =	vadd.f32 v40, v10  }
0x10d: {  	v34 =	vadd.f32 v36, v34;
	v36 =	vld [tilespmem:s23+$0x5C50]  }
0x10e: {  	v32 =	vadd.f32 v35, v32;
	v35 =	vld [tilespmem:s23+$0x5C60]  }
0x10f: {  	v33 =	vadd.f32 v37, v33;
	v37 =	vld [tilespmem:s23+$0x5C70]  }
0x110: {  	v31 =	vadd.f32 v39, v31;
	v39 =	vld [tilespmem:s23+$0x6000]  }
0x111: {  	v30 =	vadd.f32 v38, v30;
	v38 =	vld [tilespmem:s23+$0x6010]  }
0x112: {  	v29 =	vadd.f32 v36, v29;
	v36 =	vld [tilespmem:s23+$0x6020]  }
0x113: {  	v28 =	vadd.f32 v35, v28;
	v35 =	vld [tilespmem:s23+$0x6030]  }
0x114: {  	v27 =	vadd.f32 v37, v27;
	v37 =	vld [tilespmem:s23+$0x6040]  }
0x115: {  	v26 =	vadd.f32 v39, v26;
	v39 =	vld [tilespmem:s23+$0x6050]  }
0x116: {  	v25 =	vadd.f32 v38, v25;
	v38 =	vld [tilespmem:s23+$0x6060]  }
0x117: {  	v24 =	vadd.f32 v36, v24;
	v36 =	vld [tilespmem:s23+$0x6070]  }
0x118: {  	v23 =	vadd.f32 v35, v23;
	v35 =	vld [tilespmem:s23+$0x6400]  }
0x119: {  	v22 =	vadd.f32 v37, v22;
	v37 =	vld [tilespmem:s23+$0x6410]  }
0x11a: {  	v21 =	vadd.f32 v39, v21;
	v39 =	vld [tilespmem:s23+$0x6420]  }
0x11b: {  	v20 =	vadd.f32 v38, v20;
	v38 =	vld [tilespmem:s23+$0x6430]  }
0x11c: {  	v19 =	vadd.f32 v36, v19;
	v36 =	vld [tilespmem:s23+$0x6440]  }
0x11d: {  	v18 =	vadd.f32 v35, v18;
	v35 =	vld [tilespmem:s23+$0x6450]  }
0x11e: {  	v17 =	vadd.f32 v37, v17;
	v37 =	vld [tilespmem:s23+$0x6460]  }
0x11f: {  	v16 =	vadd.f32 v39, v16;
	v40 =	vld [tilespmem:s23+$0x6470]  }
.Ltmp2:
0x120: {  	v15 =	vadd.f32 v38, v15;
	v39 =	vld [tilespmem:s23+$0x6800];
	(pc) =	sbr.rel @p0 .LBB2_4-.Ltmp2, $4  }
0x121: {  	v14 =	vadd.f32 v36, v14;
	v38 =	vld [tilespmem:s23+$0x6810]  }
0x122: {  	v13 =	vadd.f32 v35, v13;
	v36 =	vld [tilespmem:s23+$0x6820]  }
0x123: {  	v12 =	vadd.f32 v37, v12;
	v35 =	vld [tilespmem:s23+$0x6830]  }
0x124: {  	s25 =	sadd.s32 $0x200, s25;
	s26 =	sadd.s32 s24, s20;
	s24 =	sadd.s32 $0x80, s24;
	v11 =	vadd.f32 v40, v11;
	v37 =	vld [tilespmem:s23+$0x6840]  }
0x125: {  	s24 =	sand.u32 $0x7000, s25;
	s26 =	sand.u32 $0x380, s26;
	v0 =	vld [tilespmem:s23+$0x6850]  }
0x126: {  	v47 =	vld [tilespmem:s23+$0x6860];
	s24 =	sor.u32 s26, s24  }
0x127: {  	v48 =	vld [tilespmem:s24+$0x6870]  }
0x128: {  	v43 =	vld [tilespmem:s24+$0x5C00]  }
0x129: {  	v44 =	vld [tilespmem:s24+$0x5C10]  }
0x12a: {  	v45 =	vld [tilespmem:s24+$0x5C20]  }
0x12b: {  	v46 =	vld [tilespmem:s24+$0x5C30]  }
0x12c: {  	v49 =	vld [tilespmem:s24+$0x5C60]  }
0x12d: {  	v50 =	vld [tilespmem:s24+$0x5C70]  }
0x12e: {  	v51 =	vld [tilespmem:s24+$0x6000]  }
0x12f: {  	v52 =	vld [tilespmem:s24+$0x6010]  }
0x130: {  	v53 =	vld [tilespmem:s24+$0x6020]  }
0x131: {  	v54 =	vld [tilespmem:s24+$0x6030]  }
0x132: {  	v55 =	vld [tilespmem:s24+$0x6040]  }
0x133: {  	v56 =	vld [tilespmem:s24+$0x6050]  }
0x134: {  	v57 =	vld [tilespmem:s24+$0x6060]  }
0x135: {  	v58 =	vld [tilespmem:s24+$0x6070]  }
0x136: {  	v59 =	vld [tilespmem:s24+$0x6400]  }
0x137: {  	v60 =	vld [tilespmem:s24+$0x6410]  }
0x138: {  	v61 =	vld [tilespmem:s24+$0x6420]  }
0x139: {  	v62 =	vld [tilespmem:s24+$0x6430]  }
0x13a: {  	v63 =	vld [tilespmem:s24+$0x6440]  }
0x13b: {  	v2 =	vld [tilespmem:s24+$0x6450]  }
0x13c: {  	v1 =	vld [tilespmem:s24+$0x6470]  }
0x13d: {  	v40 =	vld [tilespmem:s24+$0x6800]  }
0x13e: {  	v41 =	vld [tilespmem:s24+$0x6810]  }
0x13f: {  	v42 =	vld [tilespmem:s24+$0x6820]  }
0x140: {  	[tilespmem:$0x1FFB0] =	vst v47;
	v47 =	vld [tilespmem:s24+$0x5C40]  }
0x141: {  	[tilespmem:$0x1FFA0] =	vst v0;
	v0 =	vld [tilespmem:s24+$0x6460]  }
0x142: {  	[tilespmem:$0x1FFC0] =	vst v48;
	v48 =	vld [tilespmem:s24+$0x5C50];
	v34 =	vadd.f32 v43, v34  }
0x143: {  	v43 =	vld [tilespmem:s24+$0x6830];
	v32 =	vadd.f32 v44, v32  }
0x144: {  	s28 =	sshll.u32 s22, $0x7;
	v44 =	vld [tilespmem:s24+$0x6840];
	v33 =	vadd.f32 v45, v33;
	v34 =	vmul.f32 $1.000000010e-01, v34  }
0x145: {  	s23 =	sand.u32 $0x3FFFFF80, s28;
	v45 =	vld [tilespmem:s24+$0x6850];
	v31 =	vadd.f32 v46, v31;
	v32 =	vmul.f32 $1.000000010e-01, v32  }
0x146: {  	v46 =	vld [tilespmem:s24+$0x6860];
	v28 =	vadd.f32 v49, v28;
	v33 =	vmul.f32 $1.000000010e-01, v33;
	[tilespmem:s23+$0x19C00] =	vst v34  }
0x147: {  	v27 =	vadd.f32 v50, v27;
	v31 =	vmul.f32 $1.000000010e-01, v31;
	[tilespmem:s23+$0x19C10] =	vst v32  }
0x148: {  	v26 =	vadd.f32 v51, v26;
	v28 =	vmul.f32 $1.000000010e-01, v28;
	[tilespmem:s23+$0x19C20] =	vst v33  }
0x149: {  	v25 =	vadd.f32 v52, v25;
	v27 =	vmul.f32 $1.000000010e-01, v27;
	[tilespmem:s23+$0x19C30] =	vst v31  }
0x14a: {  	v24 =	vadd.f32 v53, v24;
	v26 =	vmul.f32 $1.000000010e-01, v26;
	[tilespmem:s23+$0x19C60] =	vst v28  }
0x14b: {  	v23 =	vadd.f32 v54, v23;
	v25 =	vmul.f32 $1.000000010e-01, v25;
	[tilespmem:s23+$0x19C70] =	vst v27  }
0x14c: {  	v22 =	vadd.f32 v55, v22;
	v24 =	vmul.f32 $1.000000010e-01, v24;
	[tilespmem:s23+$0x1A000] =	vst v26  }
0x14d: {  	v21 =	vadd.f32 v56, v21;
	v23 =	vmul.f32 $1.000000010e-01, v23;
	[tilespmem:s23+$0x1A010] =	vst v25  }
0x14e: {  	v20 =	vadd.f32 v57, v20;
	v22 =	vmul.f32 $1.000000010e-01, v22;
	[tilespmem:s23+$0x1A020] =	vst v24  }
0x14f: {  	v19 =	vadd.f32 v58, v19;
	v21 =	vmul.f32 $1.000000010e-01, v21;
	[tilespmem:s23+$0x1A030] =	vst v23  }
0x150: {  	v18 =	vadd.f32 v59, v18;
	v20 =	vmul.f32 $1.000000010e-01, v20;
	[tilespmem:s23+$0x1A040] =	vst v22  }
0x151: {  	v17 =	vadd.f32 v60, v17;
	v19 =	vmul.f32 $1.000000010e-01, v19;
	[tilespmem:s23+$0x1A050] =	vst v21  }
0x152: {  	v16 =	vadd.f32 v61, v16;
	v18 =	vmul.f32 $1.000000010e-01, v18;
	[tilespmem:s23+$0x1A060] =	vst v20  }
0x153: {  	v15 =	vadd.f32 v62, v15;
	v17 =	vmul.f32 $1.000000010e-01, v17;
	[tilespmem:s23+$0x1A070] =	vst v19  }
0x154: {  	v14 =	vadd.f32 v63, v14;
	v16 =	vmul.f32 $1.000000010e-01, v16;
	[tilespmem:s23+$0x1A400] =	vst v18  }
0x155: {  	v9 =	vadd.f32 v39, v9;
	v2 =	vadd.f32 v2, v13;
	v49 =	vmul.f32 $1.000000010e-01, v15;
	[tilespmem:s23+$0x1A410] =	vst v17  }
0x156: {  	v8 =	vadd.f32 v38, v8;
	v1 =	vadd.f32 v1, v11;
	v50 =	vmul.f32 $1.000000010e-01, v14;
	[tilespmem:s23+$0x1A420] =	vst v16  }
0x157: {  	v7 =	vadd.f32 v36, v7;
	v9 =	vadd.f32 v40, v9;
	v2 =	vmul.f32 $1.000000010e-01, v2;
	[tilespmem:s23+$0x1A430] =	vst v49  }
0x158: {  	v8 =	vadd.f32 v41, v8;
	v54 =	vld [tilespmem:$0x1FFA0];
	v1 =	vmul.f32 $1.000000010e-01, v1;
	[tilespmem:s23+$0x1A440] =	vst v50  }
0x159: {  	v52 =	vadd.f32 v42, v7;
	v56 =	vld [tilespmem:$0x1FFB0];
	v53 =	vmul.f32 $1.000000010e-01, v9;
	[tilespmem:s23+$0x1A450] =	vst v2  }
0x15a: {  	v55 =	vmul.f32 $1.000000010e-01, v8;
	v30 =	vadd.f32 v47, v30;
	[tilespmem:s23+$0x1A470] =	vst v1  }
0x15b: {  	v6 =	vadd.f32 v35, v6;
	v57 =	vmul.f32 $1.000000010e-01, v52;
	v0 =	vadd.f32 v0, v12;
	[tilespmem:s23+$0x1A800] =	vst v53  }
0x15c: {  	v51 =	vadd.f32 v37, v5;
	v60 =	vld [tilespmem:$0x1FFC0];
	[tilespmem:s23+$0x1A810] =	vst v55;
	v29 =	vadd.f32 v48, v29;
	v30 =	vmul.f32 $1.000000010e-01, v30  }
0x15d: {  	[tilespmem:s23+$0x1A820] =	vst v57;
	v0 =	vmul.f32 $1.000000010e-01, v0;
	v4 =	vadd.f32 v54, v4;
	v6 =	vadd.f32 v43, v6  }
0x15e: {  	v3 =	vadd.f32 v56, v3;
	v2 =	vadd.f32 v44, v51;
	v29 =	vmul.f32 $1.000000010e-01, v29;
	[tilespmem:s23+$0x19C40] =	vst v30  }
0x15f: {  	s22 =	sadd.s32 $0x1, s22;
	[tilespmem:s23+$0x1A460] =	vst v0;
	v4 =	vadd.f32 v45, v4;
	v58 =	vmul.f32 $1.000000010e-01, v6  }
0x160: {  	p0 =	sne.s32 s22, $0x4;
	v3 =	vadd.f32 v46, v3;
	v59 =	vmul.f32 $1.000000010e-01, v2;
	[tilespmem:s23+$0x19C50] =	vst v29  }
.Ltmp3:
0x161: {  	v2 =	vadd.f32 v60, v10;
	[tilespmem:s23+$0x1A830] =	vst v58;
	v61 =	vmul.f32 $1.000000010e-01, v4;
	(pc) =	sbr.rel @p0 .LBB2_3-.Ltmp3, $4  }
0x162: {  	[tilespmem:s23+$0x1A840] =	vst v59;
	v62 =	vmul.f32 $1.000000010e-01, v3  }
0x163: {  	v63 =	vmul.f32 $1.000000010e-01, v2;
	[tilespmem:s23+$0x1A850] =	vst v61  }
0x164: {  	[tilespmem:s23+$0x1A860] =	vst v62  }
0x165: {  	s20 =	sadd.s32 $0x500, s20;
	s21 =	sadd.s32 $0x1400, s21;
	[tilespmem:s23+$0x1A870] =	vst v63  }
0x166: {  	s20 =	sshll.u32 s11, $0x9  }
0x167: {  	s20 =	sand.u32 $0x3FFFFE00, s20  }
0x168: {  	v0 =	vld [tilespmem:s20+$0x1580];
	_ =	sdelay $0x2  }
0x169: {  	v2 =	vld [tilespmem:$0x1FFD0];
	_ =	sdelay $0x1  }
0x16a: {  	v3 =	vld [tilespmem:$0x1FFE0];
	v1 =	vshll.u32 v0, $0x2  }
0x16b: {  	v0 =	vand.u32 $0x7, v0;
	v1 =	vand.u32 $0xFFFFFFE0, v1  }
0x16c: {  	v4 =	vld [tilespmem:$0x1FFF0];
	v0 =	vor.u32 v0, v1  }
0x16d: {  	v1 =	vperm.xlane v0, v2;
	_ =	sdelay $0x1  }
0x16e: {  	v1 =	vadd.s32 v3, v1;
	_ =	sdelay $0x1  }
0x16f: {  	v0 =	vperm.xlane v0, v4;
	_ =	sdelay $0x1  }
0x170: {  	s21 =	simm.s32 $0x0;
	s17 =	simm.s32 $0x14C00;
	v0 =	vadd.s32 v3, v0  }
0x171: {  	[tilespmem:s17], [sflag:$0x6] =	stream.indirect_vreg.gather [hbm4b:s2+s21], $0x80, v1, vm0, $0xb8;
	[tilespmem:$0x1BC00] =	vst v63  }
0x172: {  	s25 =	simm.s32 $0x15400  }
0x173: {  	[tilespmem:s25], [sflag:$0x6] =	stream.indirect_vreg.gather [hbm4b:s9+s21], $0x80, v1, vm0, $0xb8;
	[tilespmem:$0x1BC00] =	vst v63  }
0x174: {  	s26 =	simm.s32 $0x15C00  }
0x175: {  	[tilespmem:s26], [sflag:$0x6] =	stream.indirect_vreg.gather [hbm4b:s2+s21], $0x80, v0, vm0, $0xb8;
	[tilespmem:$0x1BC00] =	vst v63  }
0x176: {  	s28 =	simm.s32 $0x16400  }
0x177: {  	[tilespmem:s28], [sflag:$0x6] =	stream.indirect_vreg.gather [hbm4b:s9+s21], $0x80, v0, vm0, $0xb8;
	[tilespmem:$0x1BC00] =	vst v63  }
0x178: {  	v0 =	vld [tilespmem:s20+$0x1590];
	_ =	sdelay $0x4  }
0x179: {  	v62 =	vshll.u32 v0, $0x2  }
0x17a: {  	v0 =	vand.u32 $0x7, v0;
	v1 =	vand.u32 $0xFFFFFFE0, v62  }
0x17b: {  	v0 =	vor.u32 v0, v1  }
0x17c: {  	v1 =	vperm.xlane v0, v2;
	_ =	sdelay $0x1  }
0x17d: {  	v1 =	vadd.s32 v3, v1;
	_ =	sdelay $0x1  }
0x17e: {  	v0 =	vperm.xlane v0, v4;
	_ =	sdelay $0x1  }
0x17f: {  	s22 =	simm.s32 $0x16C00;
	v0 =	vadd.s32 v3, v0  }
0x180: {  	[tilespmem:s22], [sflag:$0x6] =	stream.indirect_vreg.gather [hbm4b:s2+s21], $0x80, v1, vm0, $0xb8;
	[tilespmem:$0x1BC00] =	vst v63  }
0x181: {  	s23 =	simm.s32 $0x17400  }
0x182: {  	[tilespmem:s23], [sflag:$0x6] =	stream.indirect_vreg.gather [hbm4b:s9+s21], $0x80, v1, vm0, $0xb8;
	[tilespmem:$0x1BC00] =	vst v63  }
0x183: {  	s24 =	simm.s32 $0x17C00  }
0x184: {  	[tilespmem:s24], [sflag:$0x6] =	stream.indirect_vreg.gather [hbm4b:s2+s21], $0x80, v0, vm0, $0xb8;
	[tilespmem:$0x1BC00] =	vst v63  }
0x185: {  	s25 =	simm.s32 $0x18400  }
0x186: {  	[tilespmem:s25], [sflag:$0x6] =	stream.indirect_vreg.gather [hbm4b:s9+s21], $0x80, v0, vm0, $0xb8;
	[tilespmem:$0x1BC00] =	vst v63  }
0x187: {  	v0 =	vld.msk [tilespmem:s20+$0x15A0], $0xff;
	_ =	sdelay $0x4  }
0x188: {  	v63 =	vshll.u32 v0, $0x2  }
0x189: {  	v0 =	vand.u32 $0x7, v0;
	v1 =	vand.u32 $0xFFFFFFE0, v63  }
0x18a: {  	v0 =	vor.u32 v0, v1  }
0x18b: {  	v0 =	vperm.xlane v0, v2;
	_ =	sdelay $0x1  }
0x18c: {  	v0 =	vadd.s32 v3, v0;
	_ =	sdelay $0x3  }
0x18d: {  	s26 =	simm.s32 $0x18C00  }
0x18e: {  	[tilespmem:s26], [sflag:$0x6] =	stream.indirect_vreg.gather [hbm4b:s2+s21], $0x80, v0, vm0, $0xb8;
	[tilespmem:$0x1BC00] =	vst v63  }
0x18f: {  	s28 =	simm.s32 $0x19400  }
0x190: {  	[tilespmem:s28], [sflag:$0x6] =	stream.indirect_vreg.gather [hbm4b:s9+s21], $0x80, v0, vm0, $0xb8;
	[tilespmem:$0x1BC00] =	vst v63  }
0x191: {  	_ =	swait.ge [sflag:s0], $0x5000  }
0x192: {  	[sflag:s0] =	ssyncset.done $0x0  }
0x193: {  	s22 =	simm.s32 $0x200;
	s23 =	simm.s32 $0x0;
	[sflag:s0] =	ssyncadd.s32 $0xFFFFB000  }
.LBB2_7:
0x194: {  	s24 =	smul.u32 $0x1400, s23;
	_ =	sdelay $0x1  }
0x195: {  	s26 =	sshll.u32 s23, $0x8;
	s25 =	sand.u32 $0x3000, s24  }
0x196: {  	s25 =	sadd.s32 s26, s25  }
0x197: {  	v0 =	vld [tilespmem:s25+$0xAC00]  }
0x198: {  	v1 =	vld [tilespmem:s25+$0xAC10]  }
0x199: {  	v2 =	vld [tilespmem:s25+$0xAC20]  }
0x19a: {  	v11 =	vld [tilespmem:s25+$0xAC30]  }
0x19b: {  	v12 =	vld [tilespmem:s25+$0xAC40]  }
0x19c: {  	v13 =	vld [tilespmem:s25+$0xAC50]  }
0x19d: {  	v14 =	vld [tilespmem:s25+$0xAC60]  }
0x19e: {  	v15 =	vld [tilespmem:s25+$0xAC70]  }
0x19f: {  	v16 =	vld [tilespmem:s25+$0xB000]  }
0x1a0: {  	v17 =	vld [tilespmem:s25+$0xB010]  }
0x1a1: {  	v18 =	vld [tilespmem:s25+$0xB020]  }
0x1a2: {  	v19 =	vld [tilespmem:s25+$0xB030]  }
0x1a3: {  	v20 =	vld [tilespmem:s25+$0xB040]  }
0x1a4: {  	v21 =	vld [tilespmem:s25+$0xB050]  }
0x1a5: {  	v35 =	vld [tilespmem:s25+$0xB060]  }
0x1a6: {  	v36 =	vld [tilespmem:s25+$0xB070]  }
0x1a7: {  	v37 =	vld [tilespmem:s25+$0xB400]  }
0x1a8: {  	v38 =	vld [tilespmem:s25+$0xB410]  }
0x1a9: {  	v40 =	vld [tilespmem:s25+$0xB420]  }
0x1aa: {  	v41 =	vld [tilespmem:s25+$0xB430]  }
0x1ab: {  	v42 =	vld [tilespmem:s25+$0xB440]  }
0x1ac: {  	v43 =	vld [tilespmem:s25+$0xB450]  }
0x1ad: {  	s24 =	sor.u32 s26, s24;
	v44 =	vld [tilespmem:s25+$0xB460]  }
0x1ae: {  	s17 =	sor.u32 $0xC00, s24;
	v45 =	vld [tilespmem:s25+$0xB470]  }
0x1af: {  	s26 =	sor.u32 $0xC10, s24;
	v9 =	vld [tilespmem:s17+$0xAC00]  }
0x1b0: {  	v8 =	vld [tilespmem:s26+$0xAC00];
	s17 =	sor.u32 $0xC20, s24  }
0x1b1: {  	s26 =	sor.u32 $0xC30, s24;
	v7 =	vld [tilespmem:s17+$0xAC00]  }
0x1b2: {  	v6 =	vld [tilespmem:s26+$0xAC00];
	s17 =	sor.u32 $0xC40, s24  }
0x1b3: {  	s26 =	sor.u32 $0xC50, s24;
	v5 =	vld [tilespmem:s17+$0xAC00]  }
0x1b4: {  	v4 =	vld [tilespmem:s26+$0xAC00];
	s17 =	sor.u32 $0xC60, s24;
	s26 =	sadd.s32 $0x80, s21  }
0x1b5: {  	s24 =	sor.u32 $0xC70, s24;
	v3 =	vld [tilespmem:s17+$0xAC00];
	s17 =	sand.u32 $0x7000, s22;
	s26 =	sand.u32 $0x380, s26  }
0x1b6: {  	v10 =	vld [tilespmem:s24+$0xAC00];
	s24 =	sor.u32 s26, s17  }
0x1b7: {  	v22 =	vld [tilespmem:s24+$0xB870]  }
0x1b8: {  	v23 =	vld [tilespmem:s24+$0xAC00]  }
0x1b9: {  	v24 =	vld [tilespmem:s24+$0xAC10]  }
0x1ba: {  	v25 =	vld [tilespmem:s24+$0xAC20]  }
0x1bb: {  	v26 =	vld [tilespmem:s24+$0xAC30]  }
0x1bc: {  	v27 =	vld [tilespmem:s24+$0xAC40]  }
0x1bd: {  	v28 =	vld [tilespmem:s24+$0xAC50]  }
0x1be: {  	v39 =	vld [tilespmem:s24+$0xAC60]  }
0x1bf: {  	v46 =	vld [tilespmem:s24+$0xAC70]  }
0x1c0: {  	v47 =	vld [tilespmem:s24+$0xB000]  }
0x1c1: {  	v48 =	vld [tilespmem:s24+$0xB010]  }
0x1c2: {  	v49 =	vld [tilespmem:s24+$0xB020]  }
0x1c3: {  	v50 =	vld [tilespmem:s24+$0xB030]  }
0x1c4: {  	v51 =	vld [tilespmem:s24+$0xB040]  }
0x1c5: {  	v52 =	vld [tilespmem:s24+$0xB050]  }
0x1c6: {  	v53 =	vld [tilespmem:s24+$0xB060]  }
0x1c7: {  	v54 =	vld [tilespmem:s24+$0xB070]  }
0x1c8: {  	v55 =	vld [tilespmem:s24+$0xB400];
	v10 =	vadd.f32 v22, v10  }
0x1c9: {  	v62 =	vld [tilespmem:s24+$0xB460];
	v34 =	vadd.f32 v23, v0;
	v32 =	vadd.f32 v24, v1  }
0x1ca: {  	v0 =	vld [tilespmem:s24+$0xB410];
	v33 =	vadd.f32 v25, v2;
	v31 =	vadd.f32 v26, v11  }
0x1cb: {  	v1 =	vld [tilespmem:s24+$0xB420];
	v30 =	vadd.f32 v27, v12;
	v29 =	vadd.f32 v28, v13  }
0x1cc: {  	v2 =	vld [tilespmem:s24+$0xB430];
	v28 =	vadd.f32 v39, v14;
	v27 =	vadd.f32 v46, v15  }
0x1cd: {  	v11 =	vld [tilespmem:s24+$0xB440];
	v26 =	vadd.f32 v47, v16;
	v25 =	vadd.f32 v48, v17  }
0x1ce: {  	v12 =	vld [tilespmem:s24+$0xB450];
	v24 =	vadd.f32 v49, v18;
	v23 =	vadd.f32 v50, v19  }
0x1cf: {  	v63 =	vld [tilespmem:s24+$0xB470];
	v22 =	vadd.f32 v51, v20;
	v21 =	vadd.f32 v52, v21  }
0x1d0: {  	v20 =	vadd.f32 v53, v35;
	v19 =	vadd.f32 v54, v36;
	v39 =	vld [tilespmem:s24+$0xB800]  }
0x1d1: {  	v18 =	vadd.f32 v55, v37;
	v17 =	vadd.f32 v0, v38;
	v38 =	vld [tilespmem:s24+$0xB810]  }
0x1d2: {  	v36 =	vld [tilespmem:s24+$0xB820];
	v16 =	vadd.f32 v1, v40;
	v15 =	vadd.f32 v2, v41  }
0x1d3: {  	v35 =	vld [tilespmem:s24+$0xB830];
	v14 =	vadd.f32 v11, v42;
	v13 =	vadd.f32 v12, v43  }
0x1d4: {  	s28 =	sadd.s32 $0x100, s21;
	s25 =	simm.s32 $0x180;
	s26 =	sadd.s32 $0x200, s22;
	v37 =	vld [tilespmem:s24+$0xB840];
	v12 =	vadd.f32 v62, v44;
	v11 =	vadd.f32 v63, v45  }
.LBB2_8:
0x1d5: {  	p0 =	sne.s32 s25, $0x480;
	s17 =	sand.u32 $0x7000, s26;
	s28 =	sand.u32 $0x380, s28;
	v9 =	vadd.f32 v39, v9;
	v0 =	vld [tilespmem:s24+$0xB850]  }
0x1d6: {  	v8 =	vadd.f32 v38, v8;
	v1 =	vld [tilespmem:s24+$0xB860];
	s24 =	sor.u32 s28, s17  }
0x1d7: {  	v2 =	vld [tilespmem:s24+$0xB870];
	v7 =	vadd.f32 v36, v7  }
0x1d8: {  	v36 =	vld [tilespmem:s24+$0xAC00];
	v6 =	vadd.f32 v35, v6  }
0x1d9: {  	v35 =	vld [tilespmem:s24+$0xAC10];
	v5 =	vadd.f32 v37, v5  }
0x1da: {  	v37 =	vld [tilespmem:s24+$0xAC20];
	v4 =	vadd.f32 v0, v4  }
0x1db: {  	v0 =	vld [tilespmem:s24+$0xAC30];
	v3 =	vadd.f32 v1, v3  }
0x1dc: {  	v1 =	vld [tilespmem:s24+$0xAC40];
	v10 =	vadd.f32 v2, v10  }
0x1dd: {  	v34 =	vadd.f32 v36, v34;
	v2 =	vld [tilespmem:s24+$0xAC50]  }
0x1de: {  	v32 =	vadd.f32 v35, v32;
	v35 =	vld [tilespmem:s24+$0xAC60]  }
0x1df: {  	v33 =	vadd.f32 v37, v33;
	v36 =	vld [tilespmem:s24+$0xAC70]  }
0x1e0: {  	v31 =	vadd.f32 v0, v31;
	v0 =	vld [tilespmem:s24+$0xB000]  }
0x1e1: {  	v30 =	vadd.f32 v1, v30;
	v1 =	vld [tilespmem:s24+$0xB010]  }
0x1e2: {  	v29 =	vadd.f32 v2, v29;
	v2 =	vld [tilespmem:s24+$0xB020]  }
0x1e3: {  	v28 =	vadd.f32 v35, v28;
	v35 =	vld [tilespmem:s24+$0xB030]  }
0x1e4: {  	v27 =	vadd.f32 v36, v27;
	v36 =	vld [tilespmem:s24+$0xB040]  }
0x1e5: {  	v26 =	vadd.f32 v0, v26;
	v0 =	vld [tilespmem:s24+$0xB050]  }
0x1e6: {  	v25 =	vadd.f32 v1, v25;
	v1 =	vld [tilespmem:s24+$0xB060]  }
0x1e7: {  	v24 =	vadd.f32 v2, v24;
	v2 =	vld [tilespmem:s24+$0xB070]  }
0x1e8: {  	v23 =	vadd.f32 v35, v23;
	v35 =	vld [tilespmem:s24+$0xB400]  }
0x1e9: {  	v22 =	vadd.f32 v36, v22;
	v36 =	vld [tilespmem:s24+$0xB410]  }
0x1ea: {  	v21 =	vadd.f32 v0, v21;
	v0 =	vld [tilespmem:s24+$0xB420]  }
0x1eb: {  	v20 =	vadd.f32 v1, v20;
	v1 =	vld [tilespmem:s24+$0xB430]  }
0x1ec: {  	v19 =	vadd.f32 v2, v19;
	v2 =	vld [tilespmem:s24+$0xB440]  }
0x1ed: {  	v18 =	vadd.f32 v35, v18;
	v35 =	vld [tilespmem:s24+$0xB450]  }
0x1ee: {  	v17 =	vadd.f32 v36, v17;
	v37 =	vld [tilespmem:s24+$0xB460]  }
0x1ef: {  	v16 =	vadd.f32 v0, v16;
	v0 =	vld [tilespmem:s24+$0xB470]  }
.Ltmp4:
0x1f0: {  	v15 =	vadd.f32 v1, v15;
	v39 =	vld [tilespmem:s24+$0xB800];
	(pc) =	sbr.rel @p0 .LBB2_8-.Ltmp4, $4  }
0x1f1: {  	v14 =	vadd.f32 v2, v14;
	v38 =	vld [tilespmem:s24+$0xB810]  }
0x1f2: {  	v13 =	vadd.f32 v35, v13;
	v36 =	vld [tilespmem:s24+$0xB820]  }
0x1f3: {  	v12 =	vadd.f32 v37, v12;
	v35 =	vld [tilespmem:s24+$0xB830]  }
0x1f4: {  	s26 =	sadd.s32 $0x200, s26;
	s28 =	sadd.s32 s25, s21;
	s25 =	sadd.s32 $0x80, s25;
	v11 =	vadd.f32 v0, v11;
	v37 =	vld [tilespmem:s24+$0xB840]  }
0x1f5: {  	s17 =	sand.u32 $0x7000, s26;
	s25 =	sand.u32 $0x380, s28;
	v0 =	vld [tilespmem:s24+$0xB850]  }
0x1f6: {  	v50 =	vld [tilespmem:s24+$0xB860];
	s17 =	sor.u32 s25, s17  }
0x1f7: {  	v51 =	vld [tilespmem:s17+$0xB870]  }
0x1f8: {  	v40 =	vld [tilespmem:s17+$0xAC00]  }
0x1f9: {  	v41 =	vld [tilespmem:s17+$0xAC10]  }
0x1fa: {  	v42 =	vld [tilespmem:s17+$0xAC20]  }
0x1fb: {  	v43 =	vld [tilespmem:s17+$0xAC30]  }
0x1fc: {  	v44 =	vld [tilespmem:s17+$0xAC40]  }
0x1fd: {  	v45 =	vld [tilespmem:s17+$0xAC50]  }
0x1fe: {  	v46 =	vld [tilespmem:s17+$0xAC60]  }
0x1ff: {  	v47 =	vld [tilespmem:s17+$0xAC70]  }
0x200: {  	v48 =	vld [tilespmem:s17+$0xB000]  }
0x201: {  	v49 =	vld [tilespmem:s17+$0xB010]  }
0x202: {  	v52 =	vld [tilespmem:s17+$0xB040]  }
0x203: {  	v53 =	vld [tilespmem:s17+$0xB050]  }
0x204: {  	v54 =	vld [tilespmem:s17+$0xB060]  }
0x205: {  	v55 =	vld [tilespmem:s17+$0xB070]  }
0x206: {  	v56 =	vld [tilespmem:s17+$0xB400]  }
0x207: {  	v57 =	vld [tilespmem:s17+$0xB410]  }
0x208: {  	v58 =	vld [tilespmem:s17+$0xB420]  }
0x209: {  	v59 =	vld [tilespmem:s17+$0xB430]  }
0x20a: {  	v60 =	vld [tilespmem:s17+$0xB440]  }
0x20b: {  	v61 =	vld [tilespmem:s17+$0xB450]  }
0x20c: {  	v62 =	vld [tilespmem:s17+$0xB460]  }
0x20d: {  	v63 =	vld [tilespmem:s17+$0xB470]  }
0x20e: {  	v1 =	vld [tilespmem:s17+$0xB810]  }
0x20f: {  	v2 =	vld [tilespmem:s17+$0xB820]  }
0x210: {  	[tilespmem:$0x1FF80] =	vst v50;
	v50 =	vld [tilespmem:s17+$0xB020]  }
0x211: {  	[tilespmem:$0x1FF70] =	vst v0;
	v0 =	vld [tilespmem:s17+$0xB800]  }
0x212: {  	[tilespmem:$0x1FF90] =	vst v51;
	v51 =	vld [tilespmem:s17+$0xB030];
	v34 =	vadd.f32 v40, v34  }
0x213: {  	v40 =	vld [tilespmem:s17+$0xB830];
	v32 =	vadd.f32 v41, v32  }
0x214: {  	s28 =	sshll.u32 s23, $0x7;
	v41 =	vld [tilespmem:s17+$0xB840];
	v33 =	vadd.f32 v42, v33;
	v34 =	vmul.f32 $1.000000010e-01, v34  }
0x215: {  	s24 =	sand.u32 $0x3FFFFF80, s28;
	v42 =	vld [tilespmem:s17+$0xB850];
	v31 =	vadd.f32 v43, v31;
	v32 =	vmul.f32 $1.000000010e-01, v32  }
0x216: {  	v43 =	vld [tilespmem:s17+$0xB860];
	v30 =	vadd.f32 v44, v30;
	v33 =	vmul.f32 $1.000000010e-01, v33;
	[tilespmem:s24+$0x19E00] =	vst v34  }
0x217: {  	v29 =	vadd.f32 v45, v29;
	v31 =	vmul.f32 $1.000000010e-01, v31;
	[tilespmem:s24+$0x19E10] =	vst v32  }
0x218: {  	v28 =	vadd.f32 v46, v28;
	v30 =	vmul.f32 $1.000000010e-01, v30;
	[tilespmem:s24+$0x19E20] =	vst v33  }
0x219: {  	v27 =	vadd.f32 v47, v27;
	v29 =	vmul.f32 $1.000000010e-01, v29;
	[tilespmem:s24+$0x19E30] =	vst v31  }
0x21a: {  	v26 =	vadd.f32 v48, v26;
	v28 =	vmul.f32 $1.000000010e-01, v28;
	[tilespmem:s24+$0x19E40] =	vst v30  }
0x21b: {  	v25 =	vadd.f32 v49, v25;
	v27 =	vmul.f32 $1.000000010e-01, v27;
	[tilespmem:s24+$0x19E50] =	vst v29  }
0x21c: {  	v22 =	vadd.f32 v52, v22;
	v26 =	vmul.f32 $1.000000010e-01, v26;
	[tilespmem:s24+$0x19E60] =	vst v28  }
0x21d: {  	v21 =	vadd.f32 v53, v21;
	v25 =	vmul.f32 $1.000000010e-01, v25;
	[tilespmem:s24+$0x19E70] =	vst v27  }
0x21e: {  	v20 =	vadd.f32 v54, v20;
	v22 =	vmul.f32 $1.000000010e-01, v22;
	[tilespmem:s24+$0x1A200] =	vst v26  }
0x21f: {  	v19 =	vadd.f32 v55, v19;
	v21 =	vmul.f32 $1.000000010e-01, v21;
	[tilespmem:s24+$0x1A210] =	vst v25  }
0x220: {  	v18 =	vadd.f32 v56, v18;
	v20 =	vmul.f32 $1.000000010e-01, v20;
	[tilespmem:s24+$0x1A240] =	vst v22  }
0x221: {  	v17 =	vadd.f32 v57, v17;
	v19 =	vmul.f32 $1.000000010e-01, v19;
	[tilespmem:s24+$0x1A250] =	vst v21  }
0x222: {  	v16 =	vadd.f32 v58, v16;
	v18 =	vmul.f32 $1.000000010e-01, v18;
	[tilespmem:s24+$0x1A260] =	vst v20  }
0x223: {  	v15 =	vadd.f32 v59, v15;
	v17 =	vmul.f32 $1.000000010e-01, v17;
	[tilespmem:s24+$0x1A270] =	vst v19  }
0x224: {  	v14 =	vadd.f32 v60, v14;
	v16 =	vmul.f32 $1.000000010e-01, v16;
	[tilespmem:s24+$0x1A600] =	vst v18  }
0x225: {  	v13 =	vadd.f32 v61, v13;
	v15 =	vmul.f32 $1.000000010e-01, v15;
	[tilespmem:s24+$0x1A610] =	vst v17  }
0x226: {  	v8 =	vadd.f32 v38, v8;
	v12 =	vadd.f32 v62, v12;
	v14 =	vmul.f32 $1.000000010e-01, v14;
	[tilespmem:s24+$0x1A620] =	vst v16  }
0x227: {  	v7 =	vadd.f32 v36, v7;
	v11 =	vadd.f32 v63, v11;
	v13 =	vmul.f32 $1.000000010e-01, v13;
	[tilespmem:s24+$0x1A630] =	vst v15  }
0x228: {  	v1 =	vadd.f32 v1, v8;
	v54 =	vld [tilespmem:$0x1FF70];
	v52 =	vmul.f32 $1.000000010e-01, v12;
	[tilespmem:s24+$0x1A640] =	vst v14  }
0x229: {  	v9 =	vadd.f32 v39, v9;
	v2 =	vadd.f32 v2, v7;
	v55 =	vld [tilespmem:$0x1FF80];
	v53 =	vmul.f32 $1.000000010e-01, v11;
	[tilespmem:s24+$0x1A650] =	vst v13  }
0x22a: {  	v1 =	vmul.f32 $1.000000010e-01, v1;
	v24 =	vadd.f32 v50, v24;
	[tilespmem:s24+$0x1A660] =	vst v52  }
0x22b: {  	v6 =	vadd.f32 v35, v6;
	v56 =	vmul.f32 $1.000000010e-01, v2;
	v0 =	vadd.f32 v0, v9;
	[tilespmem:s24+$0x1A670] =	vst v53  }
0x22c: {  	v5 =	vadd.f32 v37, v5;
	v60 =	vld [tilespmem:$0x1FF90];
	[tilespmem:s24+$0x1AA10] =	vst v1;
	v23 =	vadd.f32 v51, v23;
	v24 =	vmul.f32 $1.000000010e-01, v24  }
0x22d: {  	[tilespmem:s24+$0x1AA20] =	vst v56;
	v0 =	vmul.f32 $1.000000010e-01, v0;
	v4 =	vadd.f32 v54, v4;
	v6 =	vadd.f32 v40, v6  }
0x22e: {  	v3 =	vadd.f32 v55, v3;
	v5 =	vadd.f32 v41, v5;
	v23 =	vmul.f32 $1.000000010e-01, v23;
	[tilespmem:s24+$0x1A220] =	vst v24  }
0x22f: {  	s23 =	sadd.s32 $0x1, s23;
	[tilespmem:s24+$0x1AA00] =	vst v0;
	v57 =	vadd.f32 v42, v4;
	v58 =	vmul.f32 $1.000000010e-01, v6  }
0x230: {  	p0 =	sne.s32 s23, $0x4;
	v3 =	vadd.f32 v43, v3;
	v59 =	vmul.f32 $1.000000010e-01, v5;
	[tilespmem:s24+$0x1A230] =	vst v23  }
.Ltmp5:
0x231: {  	v4 =	vadd.f32 v60, v10;
	[tilespmem:s24+$0x1AA30] =	vst v58;
	v61 =	vmul.f32 $1.000000010e-01, v57;
	(pc) =	sbr.rel @p0 .LBB2_7-.Ltmp5, $4  }
0x232: {  	[tilespmem:s24+$0x1AA40] =	vst v59;
	v62 =	vmul.f32 $1.000000010e-01, v3  }
0x233: {  	v63 =	vmul.f32 $1.000000010e-01, v4;
	[tilespmem:s24+$0x1AA50] =	vst v61  }
0x234: {  	[tilespmem:s24+$0x1AA60] =	vst v62  }
0x235: {  	s21 =	sadd.s32 $0x500, s21;
	s22 =	sadd.s32 $0x1400, s22;
	[tilespmem:s24+$0x1AA70] =	vst v63  }
0x236: {  	p0 =	seq.s32 s11, $0x13  }
.Ltmp6:
0x237: {  	_ = 	snop;
	(pc) =	sbr.rel @!p0 .LBB2_11-.Ltmp6, $2  }
0x238: {  	_ =	sdelay $0x2  }
0x239: {  	s19 =	sadd.s32 s5, s19  }
.Ltmp7:
0x23a: {  	(pc) =	sbr.rel .LBB2_13-.Ltmp7, $2  }
0x23b: {  	_ =	sdelay $0x2  }
0x23c: {  	[hbm4b:s19+s3] =	stream.linear.scatter [tilespmem:s13], [sflag:$0x7], $0x1000, $0x38;
	[tilespmem:$0x1BC00] =	vst v63  }
.LBB2_11:
0x23d: {  	v0 =	vld [tilespmem:s20+$0x1600];
	_ =	sdelay $0x2  }
0x23e: {  	v2 =	vld [tilespmem:$0x1FFD0];
	_ =	sdelay $0x1  }
0x23f: {  	v3 =	vld [tilespmem:$0x1FFE0];
	v1 =	vshll.u32 v0, $0x2  }
0x240: {  	v0 =	vand.u32 $0x7, v0;
	v1 =	vand.u32 $0xFFFFFFE0, v1  }
0x241: {  	v4 =	vld [tilespmem:$0x1FFF0];
	v0 =	vor.u32 v0, v1  }
0x242: {  	v1 =	vperm.xlane v0, v2;
	_ =	sdelay $0x1  }
0x243: {  	v1 =	vadd.s32 v3, v1;
	_ =	sdelay $0x1  }
0x244: {  	v0 =	vperm.xlane v0, v4;
	_ =	sdelay $0x1  }
0x245: {  	s17 =	simm.s32 $0x5C00;
	v0 =	vadd.s32 v3, v0  }
0x246: {  	[tilespmem:s17], [sflag:$0x3] =	stream.indirect_vreg.gather [hbm4b:s2+s3], $0x80, v1, vm0, $0xb8;
	[tilespmem:$0x1BC00] =	vst v63  }
0x247: {  	s24 =	simm.s32 $0x6400  }
0x248: {  	[tilespmem:s24], [sflag:$0x3] =	stream.indirect_vreg.gather [hbm4b:s9+s3], $0x80, v1, vm0, $0xb8;
	[tilespmem:$0x1BC00] =	vst v63  }
0x249: {  	s25 =	simm.s32 $0x6C00  }
0x24a: {  	[tilespmem:s25], [sflag:$0x3] =	stream.indirect_vreg.gather [hbm4b:s2+s3], $0x80, v0, vm0, $0xb8;
	[tilespmem:$0x1BC00] =	vst v63  }
0x24b: {  	s26 =	simm.s32 $0x7400  }
0x24c: {  	[tilespmem:s26], [sflag:$0x3] =	stream.indirect_vreg.gather [hbm4b:s9+s3], $0x80, v0, vm0, $0xb8;
	[tilespmem:$0x1BC00] =	vst v63  }
0x24d: {  	v0 =	vld [tilespmem:s20+$0x1610];
	_ =	sdelay $0x4  }
0x24e: {  	v60 =	vshll.u32 v0, $0x2  }
0x24f: {  	v0 =	vand.u32 $0x7, v0;
	v1 =	vand.u32 $0xFFFFFFE0, v60  }
0x250: {  	v0 =	vor.u32 v0, v1  }
0x251: {  	v1 =	vperm.xlane v0, v2;
	_ =	sdelay $0x1  }
0x252: {  	v1 =	vadd.s32 v3, v1;
	_ =	sdelay $0x1  }
0x253: {  	v0 =	vperm.xlane v0, v4;
	_ =	sdelay $0x1  }
0x254: {  	s28 =	simm.s32 $0x7C00;
	v0 =	vadd.s32 v3, v0  }
0x255: {  	[tilespmem:s28], [sflag:$0x3] =	stream.indirect_vreg.gather [hbm4b:s2+s3], $0x80, v1, vm0, $0xb8;
	[tilespmem:$0x1BC00] =	vst v63  }
0x256: {  	s21 =	simm.s32 $0x8400  }
0x257: {  	[tilespmem:s21], [sflag:$0x3] =	stream.indirect_vreg.gather [hbm4b:s9+s3], $0x80, v1, vm0, $0xb8;
	[tilespmem:$0x1BC00] =	vst v63  }
0x258: {  	s22 =	simm.s32 $0x8C00  }
0x259: {  	[tilespmem:s22], [sflag:$0x3] =	stream.indirect_vreg.gather [hbm4b:s2+s3], $0x80, v0, vm0, $0xb8;
	[tilespmem:$0x1BC00] =	vst v63  }
0x25a: {  	s23 =	simm.s32 $0x9400  }
0x25b: {  	[tilespmem:s23], [sflag:$0x3] =	stream.indirect_vreg.gather [hbm4b:s9+s3], $0x80, v0, vm0, $0xb8;
	[tilespmem:$0x1BC00] =	vst v63  }
0x25c: {  	v0 =	vld.msk [tilespmem:s20+$0x1620], $0xff;
	_ =	sdelay $0x4  }
0x25d: {  	v61 =	vshll.u32 v0, $0x2  }
0x25e: {  	v0 =	vand.u32 $0x7, v0;
	v1 =	vand.u32 $0xFFFFFFE0, v61  }
0x25f: {  	v0 =	vor.u32 v0, v1  }
0x260: {  	v0 =	vperm.xlane v0, v2;
	_ =	sdelay $0x1  }
0x261: {  	v0 =	vadd.s32 v3, v0;
	_ =	sdelay $0x3  }
0x262: {  	s24 =	simm.s32 $0x9C00  }
0x263: {  	[tilespmem:s24], [sflag:$0x3] =	stream.indirect_vreg.gather [hbm4b:s2+s3], $0x80, v0, vm0, $0xb8;
	[tilespmem:$0x1BC00] =	vst v63  }
0x264: {  	s25 =	simm.s32 $0xA400  }
0x265: {  	[tilespmem:s25], [sflag:$0x3] =	stream.indirect_vreg.gather [hbm4b:s9+s3], $0x80, v0, vm0, $0xb8;
	[tilespmem:$0x1BC00] =	vst v63  }
0x266: {  	_ = 	snop  }
0x267: {  	[hbm4b:s19+s3] =	stream.linear.scatter [tilespmem:s13], [sflag:$0x7], $0x1000, $0x38;
	[tilespmem:$0x1BC00] =	vst v63  }
0x268: {  	_ =	swait.ge [sflag:s6], $0x1000  }
0x269: {  	s26 =	sshll.u32 s11, $0x8;
	[sflag:s6] =	ssyncset.done $0x0  }
0x26a: {  	s17 =	sand.u32 $0x3FFFFF00, s26;
	[sflag:s6] =	ssyncadd.s32 $0xFFFFF000  }
0x26b: {  	v62 =	vld.msk [tilespmem:s17+$0x100], $0xff;
	_ =	sdelay $0x4  }
0x26c: {  	v63 =	vshll.u32 v62, $0x2  }
0x26d: {  	v0 =	vand.u32 $0x7, v62;
	v1 =	vand.u32 $0xFFFFFFE0, v63  }
0x26e: {  	v0 =	vor.u32 v0, v1  }
0x26f: {  	v0 =	vperm.xlane v0, v2;
	_ =	sdelay $0x1  }
0x270: {  	v0 =	vadd.s32 v3, v0;
	_ =	sdelay $0x4  }
0x271: {  	[tilespmem:s14], [sflag:$0x1] =	stream.indirect_vreg.gather [hbm4b:s2+s3], $0x80, v0, vm0, $0xb8;
	[tilespmem:$0x1BC00] =	vst v63  }
0x272: {  	s28 =	simm.s32 $0x4400  }
0x273: {  	[tilespmem:s28], [sflag:$0x1] =	stream.indirect_vreg.gather [hbm4b:s9+s3], $0x80, v0, vm0, $0xb8;
	[tilespmem:$0x1BC00] =	vst v63  }
.LBB2_13:
0x274: {  	s20 =	sor.u32 $0x1, s12  }
0x275: {  	s12 =	sadd.s32 s10, s20  }
0x276: {  	_ =	swait.ge [sflag:s29], $0x1000;
	s12 =	sshll.u32 s12, $0x9  }
0x277: {  	[sflag:s29] =	ssyncset.done $0x0;
	s12 =	sand.u32 $0x1FFFFE00, s12  }
0x278: {  	[sflag:s29] =	ssyncadd.s32 $0xFFFFF000;
	s17 =	sadd.s32 s4, s12  }
0x279: {  	[hbm4b:s17+s3] =	stream.linear.scatter [tilespmem:s16], [sflag:$0xA], $0x1000, $0x38;
	[tilespmem:$0x1BC00] =	vst v63  }
0x27a: {  	s17 =	simm.s32 @!p1 $0x8  }
0x27b: {  	_ =	swait.ge @!p1 [sflag:s17], $0x1000  }
0x27c: {  	[sflag:s17] =	ssyncset.done @!p1 $0x0  }
0x27d: {  	[sflag:s17] =	ssyncadd.s32 @!p1 $0xFFFFF000  }
0x27e: {  	_ =	swait.ge [sflag:s30], $0x5000  }
0x27f: {  	s19 =	simm.s32 $0x0;
	[sflag:s30] =	ssyncset.done $0x0  }
0x280: {  	s21 =	simm.s32 $0x200;
	s22 =	simm.s32 $0x0;
	[sflag:s30] =	ssyncadd.s32 $0xFFFFB000  }
.LBB2_14:
0x281: {  	s17 =	smul.u32 $0x1400, s22;
	_ =	sdelay $0x1  }
0x282: {  	s24 =	sshll.u32 s22, $0x8;
	s23 =	sand.u32 $0x3000, s17  }
0x283: {  	s23 =	sadd.s32 s24, s23  }
0x284: {  	v0 =	vld [tilespmem:s23+$0xFC00]  }
0x285: {  	v10 =	vld [tilespmem:s23+$0xFC10]  }
0x286: {  	v9 =	vld [tilespmem:s23+$0xFC20]  }
0x287: {  	v8 =	vld [tilespmem:s23+$0xFC30]  }
0x288: {  	v7 =	vld [tilespmem:s23+$0xFC40]  }
0x289: {  	v6 =	vld [tilespmem:s23+$0xFC50]  }
0x28a: {  	s17 =	sor.u32 s24, s17;
	v5 =	vld [tilespmem:s23+$0xFC60]  }
0x28b: {  	s26 =	sor.u32 $0xC00, s17;
	v4 =	vld [tilespmem:s23+$0xFC70]  }
0x28c: {  	s28 =	sor.u32 $0xC10, s17;
	v39 =	vld [tilespmem:s26+$0xFC00]  }
0x28d: {  	s24 =	sor.u32 $0xC20, s17;
	v40 =	vld [tilespmem:s28+$0xFC00]  }
0x28e: {  	s25 =	sadd.s32 $0xFC00, s23;
	v41 =	vld [tilespmem:s24+$0xFC00]  }
0x28f: {  	v1 =	vld [tilespmem:s25+$0x400]  }
0x290: {  	v2 =	vld [tilespmem:s25+$0x410]  }
0x291: {  	v11 =	vld [tilespmem:s25+$0x420]  }
0x292: {  	v12 =	vld [tilespmem:s25+$0x430]  }
0x293: {  	v13 =	vld [tilespmem:s25+$0x440]  }
0x294: {  	v14 =	vld [tilespmem:s25+$0x450]  }
0x295: {  	v15 =	vld [tilespmem:s25+$0x460]  }
0x296: {  	v16 =	vld [tilespmem:s25+$0x470]  }
0x297: {  	v17 =	vld [tilespmem:s25+$0x800]  }
0x298: {  	v18 =	vld [tilespmem:s25+$0x810]  }
0x299: {  	v19 =	vld [tilespmem:s25+$0x820]  }
0x29a: {  	v20 =	vld [tilespmem:s25+$0x830]  }
0x29b: {  	v21 =	vld [tilespmem:s25+$0x840]  }
0x29c: {  	v35 =	vld [tilespmem:s25+$0x850]  }
0x29d: {  	v36 =	vld [tilespmem:s25+$0x860]  }
0x29e: {  	s26 =	sor.u32 $0xC40, s17;
	v37 =	vld [tilespmem:s25+$0x870]  }
0x29f: {  	s28 =	sor.u32 $0xC50, s17;
	v43 =	vld [tilespmem:s26+$0xFC00]  }
0x2a0: {  	s25 =	sor.u32 $0xC30, s17;
	v44 =	vld [tilespmem:s28+$0xFC00]  }
0x2a1: {  	s24 =	sor.u32 $0xC60, s17;
	v42 =	vld [tilespmem:s25+$0xFC00];
	s25 =	sadd.s32 $0x80, s19  }
0x2a2: {  	v45 =	vld [tilespmem:s24+$0xFC00];
	s17 =	sor.u32 $0xC70, s17;
	s26 =	sand.u32 $0x7000, s21;
	s24 =	sand.u32 $0x380, s25  }
0x2a3: {  	v3 =	vld [tilespmem:s17+$0xFC00];
	s23 =	sor.u32 s24, s26  }
0x2a4: {  	s28 =	sadd.s32 $0xFC00, s23;
	v22 =	vld [tilespmem:s23+$0xFC00]  }
0x2a5: {  	v23 =	vld [tilespmem:s28+$0xC70]  }
0x2a6: {  	v24 =	vld [tilespmem:s28+$0x400]  }
0x2a7: {  	v25 =	vld [tilespmem:s28+$0x410]  }
0x2a8: {  	v26 =	vld [tilespmem:s28+$0x420]  }
0x2a9: {  	v27 =	vld [tilespmem:s28+$0x430]  }
0x2aa: {  	v28 =	vld [tilespmem:s28+$0x440]  }
0x2ab: {  	v38 =	vld [tilespmem:s28+$0x450]  }
0x2ac: {  	v46 =	vld [tilespmem:s28+$0x460]  }
0x2ad: {  	v47 =	vld [tilespmem:s28+$0x470]  }
0x2ae: {  	v48 =	vld [tilespmem:s28+$0x800]  }
0x2af: {  	v49 =	vld [tilespmem:s28+$0x810]  }
0x2b0: {  	v50 =	vld [tilespmem:s28+$0x820]  }
0x2b1: {  	v51 =	vld [tilespmem:s28+$0x830]  }
0x2b2: {  	v52 =	vld [tilespmem:s28+$0x840]  }
0x2b3: {  	v53 =	vld [tilespmem:s28+$0x850]  }
0x2b4: {  	v54 =	vld [tilespmem:s28+$0x860]  }
0x2b5: {  	v62 =	vld [tilespmem:s28+$0xC50];
	v34 =	vadd.f32 v22, v0  }
0x2b6: {  	v0 =	vld [tilespmem:s28+$0x870];
	v3 =	vadd.f32 v23, v3;
	v33 =	vadd.f32 v24, v1  }
0x2b7: {  	v1 =	vld [tilespmem:s28+$0xC00];
	v32 =	vadd.f32 v25, v2;
	v31 =	vadd.f32 v26, v11  }
0x2b8: {  	v2 =	vld [tilespmem:s28+$0xC10];
	v30 =	vadd.f32 v27, v12;
	v29 =	vadd.f32 v28, v13  }
0x2b9: {  	v11 =	vld [tilespmem:s28+$0xC20];
	v28 =	vadd.f32 v38, v14;
	v27 =	vadd.f32 v46, v15  }
0x2ba: {  	v12 =	vld [tilespmem:s28+$0xC30];
	v26 =	vadd.f32 v47, v16;
	v25 =	vadd.f32 v48, v17  }
0x2bb: {  	v13 =	vld [tilespmem:s28+$0xC40];
	v24 =	vadd.f32 v49, v18;
	v23 =	vadd.f32 v50, v19  }
0x2bc: {  	v63 =	vld [tilespmem:s28+$0xC60];
	v22 =	vadd.f32 v51, v20;
	v21 =	vadd.f32 v52, v21  }
0x2bd: {  	v20 =	vadd.f32 v53, v35;
	v19 =	vadd.f32 v54, v36;
	v38 =	vld [tilespmem:s23+$0xFC10]  }
0x2be: {  	v18 =	vadd.f32 v0, v37;
	v17 =	vadd.f32 v1, v39;
	v39 =	vld [tilespmem:s23+$0xFC20]  }
0x2bf: {  	v35 =	vld [tilespmem:s23+$0xFC30];
	v16 =	vadd.f32 v2, v40;
	v15 =	vadd.f32 v11, v41  }
0x2c0: {  	v36 =	vld [tilespmem:s23+$0xFC40];
	v14 =	vadd.f32 v12, v42;
	v12 =	vadd.f32 v13, v43  }
0x2c1: {  	s25 =	sadd.s32 $0x200, s21;
	s26 =	sadd.s32 $0x100, s19;
	s24 =	simm.s32 $0x180;
	v37 =	vld [tilespmem:s23+$0xFC50];
	v11 =	vadd.f32 v62, v44;
	v13 =	vadd.f32 v63, v45  }
.LBB2_15:
0x2c2: {  	p1 =	sne.s32 s24, $0x480;
	s17 =	sand.u32 $0x7000, s25;
	s26 =	sand.u32 $0x380, s26;
	v10 =	vadd.f32 v38, v10;
	v0 =	vld [tilespmem:s23+$0xFC60]  }
0x2c3: {  	v9 =	vadd.f32 v39, v9;
	v1 =	vld [tilespmem:s23+$0xFC70];
	s23 =	sor.u32 s26, s17  }
0x2c4: {  	s26 =	sadd.s32 $0xFC00, s23;
	v2 =	vld [tilespmem:s23+$0xFC00];
	v8 =	vadd.f32 v35, v8  }
0x2c5: {  	v35 =	vld [tilespmem:s26+$0xC70];
	v7 =	vadd.f32 v36, v7  }
0x2c6: {  	v36 =	vld [tilespmem:s26+$0x400];
	v6 =	vadd.f32 v37, v6  }
0x2c7: {  	v37 =	vld [tilespmem:s26+$0x410];
	v5 =	vadd.f32 v0, v5  }
0x2c8: {  	v0 =	vld [tilespmem:s26+$0x420];
	v4 =	vadd.f32 v1, v4  }
0x2c9: {  	v34 =	vadd.f32 v2, v34;
	v1 =	vld [tilespmem:s26+$0x430]  }
0x2ca: {  	v2 =	vld [tilespmem:s26+$0x440];
	v3 =	vadd.f32 v35, v3  }
0x2cb: {  	v33 =	vadd.f32 v36, v33;
	v35 =	vld [tilespmem:s26+$0x450]  }
0x2cc: {  	v32 =	vadd.f32 v37, v32;
	v36 =	vld [tilespmem:s26+$0x460]  }
0x2cd: {  	v31 =	vadd.f32 v0, v31;
	v0 =	vld [tilespmem:s26+$0x470]  }
0x2ce: {  	v30 =	vadd.f32 v1, v30;
	v1 =	vld [tilespmem:s26+$0x800]  }
0x2cf: {  	v29 =	vadd.f32 v2, v29;
	v2 =	vld [tilespmem:s26+$0x810]  }
0x2d0: {  	v28 =	vadd.f32 v35, v28;
	v35 =	vld [tilespmem:s26+$0x820]  }
0x2d1: {  	v27 =	vadd.f32 v36, v27;
	v36 =	vld [tilespmem:s26+$0x830]  }
0x2d2: {  	v26 =	vadd.f32 v0, v26;
	v0 =	vld [tilespmem:s26+$0x840]  }
0x2d3: {  	v25 =	vadd.f32 v1, v25;
	v1 =	vld [tilespmem:s26+$0x850]  }
0x2d4: {  	v24 =	vadd.f32 v2, v24;
	v2 =	vld [tilespmem:s26+$0x860]  }
0x2d5: {  	v23 =	vadd.f32 v35, v23;
	v35 =	vld [tilespmem:s26+$0x870]  }
0x2d6: {  	v22 =	vadd.f32 v36, v22;
	v36 =	vld [tilespmem:s26+$0xC00]  }
0x2d7: {  	v21 =	vadd.f32 v0, v21;
	v0 =	vld [tilespmem:s26+$0xC10]  }
0x2d8: {  	v20 =	vadd.f32 v1, v20;
	v1 =	vld [tilespmem:s26+$0xC20]  }
0x2d9: {  	v19 =	vadd.f32 v2, v19;
	v2 =	vld [tilespmem:s26+$0xC30]  }
0x2da: {  	v18 =	vadd.f32 v35, v18;
	v37 =	vld [tilespmem:s26+$0xC40]  }
0x2db: {  	v17 =	vadd.f32 v36, v17;
	v40 =	vld [tilespmem:s26+$0xC50]  }
0x2dc: {  	v16 =	vadd.f32 v0, v16;
	v0 =	vld [tilespmem:s26+$0xC60]  }
.Ltmp8:
0x2dd: {  	v38 =	vld [tilespmem:s23+$0xFC10];
	v15 =	vadd.f32 v1, v15;
	(pc) =	sbr.rel @p1 .LBB2_15-.Ltmp8, $4  }
0x2de: {  	v39 =	vld [tilespmem:s23+$0xFC20];
	v14 =	vadd.f32 v2, v14  }
0x2df: {  	v35 =	vld [tilespmem:s23+$0xFC30];
	v12 =	vadd.f32 v37, v12  }
0x2e0: {  	v36 =	vld [tilespmem:s23+$0xFC40];
	v11 =	vadd.f32 v40, v11  }
0x2e1: {  	s25 =	sadd.s32 $0x200, s25;
	s26 =	sadd.s32 s24, s19;
	s24 =	sadd.s32 $0x80, s24;
	v37 =	vld [tilespmem:s23+$0xFC50];
	v13 =	vadd.f32 v0, v13  }
0x2e2: {  	s17 =	sand.u32 $0x7000, s25;
	s24 =	sand.u32 $0x380, s26;
	v40 =	vld [tilespmem:s23+$0xFC60]  }
0x2e3: {  	v41 =	vld [tilespmem:s23+$0xFC70];
	s17 =	sor.u32 s24, s17  }
0x2e4: {  	v2 =	vld [tilespmem:s17+$0xFC00]  }
0x2e5: {  	v1 =	vld [tilespmem:s17+$0xFC30]  }
0x2e6: {  	v10 =	vadd.f32 v38, v10;
	v38 =	vld [tilespmem:s17+$0xFC40]  }
0x2e7: {  	v8 =	vadd.f32 v35, v8;
	v35 =	vld [tilespmem:s17+$0xFC60]  }
0x2e8: {  	v9 =	vadd.f32 v39, v9;
	s25 =	sadd.s32 $0xFC00, s17;
	v39 =	vld [tilespmem:s17+$0xFC70]  }
0x2e9: {  	v0 =	vld [tilespmem:s25+$0xC70]  }
0x2ea: {  	v42 =	vld [tilespmem:s25+$0x400]  }
0x2eb: {  	v43 =	vld [tilespmem:s25+$0x410]  }
0x2ec: {  	v44 =	vld [tilespmem:s25+$0x420]  }
0x2ed: {  	v45 =	vld [tilespmem:s25+$0x430]  }
0x2ee: {  	v46 =	vld [tilespmem:s25+$0x440]  }
0x2ef: {  	v47 =	vld [tilespmem:s25+$0x450]  }
0x2f0: {  	v48 =	vld [tilespmem:s25+$0x460]  }
0x2f1: {  	v49 =	vld [tilespmem:s25+$0x470]  }
0x2f2: {  	v50 =	vld [tilespmem:s25+$0x800]  }
0x2f3: {  	v51 =	vld [tilespmem:s25+$0x810]  }
0x2f4: {  	v52 =	vld [tilespmem:s25+$0x820]  }
0x2f5: {  	v53 =	vld [tilespmem:s25+$0x830]  }
0x2f6: {  	v54 =	vld [tilespmem:s25+$0x840]  }
0x2f7: {  	v55 =	vld [tilespmem:s25+$0x850]  }
0x2f8: {  	v56 =	vld [tilespmem:s25+$0x860]  }
0x2f9: {  	v57 =	vld [tilespmem:s25+$0x870]  }
0x2fa: {  	v58 =	vld [tilespmem:s25+$0xC00]  }
0x2fb: {  	v63 =	vld [tilespmem:s25+$0xC50]  }
0x2fc: {  	v59 =	vld [tilespmem:s25+$0xC10]  }
0x2fd: {  	v60 =	vld [tilespmem:s25+$0xC20]  }
0x2fe: {  	v61 =	vld [tilespmem:s25+$0xC30]  }
0x2ff: {  	v7 =	vadd.f32 v36, v7;
	v2 =	vadd.f32 v2, v34;
	v34 =	vld [tilespmem:s17+$0xFC50]  }
0x300: {  	v5 =	vadd.f32 v40, v5;
	v1 =	vadd.f32 v1, v8;
	[tilespmem:$0x1FF50] =	vst v63;
	v63 =	vld [tilespmem:s17+$0xFC10]  }
0x301: {  	s26 =	sshll.u32 s22, $0x7;
	v7 =	vadd.f32 v38, v7;
	[tilespmem:$0x1FF60] =	vst v0;
	v0 =	vld [tilespmem:s17+$0xFC20];
	v2 =	vmul.f32 $1.000000010e-01, v2  }
0x302: {  	s28 =	sand.u32 $0x3FFFFF80, s26;
	v62 =	vld [tilespmem:s25+$0xC40];
	v6 =	vadd.f32 v37, v6;
	v5 =	vadd.f32 v35, v5;
	v1 =	vmul.f32 $1.000000010e-01, v1  }
0x303: {  	v8 =	vld [tilespmem:s25+$0xC60];
	v37 =	vadd.f32 v42, v33;
	v35 =	vmul.f32 $1.000000010e-01, v7;
	[tilespmem:s28+$0x1AC00] =	vst v2  }
0x304: {  	v38 =	vmul.f32 $1.000000010e-01, v5;
	[tilespmem:s28+$0x1AC30] =	vst v1;
	v34 =	vadd.f32 v34, v6  }
0x305: {  	v42 =	vmul.f32 $1.000000010e-01, v37;
	[tilespmem:s28+$0x1AC40] =	vst v35;
	v10 =	vadd.f32 v63, v10  }
0x306: {  	[tilespmem:s28+$0x1AC60] =	vst v38;
	v0 =	vadd.f32 v0, v9;
	v63 =	vadd.f32 v41, v4;
	v36 =	vmul.f32 $1.000000010e-01, v34  }
0x307: {  	[tilespmem:s28+$0x1B000] =	vst v42;
	v42 =	vadd.f32 v56, v19;
	v41 =	vadd.f32 v44, v31;
	v10 =	vmul.f32 $1.000000010e-01, v10  }
0x308: {  	v0 =	vmul.f32 $1.000000010e-01, v0;
	v2 =	vadd.f32 v39, v63;
	v39 =	vadd.f32 v43, v32;
	[tilespmem:s28+$0x1AC50] =	vst v36  }
0x309: {  	v43 =	vadd.f32 v45, v30;
	v45 =	vadd.f32 v46, v29;
	v46 =	vmul.f32 $1.000000010e-01, v41;
	[tilespmem:s28+$0x1AC10] =	vst v10  }
0x30a: {  	v63 =	vadd.f32 v47, v28;
	v47 =	vmul.f32 $1.000000010e-01, v42;
	[tilespmem:s28+$0x1AC20] =	vst v0  }
0x30b: {  	v40 =	vmul.f32 $1.000000010e-01, v2;
	[tilespmem:s28+$0x1B020] =	vst v46  }
0x30c: {  	v44 =	vmul.f32 $1.000000010e-01, v39;
	[tilespmem:s28+$0x1B460] =	vst v47  }
0x30d: {  	v9 =	vmul.f32 $1.000000010e-01, v43;
	[tilespmem:s28+$0x1AC70] =	vst v40  }
0x30e: {  	v28 =	vadd.f32 v49, v26;
	v10 =	vadd.f32 v48, v27;
	v27 =	vmul.f32 $1.000000010e-01, v45;
	[tilespmem:s28+$0x1B010] =	vst v44  }
0x30f: {  	v30 =	vadd.f32 v50, v25;
	v29 =	vmul.f32 $1.000000010e-01, v63;
	[tilespmem:s28+$0x1B030] =	vst v9  }
0x310: {  	v32 =	vadd.f32 v51, v24;
	v33 =	vmul.f32 $1.000000010e-01, v28;
	[tilespmem:s28+$0x1B040] =	vst v27  }
0x311: {  	v34 =	vadd.f32 v52, v23;
	v35 =	vmul.f32 $1.000000010e-01, v30;
	[tilespmem:s28+$0x1B050] =	vst v29  }
0x312: {  	v38 =	vadd.f32 v54, v21;
	v37 =	vmul.f32 $1.000000010e-01, v32;
	[tilespmem:s28+$0x1B070] =	vst v33  }
0x313: {  	v54 =	vadd.f32 v62, v12;
	v39 =	vmul.f32 $1.000000010e-01, v34;
	[tilespmem:s28+$0x1B400] =	vst v35  }
0x314: {  	v36 =	vadd.f32 v53, v22;
	v43 =	vmul.f32 $1.000000010e-01, v38;
	[tilespmem:s28+$0x1B410] =	vst v37  }
0x315: {  	v56 =	vld [tilespmem:$0x1FF50];
	v48 =	vadd.f32 v59, v16;
	v59 =	vmul.f32 $1.000000010e-01, v54;
	[tilespmem:s28+$0x1B420] =	vst v39  }
0x316: {  	v46 =	vadd.f32 v58, v17;
	v41 =	vmul.f32 $1.000000010e-01, v36;
	[tilespmem:s28+$0x1B440] =	vst v43  }
0x317: {  	v31 =	vmul.f32 $1.000000010e-01, v10;
	[tilespmem:s28+$0x1B840] =	vst v59  }
0x318: {  	v50 =	vadd.f32 v60, v15;
	v51 =	vmul.f32 $1.000000010e-01, v46;
	[tilespmem:s28+$0x1B430] =	vst v41  }
0x319: {  	v52 =	vadd.f32 v61, v14;
	v60 =	vld [tilespmem:$0x1FF60];
	v53 =	vmul.f32 $1.000000010e-01, v48;
	[tilespmem:s28+$0x1B060] =	vst v31  }
0x31a: {  	v4 =	vadd.f32 v56, v11;
	v40 =	vadd.f32 v55, v20;
	v55 =	vmul.f32 $1.000000010e-01, v50;
	[tilespmem:s28+$0x1B800] =	vst v51  }
0x31b: {  	v58 =	vadd.f32 v8, v13;
	v44 =	vadd.f32 v57, v18;
	v57 =	vmul.f32 $1.000000010e-01, v52;
	[tilespmem:s28+$0x1B810] =	vst v53  }
0x31c: {  	s22 =	sadd.s32 $0x1, s22;
	v61 =	vmul.f32 $1.000000010e-01, v4;
	[tilespmem:s28+$0x1B820] =	vst v55  }
0x31d: {  	p1 =	sne.s32 s22, $0x4;
	v62 =	vmul.f32 $1.000000010e-01, v58;
	[tilespmem:s28+$0x1B830] =	vst v57  }
.Ltmp9:
0x31e: {  	v2 =	vadd.f32 v60, v3;
	v45 =	vmul.f32 $1.000000010e-01, v40;
	[tilespmem:s28+$0x1B850] =	vst v61;
	(pc) =	sbr.rel @p1 .LBB2_14-.Ltmp9, $4  }
0x31f: {  	v49 =	vmul.f32 $1.000000010e-01, v44;
	[tilespmem:s28+$0x1B860] =	vst v62  }
0x320: {  	v63 =	vmul.f32 $1.000000010e-01, v2;
	[tilespmem:s28+$0x1B450] =	vst v45  }
0x321: {  	[tilespmem:s28+$0x1B470] =	vst v49  }
0x322: {  	s19 =	sadd.s32 $0x500, s19;
	s21 =	sadd.s32 $0x1400, s21;
	[tilespmem:s28+$0x1B870] =	vst v63  }
0x323: {  	s19 =	sshll.u32 s20, $0xA;
	p1 =	sgt.u32 s20, $0x26  }
0x324: {  	s17 =	sshrl.u32 @!p1 s19, $0x2  }
0x325: {  	v0 =	vld @!p1 [tilespmem:s17+$0x1580];
	_ =	sdelay $0x4  }
0x326: {  	v1 =	vshll.u32 @!p1 v0, $0x2  }
0x327: {  	v2 =	vlaneseq.u32 @!p1;
	v0 =	vand.u32 @!p1 $0x7, v0;
	v1 =	vand.u32 @!p1 $0xFFFFFFE0, v1  }
0x328: {  	v3 =	vshrl.u32 @!p1 v2, $0x3;
	v0 =	vor.u32 @!p1 v0, v1;
	v1 =	vand.u32 @!p1 $0x7, v2  }
0x329: {  	v3 =	vmul.u32 @!p1 $0x8, v3;
	v4 =	vperm.xlane @!p1 v0, v1;
	_ =	sdelay $0x1  }
0x32a: {  	v4 =	vadd.s32 @!p1 v3, v4  }
0x32b: {  	v2 =	vor.u32 @!p1 $0x8, v2  }
0x32c: {  	v0 =	vperm.xlane @!p1 v0, v2;
	_ =	sdelay $0x1  }
0x32d: {  	vm1 =	vmmov @!p1 $0xffff;
	s20 =	simm.s32 @!p1 $0x0;
	s21 =	simm.s32 @!p1 $0xAC00;
	v0 =	vadd.s32 @!p1 v3, v0  }
0x32e: {  	[tilespmem:s21], [sflag:$0x4] =	stream.indirect_vreg.gather @!p1 [hbm4b:s2+s20], $0x80, v4, vm1, $0xb8;
	[tilespmem:$0x1BC00] =	vst v63  }
0x32f: {  	s21 =	simm.s32 @!p1 $0xB400  }
0x330: {  	[tilespmem:s21], [sflag:$0x4] =	stream.indirect_vreg.gather @!p1 [hbm4b:s9+s20], $0x80, v4, vm1, $0xb8;
	[tilespmem:$0x1BC00] =	vst v63  }
0x331: {  	s21 =	simm.s32 @!p1 $0xBC00  }
0x332: {  	[tilespmem:s21], [sflag:$0x4] =	stream.indirect_vreg.gather @!p1 [hbm4b:s2+s20], $0x80, v0, vm1, $0xb8;
	[tilespmem:$0x1BC00] =	vst v63  }
0x333: {  	s21 =	simm.s32 @!p1 $0xC400  }
0x334: {  	[tilespmem:s21], [sflag:$0x4] =	stream.indirect_vreg.gather @!p1 [hbm4b:s9+s20], $0x80, v0, vm1, $0xb8;
	[tilespmem:$0x1BC00] =	vst v63  }
0x335: {  	v0 =	vld @!p1 [tilespmem:s17+$0x1590];
	_ =	sdelay $0x4  }
0x336: {  	v4 =	vshll.u32 @!p1 v0, $0x2  }
0x337: {  	v0 =	vand.u32 @!p1 $0x7, v0;
	v4 =	vand.u32 @!p1 $0xFFFFFFE0, v4  }
0x338: {  	v0 =	vor.u32 @!p1 v0, v4  }
0x339: {  	v4 =	vperm.xlane @!p1 v0, v1;
	_ =	sdelay $0x1  }
0x33a: {  	v4 =	vadd.s32 @!p1 v3, v4;
	_ =	sdelay $0x1  }
0x33b: {  	v0 =	vperm.xlane @!p1 v0, v2;
	_ =	sdelay $0x1  }
0x33c: {  	s21 =	simm.s32 @!p1 $0xCC00;
	v0 =	vadd.s32 @!p1 v3, v0  }
0x33d: {  	[tilespmem:s21], [sflag:$0x4] =	stream.indirect_vreg.gather @!p1 [hbm4b:s2+s20], $0x80, v4, vm1, $0xb8;
	[tilespmem:$0x1BC00] =	vst v63  }
0x33e: {  	s21 =	simm.s32 @!p1 $0xD400  }
0x33f: {  	[tilespmem:s21], [sflag:$0x4] =	stream.indirect_vreg.gather @!p1 [hbm4b:s9+s20], $0x80, v4, vm1, $0xb8;
	[tilespmem:$0x1BC00] =	vst v63  }
0x340: {  	s21 =	simm.s32 @!p1 $0xDC00  }
0x341: {  	[tilespmem:s21], [sflag:$0x4] =	stream.indirect_vreg.gather @!p1 [hbm4b:s2+s20], $0x80, v0, vm1, $0xb8;
	[tilespmem:$0x1BC00] =	vst v63  }
0x342: {  	s21 =	simm.s32 @!p1 $0xE400  }
0x343: {  	[tilespmem:s21], [sflag:$0x4] =	stream.indirect_vreg.gather @!p1 [hbm4b:s9+s20], $0x80, v0, vm1, $0xb8;
	[tilespmem:$0x1BC00] =	vst v63  }
0x344: {  	v0 =	vld.msk @!p1 [tilespmem:s17+$0x15A0], $0xff;
	_ =	sdelay $0x4  }
0x345: {  	v2 =	vshll.u32 @!p1 v0, $0x2  }
0x346: {  	v0 =	vand.u32 @!p1 $0x7, v0;
	v2 =	vand.u32 @!p1 $0xFFFFFFE0, v2  }
0x347: {  	v0 =	vor.u32 @!p1 v0, v2  }
0x348: {  	v0 =	vperm.xlane @!p1 v0, v1;
	_ =	sdelay $0x1  }
0x349: {  	v0 =	vadd.s32 @!p1 v3, v0;
	_ =	sdelay $0x3  }
0x34a: {  	s17 =	simm.s32 @!p1 $0xEC00  }
0x34b: {  	[tilespmem:s17], [sflag:$0x4] =	stream.indirect_vreg.gather @!p1 [hbm4b:s2+s20], $0x80, v0, vm1, $0xb8;
	[tilespmem:$0x1BC00] =	vst v63  }
0x34c: {  	s17 =	simm.s32 @!p1 $0xF400  }
0x34d: {  	[tilespmem:s17], [sflag:$0x4] =	stream.indirect_vreg.gather @!p1 [hbm4b:s9+s20], $0x80, v0, vm1, $0xb8;
	[tilespmem:$0x1BC00] =	vst v63  }
0x34e: {  	_ =	swait.ge [sflag:s31], $0x5000  }
0x34f: {  	s22 =	simm.s32 $0x0;
	[sflag:s31] =	ssyncset.done $0x0  }
0x350: {  	s21 =	simm.s32 $0x200;
	s20 =	simm.s32 $0x0;
	[sflag:s31] =	ssyncadd.s32 $0xFFFFB000  }
.LBB2_18:
0x351: {  	s17 =	smul.u32 $0x1400, s22;
	_ =	sdelay $0x1  }
0x352: {  	s24 =	sshll.u32 s22, $0x8;
	s23 =	sand.u32 $0x3000, s17  }
0x353: {  	s17 =	sor.u32 s24, s17;
	s23 =	sadd.s32 s24, s23  }
0x354: {  	s26 =	sor.u32 $0xC00, s17;
	v0 =	vld [tilespmem:s23+$0x14C00]  }
0x355: {  	s28 =	sor.u32 $0xC10, s17;
	v9 =	vld [tilespmem:s26+$0x14C00]  }
0x356: {  	s24 =	sor.u32 $0xC20, s17;
	v8 =	vld [tilespmem:s28+$0x14C00]  }
0x357: {  	s25 =	sadd.s32 $0x14C00, s23;
	v7 =	vld [tilespmem:s24+$0x14C00]  }
0x358: {  	v1 =	vld [tilespmem:s25+$0x10]  }
0x359: {  	v2 =	vld [tilespmem:s25+$0x20]  }
0x35a: {  	v11 =	vld [tilespmem:s25+$0x30]  }
0x35b: {  	v12 =	vld [tilespmem:s25+$0x40]  }
0x35c: {  	v13 =	vld [tilespmem:s25+$0x50]  }
0x35d: {  	v14 =	vld [tilespmem:s25+$0x60]  }
0x35e: {  	v15 =	vld [tilespmem:s25+$0x70]  }
0x35f: {  	v16 =	vld [tilespmem:s25+$0x400]  }
0x360: {  	v17 =	vld [tilespmem:s25+$0x410]  }
0x361: {  	v18 =	vld [tilespmem:s25+$0x420]  }
0x362: {  	v19 =	vld [tilespmem:s25+$0x430]  }
0x363: {  	v20 =	vld [tilespmem:s25+$0x440]  }
0x364: {  	v21 =	vld [tilespmem:s25+$0x450]  }
0x365: {  	v35 =	vld [tilespmem:s25+$0x460]  }
0x366: {  	v36 =	vld [tilespmem:s25+$0x470]  }
0x367: {  	v37 =	vld [tilespmem:s25+$0x800]  }
0x368: {  	v38 =	vld [tilespmem:s25+$0x810]  }
0x369: {  	v40 =	vld [tilespmem:s25+$0x820]  }
0x36a: {  	v41 =	vld [tilespmem:s25+$0x830]  }
0x36b: {  	v42 =	vld [tilespmem:s25+$0x840]  }
0x36c: {  	v43 =	vld [tilespmem:s25+$0x850]  }
0x36d: {  	v44 =	vld [tilespmem:s25+$0x860]  }
0x36e: {  	s26 =	sor.u32 $0xC40, s17;
	v45 =	vld [tilespmem:s25+$0x870]  }
0x36f: {  	s28 =	sor.u32 $0xC50, s17;
	v5 =	vld [tilespmem:s26+$0x14C00]  }
0x370: {  	s25 =	sor.u32 $0xC30, s17;
	v4 =	vld [tilespmem:s28+$0x14C00]  }
0x371: {  	s24 =	sor.u32 $0xC60, s17;
	v6 =	vld [tilespmem:s25+$0x14C00];
	s25 =	sadd.s32 $0x80, s20  }
0x372: {  	v3 =	vld [tilespmem:s24+$0x14C00];
	s17 =	sor.u32 $0xC70, s17;
	s26 =	sand.u32 $0x7000, s21;
	s24 =	sand.u32 $0x380, s25  }
0x373: {  	v10 =	vld [tilespmem:s17+$0x14C00];
	s28 =	sor.u32 s24, s26  }
0x374: {  	s23 =	sadd.s32 $0x14C00, s28;
	v22 =	vld [tilespmem:s28+$0x14C00]  }
0x375: {  	v23 =	vld [tilespmem:s23+$0xC70]  }
0x376: {  	v24 =	vld [tilespmem:s23+$0x10]  }
0x377: {  	v25 =	vld [tilespmem:s23+$0x20]  }
0x378: {  	v26 =	vld [tilespmem:s23+$0x30]  }
0x379: {  	v27 =	vld [tilespmem:s23+$0x40]  }
0x37a: {  	v28 =	vld [tilespmem:s23+$0x50]  }
0x37b: {  	v39 =	vld [tilespmem:s23+$0x60]  }
0x37c: {  	v46 =	vld [tilespmem:s23+$0x70]  }
0x37d: {  	v47 =	vld [tilespmem:s23+$0x400]  }
0x37e: {  	v48 =	vld [tilespmem:s23+$0x410]  }
0x37f: {  	v49 =	vld [tilespmem:s23+$0x420]  }
0x380: {  	v50 =	vld [tilespmem:s23+$0x430]  }
0x381: {  	v51 =	vld [tilespmem:s23+$0x440]  }
0x382: {  	v52 =	vld [tilespmem:s23+$0x450]  }
0x383: {  	v53 =	vld [tilespmem:s23+$0x460]  }
0x384: {  	v54 =	vld [tilespmem:s23+$0x470]  }
0x385: {  	v62 =	vld [tilespmem:s23+$0x860];
	v32 =	vadd.f32 v22, v0  }
0x386: {  	v0 =	vld [tilespmem:s23+$0x800];
	v10 =	vadd.f32 v23, v10;
	v33 =	vadd.f32 v24, v1  }
0x387: {  	v1 =	vld [tilespmem:s23+$0x810];
	v34 =	vadd.f32 v25, v2;
	v31 =	vadd.f32 v26, v11  }
0x388: {  	v2 =	vld [tilespmem:s23+$0x820];
	v30 =	vadd.f32 v27, v12;
	v29 =	vadd.f32 v28, v13  }
0x389: {  	v11 =	vld [tilespmem:s23+$0x830];
	v28 =	vadd.f32 v39, v14;
	v27 =	vadd.f32 v46, v15  }
0x38a: {  	v12 =	vld [tilespmem:s23+$0x840];
	v26 =	vadd.f32 v47, v16;
	v25 =	vadd.f32 v48, v17  }
0x38b: {  	v13 =	vld [tilespmem:s23+$0x850];
	v24 =	vadd.f32 v49, v18;
	v23 =	vadd.f32 v50, v19  }
0x38c: {  	v63 =	vld [tilespmem:s23+$0x870];
	v22 =	vadd.f32 v51, v20;
	v21 =	vadd.f32 v52, v21  }
0x38d: {  	v20 =	vadd.f32 v53, v35;
	v19 =	vadd.f32 v54, v36;
	v39 =	vld [tilespmem:s23+$0xC00]  }
0x38e: {  	v18 =	vadd.f32 v0, v37;
	v17 =	vadd.f32 v1, v38;
	v38 =	vld [tilespmem:s23+$0xC10]  }
0x38f: {  	v36 =	vld [tilespmem:s23+$0xC20];
	v16 =	vadd.f32 v2, v40;
	v15 =	vadd.f32 v11, v41  }
0x390: {  	v35 =	vld [tilespmem:s23+$0xC30];
	v14 =	vadd.f32 v12, v42;
	v13 =	vadd.f32 v13, v43  }
0x391: {  	s25 =	sadd.s32 $0x200, s21;
	s26 =	sadd.s32 $0x100, s20;
	s24 =	simm.s32 $0x180;
	v37 =	vld [tilespmem:s23+$0xC40];
	v12 =	vadd.f32 v62, v44;
	v11 =	vadd.f32 v63, v45  }
.LBB2_19:
0x392: {  	p1 =	sne.s32 s24, $0x480;
	s17 =	sand.u32 $0x7000, s25;
	s26 =	sand.u32 $0x380, s26;
	v9 =	vadd.f32 v39, v9;
	v0 =	vld [tilespmem:s23+$0xC50]  }
0x393: {  	s17 =	sor.u32 s26, s17;
	v8 =	vadd.f32 v38, v8;
	v1 =	vld [tilespmem:s23+$0xC60]  }
0x394: {  	s23 =	sadd.s32 $0x14C00, s17;
	v2 =	vld [tilespmem:s17+$0x14C00];
	v7 =	vadd.f32 v36, v7  }
0x395: {  	v36 =	vld [tilespmem:s23+$0xC70];
	v6 =	vadd.f32 v35, v6  }
0x396: {  	v35 =	vld [tilespmem:s23+$0x10];
	v5 =	vadd.f32 v37, v5  }
0x397: {  	v37 =	vld [tilespmem:s23+$0x20];
	v4 =	vadd.f32 v0, v4  }
0x398: {  	v0 =	vld [tilespmem:s23+$0x30];
	v3 =	vadd.f32 v1, v3  }
0x399: {  	v32 =	vadd.f32 v2, v32;
	v1 =	vld [tilespmem:s23+$0x40]  }
0x39a: {  	v2 =	vld [tilespmem:s23+$0x50];
	v10 =	vadd.f32 v36, v10  }
0x39b: {  	v33 =	vadd.f32 v35, v33;
	v35 =	vld [tilespmem:s23+$0x60]  }
0x39c: {  	v34 =	vadd.f32 v37, v34;
	v36 =	vld [tilespmem:s23+$0x70]  }
0x39d: {  	v31 =	vadd.f32 v0, v31;
	v0 =	vld [tilespmem:s23+$0x400]  }
0x39e: {  	v30 =	vadd.f32 v1, v30;
	v1 =	vld [tilespmem:s23+$0x410]  }
0x39f: {  	v29 =	vadd.f32 v2, v29;
	v2 =	vld [tilespmem:s23+$0x420]  }
0x3a0: {  	v28 =	vadd.f32 v35, v28;
	v35 =	vld [tilespmem:s23+$0x430]  }
0x3a1: {  	v27 =	vadd.f32 v36, v27;
	v36 =	vld [tilespmem:s23+$0x440]  }
0x3a2: {  	v26 =	vadd.f32 v0, v26;
	v0 =	vld [tilespmem:s23+$0x450]  }
0x3a3: {  	v25 =	vadd.f32 v1, v25;
	v1 =	vld [tilespmem:s23+$0x460]  }
0x3a4: {  	v24 =	vadd.f32 v2, v24;
	v2 =	vld [tilespmem:s23+$0x470]  }
0x3a5: {  	v23 =	vadd.f32 v35, v23;
	v35 =	vld [tilespmem:s23+$0x800]  }
0x3a6: {  	v22 =	vadd.f32 v36, v22;
	v36 =	vld [tilespmem:s23+$0x810]  }
0x3a7: {  	v21 =	vadd.f32 v0, v21;
	v0 =	vld [tilespmem:s23+$0x820]  }
0x3a8: {  	v20 =	vadd.f32 v1, v20;
	v1 =	vld [tilespmem:s23+$0x830]  }
0x3a9: {  	v19 =	vadd.f32 v2, v19;
	v2 =	vld [tilespmem:s23+$0x840]  }
0x3aa: {  	v18 =	vadd.f32 v35, v18;
	v35 =	vld [tilespmem:s23+$0x850]  }
0x3ab: {  	v17 =	vadd.f32 v36, v17;
	v37 =	vld [tilespmem:s23+$0x860]  }
0x3ac: {  	v16 =	vadd.f32 v0, v16;
	v0 =	vld [tilespmem:s23+$0x870]  }
.Ltmp10:
0x3ad: {  	v15 =	vadd.f32 v1, v15;
	v39 =	vld [tilespmem:s23+$0xC00];
	(pc) =	sbr.rel @p1 .LBB2_19-.Ltmp10, $4  }
0x3ae: {  	v14 =	vadd.f32 v2, v14;
	v38 =	vld [tilespmem:s23+$0xC10]  }
0x3af: {  	v13 =	vadd.f32 v35, v13;
	v36 =	vld [tilespmem:s23+$0xC20]  }
0x3b0: {  	v12 =	vadd.f32 v37, v12;
	v35 =	vld [tilespmem:s23+$0xC30]  }
0x3b1: {  	s25 =	sadd.s32 $0x200, s25;
	s26 =	sadd.s32 s24, s20;
	s24 =	sadd.s32 $0x80, s24;
	v11 =	vadd.f32 v0, v11;
	v37 =	vld [tilespmem:s23+$0xC40]  }
0x3b2: {  	s17 =	sand.u32 $0x7000, s25;
	s24 =	sand.u32 $0x380, s26;
	v0 =	vld [tilespmem:s23+$0xC50]  }
0x3b3: {  	v42 =	vld [tilespmem:s23+$0xC60];
	s17 =	sor.u32 s24, s17  }
0x3b4: {  	s24 =	sadd.s32 $0x14C00, s17;
	v2 =	vld [tilespmem:s17+$0x14C00]  }
0x3b5: {  	v43 =	vld [tilespmem:s24+$0xC70]  }
0x3b6: {  	v41 =	vld [tilespmem:s24+$0x10]  }
0x3b7: {  	v44 =	vld [tilespmem:s24+$0x40]  }
0x3b8: {  	v45 =	vld [tilespmem:s24+$0x50]  }
0x3b9: {  	v46 =	vld [tilespmem:s24+$0x60]  }
0x3ba: {  	v47 =	vld [tilespmem:s24+$0x70]  }
0x3bb: {  	v48 =	vld [tilespmem:s24+$0x400]  }
0x3bc: {  	v49 =	vld [tilespmem:s24+$0x410]  }
0x3bd: {  	v50 =	vld [tilespmem:s24+$0x420]  }
0x3be: {  	v51 =	vld [tilespmem:s24+$0x430]  }
0x3bf: {  	v52 =	vld [tilespmem:s24+$0x440]  }
0x3c0: {  	v53 =	vld [tilespmem:s24+$0x450]  }
0x3c1: {  	v54 =	vld [tilespmem:s24+$0x460]  }
0x3c2: {  	v55 =	vld [tilespmem:s24+$0x470]  }
0x3c3: {  	v56 =	vld [tilespmem:s24+$0x800]  }
0x3c4: {  	v57 =	vld [tilespmem:s24+$0x810]  }
0x3c5: {  	v58 =	vld [tilespmem:s24+$0x820]  }
0x3c6: {  	v59 =	vld [tilespmem:s24+$0x830]  }
0x3c7: {  	v60 =	vld [tilespmem:s24+$0x840]  }
0x3c8: {  	v61 =	vld [tilespmem:s24+$0x850]  }
0x3c9: {  	v62 =	vld [tilespmem:s24+$0x860]  }
0x3ca: {  	v63 =	vld [tilespmem:s24+$0x870]  }
0x3cb: {  	v1 =	vld [tilespmem:s24+$0xC10]  }
0x3cc: {  	v40 =	vld [tilespmem:s24+$0xC20]  }
0x3cd: {  	[tilespmem:$0x1FF30] =	vst v42;
	v42 =	vld [tilespmem:s24+$0x20]  }
0x3ce: {  	[tilespmem:$0x1FF40] =	vst v43;
	v43 =	vld [tilespmem:s24+$0x30]  }
0x3cf: {  	[tilespmem:$0x1FF20] =	vst v0;
	v0 =	vld [tilespmem:s24+$0xC00];
	v2 =	vadd.f32 v2, v32  }
0x3d0: {  	v32 =	vld [tilespmem:s24+$0xC30];
	v33 =	vadd.f32 v41, v33  }
0x3d1: {  	s26 =	sshll.u32 s22, $0x7;
	v41 =	vld [tilespmem:s24+$0xC40];
	v29 =	vadd.f32 v45, v29;
	v2 =	vmul.f32 $1.000000010e-01, v2  }
0x3d2: {  	s28 =	sand.u32 $0x3FFFFF80, s26;
	v27 =	vadd.f32 v47, v27;
	v34 =	vadd.f32 v42, v34;
	v42 =	vld [tilespmem:s24+$0xC50];
	v33 =	vmul.f32 $1.000000010e-01, v33  }
0x3d3: {  	v26 =	vadd.f32 v48, v26;
	v29 =	vmul.f32 $1.000000010e-01, v29;
	v31 =	vadd.f32 v43, v31;
	v43 =	vld [tilespmem:s24+$0xC60];
	[tilespmem:s28+$0x1AE00] =	vst v2  }
0x3d4: {  	v25 =	vadd.f32 v49, v25;
	v27 =	vmul.f32 $1.000000010e-01, v27;
	[tilespmem:s28+$0x1AE10] =	vst v33  }
0x3d5: {  	v24 =	vadd.f32 v50, v24;
	v45 =	vmul.f32 $1.000000010e-01, v26;
	[tilespmem:s28+$0x1AE50] =	vst v29  }
0x3d6: {  	v23 =	vadd.f32 v51, v23;
	v25 =	vmul.f32 $1.000000010e-01, v25;
	[tilespmem:s28+$0x1AE70] =	vst v27  }
0x3d7: {  	v28 =	vadd.f32 v46, v28;
	v22 =	vadd.f32 v52, v22;
	v46 =	vmul.f32 $1.000000010e-01, v24;
	[tilespmem:s28+$0x1B200] =	vst v45  }
0x3d8: {  	v21 =	vadd.f32 v53, v21;
	v23 =	vmul.f32 $1.000000010e-01, v23;
	[tilespmem:s28+$0x1B210] =	vst v25  }
0x3d9: {  	v20 =	vadd.f32 v54, v20;
	v47 =	vmul.f32 $1.000000010e-01, v22;
	[tilespmem:s28+$0x1B220] =	vst v46  }
0x3da: {  	v19 =	vadd.f32 v55, v19;
	v21 =	vmul.f32 $1.000000010e-01, v21;
	[tilespmem:s28+$0x1B230] =	vst v23  }
0x3db: {  	v18 =	vadd.f32 v56, v18;
	v48 =	vmul.f32 $1.000000010e-01, v20;
	[tilespmem:s28+$0x1B240] =	vst v47  }
0x3dc: {  	v17 =	vadd.f32 v57, v17;
	v19 =	vmul.f32 $1.000000010e-01, v19;
	[tilespmem:s28+$0x1B250] =	vst v21  }
0x3dd: {  	v16 =	vadd.f32 v58, v16;
	v49 =	vmul.f32 $1.000000010e-01, v18;
	[tilespmem:s28+$0x1B260] =	vst v48  }
0x3de: {  	v15 =	vadd.f32 v59, v15;
	v17 =	vmul.f32 $1.000000010e-01, v17;
	[tilespmem:s28+$0x1B270] =	vst v19  }
0x3df: {  	v14 =	vadd.f32 v60, v14;
	v50 =	vmul.f32 $1.000000010e-01, v16;
	[tilespmem:s28+$0x1B600] =	vst v49  }
0x3e0: {  	v13 =	vadd.f32 v61, v13;
	v15 =	vmul.f32 $1.000000010e-01, v15;
	[tilespmem:s28+$0x1B610] =	vst v17  }
0x3e1: {  	v8 =	vadd.f32 v38, v8;
	v12 =	vadd.f32 v62, v12;
	v51 =	vmul.f32 $1.000000010e-01, v14;
	[tilespmem:s28+$0x1B620] =	vst v50  }
0x3e2: {  	v7 =	vadd.f32 v36, v7;
	v11 =	vadd.f32 v63, v11;
	v13 =	vmul.f32 $1.000000010e-01, v13;
	[tilespmem:s28+$0x1B630] =	vst v15  }
0x3e3: {  	v1 =	vadd.f32 v1, v8;
	v52 =	vmul.f32 $1.000000010e-01, v12;
	[tilespmem:s28+$0x1B640] =	vst v51  }
0x3e4: {  	v7 =	vadd.f32 v40, v7;
	v53 =	vmul.f32 $1.000000010e-01, v11;
	[tilespmem:s28+$0x1B650] =	vst v13  }
0x3e5: {  	v9 =	vadd.f32 v39, v9;
	v54 =	vld [tilespmem:$0x1FF20];
	v1 =	vmul.f32 $1.000000010e-01, v1;
	[tilespmem:s28+$0x1B660] =	vst v52  }
0x3e6: {  	v30 =	vadd.f32 v44, v30;
	v56 =	vld [tilespmem:$0x1FF30];
	v57 =	vmul.f32 $1.000000010e-01, v7;
	[tilespmem:s28+$0x1B670] =	vst v53  }
0x3e7: {  	v6 =	vadd.f32 v35, v6;
	v60 =	vld [tilespmem:$0x1FF40];
	v0 =	vadd.f32 v0, v9;
	v44 =	vmul.f32 $1.000000010e-01, v34;
	[tilespmem:s28+$0x1BA10] =	vst v1  }
0x3e8: {  	v34 =	vmul.f32 $1.000000010e-01, v30;
	[tilespmem:s28+$0x1BA20] =	vst v57  }
0x3e9: {  	v5 =	vadd.f32 v37, v5;
	v0 =	vmul.f32 $1.000000010e-01, v0;
	v55 =	vadd.f32 v32, v6;
	[tilespmem:s28+$0x1AE20] =	vst v44  }
0x3ea: {  	[tilespmem:s28+$0x1AE40] =	vst v34;
	v44 =	vmul.f32 $1.000000010e-01, v28  }
0x3eb: {  	v2 =	vadd.f32 v54, v4;
	v5 =	vadd.f32 v41, v5;
	[tilespmem:s28+$0x1BA00] =	vst v0;
	v58 =	vmul.f32 $1.000000010e-01, v55  }
0x3ec: {  	s22 =	sadd.s32 $0x1, s22;
	v3 =	vadd.f32 v56, v3;
	v4 =	vadd.f32 v60, v10;
	v31 =	vmul.f32 $1.000000010e-01, v31;
	[tilespmem:s28+$0x1AE60] =	vst v44  }
0x3ed: {  	p1 =	sne.s32 s22, $0x4;
	v2 =	vadd.f32 v42, v2;
	v59 =	vmul.f32 $1.000000010e-01, v5;
	[tilespmem:s28+$0x1BA30] =	vst v58  }
.Ltmp11:
0x3ee: {  	v63 =	vmul.f32 $1.000000010e-01, v4;
	[tilespmem:s28+$0x1AE30] =	vst v31;
	v3 =	vadd.f32 v43, v3;
	(pc) =	sbr.rel @p1 .LBB2_18-.Ltmp11, $4  }
0x3ef: {  	v61 =	vmul.f32 $1.000000010e-01, v2;
	[tilespmem:s28+$0x1BA40] =	vst v59  }
0x3f0: {  	[tilespmem:s28+$0x1BA70] =	vst v63;
	v62 =	vmul.f32 $1.000000010e-01, v3  }
0x3f1: {  	[tilespmem:s28+$0x1BA50] =	vst v61  }
0x3f2: {  	s20 =	sadd.s32 $0x500, s20;
	s21 =	sadd.s32 $0x1400, s21;
	[tilespmem:s28+$0x1BA60] =	vst v62  }
.Ltmp12:
0x3f3: {  	(pc) =	sbr.rel @p0 .LBB2_23-.Ltmp12, $2  }
0x3f4: {  	_ =	sdelay $0x2  }
0x3f5: {  	s12 =	sadd.s32 s5, s12  }
0x3f6: {  	s17 =	sshrl.u32 s19, $0x2  }
0x3f7: {  	v0 =	vld [tilespmem:s17+$0x1600];
	_ =	sdelay $0x2  }
0x3f8: {  	v2 =	vld [tilespmem:$0x1FFD0];
	_ =	sdelay $0x1  }
0x3f9: {  	v3 =	vld [tilespmem:$0x1FFE0];
	v1 =	vshll.u32 v0, $0x2  }
0x3fa: {  	v0 =	vand.u32 $0x7, v0;
	v1 =	vand.u32 $0xFFFFFFE0, v1  }
0x3fb: {  	v4 =	vld [tilespmem:$0x1FFF0];
	v0 =	vor.u32 v0, v1  }
0x3fc: {  	v1 =	vperm.xlane v0, v2;
	_ =	sdelay $0x1  }
0x3fd: {  	v1 =	vadd.s32 v3, v1;
	_ =	sdelay $0x1  }
0x3fe: {  	v0 =	vperm.xlane v0, v4;
	_ =	sdelay $0x1  }
0x3ff: {  	s24 =	simm.s32 $0xFC00;
	v0 =	vadd.s32 v3, v0  }
0x400: {  	[tilespmem:s24], [sflag:$0x5] =	stream.indirect_vreg.gather [hbm4b:s2+s3], $0x80, v1, vm0, $0xb8;
	[tilespmem:$0x1BC00] =	vst v63  }
0x401: {  	s25 =	simm.s32 $0x10400  }
0x402: {  	[tilespmem:s25], [sflag:$0x5] =	stream.indirect_vreg.gather [hbm4b:s9+s3], $0x80, v1, vm0, $0xb8;
	[tilespmem:$0x1BC00] =	vst v63  }
0x403: {  	s26 =	simm.s32 $0x10C00  }
0x404: {  	[tilespmem:s26], [sflag:$0x5] =	stream.indirect_vreg.gather [hbm4b:s2+s3], $0x80, v0, vm0, $0xb8;
	[tilespmem:$0x1BC00] =	vst v63  }
0x405: {  	s28 =	simm.s32 $0x11400  }
0x406: {  	[tilespmem:s28], [sflag:$0x5] =	stream.indirect_vreg.gather [hbm4b:s9+s3], $0x80, v0, vm0, $0xb8;
	[tilespmem:$0x1BC00] =	vst v63  }
0x407: {  	v0 =	vld [tilespmem:s17+$0x1610];
	_ =	sdelay $0x4  }
0x408: {  	v60 =	vshll.u32 v0, $0x2  }
0x409: {  	v0 =	vand.u32 $0x7, v0;
	v1 =	vand.u32 $0xFFFFFFE0, v60  }
0x40a: {  	v0 =	vor.u32 v0, v1  }
0x40b: {  	v1 =	vperm.xlane v0, v2;
	_ =	sdelay $0x1  }
0x40c: {  	v1 =	vadd.s32 v3, v1;
	_ =	sdelay $0x1  }
0x40d: {  	v0 =	vperm.xlane v0, v4;
	_ =	sdelay $0x1  }
0x40e: {  	s20 =	simm.s32 $0x11C00;
	v0 =	vadd.s32 v3, v0  }
0x40f: {  	[tilespmem:s20], [sflag:$0x5] =	stream.indirect_vreg.gather [hbm4b:s2+s3], $0x80, v1, vm0, $0xb8;
	[tilespmem:$0x1BC00] =	vst v63  }
0x410: {  	s21 =	simm.s32 $0x12400  }
0x411: {  	[tilespmem:s21], [sflag:$0x5] =	stream.indirect_vreg.gather [hbm4b:s9+s3], $0x80, v1, vm0, $0xb8;
	[tilespmem:$0x1BC00] =	vst v63  }
0x412: {  	s22 =	simm.s32 $0x12C00  }
0x413: {  	[tilespmem:s22], [sflag:$0x5] =	stream.indirect_vreg.gather [hbm4b:s2+s3], $0x80, v0, vm0, $0xb8;
	[tilespmem:$0x1BC00] =	vst v63  }
0x414: {  	s23 =	simm.s32 $0x13400  }
0x415: {  	[tilespmem:s23], [sflag:$0x5] =	stream.indirect_vreg.gather [hbm4b:s9+s3], $0x80, v0, vm0, $0xb8;
	[tilespmem:$0x1BC00] =	vst v63  }
0x416: {  	v0 =	vld.msk [tilespmem:s17+$0x1620], $0xff;
	_ =	sdelay $0x4  }
0x417: {  	v61 =	vshll.u32 v0, $0x2  }
0x418: {  	v0 =	vand.u32 $0x7, v0;
	v1 =	vand.u32 $0xFFFFFFE0, v61  }
0x419: {  	v0 =	vor.u32 v0, v1  }
0x41a: {  	v0 =	vperm.xlane v0, v2;
	_ =	sdelay $0x1  }
0x41b: {  	v0 =	vadd.s32 v3, v0;
	_ =	sdelay $0x3  }
0x41c: {  	s24 =	simm.s32 $0x13C00  }
0x41d: {  	[tilespmem:s24], [sflag:$0x5] =	stream.indirect_vreg.gather [hbm4b:s2+s3], $0x80, v0, vm0, $0xb8;
	[tilespmem:$0x1BC00] =	vst v63  }
0x41e: {  	s25 =	simm.s32 $0x14400  }
0x41f: {  	[tilespmem:s25], [sflag:$0x5] =	stream.indirect_vreg.gather [hbm4b:s9+s3], $0x80, v0, vm0, $0xb8;
	[tilespmem:$0x1BC00] =	vst v63  }
0x420: {  	_ = 	snop  }
0x421: {  	[hbm4b:s12+s3] =	stream.linear.scatter [tilespmem:s1], [sflag:$0x8], $0x1000, $0x38;
	[tilespmem:$0x1BC00] =	vst v63  }
0x422: {  	_ =	swait.ge [sflag:s8], $0x1000  }
0x423: {  	s26 =	sshll.u32 s11, $0x8;
	[sflag:s8] =	ssyncset.done $0x0  }
0x424: {  	s12 =	sand.u32 $0x3FFFFF00, s26;
	[sflag:s8] =	ssyncadd.s32 $0xFFFFF000  }
0x425: {  	v62 =	vld.msk [tilespmem:s12+$0x180], $0xff;
	_ =	sdelay $0x4  }
0x426: {  	v63 =	vshll.u32 v62, $0x2  }
0x427: {  	v0 =	vand.u32 $0x7, v62;
	v1 =	vand.u32 $0xFFFFFFE0, v63  }
0x428: {  	v0 =	vor.u32 v0, v1  }
0x429: {  	v0 =	vperm.xlane v0, v2;
	_ =	sdelay $0x1  }
0x42a: {  	v0 =	vadd.s32 v3, v0;
	_ =	sdelay $0x2  }
.Ltmp13:
0x42b: {  	_ = 	snop;
	(pc) =	sbr.rel .LBB2_2-.Ltmp13, $4  }
0x42c: {  	_ = 	snop  }
0x42d: {  	[tilespmem:s16], [sflag:$0x2] =	stream.indirect_vreg.gather [hbm4b:s2+s3], $0x80, v0, vm0, $0xb8;
	[tilespmem:$0x1BC00] =	vst v63  }
0x42e: {  	s11 =	sadd.s32 $0x1, s11;
	s28 =	simm.s32 $0x5400  }
0x42f: {  	[tilespmem:s28], [sflag:$0x2] =	stream.indirect_vreg.gather [hbm4b:s9+s3], $0x80, v0, vm0, $0xb8;
	[tilespmem:$0x1BC00] =	vst v63  }
.LBB2_24:
0x430: {  	_ =	sfence.sel $0x180000  }
0x431: {  	[bflag:$0x0] =	sbarrier.arrive $0xFFFF  }
0x432: {  	_ =	strace $0x90000047  }
0x433: {  	s0 =	stileid.u32;
	[bflag:$0x2] =	sbarrier.arrive $0xFFFF  }
0x434: {  	p0 =	sne.s32 s0, $0x0;
	s0 =	rddreg [dreg:$0x3]  }
0x435: {  	s0 =	sadd.s32 @!p0 $0x100000, s0  }
0x436: {  	[sflag:s0] =	ssyncadd.tile.s32 @!p0 $0x1;
	_ =	shalt  }
.Lfunc_end2:
_tile_overlayer_lowered:
.L_overlay_start_2:
0x437: {  	(tag) =	ssettag $0x2  }
0x438: {  	s0 =	rddreg [dreg:$0x0];
	s2 =	stileid.u32  }
0x439: {  	s1 =	rddreg [dreg:$0x1];
	p0 =	sne.s32 s2, $0x0  }
0x43a: {  	s3 =	rddreg [dreg:$0x2];
	[bflag:$0x3] =	sbarrier.arrive $0xFFFF;
	s2 =	simm.s32 @!p0 $0x1C0B  }
0x43b: {  	[timem:s3], [sflag:s2] =	dma.local @!p0 [hbm:s0], s1  }
0x43c: {  	s0 =	simm.s32 @!p0 $0xB  }
0x43d: {  	_ =	swait.ge @!p0 [sflag:s0], s1  }
0x43e: {  	s1 =	ssub.s32 @!p0 $0x0, s1;
	[sflag:s0] =	ssyncset.done @!p0 $0x0  }
0x43f: {  	[sflag:s0] =	ssyncadd.s32 @!p0 s1  }
0x440: {  	[bflag:$0x3] =	sbarrier.arrive $0xFFFF  }
0x441: {  	_ =	shalt  }

</sc_bundles>
